<compile_context>
chip_gen: v7x
topology: tpu7x:2x2x1
jax: 0.10.2.dev20260603
libtpu: 0.0.44.dev20260713+nightly
codegen_flags: <defaults>
</compile_context>

<pallas_src>
import functools

import jax
import jax.numpy as jnp
from jax import lax
from jax.experimental import pallas as pl
from jax.experimental.pallas import tpu as pltpu
from jax.experimental.pallas import tpu_sc as plsc

_N = 10000
_E = 320000
_H = 128
_FCW = 1024
_NCLS = 16

_NSC = 2
_NSUB = 16
_NW = _NSC * _NSUB
_EPW = _E // _NW
_K = 64
_CH = _EPW // _K
_KT = _EPW - _CH * _K
_NB = 4
_OWN = 624
_OWNL = _N - (_NSUB - 1) * _OWN

_sc_mesh = plsc.VectorSubcoreMesh(
    core_axis_name="c", subcore_axis_name="s", num_cores=_NSC, num_subcores=_NSUB
)



@functools.partial(
    pl.kernel,
    out_type=jax.ShapeDtypeStruct((_NSC, _N, _H), jnp.float32),
    mesh=_sc_mesh,
    scratch_types=[
        pltpu.VMEM_SHARED((_N, _H), jnp.float32),
        pltpu.VMEM((_EPW,), jnp.int32),
        pltpu.VMEM((1, _K), jnp.int32),
        pltpu.VMEM((1, _K), jnp.int32),
        pltpu.VMEM((1, _K), jnp.int32),
        pltpu.VMEM((1, _K), jnp.int32),
        pltpu.VMEM((1, _KT), jnp.int32),
        pltpu.VMEM((_K, _H), jnp.float32),
        pltpu.VMEM((_K, _H), jnp.float32),
        pltpu.VMEM((_K, _H), jnp.float32),
        pltpu.VMEM((_K, _H), jnp.float32),
        pltpu.SemaphoreType.DMA,
        pltpu.SemaphoreType.DMA,
        pltpu.SemaphoreType.DMA,
        pltpu.SemaphoreType.DMA,
        pltpu.SemaphoreType.DMA,
        pltpu.SemaphoreType.DMA,
        pltpu.SemaphoreType.DMA,
        pltpu.SemaphoreType.DMA,
        pltpu.SemaphoreType.DMA,
        pltpu.SemaphoreType.DMA,
        pltpu.SemaphoreType.DMA,
        pltpu.SemaphoreType.DMA,
    ],
)
def _sc_aggregate(g_hbm, src_hbm, dst_hbm, out_hbm, acc, src_v,
                  i0, i1, i2, i3, it, r0, r1, r2, r3,
                  is0, is1, is2, is3, gs0, gs1, gs2, gs3,
                  ss0, ss1, ss2, ss3):
    c = lax.axis_index("c")
    s = lax.axis_index("s")
    w = c * _NSUB + s
    ebase = w * _EPW
    pltpu.sync_copy(src_hbm.at[pl.ds(ebase, _EPW)], src_v)
    base = s * _OWN

    @pl.when(s == _NSUB - 1)
    def _():
        pltpu.sync_copy(g_hbm.at[pl.ds(c * _N + base, _OWNL)],
                        acc.at[pl.ds(base, _OWNL)])

    @pl.when(s != _NSUB - 1)
    def _():
        pltpu.sync_copy(g_hbm.at[pl.ds(c * _N + base, _OWN)],
                        acc.at[pl.ds(base, _OWN)])

    plsc.subcore_barrier()

    idx = (i0, i1, i2, i3)
    rows = (r0, r1, r2, r3)
    iss = (is0, is1, is2, is3)
    gs = (gs0, gs1, gs2, gs3)
    ss = (ss0, ss1, ss2, ss3)

    def fetch_dst(b, j):
        pltpu.async_copy(dst_hbm.at[pl.ds(ebase + j * _K, _K)],
                         idx[b].at[0], iss[b])

    def wait_dst(b, j):
        pltpu.make_async_copy(dst_hbm.at[pl.ds(ebase + j * _K, _K)],
                              idx[b].at[0], iss[b]).wait()

    def gather(b, j):
        pltpu.async_copy(g_hbm.at[src_v.at[pl.ds(j * _K, _K)]], rows[b], gs[b])

    def wait_gather(b, j):
        pltpu.make_async_copy(g_hbm.at[src_v.at[pl.ds(j * _K, _K)]],
                              rows[b], gs[b]).wait()

    def scatter(b):
        pltpu.async_copy(rows[b], acc.at[idx[b].at[0]], ss[b], add=True)

    def wait_scatter(b):
        pltpu.make_async_copy(rows[b], acc.at[idx[b].at[0]], ss[b]).wait()

    for b in range(_NB):
        fetch_dst(b, b)
        gather(b, b)

    def pipe(jj, carry):
        j0 = jj * _NB
        for b in range(_NB):
            wait_gather(b, j0 + b)
            wait_dst(b, j0 + b)
            scatter(b)
        for b in range(_NB):
            jn = lax.rem(j0 + b + _NB, _CH)
            wait_scatter(b)
            fetch_dst(b, jn)
            gather(b, jn)
        return carry

    lax.fori_loop(0, _CH // _NB, pipe, 0)
    for b in range(_NB):
        wait_gather(b, b)
        wait_dst(b, b)

    toff = _CH * _K
    pltpu.async_copy(dst_hbm.at[pl.ds(ebase + toff, _KT)], it.at[0], is0)
    tg = pltpu.async_copy(g_hbm.at[src_v.at[pl.ds(toff, _KT)]],
                          r0.at[pl.ds(0, _KT)], gs0)
    pltpu.make_async_copy(dst_hbm.at[pl.ds(ebase + toff, _KT)],
                          it.at[0], is0).wait()
    tg.wait()
    pltpu.sync_copy(r0.at[pl.ds(0, _KT)], acc.at[it.at[0]], add=True)
    plsc.subcore_barrier()

    @pl.when(s == _NSUB - 1)
    def _():
        pltpu.sync_copy(acc.at[pl.ds(base, _OWNL)],
                        out_hbm.at[c, pl.ds(base, _OWNL)])

    @pl.when(s != _NSUB - 1)
    def _():
        pltpu.sync_copy(acc.at[pl.ds(base, _OWN)],
                        out_hbm.at[c, pl.ds(base, _OWN)])



_RBLK = 1000


def _tc_a0(x, W10):
    def body(x_ref, w_ref, h_ref):
        h_ref[...] = jnp.dot(x_ref[...], w_ref[...],
                             preferred_element_type=jnp.float32)

    return pl.pallas_call(
        body,
        grid=(_N // _RBLK,),
        in_specs=[
            pl.BlockSpec((_RBLK, _H), lambda i: (i, 0)),
            pl.BlockSpec((_H, _H), lambda i: (0, 0)),
        ],
        out_specs=pl.BlockSpec((_RBLK, _H), lambda i: (i, 0)),
        out_shape=jax.ShapeDtypeStruct((_N, _H), jnp.float32),
    )(x, W10)


def _tc_a(h10, degpart):
    def body(h_ref, dp_ref, g_ref, dinv_ref):
        dv = lax.rsqrt(dp_ref[0, :, 0:1] + dp_ref[1, :, 0:1])
        g_ref[0] = h_ref[...] * dv
        g_ref[1] = jnp.zeros((_RBLK, _H), jnp.float32)
        dinv_ref[...] = dv

    return pl.pallas_call(
        body,
        grid=(_N // _RBLK,),
        in_specs=[
            pl.BlockSpec((_RBLK, _H), lambda i: (i, 0)),
            pl.BlockSpec((_NSC, _RBLK, _H), lambda i: (0, i, 0)),
        ],
        out_specs=[
            pl.BlockSpec((_NSC, _RBLK, _H), lambda i: (0, i, 0)),
            pl.BlockSpec((_RBLK, 1), lambda i: (i, 0)),
        ],
        out_shape=[
            jax.ShapeDtypeStruct((_NSC, _N, _H), jnp.float32),
            jax.ShapeDtypeStruct((_N, 1), jnp.float32),
        ],
    )(h10, degpart)


def _tc_b(P1, dinv, b10, w1, b1, W11):
    def body(p_ref, dinv_ref, b10_ref, w1_ref, b1_ref, w11_ref, h1_ref, g2_ref):
        dv = dinv_ref[...]
        h1 = jnp.maximum((p_ref[0] + p_ref[1]) * dv + b10_ref[...], 0.0)
        h11 = jnp.maximum(
            jnp.dot(h1, w1_ref[...], preferred_element_type=jnp.float32)
            + b1_ref[...], 0.0)
        g2_ref[0] = jnp.dot(h11, w11_ref[...],
                            preferred_element_type=jnp.float32) * dv
        g2_ref[1] = jnp.zeros((_RBLK, _H), jnp.float32)
        h1_ref[...] = h1

    return pl.pallas_call(
        body,
        grid=(_N // _RBLK,),
        in_specs=[
            pl.BlockSpec((_NSC, _RBLK, _H), lambda i: (0, i, 0)),
            pl.BlockSpec((_RBLK, 1), lambda i: (i, 0)),
            pl.BlockSpec((1, _H), lambda i: (0, 0)),
            pl.BlockSpec((_H, _H), lambda i: (0, 0)),
            pl.BlockSpec((_RBLK, _H), lambda i: (i, 0)),
            pl.BlockSpec((_H, _H), lambda i: (0, 0)),
        ],
        out_specs=[
            pl.BlockSpec((_RBLK, _H), lambda i: (i, 0)),
            pl.BlockSpec((_NSC, _RBLK, _H), lambda i: (0, i, 0)),
        ],
        out_shape=[
            jax.ShapeDtypeStruct((_N, _H), jnp.float32),
            jax.ShapeDtypeStruct((_NSC, _N, _H), jnp.float32),
        ],
    )(P1, dinv, b10, w1, b1, W11)


def _tc_c(P2, dinv, b11, W12):
    def body(p_ref, dinv_ref, b11_ref, w12_ref, g3_ref):
        dv = dinv_ref[...]
        h2 = (p_ref[0] + p_ref[1]) * dv + b11_ref[...]
        g3_ref[0] = jnp.dot(h2, w12_ref[...],
                            preferred_element_type=jnp.float32) * dv
        g3_ref[1] = jnp.zeros((_RBLK, _H), jnp.float32)

    return pl.pallas_call(
        body,
        grid=(_N // _RBLK,),
        in_specs=[
            pl.BlockSpec((_NSC, _RBLK, _H), lambda i: (0, i, 0)),
            pl.BlockSpec((_RBLK, 1), lambda i: (i, 0)),
            pl.BlockSpec((1, _H), lambda i: (0, 0)),
            pl.BlockSpec((_H, _H), lambda i: (0, 0)),
        ],
        out_specs=pl.BlockSpec((_NSC, _RBLK, _H), lambda i: (0, i, 0)),
        out_shape=jax.ShapeDtypeStruct((_NSC, _N, _H), jnp.float32),
    )(P2, dinv, b11, W12)


def _tc_d(P3, dinv, b12, h1, fc0_W, fc0_b, fc1_W, fc1_b):
    def body(p_ref, dinv_ref, b12_ref, h1_ref, fc0w_ref, fc0b_ref, fc1w_ref,
             fc1b_ref, out_ref):
        h2 = jnp.maximum((p_ref[0] + p_ref[1]) * dinv_ref[...] + b12_ref[...],
                         0.0)
        h = h1_ref[...] + h2
        t = jnp.maximum(
            jnp.dot(h, fc0w_ref[...], preferred_element_type=jnp.float32)
            + fc0b_ref[...], 0.0)
        out_ref[...] = (
            jnp.dot(t, fc1w_ref[...], preferred_element_type=jnp.float32)
            + fc1b_ref[...])

    return pl.pallas_call(
        body,
        grid=(_N // _RBLK,),
        in_specs=[
            pl.BlockSpec((_NSC, _RBLK, _H), lambda i: (0, i, 0)),
            pl.BlockSpec((_RBLK, 1), lambda i: (i, 0)),
            pl.BlockSpec((1, _H), lambda i: (0, 0)),
            pl.BlockSpec((_RBLK, _H), lambda i: (i, 0)),
            pl.BlockSpec((_H, _FCW), lambda i: (0, 0)),
            pl.BlockSpec((1, _FCW), lambda i: (0, 0)),
            pl.BlockSpec((_FCW, _NCLS), lambda i: (0, 0)),
            pl.BlockSpec((1, _NCLS), lambda i: (0, 0)),
        ],
        out_specs=pl.BlockSpec((_RBLK, _NCLS), lambda i: (i, 0)),
        out_shape=jax.ShapeDtypeStruct((_N, _NCLS), jnp.float32),
    )(P3, dinv, b12, h1, fc0_W, fc0_b, fc1_W, fc1_b)



def kernel(x, edge_index, W10, b10, W11, b11, W12, b12, w1, b1, fc0_W, fc0_b,
           fc1_W, fc1_b):
    src = edge_index[0]
    dst = edge_index[1]

    ones2 = jnp.concatenate([jnp.ones((_N, _H), jnp.float32),
                             jnp.zeros((_N, _H), jnp.float32)])
    degpart = _sc_aggregate(ones2, src, dst)
    h10 = _tc_a0(x, W10)
    g1, dinv = _tc_a(h10, degpart)
    P1 = _sc_aggregate(g1.reshape(_NSC * _N, _H), src, dst)
    h1, g2 = _tc_b(P1, dinv, b10.reshape(1, -1), w1, b1, W11)
    P2 = _sc_aggregate(g2.reshape(_NSC * _N, _H), src, dst)
    g3 = _tc_c(P2, dinv, b11.reshape(1, -1), W12)
    P3 = _sc_aggregate(g3.reshape(_NSC * _N, _H), src, dst)
    out = _tc_d(P3, dinv, b12.reshape(1, -1), h1, fc0_W, fc0_b.reshape(1, -1),
                fc1_W, fc1_b.reshape(1, -1))
    return out

# --- scband reference (transcript-rebuilt; emitter-appended) ---
"""Pipeline reference for scband-tira-32710470926860 (READ-ONLY COPY).

The authoritative reference and input builder live on the scoring server;
editing this copy changes nothing except your own understanding.
"""

import jax, jax.numpy as jnp
import numpy as np

N = 10000
E = 320000
D = 128
H = 128
FC = 1024
NC = 16


def setup_inputs(seed: int = 0):
    key = jax.random.key(seed)
    ks = jax.random.split(key, 16)
    x = jax.random.normal(ks[0], (N, D), dtype=jnp.float32)
    edge_index = jax.random.randint(ks[1], (2, E), 0, N, dtype=jnp.int32)
    # GCN layer params (tf_geometric GCN: x @ kernel, normalized aggregation, + bias)
    W10 = jax.random.truncated_normal(ks[2], -2.0, 2.0, (D, H), dtype=jnp.float32) * 0.1
    b10 = jnp.zeros((H,), dtype=jnp.float32)
    W11 = jax.random.truncated_normal(ks[3], -2.0, 2.0, (H, H), dtype=jnp.float32) * 0.1
    b11 = jnp.zeros((H,), dtype=jnp.float32)
    W12 = jax.random.truncated_normal(ks[4], -2.0, 2.0, (H, H), dtype=jnp.float32) * 0.1
    b12 = jnp.zeros((H,), dtype=jnp.float32)
    # custom params from the module
    w1 = jax.random.truncated_normal(ks[5], -2.0, 2.0, (H, H), dtype=jnp.float32) * 0.1
    b1 = jax.random.truncated_normal(ks[6], -2.0, 2.0, (N, H), dtype=jnp.float32) * 0.1
    # dense heads
    fc0_W = jax.random.normal(ks[7], (H, FC), dtype=jnp.float32) * (1.0 / np.sqrt(H))
    fc0_b = jnp.zeros((FC,), dtype=jnp.float32)
    fc1_W = jax.random.normal(ks[8], (FC, NC), dtype=jnp.float32) * (1.0 / np.sqrt(FC))
    fc1_b = jnp.zeros((NC,), dtype=jnp.float32)
    return {"x": x, "edge_index": edge_index, "W10": W10, "b10": b10, "W11": W11,
            "b11": b11, "W12": W12, "b12": b12, "w1": w1, "b1": b1,
            "fc0_W": fc0_W, "fc0_b": fc0_b, "fc1_W": fc1_W, "fc1_b": fc1_b}


def _gcn_norm(edge_index, num_nodes):
    # add self loops, symmetric normalization D^-1/2 (A+I) D^-1/2
    loop = jnp.arange(num_nodes, dtype=edge_index.dtype)
    src = jnp.concatenate([edge_index[0], loop])
    dst = jnp.concatenate([edge_index[1], loop])
    deg = jnp.zeros((num_nodes,), dtype=jnp.float32).at[dst].add(1.0)
    dinv = jnp.where(deg > 0, jax.lax.rsqrt(deg), 0.0)
    norm = dinv[src] * dinv[dst]
    return src, dst, norm


def _gcn_layer(x, src, dst, norm, W, b, num_nodes, act):
    h = x @ W
    msg = h[src] * norm[:, None]
    out = jax.ops.segment_sum(msg, dst, num_segments=num_nodes)
    out = out + b
    if act is not None:
        out = act(out)
    return out


def reference(x, edge_index, W10, b10, W11, b11, W12, b12, w1, b1, fc0_W, fc0_b, fc1_W, fc1_b):
    src, dst, norm = _gcn_norm(edge_index, N)
    h1 = _gcn_layer(x, src, dst, norm, W10, b10, N, jax.nn.relu)
    h11 = jax.nn.relu(h1 @ w1 + b1)
    h2 = _gcn_layer(h11, src, dst, norm, W11, b11, N, None)
    h2 = _gcn_layer(h2, src, dst, norm, W12, b12, N, jax.nn.relu)
    h = h1 + h2
    h = jax.nn.relu(h @ fc0_W + fc0_b)
    h = h @ fc1_W + fc1_b
    return h

if __name__ == "__main__":
    import jax
    _d = setup_inputs()
    print(jax.jit(kernel)(*tuple(_d.values())))

</pallas_src>

<mosaic_0001>
#map = affine_map<(d0, d1) -> (0, 0)>
#map1 = affine_map<(d0, d1) -> (0)>
#map2 = affine_map<(d0, d1) -> (0, 0, 0)>
module attributes {stable_mosaic.version = 14 : i64} {
  func.func @_sc_aggregate(%arg0: i32, %arg1: i32, %arg2: memref<20000x128xf32, #tpu.memory_space<hbm>>, %arg3: memref<320000xi32, #tpu.memory_space<hbm>>, %arg4: memref<320000xi32, #tpu.memory_space<hbm>>, %arg5: memref<2x10000x128xf32, #tpu.memory_space<hbm>>, %arg6: memref<10000x128xf32, #tpu.memory_space<vmem_shared>>, %arg7: memref<10000xi32, #tpu.memory_space<vmem>>, %arg8: memref<1x64xi32, #tpu.memory_space<vmem>>, %arg9: memref<1x64xi32, #tpu.memory_space<vmem>>, %arg10: memref<1x64xi32, #tpu.memory_space<vmem>>, %arg11: memref<1x64xi32, #tpu.memory_space<vmem>>, %arg12: memref<1x16xi32, #tpu.memory_space<vmem>>, %arg13: memref<64x128xf32, #tpu.memory_space<vmem>>, %arg14: memref<64x128xf32, #tpu.memory_space<vmem>>, %arg15: memref<64x128xf32, #tpu.memory_space<vmem>>, %arg16: memref<64x128xf32, #tpu.memory_space<vmem>>, %arg17: memref<!tpu.dma_semaphore, #tpu.memory_space<semaphore_mem>>, %arg18: memref<!tpu.dma_semaphore, #tpu.memory_space<semaphore_mem>>, %arg19: memref<!tpu.dma_semaphore, #tpu.memory_space<semaphore_mem>>, %arg20: memref<!tpu.dma_semaphore, #tpu.memory_space<semaphore_mem>>, %arg21: memref<!tpu.dma_semaphore, #tpu.memory_space<semaphore_mem>>, %arg22: memref<!tpu.dma_semaphore, #tpu.memory_space<semaphore_mem>>, %arg23: memref<!tpu.dma_semaphore, #tpu.memory_space<semaphore_mem>>, %arg24: memref<!tpu.dma_semaphore, #tpu.memory_space<semaphore_mem>>, %arg25: memref<!tpu.dma_semaphore, #tpu.memory_space<semaphore_mem>>, %arg26: memref<!tpu.dma_semaphore, #tpu.memory_space<semaphore_mem>>, %arg27: memref<!tpu.dma_semaphore, #tpu.memory_space<semaphore_mem>>, %arg28: memref<!tpu.dma_semaphore, #tpu.memory_space<semaphore_mem>>) attributes {dimension_semantics = [#tpu.dimension_semantics<core_parallel>, #tpu.dimension_semantics<subcore_parallel>], iteration_bounds = array<i64: 2, 16>, scalar_prefetch = 0 : i64, scratch_operands = 23 : i64, tpu.core_type = #tpu.core_type<sc_vector_subcore>, window_params = [{transform_indices = #map}, {transform_indices = #map1}, {transform_indices = #map1}, {transform_indices = #map2}]} {
    %mul3A = arith.constant 16 : i32
    %mul3A_0 = arith.muli %arg0, %mul3A : i32
    %add3A = arith.addi %mul3A_0, %arg1 : i32
    %mul3A_1 = arith.constant 10000 : i32
    %mul3A_2 = arith.muli %add3A, %mul3A_1 : i32
    "tpu.region"() ({
      %run_scoped3A_191 = tpu.sem_alloc : memref<!tpu.dma_semaphore, #tpu.memory_space<semaphore_mem>>
      %dma_start3A_192 = tpu.memref_slice %arg3[%mul3A_2] : memref<320000xi32, #tpu.memory_space<hbm>> -> memref<10000xi32, #tpu.memory_space<hbm>>
      %dma_start3A_193 = tpu.memref_slice %arg3[%mul3A_2] : memref<320000xi32, #tpu.memory_space<hbm>> -> memref<10000xi32, #tpu.memory_space<hbm>>
      tpu.enqueue_dma source(%dma_start3A_193 : memref<10000xi32, #tpu.memory_space<hbm>>) target(%arg7 : memref<10000xi32, #tpu.memory_space<vmem>>) target_semaphore(%run_scoped3A_191 : memref<!tpu.dma_semaphore, #tpu.memory_space<semaphore_mem>>)
      %dma_wait3A_194 = tpu.memref_slice %arg3[%mul3A_2] : memref<320000xi32, #tpu.memory_space<hbm>> -> memref<10000xi32, #tpu.memory_space<hbm>>
      %dma_wait3A_195 = tpu.memref_slice %arg3[%mul3A_2] : memref<320000xi32, #tpu.memory_space<hbm>> -> memref<10000xi32, #tpu.memory_space<hbm>>
      tpu.wait_dma2 semaphore(%run_scoped3A_191 : memref<!tpu.dma_semaphore, #tpu.memory_space<semaphore_mem>>) src(%dma_wait3A_195 : memref<10000xi32, #tpu.memory_space<hbm>>) dst(%arg7 : memref<10000xi32, #tpu.memory_space<vmem>>)
      tpu.yield
    }) : () -> ()
    %mul3A_3 = arith.constant 624 : i32
    %mul3A_4 = arith.muli %arg1, %mul3A_3 : i32
    %eq3A = arith.constant 15 : i32
    %eq3A_5 = arith.cmpi eq, %arg1, %eq3A : i32
    %convert_element_type3A = arith.extui %eq3A_5 : i1 to i32
    %cond3A = arith.constant 0 : i32
    %cond3A_6 = arith.cmpi ne, %convert_element_type3A, %cond3A : i32
    scf.if %cond3A_6 {
      %mul3A_191 = arith.constant 10000 : i32
      %mul3A_192 = arith.muli %arg0, %mul3A_191 : i32
      %add3A_193 = arith.addi %mul3A_192, %mul3A_4 : i32
      "tpu.region"() ({
        %run_scoped3A_194 = tpu.sem_alloc : memref<!tpu.dma_semaphore, #tpu.memory_space<semaphore_mem>>
        %dma_start3A_195 = arith.constant 0 : i32
        %dma_start3A_196 = tpu.memref_slice %arg6[%mul3A_4, %dma_start3A_195] : memref<10000x128xf32, #tpu.memory_space<vmem_shared>> -> memref<640x128xf32, #tpu.memory_space<vmem_shared>>
        %dma_start3A_197 = arith.constant 0 : i32
        %dma_start3A_198 = tpu.memref_slice %arg2[%add3A_193, %dma_start3A_197] : memref<20000x128xf32, #tpu.memory_space<hbm>> -> memref<640x128xf32, #tpu.memory_space<hbm>>
        tpu.enqueue_dma source(%dma_start3A_198 : memref<640x128xf32, #tpu.memory_space<hbm>>) target(%dma_start3A_196 : memref<640x128xf32, #tpu.memory_space<vmem_shared>>) target_semaphore(%run_scoped3A_194 : memref<!tpu.dma_semaphore, #tpu.memory_space<semaphore_mem>>)
        %dma_wait3A_199 = arith.constant 0 : i32
        %dma_wait3A_200 = tpu.memref_slice %arg6[%mul3A_4, %dma_wait3A_199] : memref<10000x128xf32, #tpu.memory_space<vmem_shared>> -> memref<640x128xf32, #tpu.memory_space<vmem_shared>>
        %dma_wait3A_201 = arith.constant 0 : i32
        %dma_wait3A_202 = tpu.memref_slice %arg2[%add3A_193, %dma_wait3A_201] : memref<20000x128xf32, #tpu.memory_space<hbm>> -> memref<640x128xf32, #tpu.memory_space<hbm>>
        tpu.wait_dma2 semaphore(%run_scoped3A_194 : memref<!tpu.dma_semaphore, #tpu.memory_space<semaphore_mem>>) src(%dma_wait3A_202 : memref<640x128xf32, #tpu.memory_space<hbm>>) dst(%dma_wait3A_200 : memref<640x128xf32, #tpu.memory_space<vmem_shared>>)
        tpu.yield
      }) : () -> ()
    } else {
    }
    %ne3A = arith.constant 15 : i32
    %ne3A_7 = arith.cmpi ne, %arg1, %ne3A : i32
    %convert_element_type3A_8 = arith.extui %ne3A_7 : i1 to i32
    %cond3A_9 = arith.constant 0 : i32
    %cond3A_10 = arith.cmpi ne, %convert_element_type3A_8, %cond3A_9 : i32
    scf.if %cond3A_10 {
      %mul3A_191 = arith.constant 10000 : i32
      %mul3A_192 = arith.muli %arg0, %mul3A_191 : i32
      %add3A_193 = arith.addi %mul3A_192, %mul3A_4 : i32
      "tpu.region"() ({
        %run_scoped3A_194 = tpu.sem_alloc : memref<!tpu.dma_semaphore, #tpu.memory_space<semaphore_mem>>
        %dma_start3A_195 = arith.constant 0 : i32
        %dma_start3A_196 = tpu.memref_slice %arg6[%mul3A_4, %dma_start3A_195] : memref<10000x128xf32, #tpu.memory_space<vmem_shared>> -> memref<624x128xf32, #tpu.memory_space<vmem_shared>>
        %dma_start3A_197 = arith.constant 0 : i32
        %dma_start3A_198 = tpu.memref_slice %arg2[%add3A_193, %dma_start3A_197] : memref<20000x128xf32, #tpu.memory_space<hbm>> -> memref<624x128xf32, #tpu.memory_space<hbm>>
        tpu.enqueue_dma source(%dma_start3A_198 : memref<624x128xf32, #tpu.memory_space<hbm>>) target(%dma_start3A_196 : memref<624x128xf32, #tpu.memory_space<vmem_shared>>) target_semaphore(%run_scoped3A_194 : memref<!tpu.dma_semaphore, #tpu.memory_space<semaphore_mem>>)
        %dma_wait3A_199 = arith.constant 0 : i32
        %dma_wait3A_200 = tpu.memref_slice %arg6[%mul3A_4, %dma_wait3A_199] : memref<10000x128xf32, #tpu.memory_space<vmem_shared>> -> memref<624x128xf32, #tpu.memory_space<vmem_shared>>
        %dma_wait3A_201 = arith.constant 0 : i32
        %dma_wait3A_202 = tpu.memref_slice %arg2[%add3A_193, %dma_wait3A_201] : memref<20000x128xf32, #tpu.memory_space<hbm>> -> memref<624x128xf32, #tpu.memory_space<hbm>>
        tpu.wait_dma2 semaphore(%run_scoped3A_194 : memref<!tpu.dma_semaphore, #tpu.memory_space<semaphore_mem>>) src(%dma_wait3A_202 : memref<624x128xf32, #tpu.memory_space<hbm>>) dst(%dma_wait3A_200 : memref<624x128xf32, #tpu.memory_space<vmem_shared>>)
        tpu.yield
      }) : () -> ()
    } else {
    }
    %barrier3A = arith.constant 0 : index
    tpu.barrier barrier_id(%barrier3A)
    %add3A_11 = arith.constant 0 : i32
    %add3A_12 = arith.addi %mul3A_2, %add3A_11 : i32
    %dma_start3A = arith.constant 0 : i32
    %dma_start3A_13 = arith.constant 0 : i32
    %dma_start3A_14 = tpu.memref_slice %arg8[%dma_start3A, %dma_start3A_13] : memref<1x64xi32, #tpu.memory_space<vmem>> -> memref<1x64xi32, #tpu.memory_space<vmem>>
    %dma_start3A_15 = tpu.memref_squeeze %dma_start3A_14 : memref<1x64xi32, #tpu.memory_space<vmem>> -> memref<64xi32, #tpu.memory_space<vmem>>
    %dma_start3A_16 = tpu.memref_slice %arg4[%add3A_12] : memref<320000xi32, #tpu.memory_space<hbm>> -> memref<64xi32, #tpu.memory_space<hbm>>
    %dma_start3A_17 = arith.constant 0 : i32
    %dma_start3A_18 = tpu.memref_slice %arg8[%dma_start3A, %dma_start3A_17] : memref<1x64xi32, #tpu.memory_space<vmem>> -> memref<1x64xi32, #tpu.memory_space<vmem>>
    %dma_start3A_19 = tpu.memref_squeeze %dma_start3A_18 : memref<1x64xi32, #tpu.memory_space<vmem>> -> memref<64xi32, #tpu.memory_space<vmem>>
    %dma_start3A_20 = tpu.memref_slice %arg4[%add3A_12] : memref<320000xi32, #tpu.memory_space<hbm>> -> memref<64xi32, #tpu.memory_space<hbm>>
    tpu.enqueue_dma source(%dma_start3A_20 : memref<64xi32, #tpu.memory_space<hbm>>) target(%dma_start3A_19 : memref<64xi32, #tpu.memory_space<vmem>>) target_semaphore(%arg17 : memref<!tpu.dma_semaphore, #tpu.memory_space<semaphore_mem>>)
    %dma_start3A_21 = arith.constant 0 : i32
    %dma_start3A_22 = tpu.memref_slice %arg7[%dma_start3A_21] : memref<10000xi32, #tpu.memory_space<vmem>> -> memref<64xi32, #tpu.memory_space<vmem>>
    %dma_start3A_23 = arith.constant 0 : i32
    %dma_start3A_24 = arith.constant 0 : i32
    %dma_start3A_25 = tpu.memref_slice %arg2[%dma_start3A_23, %dma_start3A_24] : memref<20000x128xf32, #tpu.memory_space<hbm>> -> memref<20000x128xf32, #tpu.memory_space<hbm>>
    tpu.enqueue_indirect_dma source(%dma_start3A_25 : memref<20000x128xf32, #tpu.memory_space<hbm>>) target(%arg13 : memref<64x128xf32, #tpu.memory_space<vmem>>) offsets(%dma_start3A_22 : memref<64xi32, #tpu.memory_space<vmem>>) semaphore(%arg21 : memref<!tpu.dma_semaphore, #tpu.memory_space<semaphore_mem>>)
    %add3A_26 = arith.constant 64 : i32
    %add3A_27 = arith.addi %mul3A_2, %add3A_26 : i32
    %dma_start3A_28 = arith.constant 0 : i32
    %dma_start3A_29 = arith.constant 0 : i32
    %dma_start3A_30 = tpu.memref_slice %arg9[%dma_start3A_28, %dma_start3A_29] : memref<1x64xi32, #tpu.memory_space<vmem>> -> memref<1x64xi32, #tpu.memory_space<vmem>>
    %dma_start3A_31 = tpu.memref_squeeze %dma_start3A_30 : memref<1x64xi32, #tpu.memory_space<vmem>> -> memref<64xi32, #tpu.memory_space<vmem>>
    %dma_start3A_32 = tpu.memref_slice %arg4[%add3A_27] : memref<320000xi32, #tpu.memory_space<hbm>> -> memref<64xi32, #tpu.memory_space<hbm>>
    %dma_start3A_33 = arith.constant 0 : i32
    %dma_start3A_34 = tpu.memref_slice %arg9[%dma_start3A_28, %dma_start3A_33] : memref<1x64xi32, #tpu.memory_space<vmem>> -> memref<1x64xi32, #tpu.memory_space<vmem>>
    %dma_start3A_35 = tpu.memref_squeeze %dma_start3A_34 : memref<1x64xi32, #tpu.memory_space<vmem>> -> memref<64xi32, #tpu.memory_space<vmem>>
    %dma_start3A_36 = tpu.memref_slice %arg4[%add3A_27] : memref<320000xi32, #tpu.memory_space<hbm>> -> memref<64xi32, #tpu.memory_space<hbm>>
    tpu.enqueue_dma source(%dma_start3A_36 : memref<64xi32, #tpu.memory_space<hbm>>) target(%dma_start3A_35 : memref<64xi32, #tpu.memory_space<vmem>>) target_semaphore(%arg18 : memref<!tpu.dma_semaphore, #tpu.memory_space<semaphore_mem>>)
    %dma_start3A_37 = arith.constant 64 : i32
    %dma_start3A_38 = tpu.memref_slice %arg7[%dma_start3A_37] : memref<10000xi32, #tpu.memory_space<vmem>> -> memref<64xi32, #tpu.memory_space<vmem>>
    %dma_start3A_39 = arith.constant 0 : i32
    %dma_start3A_40 = arith.constant 0 : i32
    %dma_start3A_41 = tpu.memref_slice %arg2[%dma_start3A_39, %dma_start3A_40] : memref<20000x128xf32, #tpu.memory_space<hbm>> -> memref<20000x128xf32, #tpu.memory_space<hbm>>
    tpu.enqueue_indirect_dma source(%dma_start3A_41 : memref<20000x128xf32, #tpu.memory_space<hbm>>) target(%arg14 : memref<64x128xf32, #tpu.memory_space<vmem>>) offsets(%dma_start3A_38 : memref<64xi32, #tpu.memory_space<vmem>>) semaphore(%arg22 : memref<!tpu.dma_semaphore, #tpu.memory_space<semaphore_mem>>)
    %add3A_42 = arith.constant 128 : i32
    %add3A_43 = arith.addi %mul3A_2, %add3A_42 : i32
    %dma_start3A_44 = arith.constant 0 : i32
    %dma_start3A_45 = arith.constant 0 : i32
    %dma_start3A_46 = tpu.memref_slice %arg10[%dma_start3A_44, %dma_start3A_45] : memref<1x64xi32, #tpu.memory_space<vmem>> -> memref<1x64xi32, #tpu.memory_space<vmem>>
    %dma_start3A_47 = tpu.memref_squeeze %dma_start3A_46 : memref<1x64xi32, #tpu.memory_space<vmem>> -> memref<64xi32, #tpu.memory_space<vmem>>
    %dma_start3A_48 = tpu.memref_slice %arg4[%add3A_43] : memref<320000xi32, #tpu.memory_space<hbm>> -> memref<64xi32, #tpu.memory_space<hbm>>
    %dma_start3A_49 = arith.constant 0 : i32
    %dma_start3A_50 = tpu.memref_slice %arg10[%dma_start3A_44, %dma_start3A_49] : memref<1x64xi32, #tpu.memory_space<vmem>> -> memref<1x64xi32, #tpu.memory_space<vmem>>
    %dma_start3A_51 = tpu.memref_squeeze %dma_start3A_50 : memref<1x64xi32, #tpu.memory_space<vmem>> -> memref<64xi32, #tpu.memory_space<vmem>>
    %dma_start3A_52 = tpu.memref_slice %arg4[%add3A_43] : memref<320000xi32, #tpu.memory_space<hbm>> -> memref<64xi32, #tpu.memory_space<hbm>>
    tpu.enqueue_dma source(%dma_start3A_52 : memref<64xi32, #tpu.memory_space<hbm>>) target(%dma_start3A_51 : memref<64xi32, #tpu.memory_space<vmem>>) target_semaphore(%arg19 : memref<!tpu.dma_semaphore, #tpu.memory_space<semaphore_mem>>)
    %dma_start3A_53 = arith.constant 128 : i32
    %dma_start3A_54 = tpu.memref_slice %arg7[%dma_start3A_53] : memref<10000xi32, #tpu.memory_space<vmem>> -> memref<64xi32, #tpu.memory_space<vmem>>
    %dma_start3A_55 = arith.constant 0 : i32
    %dma_start3A_56 = arith.constant 0 : i32
    %dma_start3A_57 = tpu.memref_slice %arg2[%dma_start3A_55, %dma_start3A_56] : memref<20000x128xf32, #tpu.memory_space<hbm>> -> memref<20000x128xf32, #tpu.memory_space<hbm>>
    tpu.enqueue_indirect_dma source(%dma_start3A_57 : memref<20000x128xf32, #tpu.memory_space<hbm>>) target(%arg15 : memref<64x128xf32, #tpu.memory_space<vmem>>) offsets(%dma_start3A_54 : memref<64xi32, #tpu.memory_space<vmem>>) semaphore(%arg23 : memref<!tpu.dma_semaphore, #tpu.memory_space<semaphore_mem>>)
    %add3A_58 = arith.constant 192 : i32
    %add3A_59 = arith.addi %mul3A_2, %add3A_58 : i32
    %dma_start3A_60 = arith.constant 0 : i32
    %dma_start3A_61 = arith.constant 0 : i32
    %dma_start3A_62 = tpu.memref_slice %arg11[%dma_start3A_60, %dma_start3A_61] : memref<1x64xi32, #tpu.memory_space<vmem>> -> memref<1x64xi32, #tpu.memory_space<vmem>>
    %dma_start3A_63 = tpu.memref_squeeze %dma_start3A_62 : memref<1x64xi32, #tpu.memory_space<vmem>> -> memref<64xi32, #tpu.memory_space<vmem>>
    %dma_start3A_64 = tpu.memref_slice %arg4[%add3A_59] : memref<320000xi32, #tpu.memory_space<hbm>> -> memref<64xi32, #tpu.memory_space<hbm>>
    %dma_start3A_65 = arith.constant 0 : i32
    %dma_start3A_66 = tpu.memref_slice %arg11[%dma_start3A_60, %dma_start3A_65] : memref<1x64xi32, #tpu.memory_space<vmem>> -> memref<1x64xi32, #tpu.memory_space<vmem>>
    %dma_start3A_67 = tpu.memref_squeeze %dma_start3A_66 : memref<1x64xi32, #tpu.memory_space<vmem>> -> memref<64xi32, #tpu.memory_space<vmem>>
    %dma_start3A_68 = tpu.memref_slice %arg4[%add3A_59] : memref<320000xi32, #tpu.memory_space<hbm>> -> memref<64xi32, #tpu.memory_space<hbm>>
    tpu.enqueue_dma source(%dma_start3A_68 : memref<64xi32, #tpu.memory_space<hbm>>) target(%dma_start3A_67 : memref<64xi32, #tpu.memory_space<vmem>>) target_semaphore(%arg20 : memref<!tpu.dma_semaphore, #tpu.memory_space<semaphore_mem>>)
    %dma_start3A_69 = arith.constant 192 : i32
    %dma_start3A_70 = tpu.memref_slice %arg7[%dma_start3A_69] : memref<10000xi32, #tpu.memory_space<vmem>> -> memref<64xi32, #tpu.memory_space<vmem>>
    %dma_start3A_71 = arith.constant 0 : i32
    %dma_start3A_72 = arith.constant 0 : i32
    %dma_start3A_73 = tpu.memref_slice %arg2[%dma_start3A_71, %dma_start3A_72] : memref<20000x128xf32, #tpu.memory_space<hbm>> -> memref<20000x128xf32, #tpu.memory_space<hbm>>
    tpu.enqueue_indirect_dma source(%dma_start3A_73 : memref<20000x128xf32, #tpu.memory_space<hbm>>) target(%arg16 : memref<64x128xf32, #tpu.memory_space<vmem>>) offsets(%dma_start3A_70 : memref<64xi32, #tpu.memory_space<vmem>>) semaphore(%arg24 : memref<!tpu.dma_semaphore, #tpu.memory_space<semaphore_mem>>)
    %scan3A = arith.constant 0 : i32
    %scan3A_74 = arith.constant 0 : i32
    %scan3A_75 = arith.constant 39 : i32
    %scan3A_76 = arith.addi %scan3A_74, %scan3A_75 : i32
    %scan3A_77 = arith.constant 1 : i32
    scf.for %scan3A_191 = %scan3A_74 to %scan3A_76 step %scan3A_77  : i32 {
      %mul3A_192 = arith.constant 4 : i32
      %mul3A_193 = arith.muli %scan3A_191, %mul3A_192 : i32
      %add3A_194 = arith.constant 0 : i32
      %add3A_195 = arith.addi %mul3A_193, %add3A_194 : i32
      %mul3A_196 = arith.constant 64 : i32
      %mul3A_197 = arith.muli %add3A_195, %mul3A_196 : i32
      %dma_wait3A_198 = tpu.memref_slice %arg7[%mul3A_197] : memref<10000xi32, #tpu.memory_space<vmem>> -> memref<64xi32, #tpu.memory_space<vmem>>
      %dma_wait3A_199 = arith.constant 0 : i32
      %dma_wait3A_200 = arith.constant 0 : i32
      %dma_wait3A_201 = tpu.memref_slice %arg2[%dma_wait3A_199, %dma_wait3A_200] : memref<20000x128xf32, #tpu.memory_space<hbm>> -> memref<20000x128xf32, #tpu.memory_space<hbm>>
      tpu.wait_indirect_dma semaphore(%arg21 : memref<!tpu.dma_semaphore, #tpu.memory_space<semaphore_mem>>) src(%dma_wait3A_201 : memref<20000x128xf32, #tpu.memory_space<hbm>>) dst(%arg13 : memref<64x128xf32, #tpu.memory_space<vmem>>)
      %add3A_202 = arith.constant 0 : i32
      %add3A_203 = arith.addi %mul3A_193, %add3A_202 : i32
      %mul3A_204 = arith.constant 64 : i32
      %mul3A_205 = arith.muli %add3A_203, %mul3A_204 : i32
      %add3A_206 = arith.addi %mul3A_2, %mul3A_205 : i32
      %dma_wait3A_207 = arith.constant 0 : i32
      %dma_wait3A_208 = arith.constant 0 : i32
      %dma_wait3A_209 = tpu.memref_slice %arg8[%dma_wait3A_207, %dma_wait3A_208] : memref<1x64xi32, #tpu.memory_space<vmem>> -> memref<1x64xi32, #tpu.memory_space<vmem>>
      %dma_wait3A_210 = tpu.memref_squeeze %dma_wait3A_209 : memref<1x64xi32, #tpu.memory_space<vmem>> -> memref<64xi32, #tpu.memory_space<vmem>>
      %dma_wait3A_211 = tpu.memref_slice %arg4[%add3A_206] : memref<320000xi32, #tpu.memory_space<hbm>> -> memref<64xi32, #tpu.memory_space<hbm>>
      %dma_wait3A_212 = arith.constant 0 : i32
      %dma_wait3A_213 = tpu.memref_slice %arg8[%dma_wait3A_207, %dma_wait3A_212] : memref<1x64xi32, #tpu.memory_space<vmem>> -> memref<1x64xi32, #tpu.memory_space<vmem>>
      %dma_wait3A_214 = tpu.memref_squeeze %dma_wait3A_213 : memref<1x64xi32, #tpu.memory_space<vmem>> -> memref<64xi32, #tpu.memory_space<vmem>>
      %dma_wait3A_215 = tpu.memref_slice %arg4[%add3A_206] : memref<320000xi32, #tpu.memory_space<hbm>> -> memref<64xi32, #tpu.memory_space<hbm>>
      tpu.wait_dma2 semaphore(%arg17 : memref<!tpu.dma_semaphore, #tpu.memory_space<semaphore_mem>>) src(%dma_wait3A_215 : memref<64xi32, #tpu.memory_space<hbm>>) dst(%dma_wait3A_214 : memref<64xi32, #tpu.memory_space<vmem>>)
      %dma_start3A_216 = arith.constant 0 : i32
      %dma_start3A_217 = arith.constant 0 : i32
      %dma_start3A_218 = tpu.memref_slice %arg8[%dma_start3A_216, %dma_start3A_217] : memref<1x64xi32, #tpu.memory_space<vmem>> -> memref<1x64xi32, #tpu.memory_space<vmem>>
      %dma_start3A_219 = tpu.memref_squeeze %dma_start3A_218 : memref<1x64xi32, #tpu.memory_space<vmem>> -> memref<64xi32, #tpu.memory_space<vmem>>
      %dma_start3A_220 = arith.constant 0 : i32
      %dma_start3A_221 = arith.constant 0 : i32
      %dma_start3A_222 = tpu.memref_slice %arg6[%dma_start3A_220, %dma_start3A_221] : memref<10000x128xf32, #tpu.memory_space<vmem_shared>> -> memref<10000x128xf32, #tpu.memory_space<vmem_shared>>
      tpu.enqueue_indirect_dma source(%arg13 : memref<64x128xf32, #tpu.memory_space<vmem>>) target(%dma_start3A_222 : memref<10000x128xf32, #tpu.memory_space<vmem_shared>>) offsets(%dma_start3A_219 : memref<64xi32, #tpu.memory_space<vmem>>) semaphore(%arg25 : memref<!tpu.dma_semaphore, #tpu.memory_space<semaphore_mem>>) {add = true}
      %add3A_223 = arith.constant 1 : i32
      %add3A_224 = arith.addi %mul3A_193, %add3A_223 : i32
      %mul3A_225 = arith.constant 64 : i32
      %mul3A_226 = arith.muli %add3A_224, %mul3A_225 : i32
      %dma_wait3A_227 = tpu.memref_slice %arg7[%mul3A_226] : memref<10000xi32, #tpu.memory_space<vmem>> -> memref<64xi32, #tpu.memory_space<vmem>>
      %dma_wait3A_228 = arith.constant 0 : i32
      %dma_wait3A_229 = arith.constant 0 : i32
      %dma_wait3A_230 = tpu.memref_slice %arg2[%dma_wait3A_228, %dma_wait3A_229] : memref<20000x128xf32, #tpu.memory_space<hbm>> -> memref<20000x128xf32, #tpu.memory_space<hbm>>
      tpu.wait_indirect_dma semaphore(%arg22 : memref<!tpu.dma_semaphore, #tpu.memory_space<semaphore_mem>>) src(%dma_wait3A_230 : memref<20000x128xf32, #tpu.memory_space<hbm>>) dst(%arg14 : memref<64x128xf32, #tpu.memory_space<vmem>>)
      %add3A_231 = arith.constant 1 : i32
      %add3A_232 = arith.addi %mul3A_193, %add3A_231 : i32
      %mul3A_233 = arith.constant 64 : i32
      %mul3A_234 = arith.muli %add3A_232, %mul3A_233 : i32
      %add3A_235 = arith.addi %mul3A_2, %mul3A_234 : i32
      %dma_wait3A_236 = arith.constant 0 : i32
      %dma_wait3A_237 = arith.constant 0 : i32
      %dma_wait3A_238 = tpu.memref_slice %arg9[%dma_wait3A_236, %dma_wait3A_237] : memref<1x64xi32, #tpu.memory_space<vmem>> -> memref<1x64xi32, #tpu.memory_space<vmem>>
      %dma_wait3A_239 = tpu.memref_squeeze %dma_wait3A_238 : memref<1x64xi32, #tpu.memory_space<vmem>> -> memref<64xi32, #tpu.memory_space<vmem>>
      %dma_wait3A_240 = tpu.memref_slice %arg4[%add3A_235] : memref<320000xi32, #tpu.memory_space<hbm>> -> memref<64xi32, #tpu.memory_space<hbm>>
      %dma_wait3A_241 = arith.constant 0 : i32
      %dma_wait3A_242 = tpu.memref_slice %arg9[%dma_wait3A_236, %dma_wait3A_241] : memref<1x64xi32, #tpu.memory_space<vmem>> -> memref<1x64xi32, #tpu.memory_space<vmem>>
      %dma_wait3A_243 = tpu.memref_squeeze %dma_wait3A_242 : memref<1x64xi32, #tpu.memory_space<vmem>> -> memref<64xi32, #tpu.memory_space<vmem>>
      %dma_wait3A_244 = tpu.memref_slice %arg4[%add3A_235] : memref<320000xi32, #tpu.memory_space<hbm>> -> memref<64xi32, #tpu.memory_space<hbm>>
      tpu.wait_dma2 semaphore(%arg18 : memref<!tpu.dma_semaphore, #tpu.memory_space<semaphore_mem>>) src(%dma_wait3A_244 : memref<64xi32, #tpu.memory_space<hbm>>) dst(%dma_wait3A_243 : memref<64xi32, #tpu.memory_space<vmem>>)
      %dma_start3A_245 = arith.constant 0 : i32
      %dma_start3A_246 = arith.constant 0 : i32
      %dma_start3A_247 = tpu.memref_slice %arg9[%dma_start3A_245, %dma_start3A_246] : memref<1x64xi32, #tpu.memory_space<vmem>> -> memref<1x64xi32, #tpu.memory_space<vmem>>
      %dma_start3A_248 = tpu.memref_squeeze %dma_start3A_247 : memref<1x64xi32, #tpu.memory_space<vmem>> -> memref<64xi32, #tpu.memory_space<vmem>>
      %dma_start3A_249 = arith.constant 0 : i32
      %dma_start3A_250 = arith.constant 0 : i32
      %dma_start3A_251 = tpu.memref_slice %arg6[%dma_start3A_249, %dma_start3A_250] : memref<10000x128xf32, #tpu.memory_space<vmem_shared>> -> memref<10000x128xf32, #tpu.memory_space<vmem_shared>>
      tpu.enqueue_indirect_dma source(%arg14 : memref<64x128xf32, #tpu.memory_space<vmem>>) target(%dma_start3A_251 : memref<10000x128xf32, #tpu.memory_space<vmem_shared>>) offsets(%dma_start3A_248 : memref<64xi32, #tpu.memory_space<vmem>>) semaphore(%arg26 : memref<!tpu.dma_semaphore, #tpu.memory_space<semaphore_mem>>) {add = true}
      %add3A_252 = arith.constant 2 : i32
      %add3A_253 = arith.addi %mul3A_193, %add3A_252 : i32
      %mul3A_254 = arith.constant 64 : i32
      %mul3A_255 = arith.muli %add3A_253, %mul3A_254 : i32
      %dma_wait3A_256 = tpu.memref_slice %arg7[%mul3A_255] : memref<10000xi32, #tpu.memory_space<vmem>> -> memref<64xi32, #tpu.memory_space<vmem>>
      %dma_wait3A_257 = arith.constant 0 : i32
      %dma_wait3A_258 = arith.constant 0 : i32
      %dma_wait3A_259 = tpu.memref_slice %arg2[%dma_wait3A_257, %dma_wait3A_258] : memref<20000x128xf32, #tpu.memory_space<hbm>> -> memref<20000x128xf32, #tpu.memory_space<hbm>>
      tpu.wait_indirect_dma semaphore(%arg23 : memref<!tpu.dma_semaphore, #tpu.memory_space<semaphore_mem>>) src(%dma_wait3A_259 : memref<20000x128xf32, #tpu.memory_space<hbm>>) dst(%arg15 : memref<64x128xf32, #tpu.memory_space<vmem>>)
      %add3A_260 = arith.constant 2 : i32
      %add3A_261 = arith.addi %mul3A_193, %add3A_260 : i32
      %mul3A_262 = arith.constant 64 : i32
      %mul3A_263 = arith.muli %add3A_261, %mul3A_262 : i32
      %add3A_264 = arith.addi %mul3A_2, %mul3A_263 : i32
      %dma_wait3A_265 = arith.constant 0 : i32
      %dma_wait3A_266 = arith.constant 0 : i32
      %dma_wait3A_267 = tpu.memref_slice %arg10[%dma_wait3A_265, %dma_wait3A_266] : memref<1x64xi32, #tpu.memory_space<vmem>> -> memref<1x64xi32, #tpu.memory_space<vmem>>
      %dma_wait3A_268 = tpu.memref_squeeze %dma_wait3A_267 : memref<1x64xi32, #tpu.memory_space<vmem>> -> memref<64xi32, #tpu.memory_space<vmem>>
      %dma_wait3A_269 = tpu.memref_slice %arg4[%add3A_264] : memref<320000xi32, #tpu.memory_space<hbm>> -> memref<64xi32, #tpu.memory_space<hbm>>
      %dma_wait3A_270 = arith.constant 0 : i32
      %dma_wait3A_271 = tpu.memref_slice %arg10[%dma_wait3A_265, %dma_wait3A_270] : memref<1x64xi32, #tpu.memory_space<vmem>> -> memref<1x64xi32, #tpu.memory_space<vmem>>
      %dma_wait3A_272 = tpu.memref_squeeze %dma_wait3A_271 : memref<1x64xi32, #tpu.memory_space<vmem>> -> memref<64xi32, #tpu.memory_space<vmem>>
      %dma_wait3A_273 = tpu.memref_slice %arg4[%add3A_264] : memref<320000xi32, #tpu.memory_space<hbm>> -> memref<64xi32, #tpu.memory_space<hbm>>
      tpu.wait_dma2 semaphore(%arg19 : memref<!tpu.dma_semaphore, #tpu.memory_space<semaphore_mem>>) src(%dma_wait3A_273 : memref<64xi32, #tpu.memory_space<hbm>>) dst(%dma_wait3A_272 : memref<64xi32, #tpu.memory_space<vmem>>)
      %dma_start3A_274 = arith.constant 0 : i32
      %dma_start3A_275 = arith.constant 0 : i32
      %dma_start3A_276 = tpu.memref_slice %arg10[%dma_start3A_274, %dma_start3A_275] : memref<1x64xi32, #tpu.memory_space<vmem>> -> memref<1x64xi32, #tpu.memory_space<vmem>>
      %dma_start3A_277 = tpu.memref_squeeze %dma_start3A_276 : memref<1x64xi32, #tpu.memory_space<vmem>> -> memref<64xi32, #tpu.memory_space<vmem>>
      %dma_start3A_278 = arith.constant 0 : i32
      %dma_start3A_279 = arith.constant 0 : i32
      %dma_start3A_280 = tpu.memref_slice %arg6[%dma_start3A_278, %dma_start3A_279] : memref<10000x128xf32, #tpu.memory_space<vmem_shared>> -> memref<10000x128xf32, #tpu.memory_space<vmem_shared>>
      tpu.enqueue_indirect_dma source(%arg15 : memref<64x128xf32, #tpu.memory_space<vmem>>) target(%dma_start3A_280 : memref<10000x128xf32, #tpu.memory_space<vmem_shared>>) offsets(%dma_start3A_277 : memref<64xi32, #tpu.memory_space<vmem>>) semaphore(%arg27 : memref<!tpu.dma_semaphore, #tpu.memory_space<semaphore_mem>>) {add = true}
      %add3A_281 = arith.constant 3 : i32
      %add3A_282 = arith.addi %mul3A_193, %add3A_281 : i32
      %mul3A_283 = arith.constant 64 : i32
      %mul3A_284 = arith.muli %add3A_282, %mul3A_283 : i32
      %dma_wait3A_285 = tpu.memref_slice %arg7[%mul3A_284] : memref<10000xi32, #tpu.memory_space<vmem>> -> memref<64xi32, #tpu.memory_space<vmem>>
      %dma_wait3A_286 = arith.constant 0 : i32
      %dma_wait3A_287 = arith.constant 0 : i32
      %dma_wait3A_288 = tpu.memref_slice %arg2[%dma_wait3A_286, %dma_wait3A_287] : memref<20000x128xf32, #tpu.memory_space<hbm>> -> memref<20000x128xf32, #tpu.memory_space<hbm>>
      tpu.wait_indirect_dma semaphore(%arg24 : memref<!tpu.dma_semaphore, #tpu.memory_space<semaphore_mem>>) src(%dma_wait3A_288 : memref<20000x128xf32, #tpu.memory_space<hbm>>) dst(%arg16 : memref<64x128xf32, #tpu.memory_space<vmem>>)
      %add3A_289 = arith.constant 3 : i32
      %add3A_290 = arith.addi %mul3A_193, %add3A_289 : i32
      %mul3A_291 = arith.constant 64 : i32
      %mul3A_292 = arith.muli %add3A_290, %mul3A_291 : i32
      %add3A_293 = arith.addi %mul3A_2, %mul3A_292 : i32
      %dma_wait3A_294 = arith.constant 0 : i32
      %dma_wait3A_295 = arith.constant 0 : i32
      %dma_wait3A_296 = tpu.memref_slice %arg11[%dma_wait3A_294, %dma_wait3A_295] : memref<1x64xi32, #tpu.memory_space<vmem>> -> memref<1x64xi32, #tpu.memory_space<vmem>>
      %dma_wait3A_297 = tpu.memref_squeeze %dma_wait3A_296 : memref<1x64xi32, #tpu.memory_space<vmem>> -> memref<64xi32, #tpu.memory_space<vmem>>
      %dma_wait3A_298 = tpu.memref_slice %arg4[%add3A_293] : memref<320000xi32, #tpu.memory_space<hbm>> -> memref<64xi32, #tpu.memory_space<hbm>>
      %dma_wait3A_299 = arith.constant 0 : i32
      %dma_wait3A_300 = tpu.memref_slice %arg11[%dma_wait3A_294, %dma_wait3A_299] : memref<1x64xi32, #tpu.memory_space<vmem>> -> memref<1x64xi32, #tpu.memory_space<vmem>>
      %dma_wait3A_301 = tpu.memref_squeeze %dma_wait3A_300 : memref<1x64xi32, #tpu.memory_space<vmem>> -> memref<64xi32, #tpu.memory_space<vmem>>
      %dma_wait3A_302 = tpu.memref_slice %arg4[%add3A_293] : memref<320000xi32, #tpu.memory_space<hbm>> -> memref<64xi32, #tpu.memory_space<hbm>>
      tpu.wait_dma2 semaphore(%arg20 : memref<!tpu.dma_semaphore, #tpu.memory_space<semaphore_mem>>) src(%dma_wait3A_302 : memref<64xi32, #tpu.memory_space<hbm>>) dst(%dma_wait3A_301 : memref<64xi32, #tpu.memory_space<vmem>>)
      %dma_start3A_303 = arith.constant 0 : i32
      %dma_start3A_304 = arith.constant 0 : i32
      %dma_start3A_305 = tpu.memref_slice %arg11[%dma_start3A_303, %dma_start3A_304] : memref<1x64xi32, #tpu.memory_space<vmem>> -> memref<1x64xi32, #tpu.memory_space<vmem>>
      %dma_start3A_306 = tpu.memref_squeeze %dma_start3A_305 : memref<1x64xi32, #tpu.memory_space<vmem>> -> memref<64xi32, #tpu.memory_space<vmem>>
      %dma_start3A_307 = arith.constant 0 : i32
      %dma_start3A_308 = arith.constant 0 : i32
      %dma_start3A_309 = tpu.memref_slice %arg6[%dma_start3A_307, %dma_start3A_308] : memref<10000x128xf32, #tpu.memory_space<vmem_shared>> -> memref<10000x128xf32, #tpu.memory_space<vmem_shared>>
      tpu.enqueue_indirect_dma source(%arg16 : memref<64x128xf32, #tpu.memory_space<vmem>>) target(%dma_start3A_309 : memref<10000x128xf32, #tpu.memory_space<vmem_shared>>) offsets(%dma_start3A_306 : memref<64xi32, #tpu.memory_space<vmem>>) semaphore(%arg28 : memref<!tpu.dma_semaphore, #tpu.memory_space<semaphore_mem>>) {add = true}
      %add3A_310 = arith.constant 0 : i32
      %add3A_311 = arith.addi %mul3A_193, %add3A_310 : i32
      %add3A_312 = arith.constant 4 : i32
      %add3A_313 = arith.addi %add3A_311, %add3A_312 : i32
      %rem3A = arith.constant 156 : i32
      %rem3A_314 = arith.remsi %add3A_313, %rem3A : i32
      %dma_wait3A_315 = arith.constant 0 : i32
      %dma_wait3A_316 = arith.constant 0 : i32
      %dma_wait3A_317 = tpu.memref_slice %arg8[%dma_wait3A_315, %dma_wait3A_316] : memref<1x64xi32, #tpu.memory_space<vmem>> -> memref<1x64xi32, #tpu.memory_space<vmem>>
      %dma_wait3A_318 = tpu.memref_squeeze %dma_wait3A_317 : memref<1x64xi32, #tpu.memory_space<vmem>> -> memref<64xi32, #tpu.memory_space<vmem>>
      %dma_wait3A_319 = arith.constant 0 : i32
      %dma_wait3A_320 = arith.constant 0 : i32
      %dma_wait3A_321 = tpu.memref_slice %arg6[%dma_wait3A_319, %dma_wait3A_320] : memref<10000x128xf32, #tpu.memory_space<vmem_shared>> -> memref<10000x128xf32, #tpu.memory_space<vmem_shared>>
      tpu.wait_indirect_dma semaphore(%arg25 : memref<!tpu.dma_semaphore, #tpu.memory_space<semaphore_mem>>) src(%arg13 : memref<64x128xf32, #tpu.memory_space<vmem>>) dst(%dma_wait3A_321 : memref<10000x128xf32, #tpu.memory_space<vmem_shared>>)
      %mul3A_322 = arith.constant 64 : i32
      %mul3A_323 = arith.muli %rem3A_314, %mul3A_322 : i32
      %add3A_324 = arith.addi %mul3A_2, %mul3A_323 : i32
      %dma_start3A_325 = arith.constant 0 : i32
      %dma_start3A_326 = arith.constant 0 : i32
      %dma_start3A_327 = tpu.memref_slice %arg8[%dma_start3A_325, %dma_start3A_326] : memref<1x64xi32, #tpu.memory_space<vmem>> -> memref<1x64xi32, #tpu.memory_space<vmem>>
      %dma_start3A_328 = tpu.memref_squeeze %dma_start3A_327 : memref<1x64xi32, #tpu.memory_space<vmem>> -> memref<64xi32, #tpu.memory_space<vmem>>
      %dma_start3A_329 = tpu.memref_slice %arg4[%add3A_324] : memref<320000xi32, #tpu.memory_space<hbm>> -> memref<64xi32, #tpu.memory_space<hbm>>
      %dma_start3A_330 = arith.constant 0 : i32
      %dma_start3A_331 = tpu.memref_slice %arg8[%dma_start3A_325, %dma_start3A_330] : memref<1x64xi32, #tpu.memory_space<vmem>> -> memref<1x64xi32, #tpu.memory_space<vmem>>
      %dma_start3A_332 = tpu.memref_squeeze %dma_start3A_331 : memref<1x64xi32, #tpu.memory_space<vmem>> -> memref<64xi32, #tpu.memory_space<vmem>>
      %dma_start3A_333 = tpu.memref_slice %arg4[%add3A_324] : memref<320000xi32, #tpu.memory_space<hbm>> -> memref<64xi32, #tpu.memory_space<hbm>>
      tpu.enqueue_dma source(%dma_start3A_333 : memref<64xi32, #tpu.memory_space<hbm>>) target(%dma_start3A_332 : memref<64xi32, #tpu.memory_space<vmem>>) target_semaphore(%arg17 : memref<!tpu.dma_semaphore, #tpu.memory_space<semaphore_mem>>)
      %mul3A_334 = arith.constant 64 : i32
      %mul3A_335 = arith.muli %rem3A_314, %mul3A_334 : i32
      %dma_start3A_336 = tpu.memref_slice %arg7[%mul3A_335] : memref<10000xi32, #tpu.memory_space<vmem>> -> memref<64xi32, #tpu.memory_space<vmem>>
      %dma_start3A_337 = arith.constant 0 : i32
      %dma_start3A_338 = arith.constant 0 : i32
      %dma_start3A_339 = tpu.memref_slice %arg2[%dma_start3A_337, %dma_start3A_338] : memref<20000x128xf32, #tpu.memory_space<hbm>> -> memref<20000x128xf32, #tpu.memory_space<hbm>>
      tpu.enqueue_indirect_dma source(%dma_start3A_339 : memref<20000x128xf32, #tpu.memory_space<hbm>>) target(%arg13 : memref<64x128xf32, #tpu.memory_space<vmem>>) offsets(%dma_start3A_336 : memref<64xi32, #tpu.memory_space<vmem>>) semaphore(%arg21 : memref<!tpu.dma_semaphore, #tpu.memory_space<semaphore_mem>>)
      %add3A_340 = arith.constant 1 : i32
      %add3A_341 = arith.addi %mul3A_193, %add3A_340 : i32
      %add3A_342 = arith.constant 4 : i32
      %add3A_343 = arith.addi %add3A_341, %add3A_342 : i32
      %rem3A_344 = arith.constant 156 : i32
      %rem3A_345 = arith.remsi %add3A_343, %rem3A_344 : i32
      %dma_wait3A_346 = arith.constant 0 : i32
      %dma_wait3A_347 = arith.constant 0 : i32
      %dma_wait3A_348 = tpu.memref_slice %arg9[%dma_wait3A_346, %dma_wait3A_347] : memref<1x64xi32, #tpu.memory_space<vmem>> -> memref<1x64xi32, #tpu.memory_space<vmem>>
      %dma_wait3A_349 = tpu.memref_squeeze %dma_wait3A_348 : memref<1x64xi32, #tpu.memory_space<vmem>> -> memref<64xi32, #tpu.memory_space<vmem>>
      %dma_wait3A_350 = arith.constant 0 : i32
      %dma_wait3A_351 = arith.constant 0 : i32
      %dma_wait3A_352 = tpu.memref_slice %arg6[%dma_wait3A_350, %dma_wait3A_351] : memref<10000x128xf32, #tpu.memory_space<vmem_shared>> -> memref<10000x128xf32, #tpu.memory_space<vmem_shared>>
      tpu.wait_indirect_dma semaphore(%arg26 : memref<!tpu.dma_semaphore, #tpu.memory_space<semaphore_mem>>) src(%arg14 : memref<64x128xf32, #tpu.memory_space<vmem>>) dst(%dma_wait3A_352 : memref<10000x128xf32, #tpu.memory_space<vmem_shared>>)
      %mul3A_353 = arith.constant 64 : i32
      %mul3A_354 = arith.muli %rem3A_345, %mul3A_353 : i32
      %add3A_355 = arith.addi %mul3A_2, %mul3A_354 : i32
      %dma_start3A_356 = arith.constant 0 : i32
      %dma_start3A_357 = arith.constant 0 : i32
      %dma_start3A_358 = tpu.memref_slice %arg9[%dma_start3A_356, %dma_start3A_357] : memref<1x64xi32, #tpu.memory_space<vmem>> -> memref<1x64xi32, #tpu.memory_space<vmem>>
      %dma_start3A_359 = tpu.memref_squeeze %dma_start3A_358 : memref<1x64xi32, #tpu.memory_space<vmem>> -> memref<64xi32, #tpu.memory_space<vmem>>
      %dma_start3A_360 = tpu.memref_slice %arg4[%add3A_355] : memref<320000xi32, #tpu.memory_space<hbm>> -> memref<64xi32, #tpu.memory_space<hbm>>
      %dma_start3A_361 = arith.constant 0 : i32
      %dma_start3A_362 = tpu.memref_slice %arg9[%dma_start3A_356, %dma_start3A_361] : memref<1x64xi32, #tpu.memory_space<vmem>> -> memref<1x64xi32, #tpu.memory_space<vmem>>
      %dma_start3A_363 = tpu.memref_squeeze %dma_start3A_362 : memref<1x64xi32, #tpu.memory_space<vmem>> -> memref<64xi32, #tpu.memory_space<vmem>>
      %dma_start3A_364 = tpu.memref_slice %arg4[%add3A_355] : memref<320000xi32, #tpu.memory_space<hbm>> -> memref<64xi32, #tpu.memory_space<hbm>>
      tpu.enqueue_dma source(%dma_start3A_364 : memref<64xi32, #tpu.memory_space<hbm>>) target(%dma_start3A_363 : memref<64xi32, #tpu.memory_space<vmem>>) target_semaphore(%arg18 : memref<!tpu.dma_semaphore, #tpu.memory_space<semaphore_mem>>)
      %mul3A_365 = arith.constant 64 : i32
      %mul3A_366 = arith.muli %rem3A_345, %mul3A_365 : i32
      %dma_start3A_367 = tpu.memref_slice %arg7[%mul3A_366] : memref<10000xi32, #tpu.memory_space<vmem>> -> memref<64xi32, #tpu.memory_space<vmem>>
      %dma_start3A_368 = arith.constant 0 : i32
      %dma_start3A_369 = arith.constant 0 : i32
      %dma_start3A_370 = tpu.memref_slice %arg2[%dma_start3A_368, %dma_start3A_369] : memref<20000x128xf32, #tpu.memory_space<hbm>> -> memref<20000x128xf32, #tpu.memory_space<hbm>>
      tpu.enqueue_indirect_dma source(%dma_start3A_370 : memref<20000x128xf32, #tpu.memory_space<hbm>>) target(%arg14 : memref<64x128xf32, #tpu.memory_space<vmem>>) offsets(%dma_start3A_367 : memref<64xi32, #tpu.memory_space<vmem>>) semaphore(%arg22 : memref<!tpu.dma_semaphore, #tpu.memory_space<semaphore_mem>>)
      %add3A_371 = arith.constant 2 : i32
      %add3A_372 = arith.addi %mul3A_193, %add3A_371 : i32
      %add3A_373 = arith.constant 4 : i32
      %add3A_374 = arith.addi %add3A_372, %add3A_373 : i32
      %rem3A_375 = arith.constant 156 : i32
      %rem3A_376 = arith.remsi %add3A_374, %rem3A_375 : i32
      %dma_wait3A_377 = arith.constant 0 : i32
      %dma_wait3A_378 = arith.constant 0 : i32
      %dma_wait3A_379 = tpu.memref_slice %arg10[%dma_wait3A_377, %dma_wait3A_378] : memref<1x64xi32, #tpu.memory_space<vmem>> -> memref<1x64xi32, #tpu.memory_space<vmem>>
      %dma_wait3A_380 = tpu.memref_squeeze %dma_wait3A_379 : memref<1x64xi32, #tpu.memory_space<vmem>> -> memref<64xi32, #tpu.memory_space<vmem>>
      %dma_wait3A_381 = arith.constant 0 : i32
      %dma_wait3A_382 = arith.constant 0 : i32
      %dma_wait3A_383 = tpu.memref_slice %arg6[%dma_wait3A_381, %dma_wait3A_382] : memref<10000x128xf32, #tpu.memory_space<vmem_shared>> -> memref<10000x128xf32, #tpu.memory_space<vmem_shared>>
      tpu.wait_indirect_dma semaphore(%arg27 : memref<!tpu.dma_semaphore, #tpu.memory_space<semaphore_mem>>) src(%arg15 : memref<64x128xf32, #tpu.memory_space<vmem>>) dst(%dma_wait3A_383 : memref<10000x128xf32, #tpu.memory_space<vmem_shared>>)
      %mul3A_384 = arith.constant 64 : i32
      %mul3A_385 = arith.muli %rem3A_376, %mul3A_384 : i32
      %add3A_386 = arith.addi %mul3A_2, %mul3A_385 : i32
      %dma_start3A_387 = arith.constant 0 : i32
      %dma_start3A_388 = arith.constant 0 : i32
      %dma_start3A_389 = tpu.memref_slice %arg10[%dma_start3A_387, %dma_start3A_388] : memref<1x64xi32, #tpu.memory_space<vmem>> -> memref<1x64xi32, #tpu.memory_space<vmem>>
      %dma_start3A_390 = tpu.memref_squeeze %dma_start3A_389 : memref<1x64xi32, #tpu.memory_space<vmem>> -> memref<64xi32, #tpu.memory_space<vmem>>
      %dma_start3A_391 = tpu.memref_slice %arg4[%add3A_386] : memref<320000xi32, #tpu.memory_space<hbm>> -> memref<64xi32, #tpu.memory_space<hbm>>
      %dma_start3A_392 = arith.constant 0 : i32
      %dma_start3A_393 = tpu.memref_slice %arg10[%dma_start3A_387, %dma_start3A_392] : memref<1x64xi32, #tpu.memory_space<vmem>> -> memref<1x64xi32, #tpu.memory_space<vmem>>
      %dma_start3A_394 = tpu.memref_squeeze %dma_start3A_393 : memref<1x64xi32, #tpu.memory_space<vmem>> -> memref<64xi32, #tpu.memory_space<vmem>>
      %dma_start3A_395 = tpu.memref_slice %arg4[%add3A_386] : memref<320000xi32, #tpu.memory_space<hbm>> -> memref<64xi32, #tpu.memory_space<hbm>>
      tpu.enqueue_dma source(%dma_start3A_395 : memref<64xi32, #tpu.memory_space<hbm>>) target(%dma_start3A_394 : memref<64xi32, #tpu.memory_space<vmem>>) target_semaphore(%arg19 : memref<!tpu.dma_semaphore, #tpu.memory_space<semaphore_mem>>)
      %mul3A_396 = arith.constant 64 : i32
      %mul3A_397 = arith.muli %rem3A_376, %mul3A_396 : i32
      %dma_start3A_398 = tpu.memref_slice %arg7[%mul3A_397] : memref<10000xi32, #tpu.memory_space<vmem>> -> memref<64xi32, #tpu.memory_space<vmem>>
      %dma_start3A_399 = arith.constant 0 : i32
      %dma_start3A_400 = arith.constant 0 : i32
      %dma_start3A_401 = tpu.memref_slice %arg2[%dma_start3A_399, %dma_start3A_400] : memref<20000x128xf32, #tpu.memory_space<hbm>> -> memref<20000x128xf32, #tpu.memory_space<hbm>>
      tpu.enqueue_indirect_dma source(%dma_start3A_401 : memref<20000x128xf32, #tpu.memory_space<hbm>>) target(%arg15 : memref<64x128xf32, #tpu.memory_space<vmem>>) offsets(%dma_start3A_398 : memref<64xi32, #tpu.memory_space<vmem>>) semaphore(%arg23 : memref<!tpu.dma_semaphore, #tpu.memory_space<semaphore_mem>>)
      %add3A_402 = arith.constant 3 : i32
      %add3A_403 = arith.addi %mul3A_193, %add3A_402 : i32
      %add3A_404 = arith.constant 4 : i32
      %add3A_405 = arith.addi %add3A_403, %add3A_404 : i32
      %rem3A_406 = arith.constant 156 : i32
      %rem3A_407 = arith.remsi %add3A_405, %rem3A_406 : i32
      %dma_wait3A_408 = arith.constant 0 : i32
      %dma_wait3A_409 = arith.constant 0 : i32
      %dma_wait3A_410 = tpu.memref_slice %arg11[%dma_wait3A_408, %dma_wait3A_409] : memref<1x64xi32, #tpu.memory_space<vmem>> -> memref<1x64xi32, #tpu.memory_space<vmem>>
      %dma_wait3A_411 = tpu.memref_squeeze %dma_wait3A_410 : memref<1x64xi32, #tpu.memory_space<vmem>> -> memref<64xi32, #tpu.memory_space<vmem>>
      %dma_wait3A_412 = arith.constant 0 : i32
      %dma_wait3A_413 = arith.constant 0 : i32
      %dma_wait3A_414 = tpu.memref_slice %arg6[%dma_wait3A_412, %dma_wait3A_413] : memref<10000x128xf32, #tpu.memory_space<vmem_shared>> -> memref<10000x128xf32, #tpu.memory_space<vmem_shared>>
      tpu.wait_indirect_dma semaphore(%arg28 : memref<!tpu.dma_semaphore, #tpu.memory_space<semaphore_mem>>) src(%arg16 : memref<64x128xf32, #tpu.memory_space<vmem>>) dst(%dma_wait3A_414 : memref<10000x128xf32, #tpu.memory_space<vmem_shared>>)
      %mul3A_415 = arith.constant 64 : i32
      %mul3A_416 = arith.muli %rem3A_407, %mul3A_415 : i32
      %add3A_417 = arith.addi %mul3A_2, %mul3A_416 : i32
      %dma_start3A_418 = arith.constant 0 : i32
      %dma_start3A_419 = arith.constant 0 : i32
      %dma_start3A_420 = tpu.memref_slice %arg11[%dma_start3A_418, %dma_start3A_419] : memref<1x64xi32, #tpu.memory_space<vmem>> -> memref<1x64xi32, #tpu.memory_space<vmem>>
      %dma_start3A_421 = tpu.memref_squeeze %dma_start3A_420 : memref<1x64xi32, #tpu.memory_space<vmem>> -> memref<64xi32, #tpu.memory_space<vmem>>
      %dma_start3A_422 = tpu.memref_slice %arg4[%add3A_417] : memref<320000xi32, #tpu.memory_space<hbm>> -> memref<64xi32, #tpu.memory_space<hbm>>
      %dma_start3A_423 = arith.constant 0 : i32
      %dma_start3A_424 = tpu.memref_slice %arg11[%dma_start3A_418, %dma_start3A_423] : memref<1x64xi32, #tpu.memory_space<vmem>> -> memref<1x64xi32, #tpu.memory_space<vmem>>
      %dma_start3A_425 = tpu.memref_squeeze %dma_start3A_424 : memref<1x64xi32, #tpu.memory_space<vmem>> -> memref<64xi32, #tpu.memory_space<vmem>>
      %dma_start3A_426 = tpu.memref_slice %arg4[%add3A_417] : memref<320000xi32, #tpu.memory_space<hbm>> -> memref<64xi32, #tpu.memory_space<hbm>>
      tpu.enqueue_dma source(%dma_start3A_426 : memref<64xi32, #tpu.memory_space<hbm>>) target(%dma_start3A_425 : memref<64xi32, #tpu.memory_space<vmem>>) target_semaphore(%arg20 : memref<!tpu.dma_semaphore, #tpu.memory_space<semaphore_mem>>)
      %mul3A_427 = arith.constant 64 : i32
      %mul3A_428 = arith.muli %rem3A_407, %mul3A_427 : i32
      %dma_start3A_429 = tpu.memref_slice %arg7[%mul3A_428] : memref<10000xi32, #tpu.memory_space<vmem>> -> memref<64xi32, #tpu.memory_space<vmem>>
      %dma_start3A_430 = arith.constant 0 : i32
      %dma_start3A_431 = arith.constant 0 : i32
      %dma_start3A_432 = tpu.memref_slice %arg2[%dma_start3A_430, %dma_start3A_431] : memref<20000x128xf32, #tpu.memory_space<hbm>> -> memref<20000x128xf32, #tpu.memory_space<hbm>>
      tpu.enqueue_indirect_dma source(%dma_start3A_432 : memref<20000x128xf32, #tpu.memory_space<hbm>>) target(%arg16 : memref<64x128xf32, #tpu.memory_space<vmem>>) offsets(%dma_start3A_429 : memref<64xi32, #tpu.memory_space<vmem>>) semaphore(%arg24 : memref<!tpu.dma_semaphore, #tpu.memory_space<semaphore_mem>>)
    }
    %scan3A_78 = arith.constant 39 : i32
    %dma_wait3A = arith.constant 0 : i32
    %dma_wait3A_79 = tpu.memref_slice %arg7[%dma_wait3A] : memref<10000xi32, #tpu.memory_space<vmem>> -> memref<64xi32, #tpu.memory_space<vmem>>
    %dma_wait3A_80 = arith.constant 0 : i32
    %dma_wait3A_81 = arith.constant 0 : i32
    %dma_wait3A_82 = tpu.memref_slice %arg2[%dma_wait3A_80, %dma_wait3A_81] : memref<20000x128xf32, #tpu.memory_space<hbm>> -> memref<20000x128xf32, #tpu.memory_space<hbm>>
    tpu.wait_indirect_dma semaphore(%arg21 : memref<!tpu.dma_semaphore, #tpu.memory_space<semaphore_mem>>) src(%dma_wait3A_82 : memref<20000x128xf32, #tpu.memory_space<hbm>>) dst(%arg13 : memref<64x128xf32, #tpu.memory_space<vmem>>)
    %add3A_83 = arith.constant 0 : i32
    %add3A_84 = arith.addi %mul3A_2, %add3A_83 : i32
    %dma_wait3A_85 = arith.constant 0 : i32
    %dma_wait3A_86 = arith.constant 0 : i32
    %dma_wait3A_87 = tpu.memref_slice %arg8[%dma_wait3A_85, %dma_wait3A_86] : memref<1x64xi32, #tpu.memory_space<vmem>> -> memref<1x64xi32, #tpu.memory_space<vmem>>
    %dma_wait3A_88 = tpu.memref_squeeze %dma_wait3A_87 : memref<1x64xi32, #tpu.memory_space<vmem>> -> memref<64xi32, #tpu.memory_space<vmem>>
    %dma_wait3A_89 = tpu.memref_slice %arg4[%add3A_84] : memref<320000xi32, #tpu.memory_space<hbm>> -> memref<64xi32, #tpu.memory_space<hbm>>
    %dma_wait3A_90 = arith.constant 0 : i32
    %dma_wait3A_91 = tpu.memref_slice %arg8[%dma_wait3A_85, %dma_wait3A_90] : memref<1x64xi32, #tpu.memory_space<vmem>> -> memref<1x64xi32, #tpu.memory_space<vmem>>
    %dma_wait3A_92 = tpu.memref_squeeze %dma_wait3A_91 : memref<1x64xi32, #tpu.memory_space<vmem>> -> memref<64xi32, #tpu.memory_space<vmem>>
    %dma_wait3A_93 = tpu.memref_slice %arg4[%add3A_84] : memref<320000xi32, #tpu.memory_space<hbm>> -> memref<64xi32, #tpu.memory_space<hbm>>
    tpu.wait_dma2 semaphore(%arg17 : memref<!tpu.dma_semaphore, #tpu.memory_space<semaphore_mem>>) src(%dma_wait3A_93 : memref<64xi32, #tpu.memory_space<hbm>>) dst(%dma_wait3A_92 : memref<64xi32, #tpu.memory_space<vmem>>)
    %dma_wait3A_94 = arith.constant 64 : i32
    %dma_wait3A_95 = tpu.memref_slice %arg7[%dma_wait3A_94] : memref<10000xi32, #tpu.memory_space<vmem>> -> memref<64xi32, #tpu.memory_space<vmem>>
    %dma_wait3A_96 = arith.constant 0 : i32
    %dma_wait3A_97 = arith.constant 0 : i32
    %dma_wait3A_98 = tpu.memref_slice %arg2[%dma_wait3A_96, %dma_wait3A_97] : memref<20000x128xf32, #tpu.memory_space<hbm>> -> memref<20000x128xf32, #tpu.memory_space<hbm>>
    tpu.wait_indirect_dma semaphore(%arg22 : memref<!tpu.dma_semaphore, #tpu.memory_space<semaphore_mem>>) src(%dma_wait3A_98 : memref<20000x128xf32, #tpu.memory_space<hbm>>) dst(%arg14 : memref<64x128xf32, #tpu.memory_space<vmem>>)
    %add3A_99 = arith.constant 64 : i32
    %add3A_100 = arith.addi %mul3A_2, %add3A_99 : i32
    %dma_wait3A_101 = arith.constant 0 : i32
    %dma_wait3A_102 = arith.constant 0 : i32
    %dma_wait3A_103 = tpu.memref_slice %arg9[%dma_wait3A_101, %dma_wait3A_102] : memref<1x64xi32, #tpu.memory_space<vmem>> -> memref<1x64xi32, #tpu.memory_space<vmem>>
    %dma_wait3A_104 = tpu.memref_squeeze %dma_wait3A_103 : memref<1x64xi32, #tpu.memory_space<vmem>> -> memref<64xi32, #tpu.memory_space<vmem>>
    %dma_wait3A_105 = tpu.memref_slice %arg4[%add3A_100] : memref<320000xi32, #tpu.memory_space<hbm>> -> memref<64xi32, #tpu.memory_space<hbm>>
    %dma_wait3A_106 = arith.constant 0 : i32
    %dma_wait3A_107 = tpu.memref_slice %arg9[%dma_wait3A_101, %dma_wait3A_106] : memref<1x64xi32, #tpu.memory_space<vmem>> -> memref<1x64xi32, #tpu.memory_space<vmem>>
    %dma_wait3A_108 = tpu.memref_squeeze %dma_wait3A_107 : memref<1x64xi32, #tpu.memory_space<vmem>> -> memref<64xi32, #tpu.memory_space<vmem>>
    %dma_wait3A_109 = tpu.memref_slice %arg4[%add3A_100] : memref<320000xi32, #tpu.memory_space<hbm>> -> memref<64xi32, #tpu.memory_space<hbm>>
    tpu.wait_dma2 semaphore(%arg18 : memref<!tpu.dma_semaphore, #tpu.memory_space<semaphore_mem>>) src(%dma_wait3A_109 : memref<64xi32, #tpu.memory_space<hbm>>) dst(%dma_wait3A_108 : memref<64xi32, #tpu.memory_space<vmem>>)
    %dma_wait3A_110 = arith.constant 128 : i32
    %dma_wait3A_111 = tpu.memref_slice %arg7[%dma_wait3A_110] : memref<10000xi32, #tpu.memory_space<vmem>> -> memref<64xi32, #tpu.memory_space<vmem>>
    %dma_wait3A_112 = arith.constant 0 : i32
    %dma_wait3A_113 = arith.constant 0 : i32
    %dma_wait3A_114 = tpu.memref_slice %arg2[%dma_wait3A_112, %dma_wait3A_113] : memref<20000x128xf32, #tpu.memory_space<hbm>> -> memref<20000x128xf32, #tpu.memory_space<hbm>>
    tpu.wait_indirect_dma semaphore(%arg23 : memref<!tpu.dma_semaphore, #tpu.memory_space<semaphore_mem>>) src(%dma_wait3A_114 : memref<20000x128xf32, #tpu.memory_space<hbm>>) dst(%arg15 : memref<64x128xf32, #tpu.memory_space<vmem>>)
    %add3A_115 = arith.constant 128 : i32
    %add3A_116 = arith.addi %mul3A_2, %add3A_115 : i32
    %dma_wait3A_117 = arith.constant 0 : i32
    %dma_wait3A_118 = arith.constant 0 : i32
    %dma_wait3A_119 = tpu.memref_slice %arg10[%dma_wait3A_117, %dma_wait3A_118] : memref<1x64xi32, #tpu.memory_space<vmem>> -> memref<1x64xi32, #tpu.memory_space<vmem>>
    %dma_wait3A_120 = tpu.memref_squeeze %dma_wait3A_119 : memref<1x64xi32, #tpu.memory_space<vmem>> -> memref<64xi32, #tpu.memory_space<vmem>>
    %dma_wait3A_121 = tpu.memref_slice %arg4[%add3A_116] : memref<320000xi32, #tpu.memory_space<hbm>> -> memref<64xi32, #tpu.memory_space<hbm>>
    %dma_wait3A_122 = arith.constant 0 : i32
    %dma_wait3A_123 = tpu.memref_slice %arg10[%dma_wait3A_117, %dma_wait3A_122] : memref<1x64xi32, #tpu.memory_space<vmem>> -> memref<1x64xi32, #tpu.memory_space<vmem>>
    %dma_wait3A_124 = tpu.memref_squeeze %dma_wait3A_123 : memref<1x64xi32, #tpu.memory_space<vmem>> -> memref<64xi32, #tpu.memory_space<vmem>>
    %dma_wait3A_125 = tpu.memref_slice %arg4[%add3A_116] : memref<320000xi32, #tpu.memory_space<hbm>> -> memref<64xi32, #tpu.memory_space<hbm>>
    tpu.wait_dma2 semaphore(%arg19 : memref<!tpu.dma_semaphore, #tpu.memory_space<semaphore_mem>>) src(%dma_wait3A_125 : memref<64xi32, #tpu.memory_space<hbm>>) dst(%dma_wait3A_124 : memref<64xi32, #tpu.memory_space<vmem>>)
    %dma_wait3A_126 = arith.constant 192 : i32
    %dma_wait3A_127 = tpu.memref_slice %arg7[%dma_wait3A_126] : memref<10000xi32, #tpu.memory_space<vmem>> -> memref<64xi32, #tpu.memory_space<vmem>>
    %dma_wait3A_128 = arith.constant 0 : i32
    %dma_wait3A_129 = arith.constant 0 : i32
    %dma_wait3A_130 = tpu.memref_slice %arg2[%dma_wait3A_128, %dma_wait3A_129] : memref<20000x128xf32, #tpu.memory_space<hbm>> -> memref<20000x128xf32, #tpu.memory_space<hbm>>
    tpu.wait_indirect_dma semaphore(%arg24 : memref<!tpu.dma_semaphore, #tpu.memory_space<semaphore_mem>>) src(%dma_wait3A_130 : memref<20000x128xf32, #tpu.memory_space<hbm>>) dst(%arg16 : memref<64x128xf32, #tpu.memory_space<vmem>>)
    %add3A_131 = arith.constant 192 : i32
    %add3A_132 = arith.addi %mul3A_2, %add3A_131 : i32
    %dma_wait3A_133 = arith.constant 0 : i32
    %dma_wait3A_134 = arith.constant 0 : i32
    %dma_wait3A_135 = tpu.memref_slice %arg11[%dma_wait3A_133, %dma_wait3A_134] : memref<1x64xi32, #tpu.memory_space<vmem>> -> memref<1x64xi32, #tpu.memory_space<vmem>>
    %dma_wait3A_136 = tpu.memref_squeeze %dma_wait3A_135 : memref<1x64xi32, #tpu.memory_space<vmem>> -> memref<64xi32, #tpu.memory_space<vmem>>
    %dma_wait3A_137 = tpu.memref_slice %arg4[%add3A_132] : memref<320000xi32, #tpu.memory_space<hbm>> -> memref<64xi32, #tpu.memory_space<hbm>>
    %dma_wait3A_138 = arith.constant 0 : i32
    %dma_wait3A_139 = tpu.memref_slice %arg11[%dma_wait3A_133, %dma_wait3A_138] : memref<1x64xi32, #tpu.memory_space<vmem>> -> memref<1x64xi32, #tpu.memory_space<vmem>>
    %dma_wait3A_140 = tpu.memref_squeeze %dma_wait3A_139 : memref<1x64xi32, #tpu.memory_space<vmem>> -> memref<64xi32, #tpu.memory_space<vmem>>
    %dma_wait3A_141 = tpu.memref_slice %arg4[%add3A_132] : memref<320000xi32, #tpu.memory_space<hbm>> -> memref<64xi32, #tpu.memory_space<hbm>>
    tpu.wait_dma2 semaphore(%arg20 : memref<!tpu.dma_semaphore, #tpu.memory_space<semaphore_mem>>) src(%dma_wait3A_141 : memref<64xi32, #tpu.memory_space<hbm>>) dst(%dma_wait3A_140 : memref<64xi32, #tpu.memory_space<vmem>>)
    %add3A_142 = arith.constant 9984 : i32
    %add3A_143 = arith.addi %mul3A_2, %add3A_142 : i32
    %dma_start3A_144 = arith.constant 0 : i32
    %dma_start3A_145 = arith.constant 0 : i32
    %dma_start3A_146 = tpu.memref_slice %arg12[%dma_start3A_144, %dma_start3A_145] : memref<1x16xi32, #tpu.memory_space<vmem>> -> memref<1x16xi32, #tpu.memory_space<vmem>>
    %dma_start3A_147 = tpu.memref_squeeze %dma_start3A_146 : memref<1x16xi32, #tpu.memory_space<vmem>> -> memref<16xi32, #tpu.memory_space<vmem>>
    %dma_start3A_148 = tpu.memref_slice %arg4[%add3A_143] : memref<320000xi32, #tpu.memory_space<hbm>> -> memref<16xi32, #tpu.memory_space<hbm>>
    %dma_start3A_149 = arith.constant 0 : i32
    %dma_start3A_150 = tpu.memref_slice %arg12[%dma_start3A_144, %dma_start3A_149] : memref<1x16xi32, #tpu.memory_space<vmem>> -> memref<1x16xi32, #tpu.memory_space<vmem>>
    %dma_start3A_151 = tpu.memref_squeeze %dma_start3A_150 : memref<1x16xi32, #tpu.memory_space<vmem>> -> memref<16xi32, #tpu.memory_space<vmem>>
    %dma_start3A_152 = tpu.memref_slice %arg4[%add3A_143] : memref<320000xi32, #tpu.memory_space<hbm>> -> memref<16xi32, #tpu.memory_space<hbm>>
    tpu.enqueue_dma source(%dma_start3A_152 : memref<16xi32, #tpu.memory_space<hbm>>) target(%dma_start3A_151 : memref<16xi32, #tpu.memory_space<vmem>>) target_semaphore(%arg17 : memref<!tpu.dma_semaphore, #tpu.memory_space<semaphore_mem>>)
    %dma_start3A_153 = arith.constant 0 : i32
    %dma_start3A_154 = arith.constant 0 : i32
    %dma_start3A_155 = tpu.memref_slice %arg13[%dma_start3A_153, %dma_start3A_154] : memref<64x128xf32, #tpu.memory_space<vmem>> -> memref<16x128xf32, #tpu.memory_space<vmem>>
    %dma_start3A_156 = arith.constant 9984 : i32
    %dma_start3A_157 = tpu.memref_slice %arg7[%dma_start3A_156] : memref<10000xi32, #tpu.memory_space<vmem>> -> memref<16xi32, #tpu.memory_space<vmem>>
    %dma_start3A_158 = arith.constant 0 : i32
    %dma_start3A_159 = arith.constant 0 : i32
    %dma_start3A_160 = tpu.memref_slice %arg2[%dma_start3A_158, %dma_start3A_159] : memref<20000x128xf32, #tpu.memory_space<hbm>> -> memref<20000x128xf32, #tpu.memory_space<hbm>>
    tpu.enqueue_indirect_dma source(%dma_start3A_160 : memref<20000x128xf32, #tpu.memory_space<hbm>>) target(%dma_start3A_155 : memref<16x128xf32, #tpu.memory_space<vmem>>) offsets(%dma_start3A_157 : memref<16xi32, #tpu.memory_space<vmem>>) semaphore(%arg21 : memref<!tpu.dma_semaphore, #tpu.memory_space<semaphore_mem>>)
    %add3A_161 = arith.constant 9984 : i32
    %add3A_162 = arith.addi %mul3A_2, %add3A_161 : i32
    %dma_wait3A_163 = arith.constant 0 : i32
    %dma_wait3A_164 = arith.constant 0 : i32
    %dma_wait3A_165 = tpu.memref_slice %arg12[%dma_wait3A_163, %dma_wait3A_164] : memref<1x16xi32, #tpu.memory_space<vmem>> -> memref<1x16xi32, #tpu.memory_space<vmem>>
    %dma_wait3A_166 = tpu.memref_squeeze %dma_wait3A_165 : memref<1x16xi32, #tpu.memory_space<vmem>> -> memref<16xi32, #tpu.memory_space<vmem>>
    %dma_wait3A_167 = tpu.memref_slice %arg4[%add3A_162] : memref<320000xi32, #tpu.memory_space<hbm>> -> memref<16xi32, #tpu.memory_space<hbm>>
    %dma_wait3A_168 = arith.constant 0 : i32
    %dma_wait3A_169 = tpu.memref_slice %arg12[%dma_wait3A_163, %dma_wait3A_168] : memref<1x16xi32, #tpu.memory_space<vmem>> -> memref<1x16xi32, #tpu.memory_space<vmem>>
    %dma_wait3A_170 = tpu.memref_squeeze %dma_wait3A_169 : memref<1x16xi32, #tpu.memory_space<vmem>> -> memref<16xi32, #tpu.memory_space<vmem>>
    %dma_wait3A_171 = tpu.memref_slice %arg4[%add3A_162] : memref<320000xi32, #tpu.memory_space<hbm>> -> memref<16xi32, #tpu.memory_space<hbm>>
    tpu.wait_dma2 semaphore(%arg17 : memref<!tpu.dma_semaphore, #tpu.memory_space<semaphore_mem>>) src(%dma_wait3A_171 : memref<16xi32, #tpu.memory_space<hbm>>) dst(%dma_wait3A_170 : memref<16xi32, #tpu.memory_space<vmem>>)
    %dma_wait3A_172 = arith.constant 0 : i32
    %dma_wait3A_173 = arith.constant 0 : i32
    %dma_wait3A_174 = tpu.memref_slice %arg13[%dma_wait3A_172, %dma_wait3A_173] : memref<64x128xf32, #tpu.memory_space<vmem>> -> memref<16x128xf32, #tpu.memory_space<vmem>>
    %dma_wait3A_175 = arith.constant 9984 : i32
    %dma_wait3A_176 = tpu.memref_slice %arg7[%dma_wait3A_175] : memref<10000xi32, #tpu.memory_space<vmem>> -> memref<16xi32, #tpu.memory_space<vmem>>
    %dma_wait3A_177 = arith.constant 0 : i32
    %dma_wait3A_178 = arith.constant 0 : i32
    %dma_wait3A_179 = tpu.memref_slice %arg2[%dma_wait3A_177, %dma_wait3A_178] : memref<20000x128xf32, #tpu.memory_space<hbm>> -> memref<20000x128xf32, #tpu.memory_space<hbm>>
    tpu.wait_indirect_dma semaphore(%arg21 : memref<!tpu.dma_semaphore, #tpu.memory_space<semaphore_mem>>) src(%dma_wait3A_179 : memref<20000x128xf32, #tpu.memory_space<hbm>>) dst(%dma_wait3A_174 : memref<16x128xf32, #tpu.memory_space<vmem>>)
    %run_scoped3A = arith.constant 0 : i32
    "tpu.region"() ({
      %run_scoped3A_191 = tpu.sem_alloc : memref<!tpu.dma_semaphore, #tpu.memory_space<semaphore_mem>>
      %dma_start3A_192 = arith.constant 0 : i32
      %dma_start3A_193 = arith.constant 0 : i32
      %dma_start3A_194 = tpu.memref_slice %arg13[%dma_start3A_192, %dma_start3A_193] : memref<64x128xf32, #tpu.memory_space<vmem>> -> memref<16x128xf32, #tpu.memory_space<vmem>>
      %dma_start3A_195 = arith.constant 0 : i32
      %dma_start3A_196 = tpu.memref_slice %arg12[%run_scoped3A, %dma_start3A_195] : memref<1x16xi32, #tpu.memory_space<vmem>> -> memref<1x16xi32, #tpu.memory_space<vmem>>
      %dma_start3A_197 = tpu.memref_squeeze %dma_start3A_196 : memref<1x16xi32, #tpu.memory_space<vmem>> -> memref<16xi32, #tpu.memory_space<vmem>>
      %dma_start3A_198 = arith.constant 0 : i32
      %dma_start3A_199 = arith.constant 0 : i32
      %dma_start3A_200 = tpu.memref_slice %arg6[%dma_start3A_198, %dma_start3A_199] : memref<10000x128xf32, #tpu.memory_space<vmem_shared>> -> memref<10000x128xf32, #tpu.memory_space<vmem_shared>>
      tpu.enqueue_indirect_dma source(%dma_start3A_194 : memref<16x128xf32, #tpu.memory_space<vmem>>) target(%dma_start3A_200 : memref<10000x128xf32, #tpu.memory_space<vmem_shared>>) offsets(%dma_start3A_197 : memref<16xi32, #tpu.memory_space<vmem>>) semaphore(%run_scoped3A_191 : memref<!tpu.dma_semaphore, #tpu.memory_space<semaphore_mem>>) {add = true}
      %dma_wait3A_201 = arith.constant 0 : i32
      %dma_wait3A_202 = arith.constant 0 : i32
      %dma_wait3A_203 = tpu.memref_slice %arg13[%dma_wait3A_201, %dma_wait3A_202] : memref<64x128xf32, #tpu.memory_space<vmem>> -> memref<16x128xf32, #tpu.memory_space<vmem>>
      %dma_wait3A_204 = arith.constant 0 : i32
      %dma_wait3A_205 = tpu.memref_slice %arg12[%run_scoped3A, %dma_wait3A_204] : memref<1x16xi32, #tpu.memory_space<vmem>> -> memref<1x16xi32, #tpu.memory_space<vmem>>
      %dma_wait3A_206 = tpu.memref_squeeze %dma_wait3A_205 : memref<1x16xi32, #tpu.memory_space<vmem>> -> memref<16xi32, #tpu.memory_space<vmem>>
      %dma_wait3A_207 = arith.constant 0 : i32
      %dma_wait3A_208 = arith.constant 0 : i32
      %dma_wait3A_209 = tpu.memref_slice %arg6[%dma_wait3A_207, %dma_wait3A_208] : memref<10000x128xf32, #tpu.memory_space<vmem_shared>> -> memref<10000x128xf32, #tpu.memory_space<vmem_shared>>
      tpu.wait_indirect_dma semaphore(%run_scoped3A_191 : memref<!tpu.dma_semaphore, #tpu.memory_space<semaphore_mem>>) src(%dma_wait3A_203 : memref<16x128xf32, #tpu.memory_space<vmem>>) dst(%dma_wait3A_209 : memref<10000x128xf32, #tpu.memory_space<vmem_shared>>)
      tpu.yield
    }) : () -> ()
    %barrier3A_180 = arith.constant 0 : index
    tpu.barrier barrier_id(%barrier3A_180)
    %eq3A_181 = arith.constant 15 : i32
    %eq3A_182 = arith.cmpi eq, %arg1, %eq3A_181 : i32
    %convert_element_type3A_183 = arith.extui %eq3A_182 : i1 to i32
    %cond3A_184 = arith.constant 0 : i32
    %cond3A_185 = arith.cmpi ne, %convert_element_type3A_183, %cond3A_184 : i32
    scf.if %cond3A_185 {
      "tpu.region"() ({
        %run_scoped3A_191 = tpu.sem_alloc : memref<!tpu.dma_semaphore, #tpu.memory_space<semaphore_mem>>
        %dma_start3A_192 = arith.constant 0 : i32
        %dma_start3A_193 = tpu.memref_slice %arg5[%arg0, %mul3A_4, %dma_start3A_192] : memref<2x10000x128xf32, #tpu.memory_space<hbm>> -> memref<1x640x128xf32, #tpu.memory_space<hbm>>
        %dma_start3A_194 = tpu.memref_squeeze %dma_start3A_193 : memref<1x640x128xf32, #tpu.memory_space<hbm>> -> memref<640x128xf32, #tpu.memory_space<hbm>>
        %dma_start3A_195 = arith.constant 0 : i32
        %dma_start3A_196 = tpu.memref_slice %arg6[%mul3A_4, %dma_start3A_195] : memref<10000x128xf32, #tpu.memory_space<vmem_shared>> -> memref<640x128xf32, #tpu.memory_space<vmem_shared>>
        tpu.enqueue_dma source(%dma_start3A_196 : memref<640x128xf32, #tpu.memory_space<vmem_shared>>) target(%dma_start3A_194 : memref<640x128xf32, #tpu.memory_space<hbm>>) target_semaphore(%run_scoped3A_191 : memref<!tpu.dma_semaphore, #tpu.memory_space<semaphore_mem>>)
        %dma_wait3A_197 = arith.constant 0 : i32
        %dma_wait3A_198 = tpu.memref_slice %arg5[%arg0, %mul3A_4, %dma_wait3A_197] : memref<2x10000x128xf32, #tpu.memory_space<hbm>> -> memref<1x640x128xf32, #tpu.memory_space<hbm>>
        %dma_wait3A_199 = tpu.memref_squeeze %dma_wait3A_198 : memref<1x640x128xf32, #tpu.memory_space<hbm>> -> memref<640x128xf32, #tpu.memory_space<hbm>>
        %dma_wait3A_200 = arith.constant 0 : i32
        %dma_wait3A_201 = tpu.memref_slice %arg6[%mul3A_4, %dma_wait3A_200] : memref<10000x128xf32, #tpu.memory_space<vmem_shared>> -> memref<640x128xf32, #tpu.memory_space<vmem_shared>>
        tpu.wait_dma2 semaphore(%run_scoped3A_191 : memref<!tpu.dma_semaphore, #tpu.memory_space<semaphore_mem>>) src(%dma_wait3A_201 : memref<640x128xf32, #tpu.memory_space<vmem_shared>>) dst(%dma_wait3A_199 : memref<640x128xf32, #tpu.memory_space<hbm>>)
        tpu.yield
      }) : () -> ()
    } else {
    }
    %ne3A_186 = arith.constant 15 : i32
    %ne3A_187 = arith.cmpi ne, %arg1, %ne3A_186 : i32
    %convert_element_type3A_188 = arith.extui %ne3A_187 : i1 to i32
    %cond3A_189 = arith.constant 0 : i32
    %cond3A_190 = arith.cmpi ne, %convert_element_type3A_188, %cond3A_189 : i32
    scf.if %cond3A_190 {
      "tpu.region"() ({
        %run_scoped3A_191 = tpu.sem_alloc : memref<!tpu.dma_semaphore, #tpu.memory_space<semaphore_mem>>
        %dma_start3A_192 = arith.constant 0 : i32
        %dma_start3A_193 = tpu.memref_slice %arg5[%arg0, %mul3A_4, %dma_start3A_192] : memref<2x10000x128xf32, #tpu.memory_space<hbm>> -> memref<1x624x128xf32, #tpu.memory_space<hbm>>
        %dma_start3A_194 = tpu.memref_squeeze %dma_start3A_193 : memref<1x624x128xf32, #tpu.memory_space<hbm>> -> memref<624x128xf32, #tpu.memory_space<hbm>>
        %dma_start3A_195 = arith.constant 0 : i32
        %dma_start3A_196 = tpu.memref_slice %arg6[%mul3A_4, %dma_start3A_195] : memref<10000x128xf32, #tpu.memory_space<vmem_shared>> -> memref<624x128xf32, #tpu.memory_space<vmem_shared>>
        tpu.enqueue_dma source(%dma_start3A_196 : memref<624x128xf32, #tpu.memory_space<vmem_shared>>) target(%dma_start3A_194 : memref<624x128xf32, #tpu.memory_space<hbm>>) target_semaphore(%run_scoped3A_191 : memref<!tpu.dma_semaphore, #tpu.memory_space<semaphore_mem>>)
        %dma_wait3A_197 = arith.constant 0 : i32
        %dma_wait3A_198 = tpu.memref_slice %arg5[%arg0, %mul3A_4, %dma_wait3A_197] : memref<2x10000x128xf32, #tpu.memory_space<hbm>> -> memref<1x624x128xf32, #tpu.memory_space<hbm>>
        %dma_wait3A_199 = tpu.memref_squeeze %dma_wait3A_198 : memref<1x624x128xf32, #tpu.memory_space<hbm>> -> memref<624x128xf32, #tpu.memory_space<hbm>>
        %dma_wait3A_200 = arith.constant 0 : i32
        %dma_wait3A_201 = tpu.memref_slice %arg6[%mul3A_4, %dma_wait3A_200] : memref<10000x128xf32, #tpu.memory_space<vmem_shared>> -> memref<624x128xf32, #tpu.memory_space<vmem_shared>>
        tpu.wait_dma2 semaphore(%run_scoped3A_191 : memref<!tpu.dma_semaphore, #tpu.memory_space<semaphore_mem>>) src(%dma_wait3A_201 : memref<624x128xf32, #tpu.memory_space<vmem_shared>>) dst(%dma_wait3A_199 : memref<624x128xf32, #tpu.memory_space<hbm>>)
        tpu.yield
      }) : () -> ()
    } else {
    }
    return
  }
}

#map = affine_map<(d0, d1) -> (0, 0)>
#map1 = affine_map<(d0, d1) -> (0)>
#map2 = affine_map<(d0, d1) -> (0, 0, 0)>
module attributes {stable_mosaic.version = 14 : i64} {
  func.func @_sc_aggregate(%arg0: i32, %arg1: i32, %arg2: memref<20000x128xf32, #tpu.memory_space<hbm>>, %arg3: memref<320000xi32, #tpu.memory_space<hbm>>, %arg4: memref<320000xi32, #tpu.memory_space<hbm>>, %arg5: memref<2x10000x128xf32, #tpu.memory_space<hbm>>, %arg6: memref<10000x128xf32, #tpu.memory_space<vmem_shared>>, %arg7: memref<10000xi32, #tpu.memory_space<vmem>>, %arg8: memref<1x64xi32, #tpu.memory_space<vmem>>, %arg9: memref<1x64xi32, #tpu.memory_space<vmem>>, %arg10: memref<1x64xi32, #tpu.memory_space<vmem>>, %arg11: memref<1x64xi32, #tpu.memory_space<vmem>>, %arg12: memref<1x16xi32, #tpu.memory_space<vmem>>, %arg13: memref<64x128xf32, #tpu.memory_space<vmem>>, %arg14: memref<64x128xf32, #tpu.memory_space<vmem>>, %arg15: memref<64x128xf32, #tpu.memory_space<vmem>>, %arg16: memref<64x128xf32, #tpu.memory_space<vmem>>, %arg17: memref<!tpu.dma_semaphore, #tpu.memory_space<semaphore_mem>>, %arg18: memref<!tpu.dma_semaphore, #tpu.memory_space<semaphore_mem>>, %arg19: memref<!tpu.dma_semaphore, #tpu.memory_space<semaphore_mem>>, %arg20: memref<!tpu.dma_semaphore, #tpu.memory_space<semaphore_mem>>, %arg21: memref<!tpu.dma_semaphore, #tpu.memory_space<semaphore_mem>>, %arg22: memref<!tpu.dma_semaphore, #tpu.memory_space<semaphore_mem>>, %arg23: memref<!tpu.dma_semaphore, #tpu.memory_space<semaphore_mem>>, %arg24: memref<!tpu.dma_semaphore, #tpu.memory_space<semaphore_mem>>, %arg25: memref<!tpu.dma_semaphore, #tpu.memory_space<semaphore_mem>>, %arg26: memref<!tpu.dma_semaphore, #tpu.memory_space<semaphore_mem>>, %arg27: memref<!tpu.dma_semaphore, #tpu.memory_space<semaphore_mem>>, %arg28: memref<!tpu.dma_semaphore, #tpu.memory_space<semaphore_mem>>) attributes {dimension_semantics = [#tpu.dimension_semantics<core_parallel>, #tpu.dimension_semantics<subcore_parallel>], iteration_bounds = array<i64: 2, 16>, scalar_prefetch = 0 : i64, scratch_operands = 23 : i64, tpu.core_type = #tpu.core_type<sc_vector_subcore>, window_params = [{transform_indices = #map}, {transform_indices = #map1}, {transform_indices = #map1}, {transform_indices = #map2}]} {
    %mul3A = arith.constant 16 : i32
    %mul3A_0 = arith.muli %arg0, %mul3A : i32
    %add3A = arith.addi %mul3A_0, %arg1 : i32
    %mul3A_1 = arith.constant 10000 : i32
    %mul3A_2 = arith.muli %add3A, %mul3A_1 : i32
    "tpu.region"() ({
      %run_scoped3A_191 = tpu.sem_alloc : memref<!tpu.dma_semaphore, #tpu.memory_space<semaphore_mem>>
      %dma_start3A_192 = tpu.memref_slice %arg3[%mul3A_2] : memref<320000xi32, #tpu.memory_space<hbm>> -> memref<10000xi32, #tpu.memory_space<hbm>>
      %dma_start3A_193 = tpu.memref_slice %arg3[%mul3A_2] : memref<320000xi32, #tpu.memory_space<hbm>> -> memref<10000xi32, #tpu.memory_space<hbm>>
      tpu.enqueue_dma source(%dma_start3A_193 : memref<10000xi32, #tpu.memory_space<hbm>>) target(%arg7 : memref<10000xi32, #tpu.memory_space<vmem>>) target_semaphore(%run_scoped3A_191 : memref<!tpu.dma_semaphore, #tpu.memory_space<semaphore_mem>>)
      %dma_wait3A_194 = tpu.memref_slice %arg3[%mul3A_2] : memref<320000xi32, #tpu.memory_space<hbm>> -> memref<10000xi32, #tpu.memory_space<hbm>>
      %dma_wait3A_195 = tpu.memref_slice %arg3[%mul3A_2] : memref<320000xi32, #tpu.memory_space<hbm>> -> memref<10000xi32, #tpu.memory_space<hbm>>
      tpu.wait_dma2 semaphore(%run_scoped3A_191 : memref<!tpu.dma_semaphore, #tpu.memory_space<semaphore_mem>>) src(%dma_wait3A_195 : memref<10000xi32, #tpu.memory_space<hbm>>) dst(%arg7 : memref<10000xi32, #tpu.memory_space<vmem>>)
      tpu.yield
    }) : () -> ()
    %mul3A_3 = arith.constant 624 : i32
    %mul3A_4 = arith.muli %arg1, %mul3A_3 : i32
    %eq3A = arith.constant 15 : i32
    %eq3A_5 = arith.cmpi eq, %arg1, %eq3A : i32
    %convert_element_type3A = arith.extui %eq3A_5 : i1 to i32
    %cond3A = arith.constant 0 : i32
    %cond3A_6 = arith.cmpi ne, %convert_element_type3A, %cond3A : i32
    scf.if %cond3A_6 {
      %mul3A_191 = arith.constant 10000 : i32
      %mul3A_192 = arith.muli %arg0, %mul3A_191 : i32
      %add3A_193 = arith.addi %mul3A_192, %mul3A_4 : i32
      "tpu.region"() ({
        %run_scoped3A_194 = tpu.sem_alloc : memref<!tpu.dma_semaphore, #tpu.memory_space<semaphore_mem>>
        %dma_start3A_195 = arith.constant 0 : i32
        %dma_start3A_196 = tpu.memref_slice %arg6[%mul3A_4, %dma_start3A_195] : memref<10000x128xf32, #tpu.memory_space<vmem_shared>> -> memref<640x128xf32, #tpu.memory_space<vmem_shared>>
        %dma_start3A_197 = arith.constant 0 : i32
        %dma_start3A_198 = tpu.memref_slice %arg2[%add3A_193, %dma_start3A_197] : memref<20000x128xf32, #tpu.memory_space<hbm>> -> memref<640x128xf32, #tpu.memory_space<hbm>>
        tpu.enqueue_dma source(%dma_start3A_198 : memref<640x128xf32, #tpu.memory_space<hbm>>) target(%dma_start3A_196 : memref<640x128xf32, #tpu.memory_space<vmem_shared>>) target_semaphore(%run_scoped3A_194 : memref<!tpu.dma_semaphore, #tpu.memory_space<semaphore_mem>>)
        %dma_wait3A_199 = arith.constant 0 : i32
        %dma_wait3A_200 = tpu.memref_slice %arg6[%mul3A_4, %dma_wait3A_199] : memref<10000x128xf32, #tpu.memory_space<vmem_shared>> -> memref<640x128xf32, #tpu.memory_space<vmem_shared>>
        %dma_wait3A_201 = arith.constant 0 : i32
        %dma_wait3A_202 = tpu.memref_slice %arg2[%add3A_193, %dma_wait3A_201] : memref<20000x128xf32, #tpu.memory_space<hbm>> -> memref<640x128xf32, #tpu.memory_space<hbm>>
        tpu.wait_dma2 semaphore(%run_scoped3A_194 : memref<!tpu.dma_semaphore, #tpu.memory_space<semaphore_mem>>) src(%dma_wait3A_202 : memref<640x128xf32, #tpu.memory_space<hbm>>) dst(%dma_wait3A_200 : memref<640x128xf32, #tpu.memory_space<vmem_shared>>)
        tpu.yield
      }) : () -> ()
    } else {
    }
    %ne3A = arith.constant 15 : i32
    %ne3A_7 = arith.cmpi ne, %arg1, %ne3A : i32
    %convert_element_type3A_8 = arith.extui %ne3A_7 : i1 to i32
    %cond3A_9 = arith.constant 0 : i32
    %cond3A_10 = arith.cmpi ne, %convert_element_type3A_8, %cond3A_9 : i32
    scf.if %cond3A_10 {
      %mul3A_191 = arith.constant 10000 : i32
      %mul3A_192 = arith.muli %arg0, %mul3A_191 : i32
      %add3A_193 = arith.addi %mul3A_192, %mul3A_4 : i32
      "tpu.region"() ({
        %run_scoped3A_194 = tpu.sem_alloc : memref<!tpu.dma_semaphore, #tpu.memory_space<semaphore_mem>>
        %dma_start3A_195 = arith.constant 0 : i32
        %dma_start3A_196 = tpu.memref_slice %arg6[%mul3A_4, %dma_start3A_195] : memref<10000x128xf32, #tpu.memory_space<vmem_shared>> -> memref<624x128xf32, #tpu.memory_space<vmem_shared>>
        %dma_start3A_197 = arith.constant 0 : i32
        %dma_start3A_198 = tpu.memref_slice %arg2[%add3A_193, %dma_start3A_197] : memref<20000x128xf32, #tpu.memory_space<hbm>> -> memref<624x128xf32, #tpu.memory_space<hbm>>
        tpu.enqueue_dma source(%dma_start3A_198 : memref<624x128xf32, #tpu.memory_space<hbm>>) target(%dma_start3A_196 : memref<624x128xf32, #tpu.memory_space<vmem_shared>>) target_semaphore(%run_scoped3A_194 : memref<!tpu.dma_semaphore, #tpu.memory_space<semaphore_mem>>)
        %dma_wait3A_199 = arith.constant 0 : i32
        %dma_wait3A_200 = tpu.memref_slice %arg6[%mul3A_4, %dma_wait3A_199] : memref<10000x128xf32, #tpu.memory_space<vmem_shared>> -> memref<624x128xf32, #tpu.memory_space<vmem_shared>>
        %dma_wait3A_201 = arith.constant 0 : i32
        %dma_wait3A_202 = tpu.memref_slice %arg2[%add3A_193, %dma_wait3A_201] : memref<20000x128xf32, #tpu.memory_space<hbm>> -> memref<624x128xf32, #tpu.memory_space<hbm>>
        tpu.wait_dma2 semaphore(%run_scoped3A_194 : memref<!tpu.dma_semaphore, #tpu.memory_space<semaphore_mem>>) src(%dma_wait3A_202 : memref<624x128xf32, #tpu.memory_space<hbm>>) dst(%dma_wait3A_200 : memref<624x128xf32, #tpu.memory_space<vmem_shared>>)
        tpu.yield
      }) : () -> ()
    } else {
    }
    %barrier3A = arith.constant 0 : index
    tpu.barrier barrier_id(%barrier3A)
    %add3A_11 = arith.constant 0 : i32
    %add3A_12 = arith.addi %mul3A_2, %add3A_11 : i32
    %dma_start3A = arith.constant 0 : i32
    %dma_start3A_13 = arith.constant 0 : i32
    %dma_start3A_14 = tpu.memref_slice %arg8[%dma_start3A, %dma_start3A_13] : memref<1x64xi32, #tpu.memory_space<vmem>> -> memref<1x64xi32, #tpu.memory_space<vmem>>
    %dma_start3A_15 = tpu.memref_squeeze %dma_start3A_14 : memref<1x64xi32, #tpu.memory_space<vmem>> -> memref<64xi32, #tpu.memory_space<vmem>>
    %dma_start3A_16 = tpu.memref_slice %arg4[%add3A_12] : memref<320000xi32, #tpu.memory_space<hbm>> -> memref<64xi32, #tpu.memory_space<hbm>>
    %dma_start3A_17 = arith.constant 0 : i32
    %dma_start3A_18 = tpu.memref_slice %arg8[%dma_start3A, %dma_start3A_17] : memref<1x64xi32, #tpu.memory_space<vmem>> -> memref<1x64xi32, #tpu.memory_space<vmem>>
    %dma_start3A_19 = tpu.memref_squeeze %dma_start3A_18 : memref<1x64xi32, #tpu.memory_space<vmem>> -> memref<64xi32, #tpu.memory_space<vmem>>
    %dma_start3A_20 = tpu.memref_slice %arg4[%add3A_12] : memref<320000xi32, #tpu.memory_space<hbm>> -> memref<64xi32, #tpu.memory_space<hbm>>
    tpu.enqueue_dma source(%dma_start3A_20 : memref<64xi32, #tpu.memory_space<hbm>>) target(%dma_start3A_19 : memref<64xi32, #tpu.memory_space<vmem>>) target_semaphore(%arg17 : memref<!tpu.dma_semaphore, #tpu.memory_space<semaphore_mem>>)
    %dma_start3A_21 = arith.constant 0 : i32
    %dma_start3A_22 = tpu.memref_slice %arg7[%dma_start3A_21] : memref<10000xi32, #tpu.memory_space<vmem>> -> memref<64xi32, #tpu.memory_space<vmem>>
    %dma_start3A_23 = arith.constant 0 : i32
    %dma_start3A_24 = arith.constant 0 : i32
    %dma_start3A_25 = tpu.memref_slice %arg2[%dma_start3A_23, %dma_start3A_24] : memref<20000x128xf32, #tpu.memory_space<hbm>> -> memref<20000x128xf32, #tpu.memory_space<hbm>>
    tpu.enqueue_indirect_dma source(%dma_start3A_25 : memref<20000x128xf32, #tpu.memory_space<hbm>>) target(%arg13 : memref<64x128xf32, #tpu.memory_space<vmem>>) offsets(%dma_start3A_22 : memref<64xi32, #tpu.memory_space<vmem>>) semaphore(%arg21 : memref<!tpu.dma_semaphore, #tpu.memory_space<semaphore_mem>>)
    %add3A_26 = arith.constant 64 : i32
    %add3A_27 = arith.addi %mul3A_2, %add3A_26 : i32
    %dma_start3A_28 = arith.constant 0 : i32
    %dma_start3A_29 = arith.constant 0 : i32
    %dma_start3A_30 = tpu.memref_slice %arg9[%dma_start3A_28, %dma_start3A_29] : memref<1x64xi32, #tpu.memory_space<vmem>> -> memref<1x64xi32, #tpu.memory_space<vmem>>
    %dma_start3A_31 = tpu.memref_squeeze %dma_start3A_30 : memref<1x64xi32, #tpu.memory_space<vmem>> -> memref<64xi32, #tpu.memory_space<vmem>>
    %dma_start3A_32 = tpu.memref_slice %arg4[%add3A_27] : memref<320000xi32, #tpu.memory_space<hbm>> -> memref<64xi32, #tpu.memory_space<hbm>>
    %dma_start3A_33 = arith.constant 0 : i32
    %dma_start3A_34 = tpu.memref_slice %arg9[%dma_start3A_28, %dma_start3A_33] : memref<1x64xi32, #tpu.memory_space<vmem>> -> memref<1x64xi32, #tpu.memory_space<vmem>>
    %dma_start3A_35 = tpu.memref_squeeze %dma_start3A_34 : memref<1x64xi32, #tpu.memory_space<vmem>> -> memref<64xi32, #tpu.memory_space<vmem>>
    %dma_start3A_36 = tpu.memref_slice %arg4[%add3A_27] : memref<320000xi32, #tpu.memory_space<hbm>> -> memref<64xi32, #tpu.memory_space<hbm>>
    tpu.enqueue_dma source(%dma_start3A_36 : memref<64xi32, #tpu.memory_space<hbm>>) target(%dma_start3A_35 : memref<64xi32, #tpu.memory_space<vmem>>) target_semaphore(%arg18 : memref<!tpu.dma_semaphore, #tpu.memory_space<semaphore_mem>>)
    %dma_start3A_37 = arith.constant 64 : i32
    %dma_start3A_38 = tpu.memref_slice %arg7[%dma_start3A_37] : memref<10000xi32, #tpu.memory_space<vmem>> -> memref<64xi32, #tpu.memory_space<vmem>>
    %dma_start3A_39 = arith.constant 0 : i32
    %dma_start3A_40 = arith.constant 0 : i32
    %dma_start3A_41 = tpu.memref_slice %arg2[%dma_start3A_39, %dma_start3A_40] : memref<20000x128xf32, #tpu.memory_space<hbm>> -> memref<20000x128xf32, #tpu.memory_space<hbm>>
    tpu.enqueue_indirect_dma source(%dma_start3A_41 : memref<20000x128xf32, #tpu.memory_space<hbm>>) target(%arg14 : memref<64x128xf32, #tpu.memory_space<vmem>>) offsets(%dma_start3A_38 : memref<64xi32, #tpu.memory_space<vmem>>) semaphore(%arg22 : memref<!tpu.dma_semaphore, #tpu.memory_space<semaphore_mem>>)
    %add3A_42 = arith.constant 128 : i32
    %add3A_43 = arith.addi %mul3A_2, %add3A_42 : i32
    %dma_start3A_44 = arith.constant 0 : i32
    %dma_start3A_45 = arith.constant 0 : i32
    %dma_start3A_46 = tpu.memref_slice %arg10[%dma_start3A_44, %dma_start3A_45] : memref<1x64xi32, #tpu.memory_space<vmem>> -> memref<1x64xi32, #tpu.memory_space<vmem>>
    %dma_start3A_47 = tpu.memref_squeeze %dma_start3A_46 : memref<1x64xi32, #tpu.memory_space<vmem>> -> memref<64xi32, #tpu.memory_space<vmem>>
    %dma_start3A_48 = tpu.memref_slice %arg4[%add3A_43] : memref<320000xi32, #tpu.memory_space<hbm>> -> memref<64xi32, #tpu.memory_space<hbm>>
    %dma_start3A_49 = arith.constant 0 : i32
    %dma_start3A_50 = tpu.memref_slice %arg10[%dma_start3A_44, %dma_start3A_49] : memref<1x64xi32, #tpu.memory_space<vmem>> -> memref<1x64xi32, #tpu.memory_space<vmem>>
    %dma_start3A_51 = tpu.memref_squeeze %dma_start3A_50 : memref<1x64xi32, #tpu.memory_space<vmem>> -> memref<64xi32, #tpu.memory_space<vmem>>
    %dma_start3A_52 = tpu.memref_slice %arg4[%add3A_43] : memref<320000xi32, #tpu.memory_space<hbm>> -> memref<64xi32, #tpu.memory_space<hbm>>
    tpu.enqueue_dma source(%dma_start3A_52 : memref<64xi32, #tpu.memory_space<hbm>>) target(%dma_start3A_51 : memref<64xi32, #tpu.memory_space<vmem>>) target_semaphore(%arg19 : memref<!tpu.dma_semaphore, #tpu.memory_space<semaphore_mem>>)
    %dma_start3A_53 = arith.constant 128 : i32
    %dma_start3A_54 = tpu.memref_slice %arg7[%dma_start3A_53] : memref<10000xi32, #tpu.memory_space<vmem>> -> memref<64xi32, #tpu.memory_space<vmem>>
    %dma_start3A_55 = arith.constant 0 : i32
    %dma_start3A_56 = arith.constant 0 : i32
    %dma_start3A_57 = tpu.memref_slice %arg2[%dma_start3A_55, %dma_start3A_56] : memref<20000x128xf32, #tpu.memory_space<hbm>> -> memref<20000x128xf32, #tpu.memory_space<hbm>>
    tpu.enqueue_indirect_dma source(%dma_start3A_57 : memref<20000x128xf32, #tpu.memory_space<hbm>>) target(%arg15 : memref<64x128xf32, #tpu.memory_space<vmem>>) offsets(%dma_start3A_54 : memref<64xi32, #tpu.memory_space<vmem>>) semaphore(%arg23 : memref<!tpu.dma_semaphore, #tpu.memory_space<semaphore_mem>>)
    %add3A_58 = arith.constant 192 : i32
    %add3A_59 = arith.addi %mul3A_2, %add3A_58 : i32
    %dma_start3A_60 = arith.constant 0 : i32
    %dma_start3A_61 = arith.constant 0 : i32
    %dma_start3A_62 = tpu.memref_slice %arg11[%dma_start3A_60, %dma_start3A_61] : memref<1x64xi32, #tpu.memory_space<vmem>> -> memref<1x64xi32, #tpu.memory_space<vmem>>
    %dma_start3A_63 = tpu.memref_squeeze %dma_start3A_62 : memref<1x64xi32, #tpu.memory_space<vmem>> -> memref<64xi32, #tpu.memory_space<vmem>>
    %dma_start3A_64 = tpu.memref_slice %arg4[%add3A_59] : memref<320000xi32, #tpu.memory_space<hbm>> -> memref<64xi32, #tpu.memory_space<hbm>>
    %dma_start3A_65 = arith.constant 0 : i32
    %dma_start3A_66 = tpu.memref_slice %arg11[%dma_start3A_60, %dma_start3A_65] : memref<1x64xi32, #tpu.memory_space<vmem>> -> memref<1x64xi32, #tpu.memory_space<vmem>>
    %dma_start3A_67 = tpu.memref_squeeze %dma_start3A_66 : memref<1x64xi32, #tpu.memory_space<vmem>> -> memref<64xi32, #tpu.memory_space<vmem>>
    %dma_start3A_68 = tpu.memref_slice %arg4[%add3A_59] : memref<320000xi32, #tpu.memory_space<hbm>> -> memref<64xi32, #tpu.memory_space<hbm>>
    tpu.enqueue_dma source(%dma_start3A_68 : memref<64xi32, #tpu.memory_space<hbm>>) target(%dma_start3A_67 : memref<64xi32, #tpu.memory_space<vmem>>) target_semaphore(%arg20 : memref<!tpu.dma_semaphore, #tpu.memory_space<semaphore_mem>>)
    %dma_start3A_69 = arith.constant 192 : i32
    %dma_start3A_70 = tpu.memref_slice %arg7[%dma_start3A_69] : memref<10000xi32, #tpu.memory_space<vmem>> -> memref<64xi32, #tpu.memory_space<vmem>>
    %dma_start3A_71 = arith.constant 0 : i32
    %dma_start3A_72 = arith.constant 0 : i32
    %dma_start3A_73 = tpu.memref_slice %arg2[%dma_start3A_71, %dma_start3A_72] : memref<20000x128xf32, #tpu.memory_space<hbm>> -> memref<20000x128xf32, #tpu.memory_space<hbm>>
    tpu.enqueue_indirect_dma source(%dma_start3A_73 : memref<20000x128xf32, #tpu.memory_space<hbm>>) target(%arg16 : memref<64x128xf32, #tpu.memory_space<vmem>>) offsets(%dma_start3A_70 : memref<64xi32, #tpu.memory_space<vmem>>) semaphore(%arg24 : memref<!tpu.dma_semaphore, #tpu.memory_space<semaphore_mem>>)
    %scan3A = arith.constant 0 : i32
    %scan3A_74 = arith.constant 0 : i32
    %scan3A_75 = arith.constant 39 : i32
    %scan3A_76 = arith.addi %scan3A_74, %scan3A_75 : i32
    %scan3A_77 = arith.constant 1 : i32
    scf.for %scan3A_191 = %scan3A_74 to %scan3A_76 step %scan3A_77  : i32 {
      %mul3A_192 = arith.constant 4 : i32
      %mul3A_193 = arith.muli %scan3A_191, %mul3A_192 : i32
      %add3A_194 = arith.constant 0 : i32
      %add3A_195 = arith.addi %mul3A_193, %add3A_194 : i32
      %mul3A_196 = arith.constant 64 : i32
      %mul3A_197 = arith.muli %add3A_195, %mul3A_196 : i32
      %dma_wait3A_198 = tpu.memref_slice %arg7[%mul3A_197] : memref<10000xi32, #tpu.memory_space<vmem>> -> memref<64xi32, #tpu.memory_space<vmem>>
      %dma_wait3A_199 = arith.constant 0 : i32
      %dma_wait3A_200 = arith.constant 0 : i32
      %dma_wait3A_201 = tpu.memref_slice %arg2[%dma_wait3A_199, %dma_wait3A_200] : memref<20000x128xf32, #tpu.memory_space<hbm>> -> memref<20000x128xf32, #tpu.memory_space<hbm>>
      tpu.wait_indirect_dma semaphore(%arg21 : memref<!tpu.dma_semaphore, #tpu.memory_space<semaphore_mem>>) src(%dma_wait3A_201 : memref<20000x128xf32, #tpu.memory_space<hbm>>) dst(%arg13 : memref<64x128xf32, #tpu.memory_space<vmem>>)
      %add3A_202 = arith.constant 0 : i32
      %add3A_203 = arith.addi %mul3A_193, %add3A_202 : i32
      %mul3A_204 = arith.constant 64 : i32
      %mul3A_205 = arith.muli %add3A_203, %mul3A_204 : i32
      %add3A_206 = arith.addi %mul3A_2, %mul3A_205 : i32
      %dma_wait3A_207 = arith.constant 0 : i32
      %dma_wait3A_208 = arith.constant 0 : i32
      %dma_wait3A_209 = tpu.memref_slice %arg8[%dma_wait3A_207, %dma_wait3A_208] : memref<1x64xi32, #tpu.memory_space<vmem>> -> memref<1x64xi32, #tpu.memory_space<vmem>>
      %dma_wait3A_210 = tpu.memref_squeeze %dma_wait3A_209 : memref<1x64xi32, #tpu.memory_space<vmem>> -> memref<64xi32, #tpu.memory_space<vmem>>
      %dma_wait3A_211 = tpu.memref_slice %arg4[%add3A_206] : memref<320000xi32, #tpu.memory_space<hbm>> -> memref<64xi32, #tpu.memory_space<hbm>>
      %dma_wait3A_212 = arith.constant 0 : i32
      %dma_wait3A_213 = tpu.memref_slice %arg8[%dma_wait3A_207, %dma_wait3A_212] : memref<1x64xi32, #tpu.memory_space<vmem>> -> memref<1x64xi32, #tpu.memory_space<vmem>>
      %dma_wait3A_214 = tpu.memref_squeeze %dma_wait3A_213 : memref<1x64xi32, #tpu.memory_space<vmem>> -> memref<64xi32, #tpu.memory_space<vmem>>
      %dma_wait3A_215 = tpu.memref_slice %arg4[%add3A_206] : memref<320000xi32, #tpu.memory_space<hbm>> -> memref<64xi32, #tpu.memory_space<hbm>>
      tpu.wait_dma2 semaphore(%arg17 : memref<!tpu.dma_semaphore, #tpu.memory_space<semaphore_mem>>) src(%dma_wait3A_215 : memref<64xi32, #tpu.memory_space<hbm>>) dst(%dma_wait3A_214 : memref<64xi32, #tpu.memory_space<vmem>>)
      %dma_start3A_216 = arith.constant 0 : i32
      %dma_start3A_217 = arith.constant 0 : i32
      %dma_start3A_218 = tpu.memref_slice %arg8[%dma_start3A_216, %dma_start3A_217] : memref<1x64xi32, #tpu.memory_space<vmem>> -> memref<1x64xi32, #tpu.memory_space<vmem>>
      %dma_start3A_219 = tpu.memref_squeeze %dma_start3A_218 : memref<1x64xi32, #tpu.memory_space<vmem>> -> memref<64xi32, #tpu.memory_space<vmem>>
      %dma_start3A_220 = arith.constant 0 : i32
      %dma_start3A_221 = arith.constant 0 : i32
      %dma_start3A_222 = tpu.memref_slice %arg6[%dma_start3A_220, %dma_start3A_221] : memref<10000x128xf32, #tpu.memory_space<vmem_shared>> -> memref<10000x128xf32, #tpu.memory_space<vmem_shared>>
      tpu.enqueue_indirect_dma source(%arg13 : memref<64x128xf32, #tpu.memory_space<vmem>>) target(%dma_start3A_222 : memref<10000x128xf32, #tpu.memory_space<vmem_shared>>) offsets(%dma_start3A_219 : memref<64xi32, #tpu.memory_space<vmem>>) semaphore(%arg25 : memref<!tpu.dma_semaphore, #tpu.memory_space<semaphore_mem>>) {add = true}
      %add3A_223 = arith.constant 1 : i32
      %add3A_224 = arith.addi %mul3A_193, %add3A_223 : i32
      %mul3A_225 = arith.constant 64 : i32
      %mul3A_226 = arith.muli %add3A_224, %mul3A_225 : i32
      %dma_wait3A_227 = tpu.memref_slice %arg7[%mul3A_226] : memref<10000xi32, #tpu.memory_space<vmem>> -> memref<64xi32, #tpu.memory_space<vmem>>
      %dma_wait3A_228 = arith.constant 0 : i32
      %dma_wait3A_229 = arith.constant 0 : i32
      %dma_wait3A_230 = tpu.memref_slice %arg2[%dma_wait3A_228, %dma_wait3A_229] : memref<20000x128xf32, #tpu.memory_space<hbm>> -> memref<20000x128xf32, #tpu.memory_space<hbm>>
      tpu.wait_indirect_dma semaphore(%arg22 : memref<!tpu.dma_semaphore, #tpu.memory_space<semaphore_mem>>) src(%dma_wait3A_230 : memref<20000x128xf32, #tpu.memory_space<hbm>>) dst(%arg14 : memref<64x128xf32, #tpu.memory_space<vmem>>)
      %add3A_231 = arith.constant 1 : i32
      %add3A_232 = arith.addi %mul3A_193, %add3A_231 : i32
      %mul3A_233 = arith.constant 64 : i32
      %mul3A_234 = arith.muli %add3A_232, %mul3A_233 : i32
      %add3A_235 = arith.addi %mul3A_2, %mul3A_234 : i32
      %dma_wait3A_236 = arith.constant 0 : i32
      %dma_wait3A_237 = arith.constant 0 : i32
      %dma_wait3A_238 = tpu.memref_slice %arg9[%dma_wait3A_236, %dma_wait3A_237] : memref<1x64xi32, #tpu.memory_space<vmem>> -> memref<1x64xi32, #tpu.memory_space<vmem>>
      %dma_wait3A_239 = tpu.memref_squeeze %dma_wait3A_238 : memref<1x64xi32, #tpu.memory_space<vmem>> -> memref<64xi32, #tpu.memory_space<vmem>>
      %dma_wait3A_240 = tpu.memref_slice %arg4[%add3A_235] : memref<320000xi32, #tpu.memory_space<hbm>> -> memref<64xi32, #tpu.memory_space<hbm>>
      %dma_wait3A_241 = arith.constant 0 : i32
      %dma_wait3A_242 = tpu.memref_slice %arg9[%dma_wait3A_236, %dma_wait3A_241] : memref<1x64xi32, #tpu.memory_space<vmem>> -> memref<1x64xi32, #tpu.memory_space<vmem>>
      %dma_wait3A_243 = tpu.memref_squeeze %dma_wait3A_242 : memref<1x64xi32, #tpu.memory_space<vmem>> -> memref<64xi32, #tpu.memory_space<vmem>>
      %dma_wait3A_244 = tpu.memref_slice %arg4[%add3A_235] : memref<320000xi32, #tpu.memory_space<hbm>> -> memref<64xi32, #tpu.memory_space<hbm>>
      tpu.wait_dma2 semaphore(%arg18 : memref<!tpu.dma_semaphore, #tpu.memory_space<semaphore_mem>>) src(%dma_wait3A_244 : memref<64xi32, #tpu.memory_space<hbm>>) dst(%dma_wait3A_243 : memref<64xi32, #tpu.memory_space<vmem>>)
      %dma_start3A_245 = arith.constant 0 : i32
      %dma_start3A_246 = arith.constant 0 : i32
      %dma_start3A_247 = tpu.memref_slice %arg9[%dma_start3A_245, %dma_start3A_246] : memref<1x64xi32, #tpu.memory_space<vmem>> -> memref<1x64xi32, #tpu.memory_space<vmem>>
      %dma_start3A_248 = tpu.memref_squeeze %dma_start3A_247 : memref<1x64xi32, #tpu.memory_space<vmem>> -> memref<64xi32, #tpu.memory_space<vmem>>
      %dma_start3A_249 = arith.constant 0 : i32
      %dma_start3A_250 = arith.constant 0 : i32
      %dma_start3A_251 = tpu.memref_slice %arg6[%dma_start3A_249, %dma_start3A_250] : memref<10000x128xf32, #tpu.memory_space<vmem_shared>> -> memref<10000x128xf32, #tpu.memory_space<vmem_shared>>
      tpu.enqueue_indirect_dma source(%arg14 : memref<64x128xf32, #tpu.memory_space<vmem>>) target(%dma_start3A_251 : memref<10000x128xf32, #tpu.memory_space<vmem_shared>>) offsets(%dma_start3A_248 : memref<64xi32, #tpu.memory_space<vmem>>) semaphore(%arg26 : memref<!tpu.dma_semaphore, #tpu.memory_space<semaphore_mem>>) {add = true}
      %add3A_252 = arith.constant 2 : i32
      %add3A_253 = arith.addi %mul3A_193, %add3A_252 : i32
      %mul3A_254 = arith.constant 64 : i32
      %mul3A_255 = arith.muli %add3A_253, %mul3A_254 : i32
      %dma_wait3A_256 = tpu.memref_slice %arg7[%mul3A_255] : memref<10000xi32, #tpu.memory_space<vmem>> -> memref<64xi32, #tpu.memory_space<vmem>>
      %dma_wait3A_257 = arith.constant 0 : i32
      %dma_wait3A_258 = arith.constant 0 : i32
      %dma_wait3A_259 = tpu.memref_slice %arg2[%dma_wait3A_257, %dma_wait3A_258] : memref<20000x128xf32, #tpu.memory_space<hbm>> -> memref<20000x128xf32, #tpu.memory_space<hbm>>
      tpu.wait_indirect_dma semaphore(%arg23 : memref<!tpu.dma_semaphore, #tpu.memory_space<semaphore_mem>>) src(%dma_wait3A_259 : memref<20000x128xf32, #tpu.memory_space<hbm>>) dst(%arg15 : memref<64x128xf32, #tpu.memory_space<vmem>>)
      %add3A_260 = arith.constant 2 : i32
      %add3A_261 = arith.addi %mul3A_193, %add3A_260 : i32
      %mul3A_262 = arith.constant 64 : i32
      %mul3A_263 = arith.muli %add3A_261, %mul3A_262 : i32
      %add3A_264 = arith.addi %mul3A_2, %mul3A_263 : i32
      %dma_wait3A_265 = arith.constant 0 : i32
      %dma_wait3A_266 = arith.constant 0 : i32
      %dma_wait3A_267 = tpu.memref_slice %arg10[%dma_wait3A_265, %dma_wait3A_266] : memref<1x64xi32, #tpu.memory_space<vmem>> -> memref<1x64xi32, #tpu.memory_space<vmem>>
      %dma_wait3A_268 = tpu.memref_squeeze %dma_wait3A_267 : memref<1x64xi32, #tpu.memory_space<vmem>> -> memref<64xi32, #tpu.memory_space<vmem>>
      %dma_wait3A_269 = tpu.memref_slice %arg4[%add3A_264] : memref<320000xi32, #tpu.memory_space<hbm>> -> memref<64xi32, #tpu.memory_space<hbm>>
      %dma_wait3A_270 = arith.constant 0 : i32
      %dma_wait3A_271 = tpu.memref_slice %arg10[%dma_wait3A_265, %dma_wait3A_270] : memref<1x64xi32, #tpu.memory_space<vmem>> -> memref<1x64xi32, #tpu.memory_space<vmem>>
      %dma_wait3A_272 = tpu.memref_squeeze %dma_wait3A_271 : memref<1x64xi32, #tpu.memory_space<vmem>> -> memref<64xi32, #tpu.memory_space<vmem>>
      %dma_wait3A_273 = tpu.memref_slice %arg4[%add3A_264] : memref<320000xi32, #tpu.memory_space<hbm>> -> memref<64xi32, #tpu.memory_space<hbm>>
      tpu.wait_dma2 semaphore(%arg19 : memref<!tpu.dma_semaphore, #tpu.memory_space<semaphore_mem>>) src(%dma_wait3A_273 : memref<64xi32, #tpu.memory_space<hbm>>) dst(%dma_wait3A_272 : memref<64xi32, #tpu.memory_space<vmem>>)
      %dma_start3A_274 = arith.constant 0 : i32
      %dma_start3A_275 = arith.constant 0 : i32
      %dma_start3A_276 = tpu.memref_slice %arg10[%dma_start3A_274, %dma_start3A_275] : memref<1x64xi32, #tpu.memory_space<vmem>> -> memref<1x64xi32, #tpu.memory_space<vmem>>
      %dma_start3A_277 = tpu.memref_squeeze %dma_start3A_276 : memref<1x64xi32, #tpu.memory_space<vmem>> -> memref<64xi32, #tpu.memory_space<vmem>>
      %dma_start3A_278 = arith.constant 0 : i32
      %dma_start3A_279 = arith.constant 0 : i32
      %dma_start3A_280 = tpu.memref_slice %arg6[%dma_start3A_278, %dma_start3A_279] : memref<10000x128xf32, #tpu.memory_space<vmem_shared>> -> memref<10000x128xf32, #tpu.memory_space<vmem_shared>>
      tpu.enqueue_indirect_dma source(%arg15 : memref<64x128xf32, #tpu.memory_space<vmem>>) target(%dma_start3A_280 : memref<10000x128xf32, #tpu.memory_space<vmem_shared>>) offsets(%dma_start3A_277 : memref<64xi32, #tpu.memory_space<vmem>>) semaphore(%arg27 : memref<!tpu.dma_semaphore, #tpu.memory_space<semaphore_mem>>) {add = true}
      %add3A_281 = arith.constant 3 : i32
      %add3A_282 = arith.addi %mul3A_193, %add3A_281 : i32
      %mul3A_283 = arith.constant 64 : i32
      %mul3A_284 = arith.muli %add3A_282, %mul3A_283 : i32
      %dma_wait3A_285 = tpu.memref_slice %arg7[%mul3A_284] : memref<10000xi32, #tpu.memory_space<vmem>> -> memref<64xi32, #tpu.memory_space<vmem>>
      %dma_wait3A_286 = arith.constant 0 : i32
      %dma_wait3A_287 = arith.constant 0 : i32
      %dma_wait3A_288 = tpu.memref_slice %arg2[%dma_wait3A_286, %dma_wait3A_287] : memref<20000x128xf32, #tpu.memory_space<hbm>> -> memref<20000x128xf32, #tpu.memory_space<hbm>>
      tpu.wait_indirect_dma semaphore(%arg24 : memref<!tpu.dma_semaphore, #tpu.memory_space<semaphore_mem>>) src(%dma_wait3A_288 : memref<20000x128xf32, #tpu.memory_space<hbm>>) dst(%arg16 : memref<64x128xf32, #tpu.memory_space<vmem>>)
      %add3A_289 = arith.constant 3 : i32
      %add3A_290 = arith.addi %mul3A_193, %add3A_289 : i32
      %mul3A_291 = arith.constant 64 : i32
      %mul3A_292 = arith.muli %add3A_290, %mul3A_291 : i32
      %add3A_293 = arith.addi %mul3A_2, %mul3A_292 : i32
      %dma_wait3A_294 = arith.constant 0 : i32
      %dma_wait3A_295 = arith.constant 0 : i32
      %dma_wait3A_296 = tpu.memref_slice %arg11[%dma_wait3A_294, %dma_wait3A_295] : memref<1x64xi32, #tpu.memory_space<vmem>> -> memref<1x64xi32, #tpu.memory_space<vmem>>
      %dma_wait3A_297 = tpu.memref_squeeze %dma_wait3A_296 : memref<1x64xi32, #tpu.memory_space<vmem>> -> memref<64xi32, #tpu.memory_space<vmem>>
      %dma_wait3A_298 = tpu.memref_slice %arg4[%add3A_293] : memref<320000xi32, #tpu.memory_space<hbm>> -> memref<64xi32, #tpu.memory_space<hbm>>
      %dma_wait3A_299 = arith.constant 0 : i32
      %dma_wait3A_300 = tpu.memref_slice %arg11[%dma_wait3A_294, %dma_wait3A_299] : memref<1x64xi32, #tpu.memory_space<vmem>> -> memref<1x64xi32, #tpu.memory_space<vmem>>
      %dma_wait3A_301 = tpu.memref_squeeze %dma_wait3A_300 : memref<1x64xi32, #tpu.memory_space<vmem>> -> memref<64xi32, #tpu.memory_space<vmem>>
      %dma_wait3A_302 = tpu.memref_slice %arg4[%add3A_293] : memref<320000xi32, #tpu.memory_space<hbm>> -> memref<64xi32, #tpu.memory_space<hbm>>
      tpu.wait_dma2 semaphore(%arg20 : memref<!tpu.dma_semaphore, #tpu.memory_space<semaphore_mem>>) src(%dma_wait3A_302 : memref<64xi32, #tpu.memory_space<hbm>>) dst(%dma_wait3A_301 : memref<64xi32, #tpu.memory_space<vmem>>)
      %dma_start3A_303 = arith.constant 0 : i32
      %dma_start3A_304 = arith.constant 0 : i32
      %dma_start3A_305 = tpu.memref_slice %arg11[%dma_start3A_303, %dma_start3A_304] : memref<1x64xi32, #tpu.memory_space<vmem>> -> memref<1x64xi32, #tpu.memory_space<vmem>>
      %dma_start3A_306 = tpu.memref_squeeze %dma_start3A_305 : memref<1x64xi32, #tpu.memory_space<vmem>> -> memref<64xi32, #tpu.memory_space<vmem>>
      %dma_start3A_307 = arith.constant 0 : i32
      %dma_start3A_308 = arith.constant 0 : i32
      %dma_start3A_309 = tpu.memref_slice %arg6[%dma_start3A_307, %dma_start3A_308] : memref<10000x128xf32, #tpu.memory_space<vmem_shared>> -> memref<10000x128xf32, #tpu.memory_space<vmem_shared>>
      tpu.enqueue_indirect_dma source(%arg16 : memref<64x128xf32, #tpu.memory_space<vmem>>) target(%dma_start3A_309 : memref<10000x128xf32, #tpu.memory_space<vmem_shared>>) offsets(%dma_start3A_306 : memref<64xi32, #tpu.memory_space<vmem>>) semaphore(%arg28 : memref<!tpu.dma_semaphore, #tpu.memory_space<semaphore_mem>>) {add = true}
      %add3A_310 = arith.constant 0 : i32
      %add3A_311 = arith.addi %mul3A_193, %add3A_310 : i32
      %add3A_312 = arith.constant 4 : i32
      %add3A_313 = arith.addi %add3A_311, %add3A_312 : i32
      %rem3A = arith.constant 156 : i32
      %rem3A_314 = arith.remsi %add3A_313, %rem3A : i32
      %dma_wait3A_315 = arith.constant 0 : i32
      %dma_wait3A_316 = arith.constant 0 : i32
      %dma_wait3A_317 = tpu.memref_slice %arg8[%dma_wait3A_315, %dma_wait3A_316] : memref<1x64xi32, #tpu.memory_space<vmem>> -> memref<1x64xi32, #tpu.memory_space<vmem>>
      %dma_wait3A_318 = tpu.memref_squeeze %dma_wait3A_317 : memref<1x64xi32, #tpu.memory_space<vmem>> -> memref<64xi32, #tpu.memory_space<vmem>>
      %dma_wait3A_319 = arith.constant 0 : i32
      %dma_wait3A_320 = arith.constant 0 : i32
      %dma_wait3A_321 = tpu.memref_slice %arg6[%dma_wait3A_319, %dma_wait3A_320] : memref<10000x128xf32, #tpu.memory_space<vmem_shared>> -> memref<10000x128xf32, #tpu.memory_space<vmem_shared>>
      tpu.wait_indirect_dma semaphore(%arg25 : memref<!tpu.dma_semaphore, #tpu.memory_space<semaphore_mem>>) src(%arg13 : memref<64x128xf32, #tpu.memory_space<vmem>>) dst(%dma_wait3A_321 : memref<10000x128xf32, #tpu.memory_space<vmem_shared>>)
      %mul3A_322 = arith.constant 64 : i32
      %mul3A_323 = arith.muli %rem3A_314, %mul3A_322 : i32
      %add3A_324 = arith.addi %mul3A_2, %mul3A_323 : i32
      %dma_start3A_325 = arith.constant 0 : i32
      %dma_start3A_326 = arith.constant 0 : i32
      %dma_start3A_327 = tpu.memref_slice %arg8[%dma_start3A_325, %dma_start3A_326] : memref<1x64xi32, #tpu.memory_space<vmem>> -> memref<1x64xi32, #tpu.memory_space<vmem>>
      %dma_start3A_328 = tpu.memref_squeeze %dma_start3A_327 : memref<1x64xi32, #tpu.memory_space<vmem>> -> memref<64xi32, #tpu.memory_space<vmem>>
      %dma_start3A_329 = tpu.memref_slice %arg4[%add3A_324] : memref<320000xi32, #tpu.memory_space<hbm>> -> memref<64xi32, #tpu.memory_space<hbm>>
      %dma_start3A_330 = arith.constant 0 : i32
      %dma_start3A_331 = tpu.memref_slice %arg8[%dma_start3A_325, %dma_start3A_330] : memref<1x64xi32, #tpu.memory_space<vmem>> -> memref<1x64xi32, #tpu.memory_space<vmem>>
      %dma_start3A_332 = tpu.memref_squeeze %dma_start3A_331 : memref<1x64xi32, #tpu.memory_space<vmem>> -> memref<64xi32, #tpu.memory_space<vmem>>
      %dma_start3A_333 = tpu.memref_slice %arg4[%add3A_324] : memref<320000xi32, #tpu.memory_space<hbm>> -> memref<64xi32, #tpu.memory_space<hbm>>
      tpu.enqueue_dma source(%dma_start3A_333 : memref<64xi32, #tpu.memory_space<hbm>>) target(%dma_start3A_332 : memref<64xi32, #tpu.memory_space<vmem>>) target_semaphore(%arg17 : memref<!tpu.dma_semaphore, #tpu.memory_space<semaphore_mem>>)
      %mul3A_334 = arith.constant 64 : i32
      %mul3A_335 = arith.muli %rem3A_314, %mul3A_334 : i32
      %dma_start3A_336 = tpu.memref_slice %arg7[%mul3A_335] : memref<10000xi32, #tpu.memory_space<vmem>> -> memref<64xi32, #tpu.memory_space<vmem>>
      %dma_start3A_337 = arith.constant 0 : i32
      %dma_start3A_338 = arith.constant 0 : i32
      %dma_start3A_339 = tpu.memref_slice %arg2[%dma_start3A_337, %dma_start3A_338] : memref<20000x128xf32, #tpu.memory_space<hbm>> -> memref<20000x128xf32, #tpu.memory_space<hbm>>
      tpu.enqueue_indirect_dma source(%dma_start3A_339 : memref<20000x128xf32, #tpu.memory_space<hbm>>) target(%arg13 : memref<64x128xf32, #tpu.memory_space<vmem>>) offsets(%dma_start3A_336 : memref<64xi32, #tpu.memory_space<vmem>>) semaphore(%arg21 : memref<!tpu.dma_semaphore, #tpu.memory_space<semaphore_mem>>)
      %add3A_340 = arith.constant 1 : i32
      %add3A_341 = arith.addi %mul3A_193, %add3A_340 : i32
      %add3A_342 = arith.constant 4 : i32
      %add3A_343 = arith.addi %add3A_341, %add3A_342 : i32
      %rem3A_344 = arith.constant 156 : i32
      %rem3A_345 = arith.remsi %add3A_343, %rem3A_344 : i32
      %dma_wait3A_346 = arith.constant 0 : i32
      %dma_wait3A_347 = arith.constant 0 : i32
      %dma_wait3A_348 = tpu.memref_slice %arg9[%dma_wait3A_346, %dma_wait3A_347] : memref<1x64xi32, #tpu.memory_space<vmem>> -> memref<1x64xi32, #tpu.memory_space<vmem>>
      %dma_wait3A_349 = tpu.memref_squeeze %dma_wait3A_348 : memref<1x64xi32, #tpu.memory_space<vmem>> -> memref<64xi32, #tpu.memory_space<vmem>>
      %dma_wait3A_350 = arith.constant 0 : i32
      %dma_wait3A_351 = arith.constant 0 : i32
      %dma_wait3A_352 = tpu.memref_slice %arg6[%dma_wait3A_350, %dma_wait3A_351] : memref<10000x128xf32, #tpu.memory_space<vmem_shared>> -> memref<10000x128xf32, #tpu.memory_space<vmem_shared>>
      tpu.wait_indirect_dma semaphore(%arg26 : memref<!tpu.dma_semaphore, #tpu.memory_space<semaphore_mem>>) src(%arg14 : memref<64x128xf32, #tpu.memory_space<vmem>>) dst(%dma_wait3A_352 : memref<10000x128xf32, #tpu.memory_space<vmem_shared>>)
      %mul3A_353 = arith.constant 64 : i32
      %mul3A_354 = arith.muli %rem3A_345, %mul3A_353 : i32
      %add3A_355 = arith.addi %mul3A_2, %mul3A_354 : i32
      %dma_start3A_356 = arith.constant 0 : i32
      %dma_start3A_357 = arith.constant 0 : i32
      %dma_start3A_358 = tpu.memref_slice %arg9[%dma_start3A_356, %dma_start3A_357] : memref<1x64xi32, #tpu.memory_space<vmem>> -> memref<1x64xi32, #tpu.memory_space<vmem>>
      %dma_start3A_359 = tpu.memref_squeeze %dma_start3A_358 : memref<1x64xi32, #tpu.memory_space<vmem>> -> memref<64xi32, #tpu.memory_space<vmem>>
      %dma_start3A_360 = tpu.memref_slice %arg4[%add3A_355] : memref<320000xi32, #tpu.memory_space<hbm>> -> memref<64xi32, #tpu.memory_space<hbm>>
      %dma_start3A_361 = arith.constant 0 : i32
      %dma_start3A_362 = tpu.memref_slice %arg9[%dma_start3A_356, %dma_start3A_361] : memref<1x64xi32, #tpu.memory_space<vmem>> -> memref<1x64xi32, #tpu.memory_space<vmem>>
      %dma_start3A_363 = tpu.memref_squeeze %dma_start3A_362 : memref<1x64xi32, #tpu.memory_space<vmem>> -> memref<64xi32, #tpu.memory_space<vmem>>
      %dma_start3A_364 = tpu.memref_slice %arg4[%add3A_355] : memref<320000xi32, #tpu.memory_space<hbm>> -> memref<64xi32, #tpu.memory_space<hbm>>
      tpu.enqueue_dma source(%dma_start3A_364 : memref<64xi32, #tpu.memory_space<hbm>>) target(%dma_start3A_363 : memref<64xi32, #tpu.memory_space<vmem>>) target_semaphore(%arg18 : memref<!tpu.dma_semaphore, #tpu.memory_space<semaphore_mem>>)
      %mul3A_365 = arith.constant 64 : i32
      %mul3A_366 = arith.muli %rem3A_345, %mul3A_365 : i32
      %dma_start3A_367 = tpu.memref_slice %arg7[%mul3A_366] : memref<10000xi32, #tpu.memory_space<vmem>> -> memref<64xi32, #tpu.memory_space<vmem>>
      %dma_start3A_368 = arith.constant 0 : i32
      %dma_start3A_369 = arith.constant 0 : i32
      %dma_start3A_370 = tpu.memref_slice %arg2[%dma_start3A_368, %dma_start3A_369] : memref<20000x128xf32, #tpu.memory_space<hbm>> -> memref<20000x128xf32, #tpu.memory_space<hbm>>
      tpu.enqueue_indirect_dma source(%dma_start3A_370 : memref<20000x128xf32, #tpu.memory_space<hbm>>) target(%arg14 : memref<64x128xf32, #tpu.memory_space<vmem>>) offsets(%dma_start3A_367 : memref<64xi32, #tpu.memory_space<vmem>>) semaphore(%arg22 : memref<!tpu.dma_semaphore, #tpu.memory_space<semaphore_mem>>)
      %add3A_371 = arith.constant 2 : i32
      %add3A_372 = arith.addi %mul3A_193, %add3A_371 : i32
      %add3A_373 = arith.constant 4 : i32
      %add3A_374 = arith.addi %add3A_372, %add3A_373 : i32
      %rem3A_375 = arith.constant 156 : i32
      %rem3A_376 = arith.remsi %add3A_374, %rem3A_375 : i32
      %dma_wait3A_377 = arith.constant 0 : i32
      %dma_wait3A_378 = arith.constant 0 : i32
      %dma_wait3A_379 = tpu.memref_slice %arg10[%dma_wait3A_377, %dma_wait3A_378] : memref<1x64xi32, #tpu.memory_space<vmem>> -> memref<1x64xi32, #tpu.memory_space<vmem>>
      %dma_wait3A_380 = tpu.memref_squeeze %dma_wait3A_379 : memref<1x64xi32, #tpu.memory_space<vmem>> -> memref<64xi32, #tpu.memory_space<vmem>>
      %dma_wait3A_381 = arith.constant 0 : i32
      %dma_wait3A_382 = arith.constant 0 : i32
      %dma_wait3A_383 = tpu.memref_slice %arg6[%dma_wait3A_381, %dma_wait3A_382] : memref<10000x128xf32, #tpu.memory_space<vmem_shared>> -> memref<10000x128xf32, #tpu.memory_space<vmem_shared>>
      tpu.wait_indirect_dma semaphore(%arg27 : memref<!tpu.dma_semaphore, #tpu.memory_space<semaphore_mem>>) src(%arg15 : memref<64x128xf32, #tpu.memory_space<vmem>>) dst(%dma_wait3A_383 : memref<10000x128xf32, #tpu.memory_space<vmem_shared>>)
      %mul3A_384 = arith.constant 64 : i32
      %mul3A_385 = arith.muli %rem3A_376, %mul3A_384 : i32
      %add3A_386 = arith.addi %mul3A_2, %mul3A_385 : i32
      %dma_start3A_387 = arith.constant 0 : i32
      %dma_start3A_388 = arith.constant 0 : i32
      %dma_start3A_389 = tpu.memref_slice %arg10[%dma_start3A_387, %dma_start3A_388] : memref<1x64xi32, #tpu.memory_space<vmem>> -> memref<1x64xi32, #tpu.memory_space<vmem>>
      %dma_start3A_390 = tpu.memref_squeeze %dma_start3A_389 : memref<1x64xi32, #tpu.memory_space<vmem>> -> memref<64xi32, #tpu.memory_space<vmem>>
      %dma_start3A_391 = tpu.memref_slice %arg4[%add3A_386] : memref<320000xi32, #tpu.memory_space<hbm>> -> memref<64xi32, #tpu.memory_space<hbm>>
      %dma_start3A_392 = arith.constant 0 : i32
      %dma_start3A_393 = tpu.memref_slice %arg10[%dma_start3A_387, %dma_start3A_392] : memref<1x64xi32, #tpu.memory_space<vmem>> -> memref<1x64xi32, #tpu.memory_space<vmem>>
      %dma_start3A_394 = tpu.memref_squeeze %dma_start3A_393 : memref<1x64xi32, #tpu.memory_space<vmem>> -> memref<64xi32, #tpu.memory_space<vmem>>
      %dma_start3A_395 = tpu.memref_slice %arg4[%add3A_386] : memref<320000xi32, #tpu.memory_space<hbm>> -> memref<64xi32, #tpu.memory_space<hbm>>
      tpu.enqueue_dma source(%dma_start3A_395 : memref<64xi32, #tpu.memory_space<hbm>>) target(%dma_start3A_394 : memref<64xi32, #tpu.memory_space<vmem>>) target_semaphore(%arg19 : memref<!tpu.dma_semaphore, #tpu.memory_space<semaphore_mem>>)
      %mul3A_396 = arith.constant 64 : i32
      %mul3A_397 = arith.muli %rem3A_376, %mul3A_396 : i32
      %dma_start3A_398 = tpu.memref_slice %arg7[%mul3A_397] : memref<10000xi32, #tpu.memory_space<vmem>> -> memref<64xi32, #tpu.memory_space<vmem>>
      %dma_start3A_399 = arith.constant 0 : i32
      %dma_start3A_400 = arith.constant 0 : i32
      %dma_start3A_401 = tpu.memref_slice %arg2[%dma_start3A_399, %dma_start3A_400] : memref<20000x128xf32, #tpu.memory_space<hbm>> -> memref<20000x128xf32, #tpu.memory_space<hbm>>
      tpu.enqueue_indirect_dma source(%dma_start3A_401 : memref<20000x128xf32, #tpu.memory_space<hbm>>) target(%arg15 : memref<64x128xf32, #tpu.memory_space<vmem>>) offsets(%dma_start3A_398 : memref<64xi32, #tpu.memory_space<vmem>>) semaphore(%arg23 : memref<!tpu.dma_semaphore, #tpu.memory_space<semaphore_mem>>)
      %add3A_402 = arith.constant 3 : i32
      %add3A_403 = arith.addi %mul3A_193, %add3A_402 : i32
      %add3A_404 = arith.constant 4 : i32
      %add3A_405 = arith.addi %add3A_403, %add3A_404 : i32
      %rem3A_406 = arith.constant 156 : i32
      %rem3A_407 = arith.remsi %add3A_405, %rem3A_406 : i32
      %dma_wait3A_408 = arith.constant 0 : i32
      %dma_wait3A_409 = arith.constant 0 : i32
      %dma_wait3A_410 = tpu.memref_slice %arg11[%dma_wait3A_408, %dma_wait3A_409] : memref<1x64xi32, #tpu.memory_space<vmem>> -> memref<1x64xi32, #tpu.memory_space<vmem>>
      %dma_wait3A_411 = tpu.memref_squeeze %dma_wait3A_410 : memref<1x64xi32, #tpu.memory_space<vmem>> -> memref<64xi32, #tpu.memory_space<vmem>>
      %dma_wait3A_412 = arith.constant 0 : i32
      %dma_wait3A_413 = arith.constant 0 : i32
      %dma_wait3A_414 = tpu.memref_slice %arg6[%dma_wait3A_412, %dma_wait3A_413] : memref<10000x128xf32, #tpu.memory_space<vmem_shared>> -> memref<10000x128xf32, #tpu.memory_space<vmem_shared>>
      tpu.wait_indirect_dma semaphore(%arg28 : memref<!tpu.dma_semaphore, #tpu.memory_space<semaphore_mem>>) src(%arg16 : memref<64x128xf32, #tpu.memory_space<vmem>>) dst(%dma_wait3A_414 : memref<10000x128xf32, #tpu.memory_space<vmem_shared>>)
      %mul3A_415 = arith.constant 64 : i32
      %mul3A_416 = arith.muli %rem3A_407, %mul3A_415 : i32
      %add3A_417 = arith.addi %mul3A_2, %mul3A_416 : i32
      %dma_start3A_418 = arith.constant 0 : i32
      %dma_start3A_419 = arith.constant 0 : i32
      %dma_start3A_420 = tpu.memref_slice %arg11[%dma_start3A_418, %dma_start3A_419] : memref<1x64xi32, #tpu.memory_space<vmem>> -> memref<1x64xi32, #tpu.memory_space<vmem>>
      %dma_start3A_421 = tpu.memref_squeeze %dma_start3A_420 : memref<1x64xi32, #tpu.memory_space<vmem>> -> memref<64xi32, #tpu.memory_space<vmem>>
      %dma_start3A_422 = tpu.memref_slice %arg4[%add3A_417] : memref<320000xi32, #tpu.memory_space<hbm>> -> memref<64xi32, #tpu.memory_space<hbm>>
      %dma_start3A_423 = arith.constant 0 : i32
      %dma_start3A_424 = tpu.memref_slice %arg11[%dma_start3A_418, %dma_start3A_423] : memref<1x64xi32, #tpu.memory_space<vmem>> -> memref<1x64xi32, #tpu.memory_space<vmem>>
      %dma_start3A_425 = tpu.memref_squeeze %dma_start3A_424 : memref<1x64xi32, #tpu.memory_space<vmem>> -> memref<64xi32, #tpu.memory_space<vmem>>
      %dma_start3A_426 = tpu.memref_slice %arg4[%add3A_417] : memref<320000xi32, #tpu.memory_space<hbm>> -> memref<64xi32, #tpu.memory_space<hbm>>
      tpu.enqueue_dma source(%dma_start3A_426 : memref<64xi32, #tpu.memory_space<hbm>>) target(%dma_start3A_425 : memref<64xi32, #tpu.memory_space<vmem>>) target_semaphore(%arg20 : memref<!tpu.dma_semaphore, #tpu.memory_space<semaphore_mem>>)
      %mul3A_427 = arith.constant 64 : i32
      %mul3A_428 = arith.muli %rem3A_407, %mul3A_427 : i32
      %dma_start3A_429 = tpu.memref_slice %arg7[%mul3A_428] : memref<10000xi32, #tpu.memory_space<vmem>> -> memref<64xi32, #tpu.memory_space<vmem>>
      %dma_start3A_430 = arith.constant 0 : i32
      %dma_start3A_431 = arith.constant 0 : i32
      %dma_start3A_432 = tpu.memref_slice %arg2[%dma_start3A_430, %dma_start3A_431] : memref<20000x128xf32, #tpu.memory_space<hbm>> -> memref<20000x128xf32, #tpu.memory_space<hbm>>
      tpu.enqueue_indirect_dma source(%dma_start3A_432 : memref<20000x128xf32, #tpu.memory_space<hbm>>) target(%arg16 : memref<64x128xf32, #tpu.memory_space<vmem>>) offsets(%dma_start3A_429 : memref<64xi32, #tpu.memory_space<vmem>>) semaphore(%arg24 : memref<!tpu.dma_semaphore, #tpu.memory_space<semaphore_mem>>)
    }
    %scan3A_78 = arith.constant 39 : i32
    %dma_wait3A = arith.constant 0 : i32
    %dma_wait3A_79 = tpu.memref_slice %arg7[%dma_wait3A] : memref<10000xi32, #tpu.memory_space<vmem>> -> memref<64xi32, #tpu.memory_space<vmem>>
    %dma_wait3A_80 = arith.constant 0 : i32
    %dma_wait3A_81 = arith.constant 0 : i32
    %dma_wait3A_82 = tpu.memref_slice %arg2[%dma_wait3A_80, %dma_wait3A_81] : memref<20000x128xf32, #tpu.memory_space<hbm>> -> memref<20000x128xf32, #tpu.memory_space<hbm>>
    tpu.wait_indirect_dma semaphore(%arg21 : memref<!tpu.dma_semaphore, #tpu.memory_space<semaphore_mem>>) src(%dma_wait3A_82 : memref<20000x128xf32, #tpu.memory_space<hbm>>) dst(%arg13 : memref<64x128xf32, #tpu.memory_space<vmem>>)
    %add3A_83 = arith.constant 0 : i32
    %add3A_84 = arith.addi %mul3A_2, %add3A_83 : i32
    %dma_wait3A_85 = arith.constant 0 : i32
    %dma_wait3A_86 = arith.constant 0 : i32
    %dma_wait3A_87 = tpu.memref_slice %arg8[%dma_wait3A_85, %dma_wait3A_86] : memref<1x64xi32, #tpu.memory_space<vmem>> -> memref<1x64xi32, #tpu.memory_space<vmem>>
    %dma_wait3A_88 = tpu.memref_squeeze %dma_wait3A_87 : memref<1x64xi32, #tpu.memory_space<vmem>> -> memref<64xi32, #tpu.memory_space<vmem>>
    %dma_wait3A_89 = tpu.memref_slice %arg4[%add3A_84] : memref<320000xi32, #tpu.memory_space<hbm>> -> memref<64xi32, #tpu.memory_space<hbm>>
    %dma_wait3A_90 = arith.constant 0 : i32
    %dma_wait3A_91 = tpu.memref_slice %arg8[%dma_wait3A_85, %dma_wait3A_90] : memref<1x64xi32, #tpu.memory_space<vmem>> -> memref<1x64xi32, #tpu.memory_space<vmem>>
    %dma_wait3A_92 = tpu.memref_squeeze %dma_wait3A_91 : memref<1x64xi32, #tpu.memory_space<vmem>> -> memref<64xi32, #tpu.memory_space<vmem>>
    %dma_wait3A_93 = tpu.memref_slice %arg4[%add3A_84] : memref<320000xi32, #tpu.memory_space<hbm>> -> memref<64xi32, #tpu.memory_space<hbm>>
    tpu.wait_dma2 semaphore(%arg17 : memref<!tpu.dma_semaphore, #tpu.memory_space<semaphore_mem>>) src(%dma_wait3A_93 : memref<64xi32, #tpu.memory_space<hbm>>) dst(%dma_wait3A_92 : memref<64xi32, #tpu.memory_space<vmem>>)
    %dma_wait3A_94 = arith.constant 64 : i32
    %dma_wait3A_95 = tpu.memref_slice %arg7[%dma_wait3A_94] : memref<10000xi32, #tpu.memory_space<vmem>> -> memref<64xi32, #tpu.memory_space<vmem>>
    %dma_wait3A_96 = arith.constant 0 : i32
    %dma_wait3A_97 = arith.constant 0 : i32
    %dma_wait3A_98 = tpu.memref_slice %arg2[%dma_wait3A_96, %dma_wait3A_97] : memref<20000x128xf32, #tpu.memory_space<hbm>> -> memref<20000x128xf32, #tpu.memory_space<hbm>>
    tpu.wait_indirect_dma semaphore(%arg22 : memref<!tpu.dma_semaphore, #tpu.memory_space<semaphore_mem>>) src(%dma_wait3A_98 : memref<20000x128xf32, #tpu.memory_space<hbm>>) dst(%arg14 : memref<64x128xf32, #tpu.memory_space<vmem>>)
    %add3A_99 = arith.constant 64 : i32
    %add3A_100 = arith.addi %mul3A_2, %add3A_99 : i32
    %dma_wait3A_101 = arith.constant 0 : i32
    %dma_wait3A_102 = arith.constant 0 : i32
    %dma_wait3A_103 = tpu.memref_slice %arg9[%dma_wait3A_101, %dma_wait3A_102] : memref<1x64xi32, #tpu.memory_space<vmem>> -> memref<1x64xi32, #tpu.memory_space<vmem>>
    %dma_wait3A_104 = tpu.memref_squeeze %dma_wait3A_103 : memref<1x64xi32, #tpu.memory_space<vmem>> -> memref<64xi32, #tpu.memory_space<vmem>>
    %dma_wait3A_105 = tpu.memref_slice %arg4[%add3A_100] : memref<320000xi32, #tpu.memory_space<hbm>> -> memref<64xi32, #tpu.memory_space<hbm>>
    %dma_wait3A_106 = arith.constant 0 : i32
    %dma_wait3A_107 = tpu.memref_slice %arg9[%dma_wait3A_101, %dma_wait3A_106] : memref<1x64xi32, #tpu.memory_space<vmem>> -> memref<1x64xi32, #tpu.memory_space<vmem>>
    %dma_wait3A_108 = tpu.memref_squeeze %dma_wait3A_107 : memref<1x64xi32, #tpu.memory_space<vmem>> -> memref<64xi32, #tpu.memory_space<vmem>>
    %dma_wait3A_109 = tpu.memref_slice %arg4[%add3A_100] : memref<320000xi32, #tpu.memory_space<hbm>> -> memref<64xi32, #tpu.memory_space<hbm>>
    tpu.wait_dma2 semaphore(%arg18 : memref<!tpu.dma_semaphore, #tpu.memory_space<semaphore_mem>>) src(%dma_wait3A_109 : memref<64xi32, #tpu.memory_space<hbm>>) dst(%dma_wait3A_108 : memref<64xi32, #tpu.memory_space<vmem>>)
    %dma_wait3A_110 = arith.constant 128 : i32
    %dma_wait3A_111 = tpu.memref_slice %arg7[%dma_wait3A_110] : memref<10000xi32, #tpu.memory_space<vmem>> -> memref<64xi32, #tpu.memory_space<vmem>>
    %dma_wait3A_112 = arith.constant 0 : i32
    %dma_wait3A_113 = arith.constant 0 : i32
    %dma_wait3A_114 = tpu.memref_slice %arg2[%dma_wait3A_112, %dma_wait3A_113] : memref<20000x128xf32, #tpu.memory_space<hbm>> -> memref<20000x128xf32, #tpu.memory_space<hbm>>
    tpu.wait_indirect_dma semaphore(%arg23 : memref<!tpu.dma_semaphore, #tpu.memory_space<semaphore_mem>>) src(%dma_wait3A_114 : memref<20000x128xf32, #tpu.memory_space<hbm>>) dst(%arg15 : memref<64x128xf32, #tpu.memory_space<vmem>>)
    %add3A_115 = arith.constant 128 : i32
    %add3A_116 = arith.addi %mul3A_2, %add3A_115 : i32
    %dma_wait3A_117 = arith.constant 0 : i32
    %dma_wait3A_118 = arith.constant 0 : i32
    %dma_wait3A_119 = tpu.memref_slice %arg10[%dma_wait3A_117, %dma_wait3A_118] : memref<1x64xi32, #tpu.memory_space<vmem>> -> memref<1x64xi32, #tpu.memory_space<vmem>>
    %dma_wait3A_120 = tpu.memref_squeeze %dma_wait3A_119 : memref<1x64xi32, #tpu.memory_space<vmem>> -> memref<64xi32, #tpu.memory_space<vmem>>
    %dma_wait3A_121 = tpu.memref_slice %arg4[%add3A_116] : memref<320000xi32, #tpu.memory_space<hbm>> -> memref<64xi32, #tpu.memory_space<hbm>>
    %dma_wait3A_122 = arith.constant 0 : i32
    %dma_wait3A_123 = tpu.memref_slice %arg10[%dma_wait3A_117, %dma_wait3A_122] : memref<1x64xi32, #tpu.memory_space<vmem>> -> memref<1x64xi32, #tpu.memory_space<vmem>>
    %dma_wait3A_124 = tpu.memref_squeeze %dma_wait3A_123 : memref<1x64xi32, #tpu.memory_space<vmem>> -> memref<64xi32, #tpu.memory_space<vmem>>
    %dma_wait3A_125 = tpu.memref_slice %arg4[%add3A_116] : memref<320000xi32, #tpu.memory_space<hbm>> -> memref<64xi32, #tpu.memory_space<hbm>>
    tpu.wait_dma2 semaphore(%arg19 : memref<!tpu.dma_semaphore, #tpu.memory_space<semaphore_mem>>) src(%dma_wait3A_125 : memref<64xi32, #tpu.memory_space<hbm>>) dst(%dma_wait3A_124 : memref<64xi32, #tpu.memory_space<vmem>>)
    %dma_wait3A_126 = arith.constant 192 : i32
    %dma_wait3A_127 = tpu.memref_slice %arg7[%dma_wait3A_126] : memref<10000xi32, #tpu.memory_space<vmem>> -> memref<64xi32, #tpu.memory_space<vmem>>
    %dma_wait3A_128 = arith.constant 0 : i32
    %dma_wait3A_129 = arith.constant 0 : i32
    %dma_wait3A_130 = tpu.memref_slice %arg2[%dma_wait3A_128, %dma_wait3A_129] : memref<20000x128xf32, #tpu.memory_space<hbm>> -> memref<20000x128xf32, #tpu.memory_space<hbm>>
    tpu.wait_indirect_dma semaphore(%arg24 : memref<!tpu.dma_semaphore, #tpu.memory_space<semaphore_mem>>) src(%dma_wait3A_130 : memref<20000x128xf32, #tpu.memory_space<hbm>>) dst(%arg16 : memref<64x128xf32, #tpu.memory_space<vmem>>)
    %add3A_131 = arith.constant 192 : i32
    %add3A_132 = arith.addi %mul3A_2, %add3A_131 : i32
    %dma_wait3A_133 = arith.constant 0 : i32
    %dma_wait3A_134 = arith.constant 0 : i32
    %dma_wait3A_135 = tpu.memref_slice %arg11[%dma_wait3A_133, %dma_wait3A_134] : memref<1x64xi32, #tpu.memory_space<vmem>> -> memref<1x64xi32, #tpu.memory_space<vmem>>
    %dma_wait3A_136 = tpu.memref_squeeze %dma_wait3A_135 : memref<1x64xi32, #tpu.memory_space<vmem>> -> memref<64xi32, #tpu.memory_space<vmem>>
    %dma_wait3A_137 = tpu.memref_slice %arg4[%add3A_132] : memref<320000xi32, #tpu.memory_space<hbm>> -> memref<64xi32, #tpu.memory_space<hbm>>
    %dma_wait3A_138 = arith.constant 0 : i32
    %dma_wait3A_139 = tpu.memref_slice %arg11[%dma_wait3A_133, %dma_wait3A_138] : memref<1x64xi32, #tpu.memory_space<vmem>> -> memref<1x64xi32, #tpu.memory_space<vmem>>
    %dma_wait3A_140 = tpu.memref_squeeze %dma_wait3A_139 : memref<1x64xi32, #tpu.memory_space<vmem>> -> memref<64xi32, #tpu.memory_space<vmem>>
    %dma_wait3A_141 = tpu.memref_slice %arg4[%add3A_132] : memref<320000xi32, #tpu.memory_space<hbm>> -> memref<64xi32, #tpu.memory_space<hbm>>
    tpu.wait_dma2 semaphore(%arg20 : memref<!tpu.dma_semaphore, #tpu.memory_space<semaphore_mem>>) src(%dma_wait3A_141 : memref<64xi32, #tpu.memory_space<hbm>>) dst(%dma_wait3A_140 : memref<64xi32, #tpu.memory_space<vmem>>)
    %add3A_142 = arith.constant 9984 : i32
    %add3A_143 = arith.addi %mul3A_2, %add3A_142 : i32
    %dma_start3A_144 = arith.constant 0 : i32
    %dma_start3A_145 = arith.constant 0 : i32
    %dma_start3A_146 = tpu.memref_slice %arg12[%dma_start3A_144, %dma_start3A_145] : memref<1x16xi32, #tpu.memory_space<vmem>> -> memref<1x16xi32, #tpu.memory_space<vmem>>
    %dma_start3A_147 = tpu.memref_squeeze %dma_start3A_146 : memref<1x16xi32, #tpu.memory_space<vmem>> -> memref<16xi32, #tpu.memory_space<vmem>>
    %dma_start3A_148 = tpu.memref_slice %arg4[%add3A_143] : memref<320000xi32, #tpu.memory_space<hbm>> -> memref<16xi32, #tpu.memory_space<hbm>>
    %dma_start3A_149 = arith.constant 0 : i32
    %dma_start3A_150 = tpu.memref_slice %arg12[%dma_start3A_144, %dma_start3A_149] : memref<1x16xi32, #tpu.memory_space<vmem>> -> memref<1x16xi32, #tpu.memory_space<vmem>>
    %dma_start3A_151 = tpu.memref_squeeze %dma_start3A_150 : memref<1x16xi32, #tpu.memory_space<vmem>> -> memref<16xi32, #tpu.memory_space<vmem>>
    %dma_start3A_152 = tpu.memref_slice %arg4[%add3A_143] : memref<320000xi32, #tpu.memory_space<hbm>> -> memref<16xi32, #tpu.memory_space<hbm>>
    tpu.enqueue_dma source(%dma_start3A_152 : memref<16xi32, #tpu.memory_space<hbm>>) target(%dma_start3A_151 : memref<16xi32, #tpu.memory_space<vmem>>) target_semaphore(%arg17 : memref<!tpu.dma_semaphore, #tpu.memory_space<semaphore_mem>>)
    %dma_start3A_153 = arith.constant 0 : i32
    %dma_start3A_154 = arith.constant 0 : i32
    %dma_start3A_155 = tpu.memref_slice %arg13[%dma_start3A_153, %dma_start3A_154] : memref<64x128xf32, #tpu.memory_space<vmem>> -> memref<16x128xf32, #tpu.memory_space<vmem>>
    %dma_start3A_156 = arith.constant 9984 : i32
    %dma_start3A_157 = tpu.memref_slice %arg7[%dma_start3A_156] : memref<10000xi32, #tpu.memory_space<vmem>> -> memref<16xi32, #tpu.memory_space<vmem>>
    %dma_start3A_158 = arith.constant 0 : i32
    %dma_start3A_159 = arith.constant 0 : i32
    %dma_start3A_160 = tpu.memref_slice %arg2[%dma_start3A_158, %dma_start3A_159] : memref<20000x128xf32, #tpu.memory_space<hbm>> -> memref<20000x128xf32, #tpu.memory_space<hbm>>
    tpu.enqueue_indirect_dma source(%dma_start3A_160 : memref<20000x128xf32, #tpu.memory_space<hbm>>) target(%dma_start3A_155 : memref<16x128xf32, #tpu.memory_space<vmem>>) offsets(%dma_start3A_157 : memref<16xi32, #tpu.memory_space<vmem>>) semaphore(%arg21 : memref<!tpu.dma_semaphore, #tpu.memory_space<semaphore_mem>>)
    %add3A_161 = arith.constant 9984 : i32
    %add3A_162 = arith.addi %mul3A_2, %add3A_161 : i32
    %dma_wait3A_163 = arith.constant 0 : i32
    %dma_wait3A_164 = arith.constant 0 : i32
    %dma_wait3A_165 = tpu.memref_slice %arg12[%dma_wait3A_163, %dma_wait3A_164] : memref<1x16xi32, #tpu.memory_space<vmem>> -> memref<1x16xi32, #tpu.memory_space<vmem>>
    %dma_wait3A_166 = tpu.memref_squeeze %dma_wait3A_165 : memref<1x16xi32, #tpu.memory_space<vmem>> -> memref<16xi32, #tpu.memory_space<vmem>>
    %dma_wait3A_167 = tpu.memref_slice %arg4[%add3A_162] : memref<320000xi32, #tpu.memory_space<hbm>> -> memref<16xi32, #tpu.memory_space<hbm>>
    %dma_wait3A_168 = arith.constant 0 : i32
    %dma_wait3A_169 = tpu.memref_slice %arg12[%dma_wait3A_163, %dma_wait3A_168] : memref<1x16xi32, #tpu.memory_space<vmem>> -> memref<1x16xi32, #tpu.memory_space<vmem>>
    %dma_wait3A_170 = tpu.memref_squeeze %dma_wait3A_169 : memref<1x16xi32, #tpu.memory_space<vmem>> -> memref<16xi32, #tpu.memory_space<vmem>>
    %dma_wait3A_171 = tpu.memref_slice %arg4[%add3A_162] : memref<320000xi32, #tpu.memory_space<hbm>> -> memref<16xi32, #tpu.memory_space<hbm>>
    tpu.wait_dma2 semaphore(%arg17 : memref<!tpu.dma_semaphore, #tpu.memory_space<semaphore_mem>>) src(%dma_wait3A_171 : memref<16xi32, #tpu.memory_space<hbm>>) dst(%dma_wait3A_170 : memref<16xi32, #tpu.memory_space<vmem>>)
    %dma_wait3A_172 = arith.constant 0 : i32
    %dma_wait3A_173 = arith.constant 0 : i32
    %dma_wait3A_174 = tpu.memref_slice %arg13[%dma_wait3A_172, %dma_wait3A_173] : memref<64x128xf32, #tpu.memory_space<vmem>> -> memref<16x128xf32, #tpu.memory_space<vmem>>
    %dma_wait3A_175 = arith.constant 9984 : i32
    %dma_wait3A_176 = tpu.memref_slice %arg7[%dma_wait3A_175] : memref<10000xi32, #tpu.memory_space<vmem>> -> memref<16xi32, #tpu.memory_space<vmem>>
    %dma_wait3A_177 = arith.constant 0 : i32
    %dma_wait3A_178 = arith.constant 0 : i32
    %dma_wait3A_179 = tpu.memref_slice %arg2[%dma_wait3A_177, %dma_wait3A_178] : memref<20000x128xf32, #tpu.memory_space<hbm>> -> memref<20000x128xf32, #tpu.memory_space<hbm>>
    tpu.wait_indirect_dma semaphore(%arg21 : memref<!tpu.dma_semaphore, #tpu.memory_space<semaphore_mem>>) src(%dma_wait3A_179 : memref<20000x128xf32, #tpu.memory_space<hbm>>) dst(%dma_wait3A_174 : memref<16x128xf32, #tpu.memory_space<vmem>>)
    %run_scoped3A = arith.constant 0 : i32
    "tpu.region"() ({
      %run_scoped3A_191 = tpu.sem_alloc : memref<!tpu.dma_semaphore, #tpu.memory_space<semaphore_mem>>
      %dma_start3A_192 = arith.constant 0 : i32
      %dma_start3A_193 = arith.constant 0 : i32
      %dma_start3A_194 = tpu.memref_slice %arg13[%dma_start3A_192, %dma_start3A_193] : memref<64x128xf32, #tpu.memory_space<vmem>> -> memref<16x128xf32, #tpu.memory_space<vmem>>
      %dma_start3A_195 = arith.constant 0 : i32
      %dma_start3A_196 = tpu.memref_slice %arg12[%run_scoped3A, %dma_start3A_195] : memref<1x16xi32, #tpu.memory_space<vmem>> -> memref<1x16xi32, #tpu.memory_space<vmem>>
      %dma_start3A_197 = tpu.memref_squeeze %dma_start3A_196 : memref<1x16xi32, #tpu.memory_space<vmem>> -> memref<16xi32, #tpu.memory_space<vmem>>
      %dma_start3A_198 = arith.constant 0 : i32
      %dma_start3A_199 = arith.constant 0 : i32
      %dma_start3A_200 = tpu.memref_slice %arg6[%dma_start3A_198, %dma_start3A_199] : memref<10000x128xf32, #tpu.memory_space<vmem_shared>> -> memref<10000x128xf32, #tpu.memory_space<vmem_shared>>
      tpu.enqueue_indirect_dma source(%dma_start3A_194 : memref<16x128xf32, #tpu.memory_space<vmem>>) target(%dma_start3A_200 : memref<10000x128xf32, #tpu.memory_space<vmem_shared>>) offsets(%dma_start3A_197 : memref<16xi32, #tpu.memory_space<vmem>>) semaphore(%run_scoped3A_191 : memref<!tpu.dma_semaphore, #tpu.memory_space<semaphore_mem>>) {add = true}
      %dma_wait3A_201 = arith.constant 0 : i32
      %dma_wait3A_202 = arith.constant 0 : i32
      %dma_wait3A_203 = tpu.memref_slice %arg13[%dma_wait3A_201, %dma_wait3A_202] : memref<64x128xf32, #tpu.memory_space<vmem>> -> memref<16x128xf32, #tpu.memory_space<vmem>>
      %dma_wait3A_204 = arith.constant 0 : i32
      %dma_wait3A_205 = tpu.memref_slice %arg12[%run_scoped3A, %dma_wait3A_204] : memref<1x16xi32, #tpu.memory_space<vmem>> -> memref<1x16xi32, #tpu.memory_space<vmem>>
      %dma_wait3A_206 = tpu.memref_squeeze %dma_wait3A_205 : memref<1x16xi32, #tpu.memory_space<vmem>> -> memref<16xi32, #tpu.memory_space<vmem>>
      %dma_wait3A_207 = arith.constant 0 : i32
      %dma_wait3A_208 = arith.constant 0 : i32
      %dma_wait3A_209 = tpu.memref_slice %arg6[%dma_wait3A_207, %dma_wait3A_208] : memref<10000x128xf32, #tpu.memory_space<vmem_shared>> -> memref<10000x128xf32, #tpu.memory_space<vmem_shared>>
      tpu.wait_indirect_dma semaphore(%run_scoped3A_191 : memref<!tpu.dma_semaphore, #tpu.memory_space<semaphore_mem>>) src(%dma_wait3A_203 : memref<16x128xf32, #tpu.memory_space<vmem>>) dst(%dma_wait3A_209 : memref<10000x128xf32, #tpu.memory_space<vmem_shared>>)
      tpu.yield
    }) : () -> ()
    %barrier3A_180 = arith.constant 0 : index
    tpu.barrier barrier_id(%barrier3A_180)
    %eq3A_181 = arith.constant 15 : i32
    %eq3A_182 = arith.cmpi eq, %arg1, %eq3A_181 : i32
    %convert_element_type3A_183 = arith.extui %eq3A_182 : i1 to i32
    %cond3A_184 = arith.constant 0 : i32
    %cond3A_185 = arith.cmpi ne, %convert_element_type3A_183, %cond3A_184 : i32
    scf.if %cond3A_185 {
      "tpu.region"() ({
        %run_scoped3A_191 = tpu.sem_alloc : memref<!tpu.dma_semaphore, #tpu.memory_space<semaphore_mem>>
        %dma_start3A_192 = arith.constant 0 : i32
        %dma_start3A_193 = tpu.memref_slice %arg5[%arg0, %mul3A_4, %dma_start3A_192] : memref<2x10000x128xf32, #tpu.memory_space<hbm>> -> memref<1x640x128xf32, #tpu.memory_space<hbm>>
        %dma_start3A_194 = tpu.memref_squeeze %dma_start3A_193 : memref<1x640x128xf32, #tpu.memory_space<hbm>> -> memref<640x128xf32, #tpu.memory_space<hbm>>
        %dma_start3A_195 = arith.constant 0 : i32
        %dma_start3A_196 = tpu.memref_slice %arg6[%mul3A_4, %dma_start3A_195] : memref<10000x128xf32, #tpu.memory_space<vmem_shared>> -> memref<640x128xf32, #tpu.memory_space<vmem_shared>>
        tpu.enqueue_dma source(%dma_start3A_196 : memref<640x128xf32, #tpu.memory_space<vmem_shared>>) target(%dma_start3A_194 : memref<640x128xf32, #tpu.memory_space<hbm>>) target_semaphore(%run_scoped3A_191 : memref<!tpu.dma_semaphore, #tpu.memory_space<semaphore_mem>>)
        %dma_wait3A_197 = arith.constant 0 : i32
        %dma_wait3A_198 = tpu.memref_slice %arg5[%arg0, %mul3A_4, %dma_wait3A_197] : memref<2x10000x128xf32, #tpu.memory_space<hbm>> -> memref<1x640x128xf32, #tpu.memory_space<hbm>>
        %dma_wait3A_199 = tpu.memref_squeeze %dma_wait3A_198 : memref<1x640x128xf32, #tpu.memory_space<hbm>> -> memref<640x128xf32, #tpu.memory_space<hbm>>
        %dma_wait3A_200 = arith.constant 0 : i32
        %dma_wait3A_201 = tpu.memref_slice %arg6[%mul3A_4, %dma_wait3A_200] : memref<10000x128xf32, #tpu.memory_space<vmem_shared>> -> memref<640x128xf32, #tpu.memory_space<vmem_shared>>
        tpu.wait_dma2 semaphore(%run_scoped3A_191 : memref<!tpu.dma_semaphore, #tpu.memory_space<semaphore_mem>>) src(%dma_wait3A_201 : memref<640x128xf32, #tpu.memory_space<vmem_shared>>) dst(%dma_wait3A_199 : memref<640x128xf32, #tpu.memory_space<hbm>>)
        tpu.yield
      }) : () -> ()
    } else {
    }
    %ne3A_186 = arith.constant 15 : i32
    %ne3A_187 = arith.cmpi ne, %arg1, %ne3A_186 : i32
    %convert_element_type3A_188 = arith.extui %ne3A_187 : i1 to i32
    %cond3A_189 = arith.constant 0 : i32
    %cond3A_190 = arith.cmpi ne, %convert_element_type3A_188, %cond3A_189 : i32
    scf.if %cond3A_190 {
      "tpu.region"() ({
        %run_scoped3A_191 = tpu.sem_alloc : memref<!tpu.dma_semaphore, #tpu.memory_space<semaphore_mem>>
        %dma_start3A_192 = arith.constant 0 : i32
        %dma_start3A_193 = tpu.memref_slice %arg5[%arg0, %mul3A_4, %dma_start3A_192] : memref<2x10000x128xf32, #tpu.memory_space<hbm>> -> memref<1x624x128xf32, #tpu.memory_space<hbm>>
        %dma_start3A_194 = tpu.memref_squeeze %dma_start3A_193 : memref<1x624x128xf32, #tpu.memory_space<hbm>> -> memref<624x128xf32, #tpu.memory_space<hbm>>
        %dma_start3A_195 = arith.constant 0 : i32
        %dma_start3A_196 = tpu.memref_slice %arg6[%mul3A_4, %dma_start3A_195] : memref<10000x128xf32, #tpu.memory_space<vmem_shared>> -> memref<624x128xf32, #tpu.memory_space<vmem_shared>>
        tpu.enqueue_dma source(%dma_start3A_196 : memref<624x128xf32, #tpu.memory_space<vmem_shared>>) target(%dma_start3A_194 : memref<624x128xf32, #tpu.memory_space<hbm>>) target_semaphore(%run_scoped3A_191 : memref<!tpu.dma_semaphore, #tpu.memory_space<semaphore_mem>>)
        %dma_wait3A_197 = arith.constant 0 : i32
        %dma_wait3A_198 = tpu.memref_slice %arg5[%arg0, %mul3A_4, %dma_wait3A_197] : memref<2x10000x128xf32, #tpu.memory_space<hbm>> -> memref<1x624x128xf32, #tpu.memory_space<hbm>>
        %dma_wait3A_199 = tpu.memref_squeeze %dma_wait3A_198 : memref<1x624x128xf32, #tpu.memory_space<hbm>> -> memref<624x128xf32, #tpu.memory_space<hbm>>
        %dma_wait3A_200 = arith.constant 0 : i32
        %dma_wait3A_201 = tpu.memref_slice %arg6[%mul3A_4, %dma_wait3A_200] : memref<10000x128xf32, #tpu.memory_space<vmem_shared>> -> memref<624x128xf32, #tpu.memory_space<vmem_shared>>
        tpu.wait_dma2 semaphore(%run_scoped3A_191 : memref<!tpu.dma_semaphore, #tpu.memory_space<semaphore_mem>>) src(%dma_wait3A_201 : memref<624x128xf32, #tpu.memory_space<vmem_shared>>) dst(%dma_wait3A_199 : memref<624x128xf32, #tpu.memory_space<hbm>>)
        tpu.yield
      }) : () -> ()
    } else {
    }
    return
  }
}

#map = affine_map<(d0, d1) -> (0, 0)>
#map1 = affine_map<(d0, d1) -> (0)>
#map2 = affine_map<(d0, d1) -> (0, 0, 0)>
module attributes {stable_mosaic.version = 14 : i64} {
  func.func @_sc_aggregate(%arg0: i32, %arg1: i32, %arg2: memref<20000x128xf32, #tpu.memory_space<hbm>>, %arg3: memref<320000xi32, #tpu.memory_space<hbm>>, %arg4: memref<320000xi32, #tpu.memory_space<hbm>>, %arg5: memref<2x10000x128xf32, #tpu.memory_space<hbm>>, %arg6: memref<10000x128xf32, #tpu.memory_space<vmem_shared>>, %arg7: memref<10000xi32, #tpu.memory_space<vmem>>, %arg8: memref<1x64xi32, #tpu.memory_space<vmem>>, %arg9: memref<1x64xi32, #tpu.memory_space<vmem>>, %arg10: memref<1x64xi32, #tpu.memory_space<vmem>>, %arg11: memref<1x64xi32, #tpu.memory_space<vmem>>, %arg12: memref<1x16xi32, #tpu.memory_space<vmem>>, %arg13: memref<64x128xf32, #tpu.memory_space<vmem>>, %arg14: memref<64x128xf32, #tpu.memory_space<vmem>>, %arg15: memref<64x128xf32, #tpu.memory_space<vmem>>, %arg16: memref<64x128xf32, #tpu.memory_space<vmem>>, %arg17: memref<!tpu.dma_semaphore, #tpu.memory_space<semaphore_mem>>, %arg18: memref<!tpu.dma_semaphore, #tpu.memory_space<semaphore_mem>>, %arg19: memref<!tpu.dma_semaphore, #tpu.memory_space<semaphore_mem>>, %arg20: memref<!tpu.dma_semaphore, #tpu.memory_space<semaphore_mem>>, %arg21: memref<!tpu.dma_semaphore, #tpu.memory_space<semaphore_mem>>, %arg22: memref<!tpu.dma_semaphore, #tpu.memory_space<semaphore_mem>>, %arg23: memref<!tpu.dma_semaphore, #tpu.memory_space<semaphore_mem>>, %arg24: memref<!tpu.dma_semaphore, #tpu.memory_space<semaphore_mem>>, %arg25: memref<!tpu.dma_semaphore, #tpu.memory_space<semaphore_mem>>, %arg26: memref<!tpu.dma_semaphore, #tpu.memory_space<semaphore_mem>>, %arg27: memref<!tpu.dma_semaphore, #tpu.memory_space<semaphore_mem>>, %arg28: memref<!tpu.dma_semaphore, #tpu.memory_space<semaphore_mem>>) attributes {dimension_semantics = [#tpu.dimension_semantics<core_parallel>, #tpu.dimension_semantics<subcore_parallel>], iteration_bounds = array<i64: 2, 16>, scalar_prefetch = 0 : i64, scratch_operands = 23 : i64, tpu.core_type = #tpu.core_type<sc_vector_subcore>, window_params = [{transform_indices = #map}, {transform_indices = #map1}, {transform_indices = #map1}, {transform_indices = #map2}]} {
    %mul3A = arith.constant 16 : i32
    %mul3A_0 = arith.muli %arg0, %mul3A : i32
    %add3A = arith.addi %mul3A_0, %arg1 : i32
    %mul3A_1 = arith.constant 10000 : i32
    %mul3A_2 = arith.muli %add3A, %mul3A_1 : i32
    "tpu.region"() ({
      %run_scoped3A_191 = tpu.sem_alloc : memref<!tpu.dma_semaphore, #tpu.memory_space<semaphore_mem>>
      %dma_start3A_192 = tpu.memref_slice %arg3[%mul3A_2] : memref<320000xi32, #tpu.memory_space<hbm>> -> memref<10000xi32, #tpu.memory_space<hbm>>
      %dma_start3A_193 = tpu.memref_slice %arg3[%mul3A_2] : memref<320000xi32, #tpu.memory_space<hbm>> -> memref<10000xi32, #tpu.memory_space<hbm>>
      tpu.enqueue_dma source(%dma_start3A_193 : memref<10000xi32, #tpu.memory_space<hbm>>) target(%arg7 : memref<10000xi32, #tpu.memory_space<vmem>>) target_semaphore(%run_scoped3A_191 : memref<!tpu.dma_semaphore, #tpu.memory_space<semaphore_mem>>)
      %dma_wait3A_194 = tpu.memref_slice %arg3[%mul3A_2] : memref<320000xi32, #tpu.memory_space<hbm>> -> memref<10000xi32, #tpu.memory_space<hbm>>
      %dma_wait3A_195 = tpu.memref_slice %arg3[%mul3A_2] : memref<320000xi32, #tpu.memory_space<hbm>> -> memref<10000xi32, #tpu.memory_space<hbm>>
      tpu.wait_dma2 semaphore(%run_scoped3A_191 : memref<!tpu.dma_semaphore, #tpu.memory_space<semaphore_mem>>) src(%dma_wait3A_195 : memref<10000xi32, #tpu.memory_space<hbm>>) dst(%arg7 : memref<10000xi32, #tpu.memory_space<vmem>>)
      tpu.yield
    }) : () -> ()
    %mul3A_3 = arith.constant 624 : i32
    %mul3A_4 = arith.muli %arg1, %mul3A_3 : i32
    %eq3A = arith.constant 15 : i32
    %eq3A_5 = arith.cmpi eq, %arg1, %eq3A : i32
    %convert_element_type3A = arith.extui %eq3A_5 : i1 to i32
    %cond3A = arith.constant 0 : i32
    %cond3A_6 = arith.cmpi ne, %convert_element_type3A, %cond3A : i32
    scf.if %cond3A_6 {
      %mul3A_191 = arith.constant 10000 : i32
      %mul3A_192 = arith.muli %arg0, %mul3A_191 : i32
      %add3A_193 = arith.addi %mul3A_192, %mul3A_4 : i32
      "tpu.region"() ({
        %run_scoped3A_194 = tpu.sem_alloc : memref<!tpu.dma_semaphore, #tpu.memory_space<semaphore_mem>>
        %dma_start3A_195 = arith.constant 0 : i32
        %dma_start3A_196 = tpu.memref_slice %arg6[%mul3A_4, %dma_start3A_195] : memref<10000x128xf32, #tpu.memory_space<vmem_shared>> -> memref<640x128xf32, #tpu.memory_space<vmem_shared>>
        %dma_start3A_197 = arith.constant 0 : i32
        %dma_start3A_198 = tpu.memref_slice %arg2[%add3A_193, %dma_start3A_197] : memref<20000x128xf32, #tpu.memory_space<hbm>> -> memref<640x128xf32, #tpu.memory_space<hbm>>
        tpu.enqueue_dma source(%dma_start3A_198 : memref<640x128xf32, #tpu.memory_space<hbm>>) target(%dma_start3A_196 : memref<640x128xf32, #tpu.memory_space<vmem_shared>>) target_semaphore(%run_scoped3A_194 : memref<!tpu.dma_semaphore, #tpu.memory_space<semaphore_mem>>)
        %dma_wait3A_199 = arith.constant 0 : i32
        %dma_wait3A_200 = tpu.memref_slice %arg6[%mul3A_4, %dma_wait3A_199] : memref<10000x128xf32, #tpu.memory_space<vmem_shared>> -> memref<640x128xf32, #tpu.memory_space<vmem_shared>>
        %dma_wait3A_201 = arith.constant 0 : i32
        %dma_wait3A_202 = tpu.memref_slice %arg2[%add3A_193, %dma_wait3A_201] : memref<20000x128xf32, #tpu.memory_space<hbm>> -> memref<640x128xf32, #tpu.memory_space<hbm>>
        tpu.wait_dma2 semaphore(%run_scoped3A_194 : memref<!tpu.dma_semaphore, #tpu.memory_space<semaphore_mem>>) src(%dma_wait3A_202 : memref<640x128xf32, #tpu.memory_space<hbm>>) dst(%dma_wait3A_200 : memref<640x128xf32, #tpu.memory_space<vmem_shared>>)
        tpu.yield
      }) : () -> ()
    } else {
    }
    %ne3A = arith.constant 15 : i32
    %ne3A_7 = arith.cmpi ne, %arg1, %ne3A : i32
    %convert_element_type3A_8 = arith.extui %ne3A_7 : i1 to i32
    %cond3A_9 = arith.constant 0 : i32
    %cond3A_10 = arith.cmpi ne, %convert_element_type3A_8, %cond3A_9 : i32
    scf.if %cond3A_10 {
      %mul3A_191 = arith.constant 10000 : i32
      %mul3A_192 = arith.muli %arg0, %mul3A_191 : i32
      %add3A_193 = arith.addi %mul3A_192, %mul3A_4 : i32
      "tpu.region"() ({
        %run_scoped3A_194 = tpu.sem_alloc : memref<!tpu.dma_semaphore, #tpu.memory_space<semaphore_mem>>
        %dma_start3A_195 = arith.constant 0 : i32
        %dma_start3A_196 = tpu.memref_slice %arg6[%mul3A_4, %dma_start3A_195] : memref<10000x128xf32, #tpu.memory_space<vmem_shared>> -> memref<624x128xf32, #tpu.memory_space<vmem_shared>>
        %dma_start3A_197 = arith.constant 0 : i32
        %dma_start3A_198 = tpu.memref_slice %arg2[%add3A_193, %dma_start3A_197] : memref<20000x128xf32, #tpu.memory_space<hbm>> -> memref<624x128xf32, #tpu.memory_space<hbm>>
        tpu.enqueue_dma source(%dma_start3A_198 : memref<624x128xf32, #tpu.memory_space<hbm>>) target(%dma_start3A_196 : memref<624x128xf32, #tpu.memory_space<vmem_shared>>) target_semaphore(%run_scoped3A_194 : memref<!tpu.dma_semaphore, #tpu.memory_space<semaphore_mem>>)
        %dma_wait3A_199 = arith.constant 0 : i32
        %dma_wait3A_200 = tpu.memref_slice %arg6[%mul3A_4, %dma_wait3A_199] : memref<10000x128xf32, #tpu.memory_space<vmem_shared>> -> memref<624x128xf32, #tpu.memory_space<vmem_shared>>
        %dma_wait3A_201 = arith.constant 0 : i32
        %dma_wait3A_202 = tpu.memref_slice %arg2[%add3A_193, %dma_wait3A_201] : memref<20000x128xf32, #tpu.memory_space<hbm>> -> memref<624x128xf32, #tpu.memory_space<hbm>>
        tpu.wait_dma2 semaphore(%run_scoped3A_194 : memref<!tpu.dma_semaphore, #tpu.memory_space<semaphore_mem>>) src(%dma_wait3A_202 : memref<624x128xf32, #tpu.memory_space<hbm>>) dst(%dma_wait3A_200 : memref<624x128xf32, #tpu.memory_space<vmem_shared>>)
        tpu.yield
      }) : () -> ()
    } else {
    }
    %barrier3A = arith.constant 0 : index
    tpu.barrier barrier_id(%barrier3A)
    %add3A_11 = arith.constant 0 : i32
    %add3A_12 = arith.addi %mul3A_2, %add3A_11 : i32
    %dma_start3A = arith.constant 0 : i32
    %dma_start3A_13 = arith.constant 0 : i32
    %dma_start3A_14 = tpu.memref_slice %arg8[%dma_start3A, %dma_start3A_13] : memref<1x64xi32, #tpu.memory_space<vmem>> -> memref<1x64xi32, #tpu.memory_space<vmem>>
    %dma_start3A_15 = tpu.memref_squeeze %dma_start3A_14 : memref<1x64xi32, #tpu.memory_space<vmem>> -> memref<64xi32, #tpu.memory_space<vmem>>
    %dma_start3A_16 = tpu.memref_slice %arg4[%add3A_12] : memref<320000xi32, #tpu.memory_space<hbm>> -> memref<64xi32, #tpu.memory_space<hbm>>
    %dma_start3A_17 = arith.constant 0 : i32
    %dma_start3A_18 = tpu.memref_slice %arg8[%dma_start3A, %dma_start3A_17] : memref<1x64xi32, #tpu.memory_space<vmem>> -> memref<1x64xi32, #tpu.memory_space<vmem>>
    %dma_start3A_19 = tpu.memref_squeeze %dma_start3A_18 : memref<1x64xi32, #tpu.memory_space<vmem>> -> memref<64xi32, #tpu.memory_space<vmem>>
    %dma_start3A_20 = tpu.memref_slice %arg4[%add3A_12] : memref<320000xi32, #tpu.memory_space<hbm>> -> memref<64xi32, #tpu.memory_space<hbm>>
    tpu.enqueue_dma source(%dma_start3A_20 : memref<64xi32, #tpu.memory_space<hbm>>) target(%dma_start3A_19 : memref<64xi32, #tpu.memory_space<vmem>>) target_semaphore(%arg17 : memref<!tpu.dma_semaphore, #tpu.memory_space<semaphore_mem>>)
    %dma_start3A_21 = arith.constant 0 : i32
    %dma_start3A_22 = tpu.memref_slice %arg7[%dma_start3A_21] : memref<10000xi32, #tpu.memory_space<vmem>> -> memref<64xi32, #tpu.memory_space<vmem>>
    %dma_start3A_23 = arith.constant 0 : i32
    %dma_start3A_24 = arith.constant 0 : i32
    %dma_start3A_25 = tpu.memref_slice %arg2[%dma_start3A_23, %dma_start3A_24] : memref<20000x128xf32, #tpu.memory_space<hbm>> -> memref<20000x128xf32, #tpu.memory_space<hbm>>
    tpu.enqueue_indirect_dma source(%dma_start3A_25 : memref<20000x128xf32, #tpu.memory_space<hbm>>) target(%arg13 : memref<64x128xf32, #tpu.memory_space<vmem>>) offsets(%dma_start3A_22 : memref<64xi32, #tpu.memory_space<vmem>>) semaphore(%arg21 : memref<!tpu.dma_semaphore, #tpu.memory_space<semaphore_mem>>)
    %add3A_26 = arith.constant 64 : i32
    %add3A_27 = arith.addi %mul3A_2, %add3A_26 : i32
    %dma_start3A_28 = arith.constant 0 : i32
    %dma_start3A_29 = arith.constant 0 : i32
    %dma_start3A_30 = tpu.memref_slice %arg9[%dma_start3A_28, %dma_start3A_29] : memref<1x64xi32, #tpu.memory_space<vmem>> -> memref<1x64xi32, #tpu.memory_space<vmem>>
    %dma_start3A_31 = tpu.memref_squeeze %dma_start3A_30 : memref<1x64xi32, #tpu.memory_space<vmem>> -> memref<64xi32, #tpu.memory_space<vmem>>
    %dma_start3A_32 = tpu.memref_slice %arg4[%add3A_27] : memref<320000xi32, #tpu.memory_space<hbm>> -> memref<64xi32, #tpu.memory_space<hbm>>
    %dma_start3A_33 = arith.constant 0 : i32
    %dma_start3A_34 = tpu.memref_slice %arg9[%dma_start3A_28, %dma_start3A_33] : memref<1x64xi32, #tpu.memory_space<vmem>> -> memref<1x64xi32, #tpu.memory_space<vmem>>
    %dma_start3A_35 = tpu.memref_squeeze %dma_start3A_34 : memref<1x64xi32, #tpu.memory_space<vmem>> -> memref<64xi32, #tpu.memory_space<vmem>>
    %dma_start3A_36 = tpu.memref_slice %arg4[%add3A_27] : memref<320000xi32, #tpu.memory_space<hbm>> -> memref<64xi32, #tpu.memory_space<hbm>>
    tpu.enqueue_dma source(%dma_start3A_36 : memref<64xi32, #tpu.memory_space<hbm>>) target(%dma_start3A_35 : memref<64xi32, #tpu.memory_space<vmem>>) target_semaphore(%arg18 : memref<!tpu.dma_semaphore, #tpu.memory_space<semaphore_mem>>)
    %dma_start3A_37 = arith.constant 64 : i32
    %dma_start3A_38 = tpu.memref_slice %arg7[%dma_start3A_37] : memref<10000xi32, #tpu.memory_space<vmem>> -> memref<64xi32, #tpu.memory_space<vmem>>
    %dma_start3A_39 = arith.constant 0 : i32
    %dma_start3A_40 = arith.constant 0 : i32
    %dma_start3A_41 = tpu.memref_slice %arg2[%dma_start3A_39, %dma_start3A_40] : memref<20000x128xf32, #tpu.memory_space<hbm>> -> memref<20000x128xf32, #tpu.memory_space<hbm>>
    tpu.enqueue_indirect_dma source(%dma_start3A_41 : memref<20000x128xf32, #tpu.memory_space<hbm>>) target(%arg14 : memref<64x128xf32, #tpu.memory_space<vmem>>) offsets(%dma_start3A_38 : memref<64xi32, #tpu.memory_space<vmem>>) semaphore(%arg22 : memref<!tpu.dma_semaphore, #tpu.memory_space<semaphore_mem>>)
    %add3A_42 = arith.constant 128 : i32
    %add3A_43 = arith.addi %mul3A_2, %add3A_42 : i32
    %dma_start3A_44 = arith.constant 0 : i32
    %dma_start3A_45 = arith.constant 0 : i32
    %dma_start3A_46 = tpu.memref_slice %arg10[%dma_start3A_44, %dma_start3A_45] : memref<1x64xi32, #tpu.memory_space<vmem>> -> memref<1x64xi32, #tpu.memory_space<vmem>>
    %dma_start3A_47 = tpu.memref_squeeze %dma_start3A_46 : memref<1x64xi32, #tpu.memory_space<vmem>> -> memref<64xi32, #tpu.memory_space<vmem>>
    %dma_start3A_48 = tpu.memref_slice %arg4[%add3A_43] : memref<320000xi32, #tpu.memory_space<hbm>> -> memref<64xi32, #tpu.memory_space<hbm>>
    %dma_start3A_49 = arith.constant 0 : i32
    %dma_start3A_50 = tpu.memref_slice %arg10[%dma_start3A_44, %dma_start3A_49] : memref<1x64xi32, #tpu.memory_space<vmem>> -> memref<1x64xi32, #tpu.memory_space<vmem>>
    %dma_start3A_51 = tpu.memref_squeeze %dma_start3A_50 : memref<1x64xi32, #tpu.memory_space<vmem>> -> memref<64xi32, #tpu.memory_space<vmem>>
    %dma_start3A_52 = tpu.memref_slice %arg4[%add3A_43] : memref<320000xi32, #tpu.memory_space<hbm>> -> memref<64xi32, #tpu.memory_space<hbm>>
    tpu.enqueue_dma source(%dma_start3A_52 : memref<64xi32, #tpu.memory_space<hbm>>) target(%dma_start3A_51 : memref<64xi32, #tpu.memory_space<vmem>>) target_semaphore(%arg19 : memref<!tpu.dma_semaphore, #tpu.memory_space<semaphore_mem>>)
    %dma_start3A_53 = arith.constant 128 : i32
    %dma_start3A_54 = tpu.memref_slice %arg7[%dma_start3A_53] : memref<10000xi32, #tpu.memory_space<vmem>> -> memref<64xi32, #tpu.memory_space<vmem>>
    %dma_start3A_55 = arith.constant 0 : i32
    %dma_start3A_56 = arith.constant 0 : i32
    %dma_start3A_57 = tpu.memref_slice %arg2[%dma_start3A_55, %dma_start3A_56] : memref<20000x128xf32, #tpu.memory_space<hbm>> -> memref<20000x128xf32, #tpu.memory_space<hbm>>
    tpu.enqueue_indirect_dma source(%dma_start3A_57 : memref<20000x128xf32, #tpu.memory_space<hbm>>) target(%arg15 : memref<64x128xf32, #tpu.memory_space<vmem>>) offsets(%dma_start3A_54 : memref<64xi32, #tpu.memory_space<vmem>>) semaphore(%arg23 : memref<!tpu.dma_semaphore, #tpu.memory_space<semaphore_mem>>)
    %add3A_58 = arith.constant 192 : i32
    %add3A_59 = arith.addi %mul3A_2, %add3A_58 : i32
    %dma_start3A_60 = arith.constant 0 : i32
    %dma_start3A_61 = arith.constant 0 : i32
    %dma_start3A_62 = tpu.memref_slice %arg11[%dma_start3A_60, %dma_start3A_61] : memref<1x64xi32, #tpu.memory_space<vmem>> -> memref<1x64xi32, #tpu.memory_space<vmem>>
    %dma_start3A_63 = tpu.memref_squeeze %dma_start3A_62 : memref<1x64xi32, #tpu.memory_space<vmem>> -> memref<64xi32, #tpu.memory_space<vmem>>
    %dma_start3A_64 = tpu.memref_slice %arg4[%add3A_59] : memref<320000xi32, #tpu.memory_space<hbm>> -> memref<64xi32, #tpu.memory_space<hbm>>
    %dma_start3A_65 = arith.constant 0 : i32
    %dma_start3A_66 = tpu.memref_slice %arg11[%dma_start3A_60, %dma_start3A_65] : memref<1x64xi32, #tpu.memory_space<vmem>> -> memref<1x64xi32, #tpu.memory_space<vmem>>
    %dma_start3A_67 = tpu.memref_squeeze %dma_start3A_66 : memref<1x64xi32, #tpu.memory_space<vmem>> -> memref<64xi32, #tpu.memory_space<vmem>>
    %dma_start3A_68 = tpu.memref_slice %arg4[%add3A_59] : memref<320000xi32, #tpu.memory_space<hbm>> -> memref<64xi32, #tpu.memory_space<hbm>>
    tpu.enqueue_dma source(%dma_start3A_68 : memref<64xi32, #tpu.memory_space<hbm>>) target(%dma_start3A_67 : memref<64xi32, #tpu.memory_space<vmem>>) target_semaphore(%arg20 : memref<!tpu.dma_semaphore, #tpu.memory_space<semaphore_mem>>)
    %dma_start3A_69 = arith.constant 192 : i32
    %dma_start3A_70 = tpu.memref_slice %arg7[%dma_start3A_69] : memref<10000xi32, #tpu.memory_space<vmem>> -> memref<64xi32, #tpu.memory_space<vmem>>
    %dma_start3A_71 = arith.constant 0 : i32
    %dma_start3A_72 = arith.constant 0 : i32
    %dma_start3A_73 = tpu.memref_slice %arg2[%dma_start3A_71, %dma_start3A_72] : memref<20000x128xf32, #tpu.memory_space<hbm>> -> memref<20000x128xf32, #tpu.memory_space<hbm>>
    tpu.enqueue_indirect_dma source(%dma_start3A_73 : memref<20000x128xf32, #tpu.memory_space<hbm>>) target(%arg16 : memref<64x128xf32, #tpu.memory_space<vmem>>) offsets(%dma_start3A_70 : memref<64xi32, #tpu.memory_space<vmem>>) semaphore(%arg24 : memref<!tpu.dma_semaphore, #tpu.memory_space<semaphore_mem>>)
    %scan3A = arith.constant 0 : i32
    %scan3A_74 = arith.constant 0 : i32
    %scan3A_75 = arith.constant 39 : i32
    %scan3A_76 = arith.addi %scan3A_74, %scan3A_75 : i32
    %scan3A_77 = arith.constant 1 : i32
    scf.for %scan3A_191 = %scan3A_74 to %scan3A_76 step %scan3A_77  : i32 {
      %mul3A_192 = arith.constant 4 : i32
      %mul3A_193 = arith.muli %scan3A_191, %mul3A_192 : i32
      %add3A_194 = arith.constant 0 : i32
      %add3A_195 = arith.addi %mul3A_193, %add3A_194 : i32
      %mul3A_196 = arith.constant 64 : i32
      %mul3A_197 = arith.muli %add3A_195, %mul3A_196 : i32
      %dma_wait3A_198 = tpu.memref_slice %arg7[%mul3A_197] : memref<10000xi32, #tpu.memory_space<vmem>> -> memref<64xi32, #tpu.memory_space<vmem>>
      %dma_wait3A_199 = arith.constant 0 : i32
      %dma_wait3A_200 = arith.constant 0 : i32
      %dma_wait3A_201 = tpu.memref_slice %arg2[%dma_wait3A_199, %dma_wait3A_200] : memref<20000x128xf32, #tpu.memory_space<hbm>> -> memref<20000x128xf32, #tpu.memory_space<hbm>>
      tpu.wait_indirect_dma semaphore(%arg21 : memref<!tpu.dma_semaphore, #tpu.memory_space<semaphore_mem>>) src(%dma_wait3A_201 : memref<20000x128xf32, #tpu.memory_space<hbm>>) dst(%arg13 : memref<64x128xf32, #tpu.memory_space<vmem>>)
      %add3A_202 = arith.constant 0 : i32
      %add3A_203 = arith.addi %mul3A_193, %add3A_202 : i32
      %mul3A_204 = arith.constant 64 : i32
      %mul3A_205 = arith.muli %add3A_203, %mul3A_204 : i32
      %add3A_206 = arith.addi %mul3A_2, %mul3A_205 : i32
      %dma_wait3A_207 = arith.constant 0 : i32
      %dma_wait3A_208 = arith.constant 0 : i32
      %dma_wait3A_209 = tpu.memref_slice %arg8[%dma_wait3A_207, %dma_wait3A_208] : memref<1x64xi32, #tpu.memory_space<vmem>> -> memref<1x64xi32, #tpu.memory_space<vmem>>
      %dma_wait3A_210 = tpu.memref_squeeze %dma_wait3A_209 : memref<1x64xi32, #tpu.memory_space<vmem>> -> memref<64xi32, #tpu.memory_space<vmem>>
      %dma_wait3A_211 = tpu.memref_slice %arg4[%add3A_206] : memref<320000xi32, #tpu.memory_space<hbm>> -> memref<64xi32, #tpu.memory_space<hbm>>
      %dma_wait3A_212 = arith.constant 0 : i32
      %dma_wait3A_213 = tpu.memref_slice %arg8[%dma_wait3A_207, %dma_wait3A_212] : memref<1x64xi32, #tpu.memory_space<vmem>> -> memref<1x64xi32, #tpu.memory_space<vmem>>
      %dma_wait3A_214 = tpu.memref_squeeze %dma_wait3A_213 : memref<1x64xi32, #tpu.memory_space<vmem>> -> memref<64xi32, #tpu.memory_space<vmem>>
      %dma_wait3A_215 = tpu.memref_slice %arg4[%add3A_206] : memref<320000xi32, #tpu.memory_space<hbm>> -> memref<64xi32, #tpu.memory_space<hbm>>
      tpu.wait_dma2 semaphore(%arg17 : memref<!tpu.dma_semaphore, #tpu.memory_space<semaphore_mem>>) src(%dma_wait3A_215 : memref<64xi32, #tpu.memory_space<hbm>>) dst(%dma_wait3A_214 : memref<64xi32, #tpu.memory_space<vmem>>)
      %dma_start3A_216 = arith.constant 0 : i32
      %dma_start3A_217 = arith.constant 0 : i32
      %dma_start3A_218 = tpu.memref_slice %arg8[%dma_start3A_216, %dma_start3A_217] : memref<1x64xi32, #tpu.memory_space<vmem>> -> memref<1x64xi32, #tpu.memory_space<vmem>>
      %dma_start3A_219 = tpu.memref_squeeze %dma_start3A_218 : memref<1x64xi32, #tpu.memory_space<vmem>> -> memref<64xi32, #tpu.memory_space<vmem>>
      %dma_start3A_220 = arith.constant 0 : i32
      %dma_start3A_221 = arith.constant 0 : i32
      %dma_start3A_222 = tpu.memref_slice %arg6[%dma_start3A_220, %dma_start3A_221] : memref<10000x128xf32, #tpu.memory_space<vmem_shared>> -> memref<10000x128xf32, #tpu.memory_space<vmem_shared>>
      tpu.enqueue_indirect_dma source(%arg13 : memref<64x128xf32, #tpu.memory_space<vmem>>) target(%dma_start3A_222 : memref<10000x128xf32, #tpu.memory_space<vmem_shared>>) offsets(%dma_start3A_219 : memref<64xi32, #tpu.memory_space<vmem>>) semaphore(%arg25 : memref<!tpu.dma_semaphore, #tpu.memory_space<semaphore_mem>>) {add = true}
      %add3A_223 = arith.constant 1 : i32
      %add3A_224 = arith.addi %mul3A_193, %add3A_223 : i32
      %mul3A_225 = arith.constant 64 : i32
      %mul3A_226 = arith.muli %add3A_224, %mul3A_225 : i32
      %dma_wait3A_227 = tpu.memref_slice %arg7[%mul3A_226] : memref<10000xi32, #tpu.memory_space<vmem>> -> memref<64xi32, #tpu.memory_space<vmem>>
      %dma_wait3A_228 = arith.constant 0 : i32
      %dma_wait3A_229 = arith.constant 0 : i32
      %dma_wait3A_230 = tpu.memref_slice %arg2[%dma_wait3A_228, %dma_wait3A_229] : memref<20000x128xf32, #tpu.memory_space<hbm>> -> memref<20000x128xf32, #tpu.memory_space<hbm>>
      tpu.wait_indirect_dma semaphore(%arg22 : memref<!tpu.dma_semaphore, #tpu.memory_space<semaphore_mem>>) src(%dma_wait3A_230 : memref<20000x128xf32, #tpu.memory_space<hbm>>) dst(%arg14 : memref<64x128xf32, #tpu.memory_space<vmem>>)
      %add3A_231 = arith.constant 1 : i32
      %add3A_232 = arith.addi %mul3A_193, %add3A_231 : i32
      %mul3A_233 = arith.constant 64 : i32
      %mul3A_234 = arith.muli %add3A_232, %mul3A_233 : i32
      %add3A_235 = arith.addi %mul3A_2, %mul3A_234 : i32
      %dma_wait3A_236 = arith.constant 0 : i32
      %dma_wait3A_237 = arith.constant 0 : i32
      %dma_wait3A_238 = tpu.memref_slice %arg9[%dma_wait3A_236, %dma_wait3A_237] : memref<1x64xi32, #tpu.memory_space<vmem>> -> memref<1x64xi32, #tpu.memory_space<vmem>>
      %dma_wait3A_239 = tpu.memref_squeeze %dma_wait3A_238 : memref<1x64xi32, #tpu.memory_space<vmem>> -> memref<64xi32, #tpu.memory_space<vmem>>
      %dma_wait3A_240 = tpu.memref_slice %arg4[%add3A_235] : memref<320000xi32, #tpu.memory_space<hbm>> -> memref<64xi32, #tpu.memory_space<hbm>>
      %dma_wait3A_241 = arith.constant 0 : i32
      %dma_wait3A_242 = tpu.memref_slice %arg9[%dma_wait3A_236, %dma_wait3A_241] : memref<1x64xi32, #tpu.memory_space<vmem>> -> memref<1x64xi32, #tpu.memory_space<vmem>>
      %dma_wait3A_243 = tpu.memref_squeeze %dma_wait3A_242 : memref<1x64xi32, #tpu.memory_space<vmem>> -> memref<64xi32, #tpu.memory_space<vmem>>
      %dma_wait3A_244 = tpu.memref_slice %arg4[%add3A_235] : memref<320000xi32, #tpu.memory_space<hbm>> -> memref<64xi32, #tpu.memory_space<hbm>>
      tpu.wait_dma2 semaphore(%arg18 : memref<!tpu.dma_semaphore, #tpu.memory_space<semaphore_mem>>) src(%dma_wait3A_244 : memref<64xi32, #tpu.memory_space<hbm>>) dst(%dma_wait3A_243 : memref<64xi32, #tpu.memory_space<vmem>>)
      %dma_start3A_245 = arith.constant 0 : i32
      %dma_start3A_246 = arith.constant 0 : i32
      %dma_start3A_247 = tpu.memref_slice %arg9[%dma_start3A_245, %dma_start3A_246] : memref<1x64xi32, #tpu.memory_space<vmem>> -> memref<1x64xi32, #tpu.memory_space<vmem>>
      %dma_start3A_248 = tpu.memref_squeeze %dma_start3A_247 : memref<1x64xi32, #tpu.memory_space<vmem>> -> memref<64xi32, #tpu.memory_space<vmem>>
      %dma_start3A_249 = arith.constant 0 : i32
      %dma_start3A_250 = arith.constant 0 : i32
      %dma_start3A_251 = tpu.memref_slice %arg6[%dma_start3A_249, %dma_start3A_250] : memref<10000x128xf32, #tpu.memory_space<vmem_shared>> -> memref<10000x128xf32, #tpu.memory_space<vmem_shared>>
      tpu.enqueue_indirect_dma source(%arg14 : memref<64x128xf32, #tpu.memory_space<vmem>>) target(%dma_start3A_251 : memref<10000x128xf32, #tpu.memory_space<vmem_shared>>) offsets(%dma_start3A_248 : memref<64xi32, #tpu.memory_space<vmem>>) semaphore(%arg26 : memref<!tpu.dma_semaphore, #tpu.memory_space<semaphore_mem>>) {add = true}
      %add3A_252 = arith.constant 2 : i32
      %add3A_253 = arith.addi %mul3A_193, %add3A_252 : i32
      %mul3A_254 = arith.constant 64 : i32
      %mul3A_255 = arith.muli %add3A_253, %mul3A_254 : i32
      %dma_wait3A_256 = tpu.memref_slice %arg7[%mul3A_255] : memref<10000xi32, #tpu.memory_space<vmem>> -> memref<64xi32, #tpu.memory_space<vmem>>
      %dma_wait3A_257 = arith.constant 0 : i32
      %dma_wait3A_258 = arith.constant 0 : i32
      %dma_wait3A_259 = tpu.memref_slice %arg2[%dma_wait3A_257, %dma_wait3A_258] : memref<20000x128xf32, #tpu.memory_space<hbm>> -> memref<20000x128xf32, #tpu.memory_space<hbm>>
      tpu.wait_indirect_dma semaphore(%arg23 : memref<!tpu.dma_semaphore, #tpu.memory_space<semaphore_mem>>) src(%dma_wait3A_259 : memref<20000x128xf32, #tpu.memory_space<hbm>>) dst(%arg15 : memref<64x128xf32, #tpu.memory_space<vmem>>)
      %add3A_260 = arith.constant 2 : i32
      %add3A_261 = arith.addi %mul3A_193, %add3A_260 : i32
      %mul3A_262 = arith.constant 64 : i32
      %mul3A_263 = arith.muli %add3A_261, %mul3A_262 : i32
      %add3A_264 = arith.addi %mul3A_2, %mul3A_263 : i32
      %dma_wait3A_265 = arith.constant 0 : i32
      %dma_wait3A_266 = arith.constant 0 : i32
      %dma_wait3A_267 = tpu.memref_slice %arg10[%dma_wait3A_265, %dma_wait3A_266] : memref<1x64xi32, #tpu.memory_space<vmem>> -> memref<1x64xi32, #tpu.memory_space<vmem>>
      %dma_wait3A_268 = tpu.memref_squeeze %dma_wait3A_267 : memref<1x64xi32, #tpu.memory_space<vmem>> -> memref<64xi32, #tpu.memory_space<vmem>>
      %dma_wait3A_269 = tpu.memref_slice %arg4[%add3A_264] : memref<320000xi32, #tpu.memory_space<hbm>> -> memref<64xi32, #tpu.memory_space<hbm>>
      %dma_wait3A_270 = arith.constant 0 : i32
      %dma_wait3A_271 = tpu.memref_slice %arg10[%dma_wait3A_265, %dma_wait3A_270] : memref<1x64xi32, #tpu.memory_space<vmem>> -> memref<1x64xi32, #tpu.memory_space<vmem>>
      %dma_wait3A_272 = tpu.memref_squeeze %dma_wait3A_271 : memref<1x64xi32, #tpu.memory_space<vmem>> -> memref<64xi32, #tpu.memory_space<vmem>>
      %dma_wait3A_273 = tpu.memref_slice %arg4[%add3A_264] : memref<320000xi32, #tpu.memory_space<hbm>> -> memref<64xi32, #tpu.memory_space<hbm>>
      tpu.wait_dma2 semaphore(%arg19 : memref<!tpu.dma_semaphore, #tpu.memory_space<semaphore_mem>>) src(%dma_wait3A_273 : memref<64xi32, #tpu.memory_space<hbm>>) dst(%dma_wait3A_272 : memref<64xi32, #tpu.memory_space<vmem>>)
      %dma_start3A_274 = arith.constant 0 : i32
      %dma_start3A_275 = arith.constant 0 : i32
      %dma_start3A_276 = tpu.memref_slice %arg10[%dma_start3A_274, %dma_start3A_275] : memref<1x64xi32, #tpu.memory_space<vmem>> -> memref<1x64xi32, #tpu.memory_space<vmem>>
      %dma_start3A_277 = tpu.memref_squeeze %dma_start3A_276 : memref<1x64xi32, #tpu.memory_space<vmem>> -> memref<64xi32, #tpu.memory_space<vmem>>
      %dma_start3A_278 = arith.constant 0 : i32
      %dma_start3A_279 = arith.constant 0 : i32
      %dma_start3A_280 = tpu.memref_slice %arg6[%dma_start3A_278, %dma_start3A_279] : memref<10000x128xf32, #tpu.memory_space<vmem_shared>> -> memref<10000x128xf32, #tpu.memory_space<vmem_shared>>
      tpu.enqueue_indirect_dma source(%arg15 : memref<64x128xf32, #tpu.memory_space<vmem>>) target(%dma_start3A_280 : memref<10000x128xf32, #tpu.memory_space<vmem_shared>>) offsets(%dma_start3A_277 : memref<64xi32, #tpu.memory_space<vmem>>) semaphore(%arg27 : memref<!tpu.dma_semaphore, #tpu.memory_space<semaphore_mem>>) {add = true}
      %add3A_281 = arith.constant 3 : i32
      %add3A_282 = arith.addi %mul3A_193, %add3A_281 : i32
      %mul3A_283 = arith.constant 64 : i32
      %mul3A_284 = arith.muli %add3A_282, %mul3A_283 : i32
      %dma_wait3A_285 = tpu.memref_slice %arg7[%mul3A_284] : memref<10000xi32, #tpu.memory_space<vmem>> -> memref<64xi32, #tpu.memory_space<vmem>>
      %dma_wait3A_286 = arith.constant 0 : i32
      %dma_wait3A_287 = arith.constant 0 : i32
      %dma_wait3A_288 = tpu.memref_slice %arg2[%dma_wait3A_286, %dma_wait3A_287] : memref<20000x128xf32, #tpu.memory_space<hbm>> -> memref<20000x128xf32, #tpu.memory_space<hbm>>
      tpu.wait_indirect_dma semaphore(%arg24 : memref<!tpu.dma_semaphore, #tpu.memory_space<semaphore_mem>>) src(%dma_wait3A_288 : memref<20000x128xf32, #tpu.memory_space<hbm>>) dst(%arg16 : memref<64x128xf32, #tpu.memory_space<vmem>>)
      %add3A_289 = arith.constant 3 : i32
      %add3A_290 = arith.addi %mul3A_193, %add3A_289 : i32
      %mul3A_291 = arith.constant 64 : i32
      %mul3A_292 = arith.muli %add3A_290, %mul3A_291 : i32
      %add3A_293 = arith.addi %mul3A_2, %mul3A_292 : i32
      %dma_wait3A_294 = arith.constant 0 : i32
      %dma_wait3A_295 = arith.constant 0 : i32
      %dma_wait3A_296 = tpu.memref_slice %arg11[%dma_wait3A_294, %dma_wait3A_295] : memref<1x64xi32, #tpu.memory_space<vmem>> -> memref<1x64xi32, #tpu.memory_space<vmem>>
      %dma_wait3A_297 = tpu.memref_squeeze %dma_wait3A_296 : memref<1x64xi32, #tpu.memory_space<vmem>> -> memref<64xi32, #tpu.memory_space<vmem>>
      %dma_wait3A_298 = tpu.memref_slice %arg4[%add3A_293] : memref<320000xi32, #tpu.memory_space<hbm>> -> memref<64xi32, #tpu.memory_space<hbm>>
      %dma_wait3A_299 = arith.constant 0 : i32
      %dma_wait3A_300 = tpu.memref_slice %arg11[%dma_wait3A_294, %dma_wait3A_299] : memref<1x64xi32, #tpu.memory_space<vmem>> -> memref<1x64xi32, #tpu.memory_space<vmem>>
      %dma_wait3A_301 = tpu.memref_squeeze %dma_wait3A_300 : memref<1x64xi32, #tpu.memory_space<vmem>> -> memref<64xi32, #tpu.memory_space<vmem>>
      %dma_wait3A_302 = tpu.memref_slice %arg4[%add3A_293] : memref<320000xi32, #tpu.memory_space<hbm>> -> memref<64xi32, #tpu.memory_space<hbm>>
      tpu.wait_dma2 semaphore(%arg20 : memref<!tpu.dma_semaphore, #tpu.memory_space<semaphore_mem>>) src(%dma_wait3A_302 : memref<64xi32, #tpu.memory_space<hbm>>) dst(%dma_wait3A_301 : memref<64xi32, #tpu.memory_space<vmem>>)
      %dma_start3A_303 = arith.constant 0 : i32
      %dma_start3A_304 = arith.constant 0 : i32
      %dma_start3A_305 = tpu.memref_slice %arg11[%dma_start3A_303, %dma_start3A_304] : memref<1x64xi32, #tpu.memory_space<vmem>> -> memref<1x64xi32, #tpu.memory_space<vmem>>
      %dma_start3A_306 = tpu.memref_squeeze %dma_start3A_305 : memref<1x64xi32, #tpu.memory_space<vmem>> -> memref<64xi32, #tpu.memory_space<vmem>>
      %dma_start3A_307 = arith.constant 0 : i32
      %dma_start3A_308 = arith.constant 0 : i32
      %dma_start3A_309 = tpu.memref_slice %arg6[%dma_start3A_307, %dma_start3A_308] : memref<10000x128xf32, #tpu.memory_space<vmem_shared>> -> memref<10000x128xf32, #tpu.memory_space<vmem_shared>>
      tpu.enqueue_indirect_dma source(%arg16 : memref<64x128xf32, #tpu.memory_space<vmem>>) target(%dma_start3A_309 : memref<10000x128xf32, #tpu.memory_space<vmem_shared>>) offsets(%dma_start3A_306 : memref<64xi32, #tpu.memory_space<vmem>>) semaphore(%arg28 : memref<!tpu.dma_semaphore, #tpu.memory_space<semaphore_mem>>) {add = true}
      %add3A_310 = arith.constant 0 : i32
      %add3A_311 = arith.addi %mul3A_193, %add3A_310 : i32
      %add3A_312 = arith.constant 4 : i32
      %add3A_313 = arith.addi %add3A_311, %add3A_312 : i32
      %rem3A = arith.constant 156 : i32
      %rem3A_314 = arith.remsi %add3A_313, %rem3A : i32
      %dma_wait3A_315 = arith.constant 0 : i32
      %dma_wait3A_316 = arith.constant 0 : i32
      %dma_wait3A_317 = tpu.memref_slice %arg8[%dma_wait3A_315, %dma_wait3A_316] : memref<1x64xi32, #tpu.memory_space<vmem>> -> memref<1x64xi32, #tpu.memory_space<vmem>>
      %dma_wait3A_318 = tpu.memref_squeeze %dma_wait3A_317 : memref<1x64xi32, #tpu.memory_space<vmem>> -> memref<64xi32, #tpu.memory_space<vmem>>
      %dma_wait3A_319 = arith.constant 0 : i32
      %dma_wait3A_320 = arith.constant 0 : i32
      %dma_wait3A_321 = tpu.memref_slice %arg6[%dma_wait3A_319, %dma_wait3A_320] : memref<10000x128xf32, #tpu.memory_space<vmem_shared>> -> memref<10000x128xf32, #tpu.memory_space<vmem_shared>>
      tpu.wait_indirect_dma semaphore(%arg25 : memref<!tpu.dma_semaphore, #tpu.memory_space<semaphore_mem>>) src(%arg13 : memref<64x128xf32, #tpu.memory_space<vmem>>) dst(%dma_wait3A_321 : memref<10000x128xf32, #tpu.memory_space<vmem_shared>>)
      %mul3A_322 = arith.constant 64 : i32
      %mul3A_323 = arith.muli %rem3A_314, %mul3A_322 : i32
      %add3A_324 = arith.addi %mul3A_2, %mul3A_323 : i32
      %dma_start3A_325 = arith.constant 0 : i32
      %dma_start3A_326 = arith.constant 0 : i32
      %dma_start3A_327 = tpu.memref_slice %arg8[%dma_start3A_325, %dma_start3A_326] : memref<1x64xi32, #tpu.memory_space<vmem>> -> memref<1x64xi32, #tpu.memory_space<vmem>>
      %dma_start3A_328 = tpu.memref_squeeze %dma_start3A_327 : memref<1x64xi32, #tpu.memory_space<vmem>> -> memref<64xi32, #tpu.memory_space<vmem>>
      %dma_start3A_329 = tpu.memref_slice %arg4[%add3A_324] : memref<320000xi32, #tpu.memory_space<hbm>> -> memref<64xi32, #tpu.memory_space<hbm>>
      %dma_start3A_330 = arith.constant 0 : i32
      %dma_start3A_331 = tpu.memref_slice %arg8[%dma_start3A_325, %dma_start3A_330] : memref<1x64xi32, #tpu.memory_space<vmem>> -> memref<1x64xi32, #tpu.memory_space<vmem>>
      %dma_start3A_332 = tpu.memref_squeeze %dma_start3A_331 : memref<1x64xi32, #tpu.memory_space<vmem>> -> memref<64xi32, #tpu.memory_space<vmem>>
      %dma_start3A_333 = tpu.memref_slice %arg4[%add3A_324] : memref<320000xi32, #tpu.memory_space<hbm>> -> memref<64xi32, #tpu.memory_space<hbm>>
      tpu.enqueue_dma source(%dma_start3A_333 : memref<64xi32, #tpu.memory_space<hbm>>) target(%dma_start3A_332 : memref<64xi32, #tpu.memory_space<vmem>>) target_semaphore(%arg17 : memref<!tpu.dma_semaphore, #tpu.memory_space<semaphore_mem>>)
      %mul3A_334 = arith.constant 64 : i32
      %mul3A_335 = arith.muli %rem3A_314, %mul3A_334 : i32
      %dma_start3A_336 = tpu.memref_slice %arg7[%mul3A_335] : memref<10000xi32, #tpu.memory_space<vmem>> -> memref<64xi32, #tpu.memory_space<vmem>>
      %dma_start3A_337 = arith.constant 0 : i32
      %dma_start3A_338 = arith.constant 0 : i32
      %dma_start3A_339 = tpu.memref_slice %arg2[%dma_start3A_337, %dma_start3A_338] : memref<20000x128xf32, #tpu.memory_space<hbm>> -> memref<20000x128xf32, #tpu.memory_space<hbm>>
      tpu.enqueue_indirect_dma source(%dma_start3A_339 : memref<20000x128xf32, #tpu.memory_space<hbm>>) target(%arg13 : memref<64x128xf32, #tpu.memory_space<vmem>>) offsets(%dma_start3A_336 : memref<64xi32, #tpu.memory_space<vmem>>) semaphore(%arg21 : memref<!tpu.dma_semaphore, #tpu.memory_space<semaphore_mem>>)
      %add3A_340 = arith.constant 1 : i32
      %add3A_341 = arith.addi %mul3A_193, %add3A_340 : i32
      %add3A_342 = arith.constant 4 : i32
      %add3A_343 = arith.addi %add3A_341, %add3A_342 : i32
      %rem3A_344 = arith.constant 156 : i32
      %rem3A_345 = arith.remsi %add3A_343, %rem3A_344 : i32
      %dma_wait3A_346 = arith.constant 0 : i32
      %dma_wait3A_347 = arith.constant 0 : i32
      %dma_wait3A_348 = tpu.memref_slice %arg9[%dma_wait3A_346, %dma_wait3A_347] : memref<1x64xi32, #tpu.memory_space<vmem>> -> memref<1x64xi32, #tpu.memory_space<vmem>>
      %dma_wait3A_349 = tpu.memref_squeeze %dma_wait3A_348 : memref<1x64xi32, #tpu.memory_space<vmem>> -> memref<64xi32, #tpu.memory_space<vmem>>
      %dma_wait3A_350 = arith.constant 0 : i32
      %dma_wait3A_351 = arith.constant 0 : i32
      %dma_wait3A_352 = tpu.memref_slice %arg6[%dma_wait3A_350, %dma_wait3A_351] : memref<10000x128xf32, #tpu.memory_space<vmem_shared>> -> memref<10000x128xf32, #tpu.memory_space<vmem_shared>>
      tpu.wait_indirect_dma semaphore(%arg26 : memref<!tpu.dma_semaphore, #tpu.memory_space<semaphore_mem>>) src(%arg14 : memref<64x128xf32, #tpu.memory_space<vmem>>) dst(%dma_wait3A_352 : memref<10000x128xf32, #tpu.memory_space<vmem_shared>>)
      %mul3A_353 = arith.constant 64 : i32
      %mul3A_354 = arith.muli %rem3A_345, %mul3A_353 : i32
      %add3A_355 = arith.addi %mul3A_2, %mul3A_354 : i32
      %dma_start3A_356 = arith.constant 0 : i32
      %dma_start3A_357 = arith.constant 0 : i32
      %dma_start3A_358 = tpu.memref_slice %arg9[%dma_start3A_356, %dma_start3A_357] : memref<1x64xi32, #tpu.memory_space<vmem>> -> memref<1x64xi32, #tpu.memory_space<vmem>>
      %dma_start3A_359 = tpu.memref_squeeze %dma_start3A_358 : memref<1x64xi32, #tpu.memory_space<vmem>> -> memref<64xi32, #tpu.memory_space<vmem>>
      %dma_start3A_360 = tpu.memref_slice %arg4[%add3A_355] : memref<320000xi32, #tpu.memory_space<hbm>> -> memref<64xi32, #tpu.memory_space<hbm>>
      %dma_start3A_361 = arith.constant 0 : i32
      %dma_start3A_362 = tpu.memref_slice %arg9[%dma_start3A_356, %dma_start3A_361] : memref<1x64xi32, #tpu.memory_space<vmem>> -> memref<1x64xi32, #tpu.memory_space<vmem>>
      %dma_start3A_363 = tpu.memref_squeeze %dma_start3A_362 : memref<1x64xi32, #tpu.memory_space<vmem>> -> memref<64xi32, #tpu.memory_space<vmem>>
      %dma_start3A_364 = tpu.memref_slice %arg4[%add3A_355] : memref<320000xi32, #tpu.memory_space<hbm>> -> memref<64xi32, #tpu.memory_space<hbm>>
      tpu.enqueue_dma source(%dma_start3A_364 : memref<64xi32, #tpu.memory_space<hbm>>) target(%dma_start3A_363 : memref<64xi32, #tpu.memory_space<vmem>>) target_semaphore(%arg18 : memref<!tpu.dma_semaphore, #tpu.memory_space<semaphore_mem>>)
      %mul3A_365 = arith.constant 64 : i32
      %mul3A_366 = arith.muli %rem3A_345, %mul3A_365 : i32
      %dma_start3A_367 = tpu.memref_slice %arg7[%mul3A_366] : memref<10000xi32, #tpu.memory_space<vmem>> -> memref<64xi32, #tpu.memory_space<vmem>>
      %dma_start3A_368 = arith.constant 0 : i32
      %dma_start3A_369 = arith.constant 0 : i32
      %dma_start3A_370 = tpu.memref_slice %arg2[%dma_start3A_368, %dma_start3A_369] : memref<20000x128xf32, #tpu.memory_space<hbm>> -> memref<20000x128xf32, #tpu.memory_space<hbm>>
      tpu.enqueue_indirect_dma source(%dma_start3A_370 : memref<20000x128xf32, #tpu.memory_space<hbm>>) target(%arg14 : memref<64x128xf32, #tpu.memory_space<vmem>>) offsets(%dma_start3A_367 : memref<64xi32, #tpu.memory_space<vmem>>) semaphore(%arg22 : memref<!tpu.dma_semaphore, #tpu.memory_space<semaphore_mem>>)
      %add3A_371 = arith.constant 2 : i32
      %add3A_372 = arith.addi %mul3A_193, %add3A_371 : i32
      %add3A_373 = arith.constant 4 : i32
      %add3A_374 = arith.addi %add3A_372, %add3A_373 : i32
      %rem3A_375 = arith.constant 156 : i32
      %rem3A_376 = arith.remsi %add3A_374, %rem3A_375 : i32
      %dma_wait3A_377 = arith.constant 0 : i32
      %dma_wait3A_378 = arith.constant 0 : i32
      %dma_wait3A_379 = tpu.memref_slice %arg10[%dma_wait3A_377, %dma_wait3A_378] : memref<1x64xi32, #tpu.memory_space<vmem>> -> memref<1x64xi32, #tpu.memory_space<vmem>>
      %dma_wait3A_380 = tpu.memref_squeeze %dma_wait3A_379 : memref<1x64xi32, #tpu.memory_space<vmem>> -> memref<64xi32, #tpu.memory_space<vmem>>
      %dma_wait3A_381 = arith.constant 0 : i32
      %dma_wait3A_382 = arith.constant 0 : i32
      %dma_wait3A_383 = tpu.memref_slice %arg6[%dma_wait3A_381, %dma_wait3A_382] : memref<10000x128xf32, #tpu.memory_space<vmem_shared>> -> memref<10000x128xf32, #tpu.memory_space<vmem_shared>>
      tpu.wait_indirect_dma semaphore(%arg27 : memref<!tpu.dma_semaphore, #tpu.memory_space<semaphore_mem>>) src(%arg15 : memref<64x128xf32, #tpu.memory_space<vmem>>) dst(%dma_wait3A_383 : memref<10000x128xf32, #tpu.memory_space<vmem_shared>>)
      %mul3A_384 = arith.constant 64 : i32
      %mul3A_385 = arith.muli %rem3A_376, %mul3A_384 : i32
      %add3A_386 = arith.addi %mul3A_2, %mul3A_385 : i32
      %dma_start3A_387 = arith.constant 0 : i32
      %dma_start3A_388 = arith.constant 0 : i32
      %dma_start3A_389 = tpu.memref_slice %arg10[%dma_start3A_387, %dma_start3A_388] : memref<1x64xi32, #tpu.memory_space<vmem>> -> memref<1x64xi32, #tpu.memory_space<vmem>>
      %dma_start3A_390 = tpu.memref_squeeze %dma_start3A_389 : memref<1x64xi32, #tpu.memory_space<vmem>> -> memref<64xi32, #tpu.memory_space<vmem>>
      %dma_start3A_391 = tpu.memref_slice %arg4[%add3A_386] : memref<320000xi32, #tpu.memory_space<hbm>> -> memref<64xi32, #tpu.memory_space<hbm>>
      %dma_start3A_392 = arith.constant 0 : i32
      %dma_start3A_393 = tpu.memref_slice %arg10[%dma_start3A_387, %dma_start3A_392] : memref<1x64xi32, #tpu.memory_space<vmem>> -> memref<1x64xi32, #tpu.memory_space<vmem>>
      %dma_start3A_394 = tpu.memref_squeeze %dma_start3A_393 : memref<1x64xi32, #tpu.memory_space<vmem>> -> memref<64xi32, #tpu.memory_space<vmem>>
      %dma_start3A_395 = tpu.memref_slice %arg4[%add3A_386] : memref<320000xi32, #tpu.memory_space<hbm>> -> memref<64xi32, #tpu.memory_space<hbm>>
      tpu.enqueue_dma source(%dma_start3A_395 : memref<64xi32, #tpu.memory_space<hbm>>) target(%dma_start3A_394 : memref<64xi32, #tpu.memory_space<vmem>>) target_semaphore(%arg19 : memref<!tpu.dma_semaphore, #tpu.memory_space<semaphore_mem>>)
      %mul3A_396 = arith.constant 64 : i32
      %mul3A_397 = arith.muli %rem3A_376, %mul3A_396 : i32
      %dma_start3A_398 = tpu.memref_slice %arg7[%mul3A_397] : memref<10000xi32, #tpu.memory_space<vmem>> -> memref<64xi32, #tpu.memory_space<vmem>>
      %dma_start3A_399 = arith.constant 0 : i32
      %dma_start3A_400 = arith.constant 0 : i32
      %dma_start3A_401 = tpu.memref_slice %arg2[%dma_start3A_399, %dma_start3A_400] : memref<20000x128xf32, #tpu.memory_space<hbm>> -> memref<20000x128xf32, #tpu.memory_space<hbm>>
      tpu.enqueue_indirect_dma source(%dma_start3A_401 : memref<20000x128xf32, #tpu.memory_space<hbm>>) target(%arg15 : memref<64x128xf32, #tpu.memory_space<vmem>>) offsets(%dma_start3A_398 : memref<64xi32, #tpu.memory_space<vmem>>) semaphore(%arg23 : memref<!tpu.dma_semaphore, #tpu.memory_space<semaphore_mem>>)
      %add3A_402 = arith.constant 3 : i32
      %add3A_403 = arith.addi %mul3A_193, %add3A_402 : i32
      %add3A_404 = arith.constant 4 : i32
      %add3A_405 = arith.addi %add3A_403, %add3A_404 : i32
      %rem3A_406 = arith.constant 156 : i32
      %rem3A_407 = arith.remsi %add3A_405, %rem3A_406 : i32
      %dma_wait3A_408 = arith.constant 0 : i32
      %dma_wait3A_409 = arith.constant 0 : i32
      %dma_wait3A_410 = tpu.memref_slice %arg11[%dma_wait3A_408, %dma_wait3A_409] : memref<1x64xi32, #tpu.memory_space<vmem>> -> memref<1x64xi32, #tpu.memory_space<vmem>>
      %dma_wait3A_411 = tpu.memref_squeeze %dma_wait3A_410 : memref<1x64xi32, #tpu.memory_space<vmem>> -> memref<64xi32, #tpu.memory_space<vmem>>
      %dma_wait3A_412 = arith.constant 0 : i32
      %dma_wait3A_413 = arith.constant 0 : i32
      %dma_wait3A_414 = tpu.memref_slice %arg6[%dma_wait3A_412, %dma_wait3A_413] : memref<10000x128xf32, #tpu.memory_space<vmem_shared>> -> memref<10000x128xf32, #tpu.memory_space<vmem_shared>>
      tpu.wait_indirect_dma semaphore(%arg28 : memref<!tpu.dma_semaphore, #tpu.memory_space<semaphore_mem>>) src(%arg16 : memref<64x128xf32, #tpu.memory_space<vmem>>) dst(%dma_wait3A_414 : memref<10000x128xf32, #tpu.memory_space<vmem_shared>>)
      %mul3A_415 = arith.constant 64 : i32
      %mul3A_416 = arith.muli %rem3A_407, %mul3A_415 : i32
      %add3A_417 = arith.addi %mul3A_2, %mul3A_416 : i32
      %dma_start3A_418 = arith.constant 0 : i32
      %dma_start3A_419 = arith.constant 0 : i32
      %dma_start3A_420 = tpu.memref_slice %arg11[%dma_start3A_418, %dma_start3A_419] : memref<1x64xi32, #tpu.memory_space<vmem>> -> memref<1x64xi32, #tpu.memory_space<vmem>>
      %dma_start3A_421 = tpu.memref_squeeze %dma_start3A_420 : memref<1x64xi32, #tpu.memory_space<vmem>> -> memref<64xi32, #tpu.memory_space<vmem>>
      %dma_start3A_422 = tpu.memref_slice %arg4[%add3A_417] : memref<320000xi32, #tpu.memory_space<hbm>> -> memref<64xi32, #tpu.memory_space<hbm>>
      %dma_start3A_423 = arith.constant 0 : i32
      %dma_start3A_424 = tpu.memref_slice %arg11[%dma_start3A_418, %dma_start3A_423] : memref<1x64xi32, #tpu.memory_space<vmem>> -> memref<1x64xi32, #tpu.memory_space<vmem>>
      %dma_start3A_425 = tpu.memref_squeeze %dma_start3A_424 : memref<1x64xi32, #tpu.memory_space<vmem>> -> memref<64xi32, #tpu.memory_space<vmem>>
      %dma_start3A_426 = tpu.memref_slice %arg4[%add3A_417] : memref<320000xi32, #tpu.memory_space<hbm>> -> memref<64xi32, #tpu.memory_space<hbm>>
      tpu.enqueue_dma source(%dma_start3A_426 : memref<64xi32, #tpu.memory_space<hbm>>) target(%dma_start3A_425 : memref<64xi32, #tpu.memory_space<vmem>>) target_semaphore(%arg20 : memref<!tpu.dma_semaphore, #tpu.memory_space<semaphore_mem>>)
      %mul3A_427 = arith.constant 64 : i32
      %mul3A_428 = arith.muli %rem3A_407, %mul3A_427 : i32
      %dma_start3A_429 = tpu.memref_slice %arg7[%mul3A_428] : memref<10000xi32, #tpu.memory_space<vmem>> -> memref<64xi32, #tpu.memory_space<vmem>>
      %dma_start3A_430 = arith.constant 0 : i32
      %dma_start3A_431 = arith.constant 0 : i32
      %dma_start3A_432 = tpu.memref_slice %arg2[%dma_start3A_430, %dma_start3A_431] : memref<20000x128xf32, #tpu.memory_space<hbm>> -> memref<20000x128xf32, #tpu.memory_space<hbm>>
      tpu.enqueue_indirect_dma source(%dma_start3A_432 : memref<20000x128xf32, #tpu.memory_space<hbm>>) target(%arg16 : memref<64x128xf32, #tpu.memory_space<vmem>>) offsets(%dma_start3A_429 : memref<64xi32, #tpu.memory_space<vmem>>) semaphore(%arg24 : memref<!tpu.dma_semaphore, #tpu.memory_space<semaphore_mem>>)
    }
    %scan3A_78 = arith.constant 39 : i32
    %dma_wait3A = arith.constant 0 : i32
    %dma_wait3A_79 = tpu.memref_slice %arg7[%dma_wait3A] : memref<10000xi32, #tpu.memory_space<vmem>> -> memref<64xi32, #tpu.memory_space<vmem>>
    %dma_wait3A_80 = arith.constant 0 : i32
    %dma_wait3A_81 = arith.constant 0 : i32
    %dma_wait3A_82 = tpu.memref_slice %arg2[%dma_wait3A_80, %dma_wait3A_81] : memref<20000x128xf32, #tpu.memory_space<hbm>> -> memref<20000x128xf32, #tpu.memory_space<hbm>>
    tpu.wait_indirect_dma semaphore(%arg21 : memref<!tpu.dma_semaphore, #tpu.memory_space<semaphore_mem>>) src(%dma_wait3A_82 : memref<20000x128xf32, #tpu.memory_space<hbm>>) dst(%arg13 : memref<64x128xf32, #tpu.memory_space<vmem>>)
    %add3A_83 = arith.constant 0 : i32
    %add3A_84 = arith.addi %mul3A_2, %add3A_83 : i32
    %dma_wait3A_85 = arith.constant 0 : i32
    %dma_wait3A_86 = arith.constant 0 : i32
    %dma_wait3A_87 = tpu.memref_slice %arg8[%dma_wait3A_85, %dma_wait3A_86] : memref<1x64xi32, #tpu.memory_space<vmem>> -> memref<1x64xi32, #tpu.memory_space<vmem>>
    %dma_wait3A_88 = tpu.memref_squeeze %dma_wait3A_87 : memref<1x64xi32, #tpu.memory_space<vmem>> -> memref<64xi32, #tpu.memory_space<vmem>>
    %dma_wait3A_89 = tpu.memref_slice %arg4[%add3A_84] : memref<320000xi32, #tpu.memory_space<hbm>> -> memref<64xi32, #tpu.memory_space<hbm>>
    %dma_wait3A_90 = arith.constant 0 : i32
    %dma_wait3A_91 = tpu.memref_slice %arg8[%dma_wait3A_85, %dma_wait3A_90] : memref<1x64xi32, #tpu.memory_space<vmem>> -> memref<1x64xi32, #tpu.memory_space<vmem>>
    %dma_wait3A_92 = tpu.memref_squeeze %dma_wait3A_91 : memref<1x64xi32, #tpu.memory_space<vmem>> -> memref<64xi32, #tpu.memory_space<vmem>>
    %dma_wait3A_93 = tpu.memref_slice %arg4[%add3A_84] : memref<320000xi32, #tpu.memory_space<hbm>> -> memref<64xi32, #tpu.memory_space<hbm>>
    tpu.wait_dma2 semaphore(%arg17 : memref<!tpu.dma_semaphore, #tpu.memory_space<semaphore_mem>>) src(%dma_wait3A_93 : memref<64xi32, #tpu.memory_space<hbm>>) dst(%dma_wait3A_92 : memref<64xi32, #tpu.memory_space<vmem>>)
    %dma_wait3A_94 = arith.constant 64 : i32
    %dma_wait3A_95 = tpu.memref_slice %arg7[%dma_wait3A_94] : memref<10000xi32, #tpu.memory_space<vmem>> -> memref<64xi32, #tpu.memory_space<vmem>>
    %dma_wait3A_96 = arith.constant 0 : i32
    %dma_wait3A_97 = arith.constant 0 : i32
    %dma_wait3A_98 = tpu.memref_slice %arg2[%dma_wait3A_96, %dma_wait3A_97] : memref<20000x128xf32, #tpu.memory_space<hbm>> -> memref<20000x128xf32, #tpu.memory_space<hbm>>
    tpu.wait_indirect_dma semaphore(%arg22 : memref<!tpu.dma_semaphore, #tpu.memory_space<semaphore_mem>>) src(%dma_wait3A_98 : memref<20000x128xf32, #tpu.memory_space<hbm>>) dst(%arg14 : memref<64x128xf32, #tpu.memory_space<vmem>>)
    %add3A_99 = arith.constant 64 : i32
    %add3A_100 = arith.addi %mul3A_2, %add3A_99 : i32
    %dma_wait3A_101 = arith.constant 0 : i32
    %dma_wait3A_102 = arith.constant 0 : i32
    %dma_wait3A_103 = tpu.memref_slice %arg9[%dma_wait3A_101, %dma_wait3A_102] : memref<1x64xi32, #tpu.memory_space<vmem>> -> memref<1x64xi32, #tpu.memory_space<vmem>>
    %dma_wait3A_104 = tpu.memref_squeeze %dma_wait3A_103 : memref<1x64xi32, #tpu.memory_space<vmem>> -> memref<64xi32, #tpu.memory_space<vmem>>
    %dma_wait3A_105 = tpu.memref_slice %arg4[%add3A_100] : memref<320000xi32, #tpu.memory_space<hbm>> -> memref<64xi32, #tpu.memory_space<hbm>>
    %dma_wait3A_106 = arith.constant 0 : i32
    %dma_wait3A_107 = tpu.memref_slice %arg9[%dma_wait3A_101, %dma_wait3A_106] : memref<1x64xi32, #tpu.memory_space<vmem>> -> memref<1x64xi32, #tpu.memory_space<vmem>>
    %dma_wait3A_108 = tpu.memref_squeeze %dma_wait3A_107 : memref<1x64xi32, #tpu.memory_space<vmem>> -> memref<64xi32, #tpu.memory_space<vmem>>
    %dma_wait3A_109 = tpu.memref_slice %arg4[%add3A_100] : memref<320000xi32, #tpu.memory_space<hbm>> -> memref<64xi32, #tpu.memory_space<hbm>>
    tpu.wait_dma2 semaphore(%arg18 : memref<!tpu.dma_semaphore, #tpu.memory_space<semaphore_mem>>) src(%dma_wait3A_109 : memref<64xi32, #tpu.memory_space<hbm>>) dst(%dma_wait3A_108 : memref<64xi32, #tpu.memory_space<vmem>>)
    %dma_wait3A_110 = arith.constant 128 : i32
    %dma_wait3A_111 = tpu.memref_slice %arg7[%dma_wait3A_110] : memref<10000xi32, #tpu.memory_space<vmem>> -> memref<64xi32, #tpu.memory_space<vmem>>
    %dma_wait3A_112 = arith.constant 0 : i32
    %dma_wait3A_113 = arith.constant 0 : i32
    %dma_wait3A_114 = tpu.memref_slice %arg2[%dma_wait3A_112, %dma_wait3A_113] : memref<20000x128xf32, #tpu.memory_space<hbm>> -> memref<20000x128xf32, #tpu.memory_space<hbm>>
    tpu.wait_indirect_dma semaphore(%arg23 : memref<!tpu.dma_semaphore, #tpu.memory_space<semaphore_mem>>) src(%dma_wait3A_114 : memref<20000x128xf32, #tpu.memory_space<hbm>>) dst(%arg15 : memref<64x128xf32, #tpu.memory_space<vmem>>)
    %add3A_115 = arith.constant 128 : i32
    %add3A_116 = arith.addi %mul3A_2, %add3A_115 : i32
    %dma_wait3A_117 = arith.constant 0 : i32
    %dma_wait3A_118 = arith.constant 0 : i32
    %dma_wait3A_119 = tpu.memref_slice %arg10[%dma_wait3A_117, %dma_wait3A_118] : memref<1x64xi32, #tpu.memory_space<vmem>> -> memref<1x64xi32, #tpu.memory_space<vmem>>
    %dma_wait3A_120 = tpu.memref_squeeze %dma_wait3A_119 : memref<1x64xi32, #tpu.memory_space<vmem>> -> memref<64xi32, #tpu.memory_space<vmem>>
    %dma_wait3A_121 = tpu.memref_slice %arg4[%add3A_116] : memref<320000xi32, #tpu.memory_space<hbm>> -> memref<64xi32, #tpu.memory_space<hbm>>
    %dma_wait3A_122 = arith.constant 0 : i32
    %dma_wait3A_123 = tpu.memref_slice %arg10[%dma_wait3A_117, %dma_wait3A_122] : memref<1x64xi32, #tpu.memory_space<vmem>> -> memref<1x64xi32, #tpu.memory_space<vmem>>
    %dma_wait3A_124 = tpu.memref_squeeze %dma_wait3A_123 : memref<1x64xi32, #tpu.memory_space<vmem>> -> memref<64xi32, #tpu.memory_space<vmem>>
    %dma_wait3A_125 = tpu.memref_slice %arg4[%add3A_116] : memref<320000xi32, #tpu.memory_space<hbm>> -> memref<64xi32, #tpu.memory_space<hbm>>
    tpu.wait_dma2 semaphore(%arg19 : memref<!tpu.dma_semaphore, #tpu.memory_space<semaphore_mem>>) src(%dma_wait3A_125 : memref<64xi32, #tpu.memory_space<hbm>>) dst(%dma_wait3A_124 : memref<64xi32, #tpu.memory_space<vmem>>)
    %dma_wait3A_126 = arith.constant 192 : i32
    %dma_wait3A_127 = tpu.memref_slice %arg7[%dma_wait3A_126] : memref<10000xi32, #tpu.memory_space<vmem>> -> memref<64xi32, #tpu.memory_space<vmem>>
    %dma_wait3A_128 = arith.constant 0 : i32
    %dma_wait3A_129 = arith.constant 0 : i32
    %dma_wait3A_130 = tpu.memref_slice %arg2[%dma_wait3A_128, %dma_wait3A_129] : memref<20000x128xf32, #tpu.memory_space<hbm>> -> memref<20000x128xf32, #tpu.memory_space<hbm>>
    tpu.wait_indirect_dma semaphore(%arg24 : memref<!tpu.dma_semaphore, #tpu.memory_space<semaphore_mem>>) src(%dma_wait3A_130 : memref<20000x128xf32, #tpu.memory_space<hbm>>) dst(%arg16 : memref<64x128xf32, #tpu.memory_space<vmem>>)
    %add3A_131 = arith.constant 192 : i32
    %add3A_132 = arith.addi %mul3A_2, %add3A_131 : i32
    %dma_wait3A_133 = arith.constant 0 : i32
    %dma_wait3A_134 = arith.constant 0 : i32
    %dma_wait3A_135 = tpu.memref_slice %arg11[%dma_wait3A_133, %dma_wait3A_134] : memref<1x64xi32, #tpu.memory_space<vmem>> -> memref<1x64xi32, #tpu.memory_space<vmem>>
    %dma_wait3A_136 = tpu.memref_squeeze %dma_wait3A_135 : memref<1x64xi32, #tpu.memory_space<vmem>> -> memref<64xi32, #tpu.memory_space<vmem>>
    %dma_wait3A_137 = tpu.memref_slice %arg4[%add3A_132] : memref<320000xi32, #tpu.memory_space<hbm>> -> memref<64xi32, #tpu.memory_space<hbm>>
    %dma_wait3A_138 = arith.constant 0 : i32
    %dma_wait3A_139 = tpu.memref_slice %arg11[%dma_wait3A_133, %dma_wait3A_138] : memref<1x64xi32, #tpu.memory_space<vmem>> -> memref<1x64xi32, #tpu.memory_space<vmem>>
    %dma_wait3A_140 = tpu.memref_squeeze %dma_wait3A_139 : memref<1x64xi32, #tpu.memory_space<vmem>> -> memref<64xi32, #tpu.memory_space<vmem>>
    %dma_wait3A_141 = tpu.memref_slice %arg4[%add3A_132] : memref<320000xi32, #tpu.memory_space<hbm>> -> memref<64xi32, #tpu.memory_space<hbm>>
    tpu.wait_dma2 semaphore(%arg20 : memref<!tpu.dma_semaphore, #tpu.memory_space<semaphore_mem>>) src(%dma_wait3A_141 : memref<64xi32, #tpu.memory_space<hbm>>) dst(%dma_wait3A_140 : memref<64xi32, #tpu.memory_space<vmem>>)
    %add3A_142 = arith.constant 9984 : i32
    %add3A_143 = arith.addi %mul3A_2, %add3A_142 : i32
    %dma_start3A_144 = arith.constant 0 : i32
    %dma_start3A_145 = arith.constant 0 : i32
    %dma_start3A_146 = tpu.memref_slice %arg12[%dma_start3A_144, %dma_start3A_145] : memref<1x16xi32, #tpu.memory_space<vmem>> -> memref<1x16xi32, #tpu.memory_space<vmem>>
    %dma_start3A_147 = tpu.memref_squeeze %dma_start3A_146 : memref<1x16xi32, #tpu.memory_space<vmem>> -> memref<16xi32, #tpu.memory_space<vmem>>
    %dma_start3A_148 = tpu.memref_slice %arg4[%add3A_143] : memref<320000xi32, #tpu.memory_space<hbm>> -> memref<16xi32, #tpu.memory_space<hbm>>
    %dma_start3A_149 = arith.constant 0 : i32
    %dma_start3A_150 = tpu.memref_slice %arg12[%dma_start3A_144, %dma_start3A_149] : memref<1x16xi32, #tpu.memory_space<vmem>> -> memref<1x16xi32, #tpu.memory_space<vmem>>
    %dma_start3A_151 = tpu.memref_squeeze %dma_start3A_150 : memref<1x16xi32, #tpu.memory_space<vmem>> -> memref<16xi32, #tpu.memory_space<vmem>>
    %dma_start3A_152 = tpu.memref_slice %arg4[%add3A_143] : memref<320000xi32, #tpu.memory_space<hbm>> -> memref<16xi32, #tpu.memory_space<hbm>>
    tpu.enqueue_dma source(%dma_start3A_152 : memref<16xi32, #tpu.memory_space<hbm>>) target(%dma_start3A_151 : memref<16xi32, #tpu.memory_space<vmem>>) target_semaphore(%arg17 : memref<!tpu.dma_semaphore, #tpu.memory_space<semaphore_mem>>)
    %dma_start3A_153 = arith.constant 0 : i32
    %dma_start3A_154 = arith.constant 0 : i32
    %dma_start3A_155 = tpu.memref_slice %arg13[%dma_start3A_153, %dma_start3A_154] : memref<64x128xf32, #tpu.memory_space<vmem>> -> memref<16x128xf32, #tpu.memory_space<vmem>>
    %dma_start3A_156 = arith.constant 9984 : i32
    %dma_start3A_157 = tpu.memref_slice %arg7[%dma_start3A_156] : memref<10000xi32, #tpu.memory_space<vmem>> -> memref<16xi32, #tpu.memory_space<vmem>>
    %dma_start3A_158 = arith.constant 0 : i32
    %dma_start3A_159 = arith.constant 0 : i32
    %dma_start3A_160 = tpu.memref_slice %arg2[%dma_start3A_158, %dma_start3A_159] : memref<20000x128xf32, #tpu.memory_space<hbm>> -> memref<20000x128xf32, #tpu.memory_space<hbm>>
    tpu.enqueue_indirect_dma source(%dma_start3A_160 : memref<20000x128xf32, #tpu.memory_space<hbm>>) target(%dma_start3A_155 : memref<16x128xf32, #tpu.memory_space<vmem>>) offsets(%dma_start3A_157 : memref<16xi32, #tpu.memory_space<vmem>>) semaphore(%arg21 : memref<!tpu.dma_semaphore, #tpu.memory_space<semaphore_mem>>)
    %add3A_161 = arith.constant 9984 : i32
    %add3A_162 = arith.addi %mul3A_2, %add3A_161 : i32
    %dma_wait3A_163 = arith.constant 0 : i32
    %dma_wait3A_164 = arith.constant 0 : i32
    %dma_wait3A_165 = tpu.memref_slice %arg12[%dma_wait3A_163, %dma_wait3A_164] : memref<1x16xi32, #tpu.memory_space<vmem>> -> memref<1x16xi32, #tpu.memory_space<vmem>>
    %dma_wait3A_166 = tpu.memref_squeeze %dma_wait3A_165 : memref<1x16xi32, #tpu.memory_space<vmem>> -> memref<16xi32, #tpu.memory_space<vmem>>
    %dma_wait3A_167 = tpu.memref_slice %arg4[%add3A_162] : memref<320000xi32, #tpu.memory_space<hbm>> -> memref<16xi32, #tpu.memory_space<hbm>>
    %dma_wait3A_168 = arith.constant 0 : i32
    %dma_wait3A_169 = tpu.memref_slice %arg12[%dma_wait3A_163, %dma_wait3A_168] : memref<1x16xi32, #tpu.memory_space<vmem>> -> memref<1x16xi32, #tpu.memory_space<vmem>>
    %dma_wait3A_170 = tpu.memref_squeeze %dma_wait3A_169 : memref<1x16xi32, #tpu.memory_space<vmem>> -> memref<16xi32, #tpu.memory_space<vmem>>
    %dma_wait3A_171 = tpu.memref_slice %arg4[%add3A_162] : memref<320000xi32, #tpu.memory_space<hbm>> -> memref<16xi32, #tpu.memory_space<hbm>>
    tpu.wait_dma2 semaphore(%arg17 : memref<!tpu.dma_semaphore, #tpu.memory_space<semaphore_mem>>) src(%dma_wait3A_171 : memref<16xi32, #tpu.memory_space<hbm>>) dst(%dma_wait3A_170 : memref<16xi32, #tpu.memory_space<vmem>>)
    %dma_wait3A_172 = arith.constant 0 : i32
    %dma_wait3A_173 = arith.constant 0 : i32
    %dma_wait3A_174 = tpu.memref_slice %arg13[%dma_wait3A_172, %dma_wait3A_173] : memref<64x128xf32, #tpu.memory_space<vmem>> -> memref<16x128xf32, #tpu.memory_space<vmem>>
    %dma_wait3A_175 = arith.constant 9984 : i32
    %dma_wait3A_176 = tpu.memref_slice %arg7[%dma_wait3A_175] : memref<10000xi32, #tpu.memory_space<vmem>> -> memref<16xi32, #tpu.memory_space<vmem>>
    %dma_wait3A_177 = arith.constant 0 : i32
    %dma_wait3A_178 = arith.constant 0 : i32
    %dma_wait3A_179 = tpu.memref_slice %arg2[%dma_wait3A_177, %dma_wait3A_178] : memref<20000x128xf32, #tpu.memory_space<hbm>> -> memref<20000x128xf32, #tpu.memory_space<hbm>>
    tpu.wait_indirect_dma semaphore(%arg21 : memref<!tpu.dma_semaphore, #tpu.memory_space<semaphore_mem>>) src(%dma_wait3A_179 : memref<20000x128xf32, #tpu.memory_space<hbm>>) dst(%dma_wait3A_174 : memref<16x128xf32, #tpu.memory_space<vmem>>)
    %run_scoped3A = arith.constant 0 : i32
    "tpu.region"() ({
      %run_scoped3A_191 = tpu.sem_alloc : memref<!tpu.dma_semaphore, #tpu.memory_space<semaphore_mem>>
      %dma_start3A_192 = arith.constant 0 : i32
      %dma_start3A_193 = arith.constant 0 : i32
      %dma_start3A_194 = tpu.memref_slice %arg13[%dma_start3A_192, %dma_start3A_193] : memref<64x128xf32, #tpu.memory_space<vmem>> -> memref<16x128xf32, #tpu.memory_space<vmem>>
      %dma_start3A_195 = arith.constant 0 : i32
      %dma_start3A_196 = tpu.memref_slice %arg12[%run_scoped3A, %dma_start3A_195] : memref<1x16xi32, #tpu.memory_space<vmem>> -> memref<1x16xi32, #tpu.memory_space<vmem>>
      %dma_start3A_197 = tpu.memref_squeeze %dma_start3A_196 : memref<1x16xi32, #tpu.memory_space<vmem>> -> memref<16xi32, #tpu.memory_space<vmem>>
      %dma_start3A_198 = arith.constant 0 : i32
      %dma_start3A_199 = arith.constant 0 : i32
      %dma_start3A_200 = tpu.memref_slice %arg6[%dma_start3A_198, %dma_start3A_199] : memref<10000x128xf32, #tpu.memory_space<vmem_shared>> -> memref<10000x128xf32, #tpu.memory_space<vmem_shared>>
      tpu.enqueue_indirect_dma source(%dma_start3A_194 : memref<16x128xf32, #tpu.memory_space<vmem>>) target(%dma_start3A_200 : memref<10000x128xf32, #tpu.memory_space<vmem_shared>>) offsets(%dma_start3A_197 : memref<16xi32, #tpu.memory_space<vmem>>) semaphore(%run_scoped3A_191 : memref<!tpu.dma_semaphore, #tpu.memory_space<semaphore_mem>>) {add = true}
      %dma_wait3A_201 = arith.constant 0 : i32
      %dma_wait3A_202 = arith.constant 0 : i32
      %dma_wait3A_203 = tpu.memref_slice %arg13[%dma_wait3A_201, %dma_wait3A_202] : memref<64x128xf32, #tpu.memory_space<vmem>> -> memref<16x128xf32, #tpu.memory_space<vmem>>
      %dma_wait3A_204 = arith.constant 0 : i32
      %dma_wait3A_205 = tpu.memref_slice %arg12[%run_scoped3A, %dma_wait3A_204] : memref<1x16xi32, #tpu.memory_space<vmem>> -> memref<1x16xi32, #tpu.memory_space<vmem>>
      %dma_wait3A_206 = tpu.memref_squeeze %dma_wait3A_205 : memref<1x16xi32, #tpu.memory_space<vmem>> -> memref<16xi32, #tpu.memory_space<vmem>>
      %dma_wait3A_207 = arith.constant 0 : i32
      %dma_wait3A_208 = arith.constant 0 : i32
      %dma_wait3A_209 = tpu.memref_slice %arg6[%dma_wait3A_207, %dma_wait3A_208] : memref<10000x128xf32, #tpu.memory_space<vmem_shared>> -> memref<10000x128xf32, #tpu.memory_space<vmem_shared>>
      tpu.wait_indirect_dma semaphore(%run_scoped3A_191 : memref<!tpu.dma_semaphore, #tpu.memory_space<semaphore_mem>>) src(%dma_wait3A_203 : memref<16x128xf32, #tpu.memory_space<vmem>>) dst(%dma_wait3A_209 : memref<10000x128xf32, #tpu.memory_space<vmem_shared>>)
      tpu.yield
    }) : () -> ()
    %barrier3A_180 = arith.constant 0 : index
    tpu.barrier barrier_id(%barrier3A_180)
    %eq3A_181 = arith.constant 15 : i32
    %eq3A_182 = arith.cmpi eq, %arg1, %eq3A_181 : i32
    %convert_element_type3A_183 = arith.extui %eq3A_182 : i1 to i32
    %cond3A_184 = arith.constant 0 : i32
    %cond3A_185 = arith.cmpi ne, %convert_element_type3A_183, %cond3A_184 : i32
    scf.if %cond3A_185 {
      "tpu.region"() ({
        %run_scoped3A_191 = tpu.sem_alloc : memref<!tpu.dma_semaphore, #tpu.memory_space<semaphore_mem>>
        %dma_start3A_192 = arith.constant 0 : i32
        %dma_start3A_193 = tpu.memref_slice %arg5[%arg0, %mul3A_4, %dma_start3A_192] : memref<2x10000x128xf32, #tpu.memory_space<hbm>> -> memref<1x640x128xf32, #tpu.memory_space<hbm>>
        %dma_start3A_194 = tpu.memref_squeeze %dma_start3A_193 : memref<1x640x128xf32, #tpu.memory_space<hbm>> -> memref<640x128xf32, #tpu.memory_space<hbm>>
        %dma_start3A_195 = arith.constant 0 : i32
        %dma_start3A_196 = tpu.memref_slice %arg6[%mul3A_4, %dma_start3A_195] : memref<10000x128xf32, #tpu.memory_space<vmem_shared>> -> memref<640x128xf32, #tpu.memory_space<vmem_shared>>
        tpu.enqueue_dma source(%dma_start3A_196 : memref<640x128xf32, #tpu.memory_space<vmem_shared>>) target(%dma_start3A_194 : memref<640x128xf32, #tpu.memory_space<hbm>>) target_semaphore(%run_scoped3A_191 : memref<!tpu.dma_semaphore, #tpu.memory_space<semaphore_mem>>)
        %dma_wait3A_197 = arith.constant 0 : i32
        %dma_wait3A_198 = tpu.memref_slice %arg5[%arg0, %mul3A_4, %dma_wait3A_197] : memref<2x10000x128xf32, #tpu.memory_space<hbm>> -> memref<1x640x128xf32, #tpu.memory_space<hbm>>
        %dma_wait3A_199 = tpu.memref_squeeze %dma_wait3A_198 : memref<1x640x128xf32, #tpu.memory_space<hbm>> -> memref<640x128xf32, #tpu.memory_space<hbm>>
        %dma_wait3A_200 = arith.constant 0 : i32
        %dma_wait3A_201 = tpu.memref_slice %arg6[%mul3A_4, %dma_wait3A_200] : memref<10000x128xf32, #tpu.memory_space<vmem_shared>> -> memref<640x128xf32, #tpu.memory_space<vmem_shared>>
        tpu.wait_dma2 semaphore(%run_scoped3A_191 : memref<!tpu.dma_semaphore, #tpu.memory_space<semaphore_mem>>) src(%dma_wait3A_201 : memref<640x128xf32, #tpu.memory_space<vmem_shared>>) dst(%dma_wait3A_199 : memref<640x128xf32, #tpu.memory_space<hbm>>)
        tpu.yield
      }) : () -> ()
    } else {
    }
    %ne3A_186 = arith.constant 15 : i32
    %ne3A_187 = arith.cmpi ne, %arg1, %ne3A_186 : i32
    %convert_element_type3A_188 = arith.extui %ne3A_187 : i1 to i32
    %cond3A_189 = arith.constant 0 : i32
    %cond3A_190 = arith.cmpi ne, %convert_element_type3A_188, %cond3A_189 : i32
    scf.if %cond3A_190 {
      "tpu.region"() ({
        %run_scoped3A_191 = tpu.sem_alloc : memref<!tpu.dma_semaphore, #tpu.memory_space<semaphore_mem>>
        %dma_start3A_192 = arith.constant 0 : i32
        %dma_start3A_193 = tpu.memref_slice %arg5[%arg0, %mul3A_4, %dma_start3A_192] : memref<2x10000x128xf32, #tpu.memory_space<hbm>> -> memref<1x624x128xf32, #tpu.memory_space<hbm>>
        %dma_start3A_194 = tpu.memref_squeeze %dma_start3A_193 : memref<1x624x128xf32, #tpu.memory_space<hbm>> -> memref<624x128xf32, #tpu.memory_space<hbm>>
        %dma_start3A_195 = arith.constant 0 : i32
        %dma_start3A_196 = tpu.memref_slice %arg6[%mul3A_4, %dma_start3A_195] : memref<10000x128xf32, #tpu.memory_space<vmem_shared>> -> memref<624x128xf32, #tpu.memory_space<vmem_shared>>
        tpu.enqueue_dma source(%dma_start3A_196 : memref<624x128xf32, #tpu.memory_space<vmem_shared>>) target(%dma_start3A_194 : memref<624x128xf32, #tpu.memory_space<hbm>>) target_semaphore(%run_scoped3A_191 : memref<!tpu.dma_semaphore, #tpu.memory_space<semaphore_mem>>)
        %dma_wait3A_197 = arith.constant 0 : i32
        %dma_wait3A_198 = tpu.memref_slice %arg5[%arg0, %mul3A_4, %dma_wait3A_197] : memref<2x10000x128xf32, #tpu.memory_space<hbm>> -> memref<1x624x128xf32, #tpu.memory_space<hbm>>
        %dma_wait3A_199 = tpu.memref_squeeze %dma_wait3A_198 : memref<1x624x128xf32, #tpu.memory_space<hbm>> -> memref<624x128xf32, #tpu.memory_space<hbm>>
        %dma_wait3A_200 = arith.constant 0 : i32
        %dma_wait3A_201 = tpu.memref_slice %arg6[%mul3A_4, %dma_wait3A_200] : memref<10000x128xf32, #tpu.memory_space<vmem_shared>> -> memref<624x128xf32, #tpu.memory_space<vmem_shared>>
        tpu.wait_dma2 semaphore(%run_scoped3A_191 : memref<!tpu.dma_semaphore, #tpu.memory_space<semaphore_mem>>) src(%dma_wait3A_201 : memref<624x128xf32, #tpu.memory_space<vmem_shared>>) dst(%dma_wait3A_199 : memref<624x128xf32, #tpu.memory_space<hbm>>)
        tpu.yield
      }) : () -> ()
    } else {
    }
    return
  }
}

#map = affine_map<(d0, d1) -> (0, 0)>
#map1 = affine_map<(d0, d1) -> (0)>
#map2 = affine_map<(d0, d1) -> (0, 0, 0)>
module attributes {stable_mosaic.version = 14 : i64} {
  func.func @_sc_aggregate(%arg0: i32, %arg1: i32, %arg2: memref<20000x128xf32, #tpu.memory_space<hbm>>, %arg3: memref<320000xi32, #tpu.memory_space<hbm>>, %arg4: memref<320000xi32, #tpu.memory_space<hbm>>, %arg5: memref<2x10000x128xf32, #tpu.memory_space<hbm>>, %arg6: memref<10000x128xf32, #tpu.memory_space<vmem_shared>>, %arg7: memref<10000xi32, #tpu.memory_space<vmem>>, %arg8: memref<1x64xi32, #tpu.memory_space<vmem>>, %arg9: memref<1x64xi32, #tpu.memory_space<vmem>>, %arg10: memref<1x64xi32, #tpu.memory_space<vmem>>, %arg11: memref<1x64xi32, #tpu.memory_space<vmem>>, %arg12: memref<1x16xi32, #tpu.memory_space<vmem>>, %arg13: memref<64x128xf32, #tpu.memory_space<vmem>>, %arg14: memref<64x128xf32, #tpu.memory_space<vmem>>, %arg15: memref<64x128xf32, #tpu.memory_space<vmem>>, %arg16: memref<64x128xf32, #tpu.memory_space<vmem>>, %arg17: memref<!tpu.dma_semaphore, #tpu.memory_space<semaphore_mem>>, %arg18: memref<!tpu.dma_semaphore, #tpu.memory_space<semaphore_mem>>, %arg19: memref<!tpu.dma_semaphore, #tpu.memory_space<semaphore_mem>>, %arg20: memref<!tpu.dma_semaphore, #tpu.memory_space<semaphore_mem>>, %arg21: memref<!tpu.dma_semaphore, #tpu.memory_space<semaphore_mem>>, %arg22: memref<!tpu.dma_semaphore, #tpu.memory_space<semaphore_mem>>, %arg23: memref<!tpu.dma_semaphore, #tpu.memory_space<semaphore_mem>>, %arg24: memref<!tpu.dma_semaphore, #tpu.memory_space<semaphore_mem>>, %arg25: memref<!tpu.dma_semaphore, #tpu.memory_space<semaphore_mem>>, %arg26: memref<!tpu.dma_semaphore, #tpu.memory_space<semaphore_mem>>, %arg27: memref<!tpu.dma_semaphore, #tpu.memory_space<semaphore_mem>>, %arg28: memref<!tpu.dma_semaphore, #tpu.memory_space<semaphore_mem>>) attributes {dimension_semantics = [#tpu.dimension_semantics<core_parallel>, #tpu.dimension_semantics<subcore_parallel>], iteration_bounds = array<i64: 2, 16>, scalar_prefetch = 0 : i64, scratch_operands = 23 : i64, tpu.core_type = #tpu.core_type<sc_vector_subcore>, window_params = [{transform_indices = #map}, {transform_indices = #map1}, {transform_indices = #map1}, {transform_indices = #map2}]} {
    %mul3A = arith.constant 16 : i32
    %mul3A_0 = arith.muli %arg0, %mul3A : i32
    %add3A = arith.addi %mul3A_0, %arg1 : i32
    %mul3A_1 = arith.constant 10000 : i32
    %mul3A_2 = arith.muli %add3A, %mul3A_1 : i32
    "tpu.region"() ({
      %run_scoped3A_191 = tpu.sem_alloc : memref<!tpu.dma_semaphore, #tpu.memory_space<semaphore_mem>>
      %dma_start3A_192 = tpu.memref_slice %arg3[%mul3A_2] : memref<320000xi32, #tpu.memory_space<hbm>> -> memref<10000xi32, #tpu.memory_space<hbm>>
      %dma_start3A_193 = tpu.memref_slice %arg3[%mul3A_2] : memref<320000xi32, #tpu.memory_space<hbm>> -> memref<10000xi32, #tpu.memory_space<hbm>>
      tpu.enqueue_dma source(%dma_start3A_193 : memref<10000xi32, #tpu.memory_space<hbm>>) target(%arg7 : memref<10000xi32, #tpu.memory_space<vmem>>) target_semaphore(%run_scoped3A_191 : memref<!tpu.dma_semaphore, #tpu.memory_space<semaphore_mem>>)
      %dma_wait3A_194 = tpu.memref_slice %arg3[%mul3A_2] : memref<320000xi32, #tpu.memory_space<hbm>> -> memref<10000xi32, #tpu.memory_space<hbm>>
      %dma_wait3A_195 = tpu.memref_slice %arg3[%mul3A_2] : memref<320000xi32, #tpu.memory_space<hbm>> -> memref<10000xi32, #tpu.memory_space<hbm>>
      tpu.wait_dma2 semaphore(%run_scoped3A_191 : memref<!tpu.dma_semaphore, #tpu.memory_space<semaphore_mem>>) src(%dma_wait3A_195 : memref<10000xi32, #tpu.memory_space<hbm>>) dst(%arg7 : memref<10000xi32, #tpu.memory_space<vmem>>)
      tpu.yield
    }) : () -> ()
    %mul3A_3 = arith.constant 624 : i32
    %mul3A_4 = arith.muli %arg1, %mul3A_3 : i32
    %eq3A = arith.constant 15 : i32
    %eq3A_5 = arith.cmpi eq, %arg1, %eq3A : i32
    %convert_element_type3A = arith.extui %eq3A_5 : i1 to i32
    %cond3A = arith.constant 0 : i32
    %cond3A_6 = arith.cmpi ne, %convert_element_type3A, %cond3A : i32
    scf.if %cond3A_6 {
      %mul3A_191 = arith.constant 10000 : i32
      %mul3A_192 = arith.muli %arg0, %mul3A_191 : i32
      %add3A_193 = arith.addi %mul3A_192, %mul3A_4 : i32
      "tpu.region"() ({
        %run_scoped3A_194 = tpu.sem_alloc : memref<!tpu.dma_semaphore, #tpu.memory_space<semaphore_mem>>
        %dma_start3A_195 = arith.constant 0 : i32
        %dma_start3A_196 = tpu.memref_slice %arg6[%mul3A_4, %dma_start3A_195] : memref<10000x128xf32, #tpu.memory_space<vmem_shared>> -> memref<640x128xf32, #tpu.memory_space<vmem_shared>>
        %dma_start3A_197 = arith.constant 0 : i32
        %dma_start3A_198 = tpu.memref_slice %arg2[%add3A_193, %dma_start3A_197] : memref<20000x128xf32, #tpu.memory_space<hbm>> -> memref<640x128xf32, #tpu.memory_space<hbm>>
        tpu.enqueue_dma source(%dma_start3A_198 : memref<640x128xf32, #tpu.memory_space<hbm>>) target(%dma_start3A_196 : memref<640x128xf32, #tpu.memory_space<vmem_shared>>) target_semaphore(%run_scoped3A_194 : memref<!tpu.dma_semaphore, #tpu.memory_space<semaphore_mem>>)
        %dma_wait3A_199 = arith.constant 0 : i32
        %dma_wait3A_200 = tpu.memref_slice %arg6[%mul3A_4, %dma_wait3A_199] : memref<10000x128xf32, #tpu.memory_space<vmem_shared>> -> memref<640x128xf32, #tpu.memory_space<vmem_shared>>
        %dma_wait3A_201 = arith.constant 0 : i32
        %dma_wait3A_202 = tpu.memref_slice %arg2[%add3A_193, %dma_wait3A_201] : memref<20000x128xf32, #tpu.memory_space<hbm>> -> memref<640x128xf32, #tpu.memory_space<hbm>>
        tpu.wait_dma2 semaphore(%run_scoped3A_194 : memref<!tpu.dma_semaphore, #tpu.memory_space<semaphore_mem>>) src(%dma_wait3A_202 : memref<640x128xf32, #tpu.memory_space<hbm>>) dst(%dma_wait3A_200 : memref<640x128xf32, #tpu.memory_space<vmem_shared>>)
        tpu.yield
      }) : () -> ()
    } else {
    }
    %ne3A = arith.constant 15 : i32
    %ne3A_7 = arith.cmpi ne, %arg1, %ne3A : i32
    %convert_element_type3A_8 = arith.extui %ne3A_7 : i1 to i32
    %cond3A_9 = arith.constant 0 : i32
    %cond3A_10 = arith.cmpi ne, %convert_element_type3A_8, %cond3A_9 : i32
    scf.if %cond3A_10 {
      %mul3A_191 = arith.constant 10000 : i32
      %mul3A_192 = arith.muli %arg0, %mul3A_191 : i32
      %add3A_193 = arith.addi %mul3A_192, %mul3A_4 : i32
      "tpu.region"() ({
        %run_scoped3A_194 = tpu.sem_alloc : memref<!tpu.dma_semaphore, #tpu.memory_space<semaphore_mem>>
        %dma_start3A_195 = arith.constant 0 : i32
        %dma_start3A_196 = tpu.memref_slice %arg6[%mul3A_4, %dma_start3A_195] : memref<10000x128xf32, #tpu.memory_space<vmem_shared>> -> memref<624x128xf32, #tpu.memory_space<vmem_shared>>
        %dma_start3A_197 = arith.constant 0 : i32
        %dma_start3A_198 = tpu.memref_slice %arg2[%add3A_193, %dma_start3A_197] : memref<20000x128xf32, #tpu.memory_space<hbm>> -> memref<624x128xf32, #tpu.memory_space<hbm>>
        tpu.enqueue_dma source(%dma_start3A_198 : memref<624x128xf32, #tpu.memory_space<hbm>>) target(%dma_start3A_196 : memref<624x128xf32, #tpu.memory_space<vmem_shared>>) target_semaphore(%run_scoped3A_194 : memref<!tpu.dma_semaphore, #tpu.memory_space<semaphore_mem>>)
        %dma_wait3A_199 = arith.constant 0 : i32
        %dma_wait3A_200 = tpu.memref_slice %arg6[%mul3A_4, %dma_wait3A_199] : memref<10000x128xf32, #tpu.memory_space<vmem_shared>> -> memref<624x128xf32, #tpu.memory_space<vmem_shared>>
        %dma_wait3A_201 = arith.constant 0 : i32
        %dma_wait3A_202 = tpu.memref_slice %arg2[%add3A_193, %dma_wait3A_201] : memref<20000x128xf32, #tpu.memory_space<hbm>> -> memref<624x128xf32, #tpu.memory_space<hbm>>
        tpu.wait_dma2 semaphore(%run_scoped3A_194 : memref<!tpu.dma_semaphore, #tpu.memory_space<semaphore_mem>>) src(%dma_wait3A_202 : memref<624x128xf32, #tpu.memory_space<hbm>>) dst(%dma_wait3A_200 : memref<624x128xf32, #tpu.memory_space<vmem_shared>>)
        tpu.yield
      }) : () -> ()
    } else {
    }
    %barrier3A = arith.constant 0 : index
    tpu.barrier barrier_id(%barrier3A)
    %add3A_11 = arith.constant 0 : i32
    %add3A_12 = arith.addi %mul3A_2, %add3A_11 : i32
    %dma_start3A = arith.constant 0 : i32
    %dma_start3A_13 = arith.constant 0 : i32
    %dma_start3A_14 = tpu.memref_slice %arg8[%dma_start3A, %dma_start3A_13] : memref<1x64xi32, #tpu.memory_space<vmem>> -> memref<1x64xi32, #tpu.memory_space<vmem>>
    %dma_start3A_15 = tpu.memref_squeeze %dma_start3A_14 : memref<1x64xi32, #tpu.memory_space<vmem>> -> memref<64xi32, #tpu.memory_space<vmem>>
    %dma_start3A_16 = tpu.memref_slice %arg4[%add3A_12] : memref<320000xi32, #tpu.memory_space<hbm>> -> memref<64xi32, #tpu.memory_space<hbm>>
    %dma_start3A_17 = arith.constant 0 : i32
    %dma_start3A_18 = tpu.memref_slice %arg8[%dma_start3A, %dma_start3A_17] : memref<1x64xi32, #tpu.memory_space<vmem>> -> memref<1x64xi32, #tpu.memory_space<vmem>>
    %dma_start3A_19 = tpu.memref_squeeze %dma_start3A_18 : memref<1x64xi32, #tpu.memory_space<vmem>> -> memref<64xi32, #tpu.memory_space<vmem>>
    %dma_start3A_20 = tpu.memref_slice %arg4[%add3A_12] : memref<320000xi32, #tpu.memory_space<hbm>> -> memref<64xi32, #tpu.memory_space<hbm>>
    tpu.enqueue_dma source(%dma_start3A_20 : memref<64xi32, #tpu.memory_space<hbm>>) target(%dma_start3A_19 : memref<64xi32, #tpu.memory_space<vmem>>) target_semaphore(%arg17 : memref<!tpu.dma_semaphore, #tpu.memory_space<semaphore_mem>>)
    %dma_start3A_21 = arith.constant 0 : i32
    %dma_start3A_22 = tpu.memref_slice %arg7[%dma_start3A_21] : memref<10000xi32, #tpu.memory_space<vmem>> -> memref<64xi32, #tpu.memory_space<vmem>>
    %dma_start3A_23 = arith.constant 0 : i32
    %dma_start3A_24 = arith.constant 0 : i32
    %dma_start3A_25 = tpu.memref_slice %arg2[%dma_start3A_23, %dma_start3A_24] : memref<20000x128xf32, #tpu.memory_space<hbm>> -> memref<20000x128xf32, #tpu.memory_space<hbm>>
    tpu.enqueue_indirect_dma source(%dma_start3A_25 : memref<20000x128xf32, #tpu.memory_space<hbm>>) target(%arg13 : memref<64x128xf32, #tpu.memory_space<vmem>>) offsets(%dma_start3A_22 : memref<64xi32, #tpu.memory_space<vmem>>) semaphore(%arg21 : memref<!tpu.dma_semaphore, #tpu.memory_space<semaphore_mem>>)
    %add3A_26 = arith.constant 64 : i32
    %add3A_27 = arith.addi %mul3A_2, %add3A_26 : i32
    %dma_start3A_28 = arith.constant 0 : i32
    %dma_start3A_29 = arith.constant 0 : i32
    %dma_start3A_30 = tpu.memref_slice %arg9[%dma_start3A_28, %dma_start3A_29] : memref<1x64xi32, #tpu.memory_space<vmem>> -> memref<1x64xi32, #tpu.memory_space<vmem>>
    %dma_start3A_31 = tpu.memref_squeeze %dma_start3A_30 : memref<1x64xi32, #tpu.memory_space<vmem>> -> memref<64xi32, #tpu.memory_space<vmem>>
    %dma_start3A_32 = tpu.memref_slice %arg4[%add3A_27] : memref<320000xi32, #tpu.memory_space<hbm>> -> memref<64xi32, #tpu.memory_space<hbm>>
    %dma_start3A_33 = arith.constant 0 : i32
    %dma_start3A_34 = tpu.memref_slice %arg9[%dma_start3A_28, %dma_start3A_33] : memref<1x64xi32, #tpu.memory_space<vmem>> -> memref<1x64xi32, #tpu.memory_space<vmem>>
    %dma_start3A_35 = tpu.memref_squeeze %dma_start3A_34 : memref<1x64xi32, #tpu.memory_space<vmem>> -> memref<64xi32, #tpu.memory_space<vmem>>
    %dma_start3A_36 = tpu.memref_slice %arg4[%add3A_27] : memref<320000xi32, #tpu.memory_space<hbm>> -> memref<64xi32, #tpu.memory_space<hbm>>
    tpu.enqueue_dma source(%dma_start3A_36 : memref<64xi32, #tpu.memory_space<hbm>>) target(%dma_start3A_35 : memref<64xi32, #tpu.memory_space<vmem>>) target_semaphore(%arg18 : memref<!tpu.dma_semaphore, #tpu.memory_space<semaphore_mem>>)
    %dma_start3A_37 = arith.constant 64 : i32
    %dma_start3A_38 = tpu.memref_slice %arg7[%dma_start3A_37] : memref<10000xi32, #tpu.memory_space<vmem>> -> memref<64xi32, #tpu.memory_space<vmem>>
    %dma_start3A_39 = arith.constant 0 : i32
    %dma_start3A_40 = arith.constant 0 : i32
    %dma_start3A_41 = tpu.memref_slice %arg2[%dma_start3A_39, %dma_start3A_40] : memref<20000x128xf32, #tpu.memory_space<hbm>> -> memref<20000x128xf32, #tpu.memory_space<hbm>>
    tpu.enqueue_indirect_dma source(%dma_start3A_41 : memref<20000x128xf32, #tpu.memory_space<hbm>>) target(%arg14 : memref<64x128xf32, #tpu.memory_space<vmem>>) offsets(%dma_start3A_38 : memref<64xi32, #tpu.memory_space<vmem>>) semaphore(%arg22 : memref<!tpu.dma_semaphore, #tpu.memory_space<semaphore_mem>>)
    %add3A_42 = arith.constant 128 : i32
    %add3A_43 = arith.addi %mul3A_2, %add3A_42 : i32
    %dma_start3A_44 = arith.constant 0 : i32
    %dma_start3A_45 = arith.constant 0 : i32
    %dma_start3A_46 = tpu.memref_slice %arg10[%dma_start3A_44, %dma_start3A_45] : memref<1x64xi32, #tpu.memory_space<vmem>> -> memref<1x64xi32, #tpu.memory_space<vmem>>
    %dma_start3A_47 = tpu.memref_squeeze %dma_start3A_46 : memref<1x64xi32, #tpu.memory_space<vmem>> -> memref<64xi32, #tpu.memory_space<vmem>>
    %dma_start3A_48 = tpu.memref_slice %arg4[%add3A_43] : memref<320000xi32, #tpu.memory_space<hbm>> -> memref<64xi32, #tpu.memory_space<hbm>>
    %dma_start3A_49 = arith.constant 0 : i32
    %dma_start3A_50 = tpu.memref_slice %arg10[%dma_start3A_44, %dma_start3A_49] : memref<1x64xi32, #tpu.memory_space<vmem>> -> memref<1x64xi32, #tpu.memory_space<vmem>>
    %dma_start3A_51 = tpu.memref_squeeze %dma_start3A_50 : memref<1x64xi32, #tpu.memory_space<vmem>> -> memref<64xi32, #tpu.memory_space<vmem>>
    %dma_start3A_52 = tpu.memref_slice %arg4[%add3A_43] : memref<320000xi32, #tpu.memory_space<hbm>> -> memref<64xi32, #tpu.memory_space<hbm>>
    tpu.enqueue_dma source(%dma_start3A_52 : memref<64xi32, #tpu.memory_space<hbm>>) target(%dma_start3A_51 : memref<64xi32, #tpu.memory_space<vmem>>) target_semaphore(%arg19 : memref<!tpu.dma_semaphore, #tpu.memory_space<semaphore_mem>>)
    %dma_start3A_53 = arith.constant 128 : i32
    %dma_start3A_54 = tpu.memref_slice %arg7[%dma_start3A_53] : memref<10000xi32, #tpu.memory_space<vmem>> -> memref<64xi32, #tpu.memory_space<vmem>>
    %dma_start3A_55 = arith.constant 0 : i32
    %dma_start3A_56 = arith.constant 0 : i32
    %dma_start3A_57 = tpu.memref_slice %arg2[%dma_start3A_55, %dma_start3A_56] : memref<20000x128xf32, #tpu.memory_space<hbm>> -> memref<20000x128xf32, #tpu.memory_space<hbm>>
    tpu.enqueue_indirect_dma source(%dma_start3A_57 : memref<20000x128xf32, #tpu.memory_space<hbm>>) target(%arg15 : memref<64x128xf32, #tpu.memory_space<vmem>>) offsets(%dma_start3A_54 : memref<64xi32, #tpu.memory_space<vmem>>) semaphore(%arg23 : memref<!tpu.dma_semaphore, #tpu.memory_space<semaphore_mem>>)
    %add3A_58 = arith.constant 192 : i32
    %add3A_59 = arith.addi %mul3A_2, %add3A_58 : i32
    %dma_start3A_60 = arith.constant 0 : i32
    %dma_start3A_61 = arith.constant 0 : i32
    %dma_start3A_62 = tpu.memref_slice %arg11[%dma_start3A_60, %dma_start3A_61] : memref<1x64xi32, #tpu.memory_space<vmem>> -> memref<1x64xi32, #tpu.memory_space<vmem>>
    %dma_start3A_63 = tpu.memref_squeeze %dma_start3A_62 : memref<1x64xi32, #tpu.memory_space<vmem>> -> memref<64xi32, #tpu.memory_space<vmem>>
    %dma_start3A_64 = tpu.memref_slice %arg4[%add3A_59] : memref<320000xi32, #tpu.memory_space<hbm>> -> memref<64xi32, #tpu.memory_space<hbm>>
    %dma_start3A_65 = arith.constant 0 : i32
    %dma_start3A_66 = tpu.memref_slice %arg11[%dma_start3A_60, %dma_start3A_65] : memref<1x64xi32, #tpu.memory_space<vmem>> -> memref<1x64xi32, #tpu.memory_space<vmem>>
    %dma_start3A_67 = tpu.memref_squeeze %dma_start3A_66 : memref<1x64xi32, #tpu.memory_space<vmem>> -> memref<64xi32, #tpu.memory_space<vmem>>
    %dma_start3A_68 = tpu.memref_slice %arg4[%add3A_59] : memref<320000xi32, #tpu.memory_space<hbm>> -> memref<64xi32, #tpu.memory_space<hbm>>
    tpu.enqueue_dma source(%dma_start3A_68 : memref<64xi32, #tpu.memory_space<hbm>>) target(%dma_start3A_67 : memref<64xi32, #tpu.memory_space<vmem>>) target_semaphore(%arg20 : memref<!tpu.dma_semaphore, #tpu.memory_space<semaphore_mem>>)
    %dma_start3A_69 = arith.constant 192 : i32
    %dma_start3A_70 = tpu.memref_slice %arg7[%dma_start3A_69] : memref<10000xi32, #tpu.memory_space<vmem>> -> memref<64xi32, #tpu.memory_space<vmem>>
    %dma_start3A_71 = arith.constant 0 : i32
    %dma_start3A_72 = arith.constant 0 : i32
    %dma_start3A_73 = tpu.memref_slice %arg2[%dma_start3A_71, %dma_start3A_72] : memref<20000x128xf32, #tpu.memory_space<hbm>> -> memref<20000x128xf32, #tpu.memory_space<hbm>>
    tpu.enqueue_indirect_dma source(%dma_start3A_73 : memref<20000x128xf32, #tpu.memory_space<hbm>>) target(%arg16 : memref<64x128xf32, #tpu.memory_space<vmem>>) offsets(%dma_start3A_70 : memref<64xi32, #tpu.memory_space<vmem>>) semaphore(%arg24 : memref<!tpu.dma_semaphore, #tpu.memory_space<semaphore_mem>>)
    %scan3A = arith.constant 0 : i32
    %scan3A_74 = arith.constant 0 : i32
    %scan3A_75 = arith.constant 39 : i32
    %scan3A_76 = arith.addi %scan3A_74, %scan3A_75 : i32
    %scan3A_77 = arith.constant 1 : i32
    scf.for %scan3A_191 = %scan3A_74 to %scan3A_76 step %scan3A_77  : i32 {
      %mul3A_192 = arith.constant 4 : i32
      %mul3A_193 = arith.muli %scan3A_191, %mul3A_192 : i32
      %add3A_194 = arith.constant 0 : i32
      %add3A_195 = arith.addi %mul3A_193, %add3A_194 : i32
      %mul3A_196 = arith.constant 64 : i32
      %mul3A_197 = arith.muli %add3A_195, %mul3A_196 : i32
      %dma_wait3A_198 = tpu.memref_slice %arg7[%mul3A_197] : memref<10000xi32, #tpu.memory_space<vmem>> -> memref<64xi32, #tpu.memory_space<vmem>>
      %dma_wait3A_199 = arith.constant 0 : i32
      %dma_wait3A_200 = arith.constant 0 : i32
      %dma_wait3A_201 = tpu.memref_slice %arg2[%dma_wait3A_199, %dma_wait3A_200] : memref<20000x128xf32, #tpu.memory_space<hbm>> -> memref<20000x128xf32, #tpu.memory_space<hbm>>
      tpu.wait_indirect_dma semaphore(%arg21 : memref<!tpu.dma_semaphore, #tpu.memory_space<semaphore_mem>>) src(%dma_wait3A_201 : memref<20000x128xf32, #tpu.memory_space<hbm>>) dst(%arg13 : memref<64x128xf32, #tpu.memory_space<vmem>>)
      %add3A_202 = arith.constant 0 : i32
      %add3A_203 = arith.addi %mul3A_193, %add3A_202 : i32
      %mul3A_204 = arith.constant 64 : i32
      %mul3A_205 = arith.muli %add3A_203, %mul3A_204 : i32
      %add3A_206 = arith.addi %mul3A_2, %mul3A_205 : i32
      %dma_wait3A_207 = arith.constant 0 : i32
      %dma_wait3A_208 = arith.constant 0 : i32
      %dma_wait3A_209 = tpu.memref_slice %arg8[%dma_wait3A_207, %dma_wait3A_208] : memref<1x64xi32, #tpu.memory_space<vmem>> -> memref<1x64xi32, #tpu.memory_space<vmem>>
      %dma_wait3A_210 = tpu.memref_squeeze %dma_wait3A_209 : memref<1x64xi32, #tpu.memory_space<vmem>> -> memref<64xi32, #tpu.memory_space<vmem>>
      %dma_wait3A_211 = tpu.memref_slice %arg4[%add3A_206] : memref<320000xi32, #tpu.memory_space<hbm>> -> memref<64xi32, #tpu.memory_space<hbm>>
      %dma_wait3A_212 = arith.constant 0 : i32
      %dma_wait3A_213 = tpu.memref_slice %arg8[%dma_wait3A_207, %dma_wait3A_212] : memref<1x64xi32, #tpu.memory_space<vmem>> -> memref<1x64xi32, #tpu.memory_space<vmem>>
      %dma_wait3A_214 = tpu.memref_squeeze %dma_wait3A_213 : memref<1x64xi32, #tpu.memory_space<vmem>> -> memref<64xi32, #tpu.memory_space<vmem>>
      %dma_wait3A_215 = tpu.memref_slice %arg4[%add3A_206] : memref<320000xi32, #tpu.memory_space<hbm>> -> memref<64xi32, #tpu.memory_space<hbm>>
      tpu.wait_dma2 semaphore(%arg17 : memref<!tpu.dma_semaphore, #tpu.memory_space<semaphore_mem>>) src(%dma_wait3A_215 : memref<64xi32, #tpu.memory_space<hbm>>) dst(%dma_wait3A_214 : memref<64xi32, #tpu.memory_space<vmem>>)
      %dma_start3A_216 = arith.constant 0 : i32
      %dma_start3A_217 = arith.constant 0 : i32
      %dma_start3A_218 = tpu.memref_slice %arg8[%dma_start3A_216, %dma_start3A_217] : memref<1x64xi32, #tpu.memory_space<vmem>> -> memref<1x64xi32, #tpu.memory_space<vmem>>
      %dma_start3A_219 = tpu.memref_squeeze %dma_start3A_218 : memref<1x64xi32, #tpu.memory_space<vmem>> -> memref<64xi32, #tpu.memory_space<vmem>>
      %dma_start3A_220 = arith.constant 0 : i32
      %dma_start3A_221 = arith.constant 0 : i32
      %dma_start3A_222 = tpu.memref_slice %arg6[%dma_start3A_220, %dma_start3A_221] : memref<10000x128xf32, #tpu.memory_space<vmem_shared>> -> memref<10000x128xf32, #tpu.memory_space<vmem_shared>>
      tpu.enqueue_indirect_dma source(%arg13 : memref<64x128xf32, #tpu.memory_space<vmem>>) target(%dma_start3A_222 : memref<10000x128xf32, #tpu.memory_space<vmem_shared>>) offsets(%dma_start3A_219 : memref<64xi32, #tpu.memory_space<vmem>>) semaphore(%arg25 : memref<!tpu.dma_semaphore, #tpu.memory_space<semaphore_mem>>) {add = true}
      %add3A_223 = arith.constant 1 : i32
      %add3A_224 = arith.addi %mul3A_193, %add3A_223 : i32
      %mul3A_225 = arith.constant 64 : i32
      %mul3A_226 = arith.muli %add3A_224, %mul3A_225 : i32
      %dma_wait3A_227 = tpu.memref_slice %arg7[%mul3A_226] : memref<10000xi32, #tpu.memory_space<vmem>> -> memref<64xi32, #tpu.memory_space<vmem>>
      %dma_wait3A_228 = arith.constant 0 : i32
      %dma_wait3A_229 = arith.constant 0 : i32
      %dma_wait3A_230 = tpu.memref_slice %arg2[%dma_wait3A_228, %dma_wait3A_229] : memref<20000x128xf32, #tpu.memory_space<hbm>> -> memref<20000x128xf32, #tpu.memory_space<hbm>>
      tpu.wait_indirect_dma semaphore(%arg22 : memref<!tpu.dma_semaphore, #tpu.memory_space<semaphore_mem>>) src(%dma_wait3A_230 : memref<20000x128xf32, #tpu.memory_space<hbm>>) dst(%arg14 : memref<64x128xf32, #tpu.memory_space<vmem>>)
      %add3A_231 = arith.constant 1 : i32
      %add3A_232 = arith.addi %mul3A_193, %add3A_231 : i32
      %mul3A_233 = arith.constant 64 : i32
      %mul3A_234 = arith.muli %add3A_232, %mul3A_233 : i32
      %add3A_235 = arith.addi %mul3A_2, %mul3A_234 : i32
      %dma_wait3A_236 = arith.constant 0 : i32
      %dma_wait3A_237 = arith.constant 0 : i32
      %dma_wait3A_238 = tpu.memref_slice %arg9[%dma_wait3A_236, %dma_wait3A_237] : memref<1x64xi32, #tpu.memory_space<vmem>> -> memref<1x64xi32, #tpu.memory_space<vmem>>
      %dma_wait3A_239 = tpu.memref_squeeze %dma_wait3A_238 : memref<1x64xi32, #tpu.memory_space<vmem>> -> memref<64xi32, #tpu.memory_space<vmem>>
      %dma_wait3A_240 = tpu.memref_slice %arg4[%add3A_235] : memref<320000xi32, #tpu.memory_space<hbm>> -> memref<64xi32, #tpu.memory_space<hbm>>
      %dma_wait3A_241 = arith.constant 0 : i32
      %dma_wait3A_242 = tpu.memref_slice %arg9[%dma_wait3A_236, %dma_wait3A_241] : memref<1x64xi32, #tpu.memory_space<vmem>> -> memref<1x64xi32, #tpu.memory_space<vmem>>
      %dma_wait3A_243 = tpu.memref_squeeze %dma_wait3A_242 : memref<1x64xi32, #tpu.memory_space<vmem>> -> memref<64xi32, #tpu.memory_space<vmem>>
      %dma_wait3A_244 = tpu.memref_slice %arg4[%add3A_235] : memref<320000xi32, #tpu.memory_space<hbm>> -> memref<64xi32, #tpu.memory_space<hbm>>
      tpu.wait_dma2 semaphore(%arg18 : memref<!tpu.dma_semaphore, #tpu.memory_space<semaphore_mem>>) src(%dma_wait3A_244 : memref<64xi32, #tpu.memory_space<hbm>>) dst(%dma_wait3A_243 : memref<64xi32, #tpu.memory_space<vmem>>)
      %dma_start3A_245 = arith.constant 0 : i32
      %dma_start3A_246 = arith.constant 0 : i32
      %dma_start3A_247 = tpu.memref_slice %arg9[%dma_start3A_245, %dma_start3A_246] : memref<1x64xi32, #tpu.memory_space<vmem>> -> memref<1x64xi32, #tpu.memory_space<vmem>>
      %dma_start3A_248 = tpu.memref_squeeze %dma_start3A_247 : memref<1x64xi32, #tpu.memory_space<vmem>> -> memref<64xi32, #tpu.memory_space<vmem>>
      %dma_start3A_249 = arith.constant 0 : i32
      %dma_start3A_250 = arith.constant 0 : i32
      %dma_start3A_251 = tpu.memref_slice %arg6[%dma_start3A_249, %dma_start3A_250] : memref<10000x128xf32, #tpu.memory_space<vmem_shared>> -> memref<10000x128xf32, #tpu.memory_space<vmem_shared>>
      tpu.enqueue_indirect_dma source(%arg14 : memref<64x128xf32, #tpu.memory_space<vmem>>) target(%dma_start3A_251 : memref<10000x128xf32, #tpu.memory_space<vmem_shared>>) offsets(%dma_start3A_248 : memref<64xi32, #tpu.memory_space<vmem>>) semaphore(%arg26 : memref<!tpu.dma_semaphore, #tpu.memory_space<semaphore_mem>>) {add = true}
      %add3A_252 = arith.constant 2 : i32
      %add3A_253 = arith.addi %mul3A_193, %add3A_252 : i32
      %mul3A_254 = arith.constant 64 : i32
      %mul3A_255 = arith.muli %add3A_253, %mul3A_254 : i32
      %dma_wait3A_256 = tpu.memref_slice %arg7[%mul3A_255] : memref<10000xi32, #tpu.memory_space<vmem>> -> memref<64xi32, #tpu.memory_space<vmem>>
      %dma_wait3A_257 = arith.constant 0 : i32
      %dma_wait3A_258 = arith.constant 0 : i32
      %dma_wait3A_259 = tpu.memref_slice %arg2[%dma_wait3A_257, %dma_wait3A_258] : memref<20000x128xf32, #tpu.memory_space<hbm>> -> memref<20000x128xf32, #tpu.memory_space<hbm>>
      tpu.wait_indirect_dma semaphore(%arg23 : memref<!tpu.dma_semaphore, #tpu.memory_space<semaphore_mem>>) src(%dma_wait3A_259 : memref<20000x128xf32, #tpu.memory_space<hbm>>) dst(%arg15 : memref<64x128xf32, #tpu.memory_space<vmem>>)
      %add3A_260 = arith.constant 2 : i32
      %add3A_261 = arith.addi %mul3A_193, %add3A_260 : i32
      %mul3A_262 = arith.constant 64 : i32
      %mul3A_263 = arith.muli %add3A_261, %mul3A_262 : i32
      %add3A_264 = arith.addi %mul3A_2, %mul3A_263 : i32
      %dma_wait3A_265 = arith.constant 0 : i32
      %dma_wait3A_266 = arith.constant 0 : i32
      %dma_wait3A_267 = tpu.memref_slice %arg10[%dma_wait3A_265, %dma_wait3A_266] : memref<1x64xi32, #tpu.memory_space<vmem>> -> memref<1x64xi32, #tpu.memory_space<vmem>>
      %dma_wait3A_268 = tpu.memref_squeeze %dma_wait3A_267 : memref<1x64xi32, #tpu.memory_space<vmem>> -> memref<64xi32, #tpu.memory_space<vmem>>
      %dma_wait3A_269 = tpu.memref_slice %arg4[%add3A_264] : memref<320000xi32, #tpu.memory_space<hbm>> -> memref<64xi32, #tpu.memory_space<hbm>>
      %dma_wait3A_270 = arith.constant 0 : i32
      %dma_wait3A_271 = tpu.memref_slice %arg10[%dma_wait3A_265, %dma_wait3A_270] : memref<1x64xi32, #tpu.memory_space<vmem>> -> memref<1x64xi32, #tpu.memory_space<vmem>>
      %dma_wait3A_272 = tpu.memref_squeeze %dma_wait3A_271 : memref<1x64xi32, #tpu.memory_space<vmem>> -> memref<64xi32, #tpu.memory_space<vmem>>
      %dma_wait3A_273 = tpu.memref_slice %arg4[%add3A_264] : memref<320000xi32, #tpu.memory_space<hbm>> -> memref<64xi32, #tpu.memory_space<hbm>>
      tpu.wait_dma2 semaphore(%arg19 : memref<!tpu.dma_semaphore, #tpu.memory_space<semaphore_mem>>) src(%dma_wait3A_273 : memref<64xi32, #tpu.memory_space<hbm>>) dst(%dma_wait3A_272 : memref<64xi32, #tpu.memory_space<vmem>>)
      %dma_start3A_274 = arith.constant 0 : i32
      %dma_start3A_275 = arith.constant 0 : i32
      %dma_start3A_276 = tpu.memref_slice %arg10[%dma_start3A_274, %dma_start3A_275] : memref<1x64xi32, #tpu.memory_space<vmem>> -> memref<1x64xi32, #tpu.memory_space<vmem>>
      %dma_start3A_277 = tpu.memref_squeeze %dma_start3A_276 : memref<1x64xi32, #tpu.memory_space<vmem>> -> memref<64xi32, #tpu.memory_space<vmem>>
      %dma_start3A_278 = arith.constant 0 : i32
      %dma_start3A_279 = arith.constant 0 : i32
      %dma_start3A_280 = tpu.memref_slice %arg6[%dma_start3A_278, %dma_start3A_279] : memref<10000x128xf32, #tpu.memory_space<vmem_shared>> -> memref<10000x128xf32, #tpu.memory_space<vmem_shared>>
      tpu.enqueue_indirect_dma source(%arg15 : memref<64x128xf32, #tpu.memory_space<vmem>>) target(%dma_start3A_280 : memref<10000x128xf32, #tpu.memory_space<vmem_shared>>) offsets(%dma_start3A_277 : memref<64xi32, #tpu.memory_space<vmem>>) semaphore(%arg27 : memref<!tpu.dma_semaphore, #tpu.memory_space<semaphore_mem>>) {add = true}
      %add3A_281 = arith.constant 3 : i32
      %add3A_282 = arith.addi %mul3A_193, %add3A_281 : i32
      %mul3A_283 = arith.constant 64 : i32
      %mul3A_284 = arith.muli %add3A_282, %mul3A_283 : i32
      %dma_wait3A_285 = tpu.memref_slice %arg7[%mul3A_284] : memref<10000xi32, #tpu.memory_space<vmem>> -> memref<64xi32, #tpu.memory_space<vmem>>
      %dma_wait3A_286 = arith.constant 0 : i32
      %dma_wait3A_287 = arith.constant 0 : i32
      %dma_wait3A_288 = tpu.memref_slice %arg2[%dma_wait3A_286, %dma_wait3A_287] : memref<20000x128xf32, #tpu.memory_space<hbm>> -> memref<20000x128xf32, #tpu.memory_space<hbm>>
      tpu.wait_indirect_dma semaphore(%arg24 : memref<!tpu.dma_semaphore, #tpu.memory_space<semaphore_mem>>) src(%dma_wait3A_288 : memref<20000x128xf32, #tpu.memory_space<hbm>>) dst(%arg16 : memref<64x128xf32, #tpu.memory_space<vmem>>)
      %add3A_289 = arith.constant 3 : i32
      %add3A_290 = arith.addi %mul3A_193, %add3A_289 : i32
      %mul3A_291 = arith.constant 64 : i32
      %mul3A_292 = arith.muli %add3A_290, %mul3A_291 : i32
      %add3A_293 = arith.addi %mul3A_2, %mul3A_292 : i32
      %dma_wait3A_294 = arith.constant 0 : i32
      %dma_wait3A_295 = arith.constant 0 : i32
      %dma_wait3A_296 = tpu.memref_slice %arg11[%dma_wait3A_294, %dma_wait3A_295] : memref<1x64xi32, #tpu.memory_space<vmem>> -> memref<1x64xi32, #tpu.memory_space<vmem>>
      %dma_wait3A_297 = tpu.memref_squeeze %dma_wait3A_296 : memref<1x64xi32, #tpu.memory_space<vmem>> -> memref<64xi32, #tpu.memory_space<vmem>>
      %dma_wait3A_298 = tpu.memref_slice %arg4[%add3A_293] : memref<320000xi32, #tpu.memory_space<hbm>> -> memref<64xi32, #tpu.memory_space<hbm>>
      %dma_wait3A_299 = arith.constant 0 : i32
      %dma_wait3A_300 = tpu.memref_slice %arg11[%dma_wait3A_294, %dma_wait3A_299] : memref<1x64xi32, #tpu.memory_space<vmem>> -> memref<1x64xi32, #tpu.memory_space<vmem>>
      %dma_wait3A_301 = tpu.memref_squeeze %dma_wait3A_300 : memref<1x64xi32, #tpu.memory_space<vmem>> -> memref<64xi32, #tpu.memory_space<vmem>>
      %dma_wait3A_302 = tpu.memref_slice %arg4[%add3A_293] : memref<320000xi32, #tpu.memory_space<hbm>> -> memref<64xi32, #tpu.memory_space<hbm>>
      tpu.wait_dma2 semaphore(%arg20 : memref<!tpu.dma_semaphore, #tpu.memory_space<semaphore_mem>>) src(%dma_wait3A_302 : memref<64xi32, #tpu.memory_space<hbm>>) dst(%dma_wait3A_301 : memref<64xi32, #tpu.memory_space<vmem>>)
      %dma_start3A_303 = arith.constant 0 : i32
      %dma_start3A_304 = arith.constant 0 : i32
      %dma_start3A_305 = tpu.memref_slice %arg11[%dma_start3A_303, %dma_start3A_304] : memref<1x64xi32, #tpu.memory_space<vmem>> -> memref<1x64xi32, #tpu.memory_space<vmem>>
      %dma_start3A_306 = tpu.memref_squeeze %dma_start3A_305 : memref<1x64xi32, #tpu.memory_space<vmem>> -> memref<64xi32, #tpu.memory_space<vmem>>
      %dma_start3A_307 = arith.constant 0 : i32
      %dma_start3A_308 = arith.constant 0 : i32
      %dma_start3A_309 = tpu.memref_slice %arg6[%dma_start3A_307, %dma_start3A_308] : memref<10000x128xf32, #tpu.memory_space<vmem_shared>> -> memref<10000x128xf32, #tpu.memory_space<vmem_shared>>
      tpu.enqueue_indirect_dma source(%arg16 : memref<64x128xf32, #tpu.memory_space<vmem>>) target(%dma_start3A_309 : memref<10000x128xf32, #tpu.memory_space<vmem_shared>>) offsets(%dma_start3A_306 : memref<64xi32, #tpu.memory_space<vmem>>) semaphore(%arg28 : memref<!tpu.dma_semaphore, #tpu.memory_space<semaphore_mem>>) {add = true}
      %add3A_310 = arith.constant 0 : i32
      %add3A_311 = arith.addi %mul3A_193, %add3A_310 : i32
      %add3A_312 = arith.constant 4 : i32
      %add3A_313 = arith.addi %add3A_311, %add3A_312 : i32
      %rem3A = arith.constant 156 : i32
      %rem3A_314 = arith.remsi %add3A_313, %rem3A : i32
      %dma_wait3A_315 = arith.constant 0 : i32
      %dma_wait3A_316 = arith.constant 0 : i32
      %dma_wait3A_317 = tpu.memref_slice %arg8[%dma_wait3A_315, %dma_wait3A_316] : memref<1x64xi32, #tpu.memory_space<vmem>> -> memref<1x64xi32, #tpu.memory_space<vmem>>
      %dma_wait3A_318 = tpu.memref_squeeze %dma_wait3A_317 : memref<1x64xi32, #tpu.memory_space<vmem>> -> memref<64xi32, #tpu.memory_space<vmem>>
      %dma_wait3A_319 = arith.constant 0 : i32
      %dma_wait3A_320 = arith.constant 0 : i32
      %dma_wait3A_321 = tpu.memref_slice %arg6[%dma_wait3A_319, %dma_wait3A_320] : memref<10000x128xf32, #tpu.memory_space<vmem_shared>> -> memref<10000x128xf32, #tpu.memory_space<vmem_shared>>
      tpu.wait_indirect_dma semaphore(%arg25 : memref<!tpu.dma_semaphore, #tpu.memory_space<semaphore_mem>>) src(%arg13 : memref<64x128xf32, #tpu.memory_space<vmem>>) dst(%dma_wait3A_321 : memref<10000x128xf32, #tpu.memory_space<vmem_shared>>)
      %mul3A_322 = arith.constant 64 : i32
      %mul3A_323 = arith.muli %rem3A_314, %mul3A_322 : i32
      %add3A_324 = arith.addi %mul3A_2, %mul3A_323 : i32
      %dma_start3A_325 = arith.constant 0 : i32
      %dma_start3A_326 = arith.constant 0 : i32
      %dma_start3A_327 = tpu.memref_slice %arg8[%dma_start3A_325, %dma_start3A_326] : memref<1x64xi32, #tpu.memory_space<vmem>> -> memref<1x64xi32, #tpu.memory_space<vmem>>
      %dma_start3A_328 = tpu.memref_squeeze %dma_start3A_327 : memref<1x64xi32, #tpu.memory_space<vmem>> -> memref<64xi32, #tpu.memory_space<vmem>>
      %dma_start3A_329 = tpu.memref_slice %arg4[%add3A_324] : memref<320000xi32, #tpu.memory_space<hbm>> -> memref<64xi32, #tpu.memory_space<hbm>>
      %dma_start3A_330 = arith.constant 0 : i32
      %dma_start3A_331 = tpu.memref_slice %arg8[%dma_start3A_325, %dma_start3A_330] : memref<1x64xi32, #tpu.memory_space<vmem>> -> memref<1x64xi32, #tpu.memory_space<vmem>>
      %dma_start3A_332 = tpu.memref_squeeze %dma_start3A_331 : memref<1x64xi32, #tpu.memory_space<vmem>> -> memref<64xi32, #tpu.memory_space<vmem>>
      %dma_start3A_333 = tpu.memref_slice %arg4[%add3A_324] : memref<320000xi32, #tpu.memory_space<hbm>> -> memref<64xi32, #tpu.memory_space<hbm>>
      tpu.enqueue_dma source(%dma_start3A_333 : memref<64xi32, #tpu.memory_space<hbm>>) target(%dma_start3A_332 : memref<64xi32, #tpu.memory_space<vmem>>) target_semaphore(%arg17 : memref<!tpu.dma_semaphore, #tpu.memory_space<semaphore_mem>>)
      %mul3A_334 = arith.constant 64 : i32
      %mul3A_335 = arith.muli %rem3A_314, %mul3A_334 : i32
      %dma_start3A_336 = tpu.memref_slice %arg7[%mul3A_335] : memref<10000xi32, #tpu.memory_space<vmem>> -> memref<64xi32, #tpu.memory_space<vmem>>
      %dma_start3A_337 = arith.constant 0 : i32
      %dma_start3A_338 = arith.constant 0 : i32
      %dma_start3A_339 = tpu.memref_slice %arg2[%dma_start3A_337, %dma_start3A_338] : memref<20000x128xf32, #tpu.memory_space<hbm>> -> memref<20000x128xf32, #tpu.memory_space<hbm>>
      tpu.enqueue_indirect_dma source(%dma_start3A_339 : memref<20000x128xf32, #tpu.memory_space<hbm>>) target(%arg13 : memref<64x128xf32, #tpu.memory_space<vmem>>) offsets(%dma_start3A_336 : memref<64xi32, #tpu.memory_space<vmem>>) semaphore(%arg21 : memref<!tpu.dma_semaphore, #tpu.memory_space<semaphore_mem>>)
      %add3A_340 = arith.constant 1 : i32
      %add3A_341 = arith.addi %mul3A_193, %add3A_340 : i32
      %add3A_342 = arith.constant 4 : i32
      %add3A_343 = arith.addi %add3A_341, %add3A_342 : i32
      %rem3A_344 = arith.constant 156 : i32
      %rem3A_345 = arith.remsi %add3A_343, %rem3A_344 : i32
      %dma_wait3A_346 = arith.constant 0 : i32
      %dma_wait3A_347 = arith.constant 0 : i32
      %dma_wait3A_348 = tpu.memref_slice %arg9[%dma_wait3A_346, %dma_wait3A_347] : memref<1x64xi32, #tpu.memory_space<vmem>> -> memref<1x64xi32, #tpu.memory_space<vmem>>
      %dma_wait3A_349 = tpu.memref_squeeze %dma_wait3A_348 : memref<1x64xi32, #tpu.memory_space<vmem>> -> memref<64xi32, #tpu.memory_space<vmem>>
      %dma_wait3A_350 = arith.constant 0 : i32
      %dma_wait3A_351 = arith.constant 0 : i32
      %dma_wait3A_352 = tpu.memref_slice %arg6[%dma_wait3A_350, %dma_wait3A_351] : memref<10000x128xf32, #tpu.memory_space<vmem_shared>> -> memref<10000x128xf32, #tpu.memory_space<vmem_shared>>
      tpu.wait_indirect_dma semaphore(%arg26 : memref<!tpu.dma_semaphore, #tpu.memory_space<semaphore_mem>>) src(%arg14 : memref<64x128xf32, #tpu.memory_space<vmem>>) dst(%dma_wait3A_352 : memref<10000x128xf32, #tpu.memory_space<vmem_shared>>)
      %mul3A_353 = arith.constant 64 : i32
      %mul3A_354 = arith.muli %rem3A_345, %mul3A_353 : i32
      %add3A_355 = arith.addi %mul3A_2, %mul3A_354 : i32
      %dma_start3A_356 = arith.constant 0 : i32
      %dma_start3A_357 = arith.constant 0 : i32
      %dma_start3A_358 = tpu.memref_slice %arg9[%dma_start3A_356, %dma_start3A_357] : memref<1x64xi32, #tpu.memory_space<vmem>> -> memref<1x64xi32, #tpu.memory_space<vmem>>
      %dma_start3A_359 = tpu.memref_squeeze %dma_start3A_358 : memref<1x64xi32, #tpu.memory_space<vmem>> -> memref<64xi32, #tpu.memory_space<vmem>>
      %dma_start3A_360 = tpu.memref_slice %arg4[%add3A_355] : memref<320000xi32, #tpu.memory_space<hbm>> -> memref<64xi32, #tpu.memory_space<hbm>>
      %dma_start3A_361 = arith.constant 0 : i32
      %dma_start3A_362 = tpu.memref_slice %arg9[%dma_start3A_356, %dma_start3A_361] : memref<1x64xi32, #tpu.memory_space<vmem>> -> memref<1x64xi32, #tpu.memory_space<vmem>>
      %dma_start3A_363 = tpu.memref_squeeze %dma_start3A_362 : memref<1x64xi32, #tpu.memory_space<vmem>> -> memref<64xi32, #tpu.memory_space<vmem>>
      %dma_start3A_364 = tpu.memref_slice %arg4[%add3A_355] : memref<320000xi32, #tpu.memory_space<hbm>> -> memref<64xi32, #tpu.memory_space<hbm>>
      tpu.enqueue_dma source(%dma_start3A_364 : memref<64xi32, #tpu.memory_space<hbm>>) target(%dma_start3A_363 : memref<64xi32, #tpu.memory_space<vmem>>) target_semaphore(%arg18 : memref<!tpu.dma_semaphore, #tpu.memory_space<semaphore_mem>>)
      %mul3A_365 = arith.constant 64 : i32
      %mul3A_366 = arith.muli %rem3A_345, %mul3A_365 : i32
      %dma_start3A_367 = tpu.memref_slice %arg7[%mul3A_366] : memref<10000xi32, #tpu.memory_space<vmem>> -> memref<64xi32, #tpu.memory_space<vmem>>
      %dma_start3A_368 = arith.constant 0 : i32
      %dma_start3A_369 = arith.constant 0 : i32
      %dma_start3A_370 = tpu.memref_slice %arg2[%dma_start3A_368, %dma_start3A_369] : memref<20000x128xf32, #tpu.memory_space<hbm>> -> memref<20000x128xf32, #tpu.memory_space<hbm>>
      tpu.enqueue_indirect_dma source(%dma_start3A_370 : memref<20000x128xf32, #tpu.memory_space<hbm>>) target(%arg14 : memref<64x128xf32, #tpu.memory_space<vmem>>) offsets(%dma_start3A_367 : memref<64xi32, #tpu.memory_space<vmem>>) semaphore(%arg22 : memref<!tpu.dma_semaphore, #tpu.memory_space<semaphore_mem>>)
      %add3A_371 = arith.constant 2 : i32
      %add3A_372 = arith.addi %mul3A_193, %add3A_371 : i32
      %add3A_373 = arith.constant 4 : i32
      %add3A_374 = arith.addi %add3A_372, %add3A_373 : i32
      %rem3A_375 = arith.constant 156 : i32
      %rem3A_376 = arith.remsi %add3A_374, %rem3A_375 : i32
      %dma_wait3A_377 = arith.constant 0 : i32
      %dma_wait3A_378 = arith.constant 0 : i32
      %dma_wait3A_379 = tpu.memref_slice %arg10[%dma_wait3A_377, %dma_wait3A_378] : memref<1x64xi32, #tpu.memory_space<vmem>> -> memref<1x64xi32, #tpu.memory_space<vmem>>
      %dma_wait3A_380 = tpu.memref_squeeze %dma_wait3A_379 : memref<1x64xi32, #tpu.memory_space<vmem>> -> memref<64xi32, #tpu.memory_space<vmem>>
      %dma_wait3A_381 = arith.constant 0 : i32
      %dma_wait3A_382 = arith.constant 0 : i32
      %dma_wait3A_383 = tpu.memref_slice %arg6[%dma_wait3A_381, %dma_wait3A_382] : memref<10000x128xf32, #tpu.memory_space<vmem_shared>> -> memref<10000x128xf32, #tpu.memory_space<vmem_shared>>
      tpu.wait_indirect_dma semaphore(%arg27 : memref<!tpu.dma_semaphore, #tpu.memory_space<semaphore_mem>>) src(%arg15 : memref<64x128xf32, #tpu.memory_space<vmem>>) dst(%dma_wait3A_383 : memref<10000x128xf32, #tpu.memory_space<vmem_shared>>)
      %mul3A_384 = arith.constant 64 : i32
      %mul3A_385 = arith.muli %rem3A_376, %mul3A_384 : i32
      %add3A_386 = arith.addi %mul3A_2, %mul3A_385 : i32
      %dma_start3A_387 = arith.constant 0 : i32
      %dma_start3A_388 = arith.constant 0 : i32
      %dma_start3A_389 = tpu.memref_slice %arg10[%dma_start3A_387, %dma_start3A_388] : memref<1x64xi32, #tpu.memory_space<vmem>> -> memref<1x64xi32, #tpu.memory_space<vmem>>
      %dma_start3A_390 = tpu.memref_squeeze %dma_start3A_389 : memref<1x64xi32, #tpu.memory_space<vmem>> -> memref<64xi32, #tpu.memory_space<vmem>>
      %dma_start3A_391 = tpu.memref_slice %arg4[%add3A_386] : memref<320000xi32, #tpu.memory_space<hbm>> -> memref<64xi32, #tpu.memory_space<hbm>>
      %dma_start3A_392 = arith.constant 0 : i32
      %dma_start3A_393 = tpu.memref_slice %arg10[%dma_start3A_387, %dma_start3A_392] : memref<1x64xi32, #tpu.memory_space<vmem>> -> memref<1x64xi32, #tpu.memory_space<vmem>>
      %dma_start3A_394 = tpu.memref_squeeze %dma_start3A_393 : memref<1x64xi32, #tpu.memory_space<vmem>> -> memref<64xi32, #tpu.memory_space<vmem>>
      %dma_start3A_395 = tpu.memref_slice %arg4[%add3A_386] : memref<320000xi32, #tpu.memory_space<hbm>> -> memref<64xi32, #tpu.memory_space<hbm>>
      tpu.enqueue_dma source(%dma_start3A_395 : memref<64xi32, #tpu.memory_space<hbm>>) target(%dma_start3A_394 : memref<64xi32, #tpu.memory_space<vmem>>) target_semaphore(%arg19 : memref<!tpu.dma_semaphore, #tpu.memory_space<semaphore_mem>>)
      %mul3A_396 = arith.constant 64 : i32
      %mul3A_397 = arith.muli %rem3A_376, %mul3A_396 : i32
      %dma_start3A_398 = tpu.memref_slice %arg7[%mul3A_397] : memref<10000xi32, #tpu.memory_space<vmem>> -> memref<64xi32, #tpu.memory_space<vmem>>
      %dma_start3A_399 = arith.constant 0 : i32
      %dma_start3A_400 = arith.constant 0 : i32
      %dma_start3A_401 = tpu.memref_slice %arg2[%dma_start3A_399, %dma_start3A_400] : memref<20000x128xf32, #tpu.memory_space<hbm>> -> memref<20000x128xf32, #tpu.memory_space<hbm>>
      tpu.enqueue_indirect_dma source(%dma_start3A_401 : memref<20000x128xf32, #tpu.memory_space<hbm>>) target(%arg15 : memref<64x128xf32, #tpu.memory_space<vmem>>) offsets(%dma_start3A_398 : memref<64xi32, #tpu.memory_space<vmem>>) semaphore(%arg23 : memref<!tpu.dma_semaphore, #tpu.memory_space<semaphore_mem>>)
      %add3A_402 = arith.constant 3 : i32
      %add3A_403 = arith.addi %mul3A_193, %add3A_402 : i32
      %add3A_404 = arith.constant 4 : i32
      %add3A_405 = arith.addi %add3A_403, %add3A_404 : i32
      %rem3A_406 = arith.constant 156 : i32
      %rem3A_407 = arith.remsi %add3A_405, %rem3A_406 : i32
      %dma_wait3A_408 = arith.constant 0 : i32
      %dma_wait3A_409 = arith.constant 0 : i32
      %dma_wait3A_410 = tpu.memref_slice %arg11[%dma_wait3A_408, %dma_wait3A_409] : memref<1x64xi32, #tpu.memory_space<vmem>> -> memref<1x64xi32, #tpu.memory_space<vmem>>
      %dma_wait3A_411 = tpu.memref_squeeze %dma_wait3A_410 : memref<1x64xi32, #tpu.memory_space<vmem>> -> memref<64xi32, #tpu.memory_space<vmem>>
      %dma_wait3A_412 = arith.constant 0 : i32
      %dma_wait3A_413 = arith.constant 0 : i32
      %dma_wait3A_414 = tpu.memref_slice %arg6[%dma_wait3A_412, %dma_wait3A_413] : memref<10000x128xf32, #tpu.memory_space<vmem_shared>> -> memref<10000x128xf32, #tpu.memory_space<vmem_shared>>
      tpu.wait_indirect_dma semaphore(%arg28 : memref<!tpu.dma_semaphore, #tpu.memory_space<semaphore_mem>>) src(%arg16 : memref<64x128xf32, #tpu.memory_space<vmem>>) dst(%dma_wait3A_414 : memref<10000x128xf32, #tpu.memory_space<vmem_shared>>)
      %mul3A_415 = arith.constant 64 : i32
      %mul3A_416 = arith.muli %rem3A_407, %mul3A_415 : i32
      %add3A_417 = arith.addi %mul3A_2, %mul3A_416 : i32
      %dma_start3A_418 = arith.constant 0 : i32
      %dma_start3A_419 = arith.constant 0 : i32
      %dma_start3A_420 = tpu.memref_slice %arg11[%dma_start3A_418, %dma_start3A_419] : memref<1x64xi32, #tpu.memory_space<vmem>> -> memref<1x64xi32, #tpu.memory_space<vmem>>
      %dma_start3A_421 = tpu.memref_squeeze %dma_start3A_420 : memref<1x64xi32, #tpu.memory_space<vmem>> -> memref<64xi32, #tpu.memory_space<vmem>>
      %dma_start3A_422 = tpu.memref_slice %arg4[%add3A_417] : memref<320000xi32, #tpu.memory_space<hbm>> -> memref<64xi32, #tpu.memory_space<hbm>>
      %dma_start3A_423 = arith.constant 0 : i32
      %dma_start3A_424 = tpu.memref_slice %arg11[%dma_start3A_418, %dma_start3A_423] : memref<1x64xi32, #tpu.memory_space<vmem>> -> memref<1x64xi32, #tpu.memory_space<vmem>>
      %dma_start3A_425 = tpu.memref_squeeze %dma_start3A_424 : memref<1x64xi32, #tpu.memory_space<vmem>> -> memref<64xi32, #tpu.memory_space<vmem>>
      %dma_start3A_426 = tpu.memref_slice %arg4[%add3A_417] : memref<320000xi32, #tpu.memory_space<hbm>> -> memref<64xi32, #tpu.memory_space<hbm>>
      tpu.enqueue_dma source(%dma_start3A_426 : memref<64xi32, #tpu.memory_space<hbm>>) target(%dma_start3A_425 : memref<64xi32, #tpu.memory_space<vmem>>) target_semaphore(%arg20 : memref<!tpu.dma_semaphore, #tpu.memory_space<semaphore_mem>>)
      %mul3A_427 = arith.constant 64 : i32
      %mul3A_428 = arith.muli %rem3A_407, %mul3A_427 : i32
      %dma_start3A_429 = tpu.memref_slice %arg7[%mul3A_428] : memref<10000xi32, #tpu.memory_space<vmem>> -> memref<64xi32, #tpu.memory_space<vmem>>
      %dma_start3A_430 = arith.constant 0 : i32
      %dma_start3A_431 = arith.constant 0 : i32
      %dma_start3A_432 = tpu.memref_slice %arg2[%dma_start3A_430, %dma_start3A_431] : memref<20000x128xf32, #tpu.memory_space<hbm>> -> memref<20000x128xf32, #tpu.memory_space<hbm>>
      tpu.enqueue_indirect_dma source(%dma_start3A_432 : memref<20000x128xf32, #tpu.memory_space<hbm>>) target(%arg16 : memref<64x128xf32, #tpu.memory_space<vmem>>) offsets(%dma_start3A_429 : memref<64xi32, #tpu.memory_space<vmem>>) semaphore(%arg24 : memref<!tpu.dma_semaphore, #tpu.memory_space<semaphore_mem>>)
    }
    %scan3A_78 = arith.constant 39 : i32
    %dma_wait3A = arith.constant 0 : i32
    %dma_wait3A_79 = tpu.memref_slice %arg7[%dma_wait3A] : memref<10000xi32, #tpu.memory_space<vmem>> -> memref<64xi32, #tpu.memory_space<vmem>>
    %dma_wait3A_80 = arith.constant 0 : i32
    %dma_wait3A_81 = arith.constant 0 : i32
    %dma_wait3A_82 = tpu.memref_slice %arg2[%dma_wait3A_80, %dma_wait3A_81] : memref<20000x128xf32, #tpu.memory_space<hbm>> -> memref<20000x128xf32, #tpu.memory_space<hbm>>
    tpu.wait_indirect_dma semaphore(%arg21 : memref<!tpu.dma_semaphore, #tpu.memory_space<semaphore_mem>>) src(%dma_wait3A_82 : memref<20000x128xf32, #tpu.memory_space<hbm>>) dst(%arg13 : memref<64x128xf32, #tpu.memory_space<vmem>>)
    %add3A_83 = arith.constant 0 : i32
    %add3A_84 = arith.addi %mul3A_2, %add3A_83 : i32
    %dma_wait3A_85 = arith.constant 0 : i32
    %dma_wait3A_86 = arith.constant 0 : i32
    %dma_wait3A_87 = tpu.memref_slice %arg8[%dma_wait3A_85, %dma_wait3A_86] : memref<1x64xi32, #tpu.memory_space<vmem>> -> memref<1x64xi32, #tpu.memory_space<vmem>>
    %dma_wait3A_88 = tpu.memref_squeeze %dma_wait3A_87 : memref<1x64xi32, #tpu.memory_space<vmem>> -> memref<64xi32, #tpu.memory_space<vmem>>
    %dma_wait3A_89 = tpu.memref_slice %arg4[%add3A_84] : memref<320000xi32, #tpu.memory_space<hbm>> -> memref<64xi32, #tpu.memory_space<hbm>>
    %dma_wait3A_90 = arith.constant 0 : i32
    %dma_wait3A_91 = tpu.memref_slice %arg8[%dma_wait3A_85, %dma_wait3A_90] : memref<1x64xi32, #tpu.memory_space<vmem>> -> memref<1x64xi32, #tpu.memory_space<vmem>>
    %dma_wait3A_92 = tpu.memref_squeeze %dma_wait3A_91 : memref<1x64xi32, #tpu.memory_space<vmem>> -> memref<64xi32, #tpu.memory_space<vmem>>
    %dma_wait3A_93 = tpu.memref_slice %arg4[%add3A_84] : memref<320000xi32, #tpu.memory_space<hbm>> -> memref<64xi32, #tpu.memory_space<hbm>>
    tpu.wait_dma2 semaphore(%arg17 : memref<!tpu.dma_semaphore, #tpu.memory_space<semaphore_mem>>) src(%dma_wait3A_93 : memref<64xi32, #tpu.memory_space<hbm>>) dst(%dma_wait3A_92 : memref<64xi32, #tpu.memory_space<vmem>>)
    %dma_wait3A_94 = arith.constant 64 : i32
    %dma_wait3A_95 = tpu.memref_slice %arg7[%dma_wait3A_94] : memref<10000xi32, #tpu.memory_space<vmem>> -> memref<64xi32, #tpu.memory_space<vmem>>
    %dma_wait3A_96 = arith.constant 0 : i32
    %dma_wait3A_97 = arith.constant 0 : i32
    %dma_wait3A_98 = tpu.memref_slice %arg2[%dma_wait3A_96, %dma_wait3A_97] : memref<20000x128xf32, #tpu.memory_space<hbm>> -> memref<20000x128xf32, #tpu.memory_space<hbm>>
    tpu.wait_indirect_dma semaphore(%arg22 : memref<!tpu.dma_semaphore, #tpu.memory_space<semaphore_mem>>) src(%dma_wait3A_98 : memref<20000x128xf32, #tpu.memory_space<hbm>>) dst(%arg14 : memref<64x128xf32, #tpu.memory_space<vmem>>)
    %add3A_99 = arith.constant 64 : i32
    %add3A_100 = arith.addi %mul3A_2, %add3A_99 : i32
    %dma_wait3A_101 = arith.constant 0 : i32
    %dma_wait3A_102 = arith.constant 0 : i32
    %dma_wait3A_103 = tpu.memref_slice %arg9[%dma_wait3A_101, %dma_wait3A_102] : memref<1x64xi32, #tpu.memory_space<vmem>> -> memref<1x64xi32, #tpu.memory_space<vmem>>
    %dma_wait3A_104 = tpu.memref_squeeze %dma_wait3A_103 : memref<1x64xi32, #tpu.memory_space<vmem>> -> memref<64xi32, #tpu.memory_space<vmem>>
    %dma_wait3A_105 = tpu.memref_slice %arg4[%add3A_100] : memref<320000xi32, #tpu.memory_space<hbm>> -> memref<64xi32, #tpu.memory_space<hbm>>
    %dma_wait3A_106 = arith.constant 0 : i32
    %dma_wait3A_107 = tpu.memref_slice %arg9[%dma_wait3A_101, %dma_wait3A_106] : memref<1x64xi32, #tpu.memory_space<vmem>> -> memref<1x64xi32, #tpu.memory_space<vmem>>
    %dma_wait3A_108 = tpu.memref_squeeze %dma_wait3A_107 : memref<1x64xi32, #tpu.memory_space<vmem>> -> memref<64xi32, #tpu.memory_space<vmem>>
    %dma_wait3A_109 = tpu.memref_slice %arg4[%add3A_100] : memref<320000xi32, #tpu.memory_space<hbm>> -> memref<64xi32, #tpu.memory_space<hbm>>
    tpu.wait_dma2 semaphore(%arg18 : memref<!tpu.dma_semaphore, #tpu.memory_space<semaphore_mem>>) src(%dma_wait3A_109 : memref<64xi32, #tpu.memory_space<hbm>>) dst(%dma_wait3A_108 : memref<64xi32, #tpu.memory_space<vmem>>)
    %dma_wait3A_110 = arith.constant 128 : i32
    %dma_wait3A_111 = tpu.memref_slice %arg7[%dma_wait3A_110] : memref<10000xi32, #tpu.memory_space<vmem>> -> memref<64xi32, #tpu.memory_space<vmem>>
    %dma_wait3A_112 = arith.constant 0 : i32
    %dma_wait3A_113 = arith.constant 0 : i32
    %dma_wait3A_114 = tpu.memref_slice %arg2[%dma_wait3A_112, %dma_wait3A_113] : memref<20000x128xf32, #tpu.memory_space<hbm>> -> memref<20000x128xf32, #tpu.memory_space<hbm>>
    tpu.wait_indirect_dma semaphore(%arg23 : memref<!tpu.dma_semaphore, #tpu.memory_space<semaphore_mem>>) src(%dma_wait3A_114 : memref<20000x128xf32, #tpu.memory_space<hbm>>) dst(%arg15 : memref<64x128xf32, #tpu.memory_space<vmem>>)
    %add3A_115 = arith.constant 128 : i32
    %add3A_116 = arith.addi %mul3A_2, %add3A_115 : i32
    %dma_wait3A_117 = arith.constant 0 : i32
    %dma_wait3A_118 = arith.constant 0 : i32
    %dma_wait3A_119 = tpu.memref_slice %arg10[%dma_wait3A_117, %dma_wait3A_118] : memref<1x64xi32, #tpu.memory_space<vmem>> -> memref<1x64xi32, #tpu.memory_space<vmem>>
    %dma_wait3A_120 = tpu.memref_squeeze %dma_wait3A_119 : memref<1x64xi32, #tpu.memory_space<vmem>> -> memref<64xi32, #tpu.memory_space<vmem>>
    %dma_wait3A_121 = tpu.memref_slice %arg4[%add3A_116] : memref<320000xi32, #tpu.memory_space<hbm>> -> memref<64xi32, #tpu.memory_space<hbm>>
    %dma_wait3A_122 = arith.constant 0 : i32
    %dma_wait3A_123 = tpu.memref_slice %arg10[%dma_wait3A_117, %dma_wait3A_122] : memref<1x64xi32, #tpu.memory_space<vmem>> -> memref<1x64xi32, #tpu.memory_space<vmem>>
    %dma_wait3A_124 = tpu.memref_squeeze %dma_wait3A_123 : memref<1x64xi32, #tpu.memory_space<vmem>> -> memref<64xi32, #tpu.memory_space<vmem>>
    %dma_wait3A_125 = tpu.memref_slice %arg4[%add3A_116] : memref<320000xi32, #tpu.memory_space<hbm>> -> memref<64xi32, #tpu.memory_space<hbm>>
    tpu.wait_dma2 semaphore(%arg19 : memref<!tpu.dma_semaphore, #tpu.memory_space<semaphore_mem>>) src(%dma_wait3A_125 : memref<64xi32, #tpu.memory_space<hbm>>) dst(%dma_wait3A_124 : memref<64xi32, #tpu.memory_space<vmem>>)
    %dma_wait3A_126 = arith.constant 192 : i32
    %dma_wait3A_127 = tpu.memref_slice %arg7[%dma_wait3A_126] : memref<10000xi32, #tpu.memory_space<vmem>> -> memref<64xi32, #tpu.memory_space<vmem>>
    %dma_wait3A_128 = arith.constant 0 : i32
    %dma_wait3A_129 = arith.constant 0 : i32
    %dma_wait3A_130 = tpu.memref_slice %arg2[%dma_wait3A_128, %dma_wait3A_129] : memref<20000x128xf32, #tpu.memory_space<hbm>> -> memref<20000x128xf32, #tpu.memory_space<hbm>>
    tpu.wait_indirect_dma semaphore(%arg24 : memref<!tpu.dma_semaphore, #tpu.memory_space<semaphore_mem>>) src(%dma_wait3A_130 : memref<20000x128xf32, #tpu.memory_space<hbm>>) dst(%arg16 : memref<64x128xf32, #tpu.memory_space<vmem>>)
    %add3A_131 = arith.constant 192 : i32
    %add3A_132 = arith.addi %mul3A_2, %add3A_131 : i32
    %dma_wait3A_133 = arith.constant 0 : i32
    %dma_wait3A_134 = arith.constant 0 : i32
    %dma_wait3A_135 = tpu.memref_slice %arg11[%dma_wait3A_133, %dma_wait3A_134] : memref<1x64xi32, #tpu.memory_space<vmem>> -> memref<1x64xi32, #tpu.memory_space<vmem>>
    %dma_wait3A_136 = tpu.memref_squeeze %dma_wait3A_135 : memref<1x64xi32, #tpu.memory_space<vmem>> -> memref<64xi32, #tpu.memory_space<vmem>>
    %dma_wait3A_137 = tpu.memref_slice %arg4[%add3A_132] : memref<320000xi32, #tpu.memory_space<hbm>> -> memref<64xi32, #tpu.memory_space<hbm>>
    %dma_wait3A_138 = arith.constant 0 : i32
    %dma_wait3A_139 = tpu.memref_slice %arg11[%dma_wait3A_133, %dma_wait3A_138] : memref<1x64xi32, #tpu.memory_space<vmem>> -> memref<1x64xi32, #tpu.memory_space<vmem>>
    %dma_wait3A_140 = tpu.memref_squeeze %dma_wait3A_139 : memref<1x64xi32, #tpu.memory_space<vmem>> -> memref<64xi32, #tpu.memory_space<vmem>>
    %dma_wait3A_141 = tpu.memref_slice %arg4[%add3A_132] : memref<320000xi32, #tpu.memory_space<hbm>> -> memref<64xi32, #tpu.memory_space<hbm>>
    tpu.wait_dma2 semaphore(%arg20 : memref<!tpu.dma_semaphore, #tpu.memory_space<semaphore_mem>>) src(%dma_wait3A_141 : memref<64xi32, #tpu.memory_space<hbm>>) dst(%dma_wait3A_140 : memref<64xi32, #tpu.memory_space<vmem>>)
    %add3A_142 = arith.constant 9984 : i32
    %add3A_143 = arith.addi %mul3A_2, %add3A_142 : i32
    %dma_start3A_144 = arith.constant 0 : i32
    %dma_start3A_145 = arith.constant 0 : i32
    %dma_start3A_146 = tpu.memref_slice %arg12[%dma_start3A_144, %dma_start3A_145] : memref<1x16xi32, #tpu.memory_space<vmem>> -> memref<1x16xi32, #tpu.memory_space<vmem>>
    %dma_start3A_147 = tpu.memref_squeeze %dma_start3A_146 : memref<1x16xi32, #tpu.memory_space<vmem>> -> memref<16xi32, #tpu.memory_space<vmem>>
    %dma_start3A_148 = tpu.memref_slice %arg4[%add3A_143] : memref<320000xi32, #tpu.memory_space<hbm>> -> memref<16xi32, #tpu.memory_space<hbm>>
    %dma_start3A_149 = arith.constant 0 : i32
    %dma_start3A_150 = tpu.memref_slice %arg12[%dma_start3A_144, %dma_start3A_149] : memref<1x16xi32, #tpu.memory_space<vmem>> -> memref<1x16xi32, #tpu.memory_space<vmem>>
    %dma_start3A_151 = tpu.memref_squeeze %dma_start3A_150 : memref<1x16xi32, #tpu.memory_space<vmem>> -> memref<16xi32, #tpu.memory_space<vmem>>
    %dma_start3A_152 = tpu.memref_slice %arg4[%add3A_143] : memref<320000xi32, #tpu.memory_space<hbm>> -> memref<16xi32, #tpu.memory_space<hbm>>
    tpu.enqueue_dma source(%dma_start3A_152 : memref<16xi32, #tpu.memory_space<hbm>>) target(%dma_start3A_151 : memref<16xi32, #tpu.memory_space<vmem>>) target_semaphore(%arg17 : memref<!tpu.dma_semaphore, #tpu.memory_space<semaphore_mem>>)
    %dma_start3A_153 = arith.constant 0 : i32
    %dma_start3A_154 = arith.constant 0 : i32
    %dma_start3A_155 = tpu.memref_slice %arg13[%dma_start3A_153, %dma_start3A_154] : memref<64x128xf32, #tpu.memory_space<vmem>> -> memref<16x128xf32, #tpu.memory_space<vmem>>
    %dma_start3A_156 = arith.constant 9984 : i32
    %dma_start3A_157 = tpu.memref_slice %arg7[%dma_start3A_156] : memref<10000xi32, #tpu.memory_space<vmem>> -> memref<16xi32, #tpu.memory_space<vmem>>
    %dma_start3A_158 = arith.constant 0 : i32
    %dma_start3A_159 = arith.constant 0 : i32
    %dma_start3A_160 = tpu.memref_slice %arg2[%dma_start3A_158, %dma_start3A_159] : memref<20000x128xf32, #tpu.memory_space<hbm>> -> memref<20000x128xf32, #tpu.memory_space<hbm>>
    tpu.enqueue_indirect_dma source(%dma_start3A_160 : memref<20000x128xf32, #tpu.memory_space<hbm>>) target(%dma_start3A_155 : memref<16x128xf32, #tpu.memory_space<vmem>>) offsets(%dma_start3A_157 : memref<16xi32, #tpu.memory_space<vmem>>) semaphore(%arg21 : memref<!tpu.dma_semaphore, #tpu.memory_space<semaphore_mem>>)
    %add3A_161 = arith.constant 9984 : i32
    %add3A_162 = arith.addi %mul3A_2, %add3A_161 : i32
    %dma_wait3A_163 = arith.constant 0 : i32
    %dma_wait3A_164 = arith.constant 0 : i32
    %dma_wait3A_165 = tpu.memref_slice %arg12[%dma_wait3A_163, %dma_wait3A_164] : memref<1x16xi32, #tpu.memory_space<vmem>> -> memref<1x16xi32, #tpu.memory_space<vmem>>
    %dma_wait3A_166 = tpu.memref_squeeze %dma_wait3A_165 : memref<1x16xi32, #tpu.memory_space<vmem>> -> memref<16xi32, #tpu.memory_space<vmem>>
    %dma_wait3A_167 = tpu.memref_slice %arg4[%add3A_162] : memref<320000xi32, #tpu.memory_space<hbm>> -> memref<16xi32, #tpu.memory_space<hbm>>
    %dma_wait3A_168 = arith.constant 0 : i32
    %dma_wait3A_169 = tpu.memref_slice %arg12[%dma_wait3A_163, %dma_wait3A_168] : memref<1x16xi32, #tpu.memory_space<vmem>> -> memref<1x16xi32, #tpu.memory_space<vmem>>
    %dma_wait3A_170 = tpu.memref_squeeze %dma_wait3A_169 : memref<1x16xi32, #tpu.memory_space<vmem>> -> memref<16xi32, #tpu.memory_space<vmem>>
    %dma_wait3A_171 = tpu.memref_slice %arg4[%add3A_162] : memref<320000xi32, #tpu.memory_space<hbm>> -> memref<16xi32, #tpu.memory_space<hbm>>
    tpu.wait_dma2 semaphore(%arg17 : memref<!tpu.dma_semaphore, #tpu.memory_space<semaphore_mem>>) src(%dma_wait3A_171 : memref<16xi32, #tpu.memory_space<hbm>>) dst(%dma_wait3A_170 : memref<16xi32, #tpu.memory_space<vmem>>)
    %dma_wait3A_172 = arith.constant 0 : i32
    %dma_wait3A_173 = arith.constant 0 : i32
    %dma_wait3A_174 = tpu.memref_slice %arg13[%dma_wait3A_172, %dma_wait3A_173] : memref<64x128xf32, #tpu.memory_space<vmem>> -> memref<16x128xf32, #tpu.memory_space<vmem>>
    %dma_wait3A_175 = arith.constant 9984 : i32
    %dma_wait3A_176 = tpu.memref_slice %arg7[%dma_wait3A_175] : memref<10000xi32, #tpu.memory_space<vmem>> -> memref<16xi32, #tpu.memory_space<vmem>>
    %dma_wait3A_177 = arith.constant 0 : i32
    %dma_wait3A_178 = arith.constant 0 : i32
    %dma_wait3A_179 = tpu.memref_slice %arg2[%dma_wait3A_177, %dma_wait3A_178] : memref<20000x128xf32, #tpu.memory_space<hbm>> -> memref<20000x128xf32, #tpu.memory_space<hbm>>
    tpu.wait_indirect_dma semaphore(%arg21 : memref<!tpu.dma_semaphore, #tpu.memory_space<semaphore_mem>>) src(%dma_wait3A_179 : memref<20000x128xf32, #tpu.memory_space<hbm>>) dst(%dma_wait3A_174 : memref<16x128xf32, #tpu.memory_space<vmem>>)
    %run_scoped3A = arith.constant 0 : i32
    "tpu.region"() ({
      %run_scoped3A_191 = tpu.sem_alloc : memref<!tpu.dma_semaphore, #tpu.memory_space<semaphore_mem>>
      %dma_start3A_192 = arith.constant 0 : i32
      %dma_start3A_193 = arith.constant 0 : i32
      %dma_start3A_194 = tpu.memref_slice %arg13[%dma_start3A_192, %dma_start3A_193] : memref<64x128xf32, #tpu.memory_space<vmem>> -> memref<16x128xf32, #tpu.memory_space<vmem>>
      %dma_start3A_195 = arith.constant 0 : i32
      %dma_start3A_196 = tpu.memref_slice %arg12[%run_scoped3A, %dma_start3A_195] : memref<1x16xi32, #tpu.memory_space<vmem>> -> memref<1x16xi32, #tpu.memory_space<vmem>>
      %dma_start3A_197 = tpu.memref_squeeze %dma_start3A_196 : memref<1x16xi32, #tpu.memory_space<vmem>> -> memref<16xi32, #tpu.memory_space<vmem>>
      %dma_start3A_198 = arith.constant 0 : i32
      %dma_start3A_199 = arith.constant 0 : i32
      %dma_start3A_200 = tpu.memref_slice %arg6[%dma_start3A_198, %dma_start3A_199] : memref<10000x128xf32, #tpu.memory_space<vmem_shared>> -> memref<10000x128xf32, #tpu.memory_space<vmem_shared>>
      tpu.enqueue_indirect_dma source(%dma_start3A_194 : memref<16x128xf32, #tpu.memory_space<vmem>>) target(%dma_start3A_200 : memref<10000x128xf32, #tpu.memory_space<vmem_shared>>) offsets(%dma_start3A_197 : memref<16xi32, #tpu.memory_space<vmem>>) semaphore(%run_scoped3A_191 : memref<!tpu.dma_semaphore, #tpu.memory_space<semaphore_mem>>) {add = true}
      %dma_wait3A_201 = arith.constant 0 : i32
      %dma_wait3A_202 = arith.constant 0 : i32
      %dma_wait3A_203 = tpu.memref_slice %arg13[%dma_wait3A_201, %dma_wait3A_202] : memref<64x128xf32, #tpu.memory_space<vmem>> -> memref<16x128xf32, #tpu.memory_space<vmem>>
      %dma_wait3A_204 = arith.constant 0 : i32
      %dma_wait3A_205 = tpu.memref_slice %arg12[%run_scoped3A, %dma_wait3A_204] : memref<1x16xi32, #tpu.memory_space<vmem>> -> memref<1x16xi32, #tpu.memory_space<vmem>>
      %dma_wait3A_206 = tpu.memref_squeeze %dma_wait3A_205 : memref<1x16xi32, #tpu.memory_space<vmem>> -> memref<16xi32, #tpu.memory_space<vmem>>
      %dma_wait3A_207 = arith.constant 0 : i32
      %dma_wait3A_208 = arith.constant 0 : i32
      %dma_wait3A_209 = tpu.memref_slice %arg6[%dma_wait3A_207, %dma_wait3A_208] : memref<10000x128xf32, #tpu.memory_space<vmem_shared>> -> memref<10000x128xf32, #tpu.memory_space<vmem_shared>>
      tpu.wait_indirect_dma semaphore(%run_scoped3A_191 : memref<!tpu.dma_semaphore, #tpu.memory_space<semaphore_mem>>) src(%dma_wait3A_203 : memref<16x128xf32, #tpu.memory_space<vmem>>) dst(%dma_wait3A_209 : memref<10000x128xf32, #tpu.memory_space<vmem_shared>>)
      tpu.yield
    }) : () -> ()
    %barrier3A_180 = arith.constant 0 : index
    tpu.barrier barrier_id(%barrier3A_180)
    %eq3A_181 = arith.constant 15 : i32
    %eq3A_182 = arith.cmpi eq, %arg1, %eq3A_181 : i32
    %convert_element_type3A_183 = arith.extui %eq3A_182 : i1 to i32
    %cond3A_184 = arith.constant 0 : i32
    %cond3A_185 = arith.cmpi ne, %convert_element_type3A_183, %cond3A_184 : i32
    scf.if %cond3A_185 {
      "tpu.region"() ({
        %run_scoped3A_191 = tpu.sem_alloc : memref<!tpu.dma_semaphore, #tpu.memory_space<semaphore_mem>>
        %dma_start3A_192 = arith.constant 0 : i32
        %dma_start3A_193 = tpu.memref_slice %arg5[%arg0, %mul3A_4, %dma_start3A_192] : memref<2x10000x128xf32, #tpu.memory_space<hbm>> -> memref<1x640x128xf32, #tpu.memory_space<hbm>>
        %dma_start3A_194 = tpu.memref_squeeze %dma_start3A_193 : memref<1x640x128xf32, #tpu.memory_space<hbm>> -> memref<640x128xf32, #tpu.memory_space<hbm>>
        %dma_start3A_195 = arith.constant 0 : i32
        %dma_start3A_196 = tpu.memref_slice %arg6[%mul3A_4, %dma_start3A_195] : memref<10000x128xf32, #tpu.memory_space<vmem_shared>> -> memref<640x128xf32, #tpu.memory_space<vmem_shared>>
        tpu.enqueue_dma source(%dma_start3A_196 : memref<640x128xf32, #tpu.memory_space<vmem_shared>>) target(%dma_start3A_194 : memref<640x128xf32, #tpu.memory_space<hbm>>) target_semaphore(%run_scoped3A_191 : memref<!tpu.dma_semaphore, #tpu.memory_space<semaphore_mem>>)
        %dma_wait3A_197 = arith.constant 0 : i32
        %dma_wait3A_198 = tpu.memref_slice %arg5[%arg0, %mul3A_4, %dma_wait3A_197] : memref<2x10000x128xf32, #tpu.memory_space<hbm>> -> memref<1x640x128xf32, #tpu.memory_space<hbm>>
        %dma_wait3A_199 = tpu.memref_squeeze %dma_wait3A_198 : memref<1x640x128xf32, #tpu.memory_space<hbm>> -> memref<640x128xf32, #tpu.memory_space<hbm>>
        %dma_wait3A_200 = arith.constant 0 : i32
        %dma_wait3A_201 = tpu.memref_slice %arg6[%mul3A_4, %dma_wait3A_200] : memref<10000x128xf32, #tpu.memory_space<vmem_shared>> -> memref<640x128xf32, #tpu.memory_space<vmem_shared>>
        tpu.wait_dma2 semaphore(%run_scoped3A_191 : memref<!tpu.dma_semaphore, #tpu.memory_space<semaphore_mem>>) src(%dma_wait3A_201 : memref<640x128xf32, #tpu.memory_space<vmem_shared>>) dst(%dma_wait3A_199 : memref<640x128xf32, #tpu.memory_space<hbm>>)
        tpu.yield
      }) : () -> ()
    } else {
    }
    %ne3A_186 = arith.constant 15 : i32
    %ne3A_187 = arith.cmpi ne, %arg1, %ne3A_186 : i32
    %convert_element_type3A_188 = arith.extui %ne3A_187 : i1 to i32
    %cond3A_189 = arith.constant 0 : i32
    %cond3A_190 = arith.cmpi ne, %convert_element_type3A_188, %cond3A_189 : i32
    scf.if %cond3A_190 {
      "tpu.region"() ({
        %run_scoped3A_191 = tpu.sem_alloc : memref<!tpu.dma_semaphore, #tpu.memory_space<semaphore_mem>>
        %dma_start3A_192 = arith.constant 0 : i32
        %dma_start3A_193 = tpu.memref_slice %arg5[%arg0, %mul3A_4, %dma_start3A_192] : memref<2x10000x128xf32, #tpu.memory_space<hbm>> -> memref<1x624x128xf32, #tpu.memory_space<hbm>>
        %dma_start3A_194 = tpu.memref_squeeze %dma_start3A_193 : memref<1x624x128xf32, #tpu.memory_space<hbm>> -> memref<624x128xf32, #tpu.memory_space<hbm>>
        %dma_start3A_195 = arith.constant 0 : i32
        %dma_start3A_196 = tpu.memref_slice %arg6[%mul3A_4, %dma_start3A_195] : memref<10000x128xf32, #tpu.memory_space<vmem_shared>> -> memref<624x128xf32, #tpu.memory_space<vmem_shared>>
        tpu.enqueue_dma source(%dma_start3A_196 : memref<624x128xf32, #tpu.memory_space<vmem_shared>>) target(%dma_start3A_194 : memref<624x128xf32, #tpu.memory_space<hbm>>) target_semaphore(%run_scoped3A_191 : memref<!tpu.dma_semaphore, #tpu.memory_space<semaphore_mem>>)
        %dma_wait3A_197 = arith.constant 0 : i32
        %dma_wait3A_198 = tpu.memref_slice %arg5[%arg0, %mul3A_4, %dma_wait3A_197] : memref<2x10000x128xf32, #tpu.memory_space<hbm>> -> memref<1x624x128xf32, #tpu.memory_space<hbm>>
        %dma_wait3A_199 = tpu.memref_squeeze %dma_wait3A_198 : memref<1x624x128xf32, #tpu.memory_space<hbm>> -> memref<624x128xf32, #tpu.memory_space<hbm>>
        %dma_wait3A_200 = arith.constant 0 : i32
        %dma_wait3A_201 = tpu.memref_slice %arg6[%mul3A_4, %dma_wait3A_200] : memref<10000x128xf32, #tpu.memory_space<vmem_shared>> -> memref<624x128xf32, #tpu.memory_space<vmem_shared>>
        tpu.wait_dma2 semaphore(%run_scoped3A_191 : memref<!tpu.dma_semaphore, #tpu.memory_space<semaphore_mem>>) src(%dma_wait3A_201 : memref<624x128xf32, #tpu.memory_space<vmem_shared>>) dst(%dma_wait3A_199 : memref<624x128xf32, #tpu.memory_space<hbm>>)
        tpu.yield
      }) : () -> ()
    } else {
    }
    return
  }
}

module attributes {stable_mosaic.version = 14 : i64} {
  func.func @body(%arg0: i32, %arg1: memref<1000x128xf32, #tpu.memory_space<vmem>>, %arg2: memref<2x1000x128xf32, #tpu.memory_space<vmem>>, %arg3: memref<2x1000x128xf32, #tpu.memory_space<vmem>>, %arg4: memref<1000x1xf32, #tpu.memory_space<vmem>>) attributes {dimension_semantics = [#tpu.dimension_semantics<arbitrary>], iteration_bounds = array<i64: 10>, scalar_prefetch = 0 : i64, scratch_operands = 0 : i64, tpu.core_type = #tpu.core_type<tc>, window_params = [{transform_indices = @transform_0, window_bounds = array<i64: 1000, 128>}, {transform_indices = @transform_1, window_bounds = array<i64: 2, 1000, 128>}, {transform_indices = @transform_2, window_bounds = array<i64: 2, 1000, 128>}, {transform_indices = @transform_3, window_bounds = array<i64: 1000, 1>}]} {
    %get3A = arith.constant 0 : index
    %get3A_0 = arith.constant 0 : index
    %get3A_1 = arith.constant 0 : index
    %get3A_2 = vector.load %arg2[%get3A, %get3A_0, %get3A_1] : memref<2x1000x128xf32, #tpu.memory_space<vmem>>, vector<1x1000x1xf32>
    %get3A_3 = vector.shape_cast %get3A_2 : vector<1x1000x1xf32> to vector<1000x1xf32>
    %get3A_4 = arith.constant 1 : index
    %get3A_5 = arith.constant 0 : index
    %get3A_6 = arith.constant 0 : index
    %get3A_7 = vector.load %arg2[%get3A_4, %get3A_5, %get3A_6] : memref<2x1000x128xf32, #tpu.memory_space<vmem>>, vector<1x1000x1xf32>
    %get3A_8 = vector.shape_cast %get3A_7 : vector<1x1000x1xf32> to vector<1000x1xf32>
    %add3A = arith.addf %get3A_3, %get3A_8 : vector<1000x1xf32>
    %rsqrt3A = math.rsqrt %add3A : vector<1000x1xf32>
    %get3A_9 = arith.constant 0 : index
    %get3A_10 = arith.constant 0 : index
    %get3A_11 = vector.load %arg1[%get3A_9, %get3A_10] : memref<1000x128xf32, #tpu.memory_space<vmem>>, vector<1000x128xf32>
    %mul3A = vector.broadcast %rsqrt3A : vector<1000x1xf32> to vector<1000x128xf32>
    %mul3A_12 = arith.mulf %get3A_11, %mul3A : vector<1000x128xf32>
    %swap3A = arith.constant 0 : index
    %swap3A_13 = arith.constant 0 : index
    %swap3A_14 = arith.constant 0 : index
    %swap3A_15 = vector.load %arg3[%swap3A, %swap3A_13, %swap3A_14] : memref<2x1000x128xf32, #tpu.memory_space<vmem>>, vector<1x1000x128xf32>
    %swap3A_16 = vector.shape_cast %swap3A_15 : vector<1x1000x128xf32> to vector<1000x128xf32>
    %swap3A_17 = vector.shape_cast %mul3A_12 : vector<1000x128xf32> to vector<1x1000x128xf32>
    tpu.vector_store %arg3[%swap3A, %swap3A_13, %swap3A_14], %swap3A_17 {strides = array<i32>} : memref<2x1000x128xf32, #tpu.memory_space<vmem>>, vector<1x1000x128xf32>,
    %broadcast_in_dim3A = arith.constant 0.000000e+00 : f32
    %broadcast_in_dim3A_18 = vector.broadcast %broadcast_in_dim3A : f32 to vector<1000x128xf32>
    %swap3A_19 = arith.constant 1 : index
    %swap3A_20 = arith.constant 0 : index
    %swap3A_21 = arith.constant 0 : index
    %swap3A_22 = vector.load %arg3[%swap3A_19, %swap3A_20, %swap3A_21] : memref<2x1000x128xf32, #tpu.memory_space<vmem>>, vector<1x1000x128xf32>
    %swap3A_23 = vector.shape_cast %swap3A_22 : vector<1x1000x128xf32> to vector<1000x128xf32>
    %swap3A_24 = vector.shape_cast %broadcast_in_dim3A_18 : vector<1000x128xf32> to vector<1x1000x128xf32>
    tpu.vector_store %arg3[%swap3A_19, %swap3A_20, %swap3A_21], %swap3A_24 {strides = array<i32>} : memref<2x1000x128xf32, #tpu.memory_space<vmem>>, vector<1x1000x128xf32>,
    %swap3A_25 = arith.constant 0 : index
    %swap3A_26 = arith.constant 0 : index
    %swap3A_27 = vector.load %arg4[%swap3A_25, %swap3A_26] : memref<1000x1xf32, #tpu.memory_space<vmem>>, vector<1000x1xf32>
    tpu.vector_store %arg4[%swap3A_25, %swap3A_26], %rsqrt3A {strides = array<i32>} : memref<1000x1xf32, #tpu.memory_space<vmem>>, vector<1000x1xf32>,
    return
  }
  func.func @transform_0(%arg0: i32) -> (i32, i32) {
    %c0_i32 = arith.constant 0 : i32
    %c0_i32_0 = arith.constant 0 : i32
    return %arg0, %c0_i32 : i32, i32
  }
  func.func @transform_1(%arg0: i32) -> (i32, i32, i32) {
    %c0_i32 = arith.constant 0 : i32
    %c0_i32_0 = arith.constant 0 : i32
    %c0_i32_1 = arith.constant 0 : i32
    return %c0_i32, %arg0, %c0_i32_0 : i32, i32, i32
  }
  func.func @transform_2(%arg0: i32) -> (i32, i32, i32) {
    %c0_i32 = arith.constant 0 : i32
    %c0_i32_0 = arith.constant 0 : i32
    %c0_i32_1 = arith.constant 0 : i32
    return %c0_i32, %arg0, %c0_i32_0 : i32, i32, i32
  }
  func.func @transform_3(%arg0: i32) -> (i32, i32) {
    %c0_i32 = arith.constant 0 : i32
    %c0_i32_0 = arith.constant 0 : i32
    return %arg0, %c0_i32 : i32, i32
  }
}

module attributes {stable_mosaic.version = 14 : i64} {
  func.func @body(%arg0: i32, %arg1: memref<1000x128xf32, #tpu.memory_space<vmem>>, %arg2: memref<128x128xf32, #tpu.memory_space<vmem>>, %arg3: memref<1000x128xf32, #tpu.memory_space<vmem>>) attributes {dimension_semantics = [#tpu.dimension_semantics<arbitrary>], iteration_bounds = array<i64: 10>, scalar_prefetch = 0 : i64, scratch_operands = 0 : i64, tpu.core_type = #tpu.core_type<tc>, window_params = [{transform_indices = @transform_0, window_bounds = array<i64: 1000, 128>}, {pipeline_mode = #tpu.pipeline_mode<synchronous>, transform_indices = @transform_1, window_bounds = array<i64: 128, 128>}, {transform_indices = @transform_2, window_bounds = array<i64: 1000, 128>}]} {
    %get3A = arith.constant 0 : index
    %get3A_0 = arith.constant 0 : index
    %get3A_1 = vector.load %arg1[%get3A, %get3A_0] : memref<1000x128xf32, #tpu.memory_space<vmem>>, vector<1000x128xf32>
    %get3A_2 = arith.constant 0 : index
    %get3A_3 = arith.constant 0 : index
    %get3A_4 = vector.load %arg2[%get3A_2, %get3A_3] : memref<128x128xf32, #tpu.memory_space<vmem>>, vector<128x128xf32>
    %dot_general3A = arith.constant dense<0.000000e+00> : vector<1000x128xf32>
    %dot_general3A_5 = tpu.matmul %get3A_1, %get3A_4, %dot_general3A {dimension_numbers = #tpu.dot_dimension_numbers<[1], [0], [0], [1], [0, 0, 1, 1], [], []>, transpose_lhs_hint = false} : vector<1000x128xf32>, vector<128x128xf32>, vector<1000x128xf32> -> vector<1000x128xf32>
    %swap3A = arith.constant 0 : index
    %swap3A_6 = arith.constant 0 : index
    %swap3A_7 = vector.load %arg3[%swap3A, %swap3A_6] : memref<1000x128xf32, #tpu.memory_space<vmem>>, vector<1000x128xf32>
    tpu.vector_store %arg3[%swap3A, %swap3A_6], %dot_general3A_5 {strides = array<i32>} : memref<1000x128xf32, #tpu.memory_space<vmem>>, vector<1000x128xf32>,
    return
  }
  func.func @transform_0(%arg0: i32) -> (i32, i32) {
    %c0_i32 = arith.constant 0 : i32
    %c0_i32_0 = arith.constant 0 : i32
    return %arg0, %c0_i32 : i32, i32
  }
  func.func @transform_1(%arg0: i32) -> (i32, i32) {
    %c0_i32 = arith.constant 0 : i32
    %c0_i32_0 = arith.constant 0 : i32
    %c0_i32_1 = arith.constant 0 : i32
    return %c0_i32, %c0_i32_0 : i32, i32
  }
  func.func @transform_2(%arg0: i32) -> (i32, i32) {
    %c0_i32 = arith.constant 0 : i32
    %c0_i32_0 = arith.constant 0 : i32
    return %arg0, %c0_i32 : i32, i32
  }
}

module attributes {stable_mosaic.version = 14 : i64} {
  func.func @body(%arg0: i32, %arg1: memref<2x1000x128xf32, #tpu.memory_space<vmem>>, %arg2: memref<1000x1xf32, #tpu.memory_space<vmem>>, %arg3: memref<1x128xf32, #tpu.memory_space<vmem>>, %arg4: memref<128x128xf32, #tpu.memory_space<vmem>>, %arg5: memref<2x1000x128xf32, #tpu.memory_space<vmem>>) attributes {dimension_semantics = [#tpu.dimension_semantics<arbitrary>], iteration_bounds = array<i64: 10>, scalar_prefetch = 0 : i64, scratch_operands = 0 : i64, tpu.core_type = #tpu.core_type<tc>, window_params = [{transform_indices = @transform_0, window_bounds = array<i64: 2, 1000, 128>}, {transform_indices = @transform_1, window_bounds = array<i64: 1000, 1>}, {pipeline_mode = #tpu.pipeline_mode<synchronous>, transform_indices = @transform_2, window_bounds = array<i64: 1, 128>}, {pipeline_mode = #tpu.pipeline_mode<synchronous>, transform_indices = @transform_3, window_bounds = array<i64: 128, 128>}, {transform_indices = @transform_4, window_bounds = array<i64: 2, 1000, 128>}]} {
    %get3A = arith.constant 0 : index
    %get3A_0 = arith.constant 0 : index
    %get3A_1 = vector.load %arg2[%get3A, %get3A_0] : memref<1000x1xf32, #tpu.memory_space<vmem>>, vector<1000x1xf32>
    %get3A_2 = arith.constant 0 : index
    %get3A_3 = arith.constant 0 : index
    %get3A_4 = arith.constant 0 : index
    %get3A_5 = vector.load %arg1[%get3A_2, %get3A_3, %get3A_4] : memref<2x1000x128xf32, #tpu.memory_space<vmem>>, vector<1x1000x128xf32>
    %get3A_6 = vector.shape_cast %get3A_5 : vector<1x1000x128xf32> to vector<1000x128xf32>
    %get3A_7 = arith.constant 1 : index
    %get3A_8 = arith.constant 0 : index
    %get3A_9 = arith.constant 0 : index
    %get3A_10 = vector.load %arg1[%get3A_7, %get3A_8, %get3A_9] : memref<2x1000x128xf32, #tpu.memory_space<vmem>>, vector<1x1000x128xf32>
    %get3A_11 = vector.shape_cast %get3A_10 : vector<1x1000x128xf32> to vector<1000x128xf32>
    %add3A = arith.addf %get3A_6, %get3A_11 : vector<1000x128xf32>
    %mul3A = vector.broadcast %get3A_1 : vector<1000x1xf32> to vector<1000x128xf32>
    %mul3A_12 = arith.mulf %add3A, %mul3A : vector<1000x128xf32>
    %get3A_13 = arith.constant 0 : index
    %get3A_14 = arith.constant 0 : index
    %get3A_15 = vector.load %arg3[%get3A_13, %get3A_14] : memref<1x128xf32, #tpu.memory_space<vmem>>, vector<1x128xf32>
    %add3A_16 = vector.broadcast %get3A_15 : vector<1x128xf32> to vector<1000x128xf32>
    %add3A_17 = arith.addf %mul3A_12, %add3A_16 : vector<1000x128xf32>
    %get3A_18 = arith.constant 0 : index
    %get3A_19 = arith.constant 0 : index
    %get3A_20 = vector.load %arg4[%get3A_18, %get3A_19] : memref<128x128xf32, #tpu.memory_space<vmem>>, vector<128x128xf32>
    %dot_general3A = arith.constant dense<0.000000e+00> : vector<1000x128xf32>
    %dot_general3A_21 = tpu.matmul %add3A_17, %get3A_20, %dot_general3A {dimension_numbers = #tpu.dot_dimension_numbers<[1], [0], [0], [1], [0, 0, 1, 1], [], []>, transpose_lhs_hint = false} : vector<1000x128xf32>, vector<128x128xf32>, vector<1000x128xf32> -> vector<1000x128xf32>
    %mul3A_22 = vector.broadcast %get3A_1 : vector<1000x1xf32> to vector<1000x128xf32>
    %mul3A_23 = arith.mulf %dot_general3A_21, %mul3A_22 : vector<1000x128xf32>
    %swap3A = arith.constant 0 : index
    %swap3A_24 = arith.constant 0 : index
    %swap3A_25 = arith.constant 0 : index
    %swap3A_26 = vector.load %arg5[%swap3A, %swap3A_24, %swap3A_25] : memref<2x1000x128xf32, #tpu.memory_space<vmem>>, vector<1x1000x128xf32>
    %swap3A_27 = vector.shape_cast %swap3A_26 : vector<1x1000x128xf32> to vector<1000x128xf32>
    %swap3A_28 = vector.shape_cast %mul3A_23 : vector<1000x128xf32> to vector<1x1000x128xf32>
    tpu.vector_store %arg5[%swap3A, %swap3A_24, %swap3A_25], %swap3A_28 {strides = array<i32>} : memref<2x1000x128xf32, #tpu.memory_space<vmem>>, vector<1x1000x128xf32>,
    %broadcast_in_dim3A = arith.constant 0.000000e+00 : f32
    %broadcast_in_dim3A_29 = vector.broadcast %broadcast_in_dim3A : f32 to vector<1000x128xf32>
    %swap3A_30 = arith.constant 1 : index
    %swap3A_31 = arith.constant 0 : index
    %swap3A_32 = arith.constant 0 : index
    %swap3A_33 = vector.load %arg5[%swap3A_30, %swap3A_31, %swap3A_32] : memref<2x1000x128xf32, #tpu.memory_space<vmem>>, vector<1x1000x128xf32>
    %swap3A_34 = vector.shape_cast %swap3A_33 : vector<1x1000x128xf32> to vector<1000x128xf32>
    %swap3A_35 = vector.shape_cast %broadcast_in_dim3A_29 : vector<1000x128xf32> to vector<1x1000x128xf32>
    tpu.vector_store %arg5[%swap3A_30, %swap3A_31, %swap3A_32], %swap3A_35 {strides = array<i32>} : memref<2x1000x128xf32, #tpu.memory_space<vmem>>, vector<1x1000x128xf32>,
    return
  }
  func.func @transform_0(%arg0: i32) -> (i32, i32, i32) {
    %c0_i32 = arith.constant 0 : i32
    %c0_i32_0 = arith.constant 0 : i32
    %c0_i32_1 = arith.constant 0 : i32
    return %c0_i32, %arg0, %c0_i32_0 : i32, i32, i32
  }
  func.func @transform_1(%arg0: i32) -> (i32, i32) {
    %c0_i32 = arith.constant 0 : i32
    %c0_i32_0 = arith.constant 0 : i32
    return %arg0, %c0_i32 : i32, i32
  }
  func.func @transform_2(%arg0: i32) -> (i32, i32) {
    %c0_i32 = arith.constant 0 : i32
    %c0_i32_0 = arith.constant 0 : i32
    %c0_i32_1 = arith.constant 0 : i32
    return %c0_i32, %c0_i32_0 : i32, i32
  }
  func.func @transform_3(%arg0: i32) -> (i32, i32) {
    %c0_i32 = arith.constant 0 : i32
    %c0_i32_0 = arith.constant 0 : i32
    %c0_i32_1 = arith.constant 0 : i32
    return %c0_i32, %c0_i32_0 : i32, i32
  }
  func.func @transform_4(%arg0: i32) -> (i32, i32, i32) {
    %c0_i32 = arith.constant 0 : i32
    %c0_i32_0 = arith.constant 0 : i32
    %c0_i32_1 = arith.constant 0 : i32
    return %c0_i32, %arg0, %c0_i32_0 : i32, i32, i32
  }
}

module attributes {stable_mosaic.version = 14 : i64} {
  func.func @body(%arg0: i32, %arg1: memref<2x1000x128xf32, #tpu.memory_space<vmem>>, %arg2: memref<1000x1xf32, #tpu.memory_space<vmem>>, %arg3: memref<1x128xf32, #tpu.memory_space<vmem>>, %arg4: memref<128x128xf32, #tpu.memory_space<vmem>>, %arg5: memref<1000x128xf32, #tpu.memory_space<vmem>>, %arg6: memref<128x128xf32, #tpu.memory_space<vmem>>, %arg7: memref<1000x128xf32, #tpu.memory_space<vmem>>, %arg8: memref<2x1000x128xf32, #tpu.memory_space<vmem>>) attributes {dimension_semantics = [#tpu.dimension_semantics<arbitrary>], iteration_bounds = array<i64: 10>, scalar_prefetch = 0 : i64, scratch_operands = 0 : i64, tpu.core_type = #tpu.core_type<tc>, window_params = [{transform_indices = @transform_0, window_bounds = array<i64: 2, 1000, 128>}, {transform_indices = @transform_1, window_bounds = array<i64: 1000, 1>}, {pipeline_mode = #tpu.pipeline_mode<synchronous>, transform_indices = @transform_2, window_bounds = array<i64: 1, 128>}, {pipeline_mode = #tpu.pipeline_mode<synchronous>, transform_indices = @transform_3, window_bounds = array<i64: 128, 128>}, {transform_indices = @transform_4, window_bounds = array<i64: 1000, 128>}, {pipeline_mode = #tpu.pipeline_mode<synchronous>, transform_indices = @transform_5, window_bounds = array<i64: 128, 128>}, {transform_indices = @transform_6, window_bounds = array<i64: 1000, 128>}, {transform_indices = @transform_7, window_bounds = array<i64: 2, 1000, 128>}]} {
    %get3A = arith.constant 0 : index
    %get3A_0 = arith.constant 0 : index
    %get3A_1 = vector.load %arg2[%get3A, %get3A_0] : memref<1000x1xf32, #tpu.memory_space<vmem>>, vector<1000x1xf32>
    %get3A_2 = arith.constant 0 : index
    %get3A_3 = arith.constant 0 : index
    %get3A_4 = arith.constant 0 : index
    %get3A_5 = vector.load %arg1[%get3A_2, %get3A_3, %get3A_4] : memref<2x1000x128xf32, #tpu.memory_space<vmem>>, vector<1x1000x128xf32>
    %get3A_6 = vector.shape_cast %get3A_5 : vector<1x1000x128xf32> to vector<1000x128xf32>
    %get3A_7 = arith.constant 1 : index
    %get3A_8 = arith.constant 0 : index
    %get3A_9 = arith.constant 0 : index
    %get3A_10 = vector.load %arg1[%get3A_7, %get3A_8, %get3A_9] : memref<2x1000x128xf32, #tpu.memory_space<vmem>>, vector<1x1000x128xf32>
    %get3A_11 = vector.shape_cast %get3A_10 : vector<1x1000x128xf32> to vector<1000x128xf32>
    %add3A = arith.addf %get3A_6, %get3A_11 : vector<1000x128xf32>
    %mul3A = vector.broadcast %get3A_1 : vector<1000x1xf32> to vector<1000x128xf32>
    %mul3A_12 = arith.mulf %add3A, %mul3A : vector<1000x128xf32>
    %get3A_13 = arith.constant 0 : index
    %get3A_14 = arith.constant 0 : index
    %get3A_15 = vector.load %arg3[%get3A_13, %get3A_14] : memref<1x128xf32, #tpu.memory_space<vmem>>, vector<1x128xf32>
    %add3A_16 = vector.broadcast %get3A_15 : vector<1x128xf32> to vector<1000x128xf32>
    %add3A_17 = arith.addf %mul3A_12, %add3A_16 : vector<1000x128xf32>
    %max3A = arith.constant 0.000000e+00 : f32
    %max3A_18 = vector.broadcast %max3A : f32 to vector<1000x128xf32>
    %max3A_19 = arith.maximumf %add3A_17, %max3A_18 : vector<1000x128xf32>
    %get3A_20 = arith.constant 0 : index
    %get3A_21 = arith.constant 0 : index
    %get3A_22 = vector.load %arg4[%get3A_20, %get3A_21] : memref<128x128xf32, #tpu.memory_space<vmem>>, vector<128x128xf32>
    %dot_general3A = arith.constant dense<0.000000e+00> : vector<1000x128xf32>
    %dot_general3A_23 = tpu.matmul %max3A_19, %get3A_22, %dot_general3A {dimension_numbers = #tpu.dot_dimension_numbers<[1], [0], [0], [1], [0, 0, 1, 1], [], []>, transpose_lhs_hint = false} : vector<1000x128xf32>, vector<128x128xf32>, vector<1000x128xf32> -> vector<1000x128xf32>
    %get3A_24 = arith.constant 0 : index
    %get3A_25 = arith.constant 0 : index
    %get3A_26 = vector.load %arg5[%get3A_24, %get3A_25] : memref<1000x128xf32, #tpu.memory_space<vmem>>, vector<1000x128xf32>
    %add3A_27 = arith.addf %dot_general3A_23, %get3A_26 : vector<1000x128xf32>
    %max3A_28 = arith.constant 0.000000e+00 : f32
    %max3A_29 = vector.broadcast %max3A_28 : f32 to vector<1000x128xf32>
    %max3A_30 = arith.maximumf %add3A_27, %max3A_29 : vector<1000x128xf32>
    %get3A_31 = arith.constant 0 : index
    %get3A_32 = arith.constant 0 : index
    %get3A_33 = vector.load %arg6[%get3A_31, %get3A_32] : memref<128x128xf32, #tpu.memory_space<vmem>>, vector<128x128xf32>
    %dot_general3A_34 = arith.constant dense<0.000000e+00> : vector<1000x128xf32>
    %dot_general3A_35 = tpu.matmul %max3A_30, %get3A_33, %dot_general3A_34 {dimension_numbers = #tpu.dot_dimension_numbers<[1], [0], [0], [1], [0, 0, 1, 1], [], []>, transpose_lhs_hint = false} : vector<1000x128xf32>, vector<128x128xf32>, vector<1000x128xf32> -> vector<1000x128xf32>
    %mul3A_36 = vector.broadcast %get3A_1 : vector<1000x1xf32> to vector<1000x128xf32>
    %mul3A_37 = arith.mulf %dot_general3A_35, %mul3A_36 : vector<1000x128xf32>
    %swap3A = arith.constant 0 : index
    %swap3A_38 = arith.constant 0 : index
    %swap3A_39 = arith.constant 0 : index
    %swap3A_40 = vector.load %arg8[%swap3A, %swap3A_38, %swap3A_39] : memref<2x1000x128xf32, #tpu.memory_space<vmem>>, vector<1x1000x128xf32>
    %swap3A_41 = vector.shape_cast %swap3A_40 : vector<1x1000x128xf32> to vector<1000x128xf32>
    %swap3A_42 = vector.shape_cast %mul3A_37 : vector<1000x128xf32> to vector<1x1000x128xf32>
    tpu.vector_store %arg8[%swap3A, %swap3A_38, %swap3A_39], %swap3A_42 {strides = array<i32>} : memref<2x1000x128xf32, #tpu.memory_space<vmem>>, vector<1x1000x128xf32>,
    %broadcast_in_dim3A = arith.constant 0.000000e+00 : f32
    %broadcast_in_dim3A_43 = vector.broadcast %broadcast_in_dim3A : f32 to vector<1000x128xf32>
    %swap3A_44 = arith.constant 1 : index
    %swap3A_45 = arith.constant 0 : index
    %swap3A_46 = arith.constant 0 : index
    %swap3A_47 = vector.load %arg8[%swap3A_44, %swap3A_45, %swap3A_46] : memref<2x1000x128xf32, #tpu.memory_space<vmem>>, vector<1x1000x128xf32>
    %swap3A_48 = vector.shape_cast %swap3A_47 : vector<1x1000x128xf32> to vector<1000x128xf32>
    %swap3A_49 = vector.shape_cast %broadcast_in_dim3A_43 : vector<1000x128xf32> to vector<1x1000x128xf32>
    tpu.vector_store %arg8[%swap3A_44, %swap3A_45, %swap3A_46], %swap3A_49 {strides = array<i32>} : memref<2x1000x128xf32, #tpu.memory_space<vmem>>, vector<1x1000x128xf32>,
    %swap3A_50 = arith.constant 0 : index
    %swap3A_51 = arith.constant 0 : index
    %swap3A_52 = vector.load %arg7[%swap3A_50, %swap3A_51] : memref<1000x128xf32, #tpu.memory_space<vmem>>, vector<1000x128xf32>
    tpu.vector_store %arg7[%swap3A_50, %swap3A_51], %max3A_19 {strides = array<i32>} : memref<1000x128xf32, #tpu.memory_space<vmem>>, vector<1000x128xf32>,
    return
  }
  func.func @transform_0(%arg0: i32) -> (i32, i32, i32) {
    %c0_i32 = arith.constant 0 : i32
    %c0_i32_0 = arith.constant 0 : i32
    %c0_i32_1 = arith.constant 0 : i32
    return %c0_i32, %arg0, %c0_i32_0 : i32, i32, i32
  }
  func.func @transform_1(%arg0: i32) -> (i32, i32) {
    %c0_i32 = arith.constant 0 : i32
    %c0_i32_0 = arith.constant 0 : i32
    return %arg0, %c0_i32 : i32, i32
  }
  func.func @transform_2(%arg0: i32) -> (i32, i32) {
    %c0_i32 = arith.constant 0 : i32
    %c0_i32_0 = arith.constant 0 : i32
    %c0_i32_1 = arith.constant 0 : i32
    return %c0_i32, %c0_i32_0 : i32, i32
  }
  func.func @transform_3(%arg0: i32) -> (i32, i32) {
    %c0_i32 = arith.constant 0 : i32
    %c0_i32_0 = arith.constant 0 : i32
    %c0_i32_1 = arith.constant 0 : i32
    return %c0_i32, %c0_i32_0 : i32, i32
  }
  func.func @transform_4(%arg0: i32) -> (i32, i32) {
    %c0_i32 = arith.constant 0 : i32
    %c0_i32_0 = arith.constant 0 : i32
    return %arg0, %c0_i32 : i32, i32
  }
  func.func @transform_5(%arg0: i32) -> (i32, i32) {
    %c0_i32 = arith.constant 0 : i32
    %c0_i32_0 = arith.constant 0 : i32
    %c0_i32_1 = arith.constant 0 : i32
    return %c0_i32, %c0_i32_0 : i32, i32
  }
  func.func @transform_6(%arg0: i32) -> (i32, i32) {
    %c0_i32 = arith.constant 0 : i32
    %c0_i32_0 = arith.constant 0 : i32
    return %arg0, %c0_i32 : i32, i32
  }
  func.func @transform_7(%arg0: i32) -> (i32, i32, i32) {
    %c0_i32 = arith.constant 0 : i32
    %c0_i32_0 = arith.constant 0 : i32
    %c0_i32_1 = arith.constant 0 : i32
    return %c0_i32, %arg0, %c0_i32_0 : i32, i32, i32
  }
}

module attributes {stable_mosaic.version = 14 : i64} {
  func.func @body(%arg0: i32, %arg1: memref<2x1000x128xf32, #tpu.memory_space<vmem>>, %arg2: memref<1000x1xf32, #tpu.memory_space<vmem>>, %arg3: memref<1x128xf32, #tpu.memory_space<vmem>>, %arg4: memref<1000x128xf32, #tpu.memory_space<vmem>>, %arg5: memref<128x1024xf32, #tpu.memory_space<vmem>>, %arg6: memref<1x1024xf32, #tpu.memory_space<vmem>>, %arg7: memref<1024x16xf32, #tpu.memory_space<vmem>>, %arg8: memref<1x16xf32, #tpu.memory_space<vmem>>, %arg9: memref<1000x16xf32, #tpu.memory_space<vmem>>) attributes {dimension_semantics = [#tpu.dimension_semantics<arbitrary>], iteration_bounds = array<i64: 10>, scalar_prefetch = 0 : i64, scratch_operands = 0 : i64, tpu.core_type = #tpu.core_type<tc>, window_params = [{transform_indices = @transform_0, window_bounds = array<i64: 2, 1000, 128>}, {transform_indices = @transform_1, window_bounds = array<i64: 1000, 1>}, {pipeline_mode = #tpu.pipeline_mode<synchronous>, transform_indices = @transform_2, window_bounds = array<i64: 1, 128>}, {transform_indices = @transform_3, window_bounds = array<i64: 1000, 128>}, {pipeline_mode = #tpu.pipeline_mode<synchronous>, transform_indices = @transform_4, window_bounds = array<i64: 128, 1024>}, {pipeline_mode = #tpu.pipeline_mode<synchronous>, transform_indices = @transform_5, window_bounds = array<i64: 1, 1024>}, {pipeline_mode = #tpu.pipeline_mode<synchronous>, transform_indices = @transform_6, window_bounds = array<i64: 1024, 16>}, {pipeline_mode = #tpu.pipeline_mode<synchronous>, transform_indices = @transform_7, window_bounds = array<i64: 1, 16>}, {transform_indices = @transform_8, window_bounds = array<i64: 1000, 16>}]} {
    %get3A = arith.constant 0 : index
    %get3A_0 = arith.constant 0 : index
    %get3A_1 = arith.constant 0 : index
    %get3A_2 = vector.load %arg1[%get3A, %get3A_0, %get3A_1] : memref<2x1000x128xf32, #tpu.memory_space<vmem>>, vector<1x1000x128xf32>
    %get3A_3 = vector.shape_cast %get3A_2 : vector<1x1000x128xf32> to vector<1000x128xf32>
    %get3A_4 = arith.constant 1 : index
    %get3A_5 = arith.constant 0 : index
    %get3A_6 = arith.constant 0 : index
    %get3A_7 = vector.load %arg1[%get3A_4, %get3A_5, %get3A_6] : memref<2x1000x128xf32, #tpu.memory_space<vmem>>, vector<1x1000x128xf32>
    %get3A_8 = vector.shape_cast %get3A_7 : vector<1x1000x128xf32> to vector<1000x128xf32>
    %add3A = arith.addf %get3A_3, %get3A_8 : vector<1000x128xf32>
    %get3A_9 = arith.constant 0 : index
    %get3A_10 = arith.constant 0 : index
    %get3A_11 = vector.load %arg2[%get3A_9, %get3A_10] : memref<1000x1xf32, #tpu.memory_space<vmem>>, vector<1000x1xf32>
    %mul3A = vector.broadcast %get3A_11 : vector<1000x1xf32> to vector<1000x128xf32>
    %mul3A_12 = arith.mulf %add3A, %mul3A : vector<1000x128xf32>
    %get3A_13 = arith.constant 0 : index
    %get3A_14 = arith.constant 0 : index
    %get3A_15 = vector.load %arg3[%get3A_13, %get3A_14] : memref<1x128xf32, #tpu.memory_space<vmem>>, vector<1x128xf32>
    %add3A_16 = vector.broadcast %get3A_15 : vector<1x128xf32> to vector<1000x128xf32>
    %add3A_17 = arith.addf %mul3A_12, %add3A_16 : vector<1000x128xf32>
    %max3A = arith.constant 0.000000e+00 : f32
    %max3A_18 = vector.broadcast %max3A : f32 to vector<1000x128xf32>
    %max3A_19 = arith.maximumf %add3A_17, %max3A_18 : vector<1000x128xf32>
    %get3A_20 = arith.constant 0 : index
    %get3A_21 = arith.constant 0 : index
    %get3A_22 = vector.load %arg4[%get3A_20, %get3A_21] : memref<1000x128xf32, #tpu.memory_space<vmem>>, vector<1000x128xf32>
    %add3A_23 = arith.addf %get3A_22, %max3A_19 : vector<1000x128xf32>
    %get3A_24 = arith.constant 0 : index
    %get3A_25 = arith.constant 0 : index
    %get3A_26 = vector.load %arg5[%get3A_24, %get3A_25] : memref<128x1024xf32, #tpu.memory_space<vmem>>, vector<128x1024xf32>
    %dot_general3A = arith.constant dense<0.000000e+00> : vector<1000x1024xf32>
    %dot_general3A_27 = tpu.matmul %add3A_23, %get3A_26, %dot_general3A {dimension_numbers = #tpu.dot_dimension_numbers<[1], [0], [0], [1], [0, 0, 1, 1], [], []>, transpose_lhs_hint = false} : vector<1000x128xf32>, vector<128x1024xf32>, vector<1000x1024xf32> -> vector<1000x1024xf32>
    %get3A_28 = arith.constant 0 : index
    %get3A_29 = arith.constant 0 : index
    %get3A_30 = vector.load %arg6[%get3A_28, %get3A_29] : memref<1x1024xf32, #tpu.memory_space<vmem>>, vector<1x1024xf32>
    %add3A_31 = vector.broadcast %get3A_30 : vector<1x1024xf32> to vector<1000x1024xf32>
    %add3A_32 = arith.addf %dot_general3A_27, %add3A_31 : vector<1000x1024xf32>
    %max3A_33 = arith.constant 0.000000e+00 : f32
    %max3A_34 = vector.broadcast %max3A_33 : f32 to vector<1000x1024xf32>
    %max3A_35 = arith.maximumf %add3A_32, %max3A_34 : vector<1000x1024xf32>
    %get3A_36 = arith.constant 0 : index
    %get3A_37 = arith.constant 0 : index
    %get3A_38 = vector.load %arg7[%get3A_36, %get3A_37] : memref<1024x16xf32, #tpu.memory_space<vmem>>, vector<1024x16xf32>
    %dot_general3A_39 = arith.constant dense<0.000000e+00> : vector<1000x16xf32>
    %dot_general3A_40 = tpu.matmul %max3A_35, %get3A_38, %dot_general3A_39 {dimension_numbers = #tpu.dot_dimension_numbers<[1], [0], [0], [1], [0, 0, 1, 1], [], []>, transpose_lhs_hint = false} : vector<1000x1024xf32>, vector<1024x16xf32>, vector<1000x16xf32> -> vector<1000x16xf32>
    %get3A_41 = arith.constant 0 : index
    %get3A_42 = arith.constant 0 : index
    %get3A_43 = vector.load %arg8[%get3A_41, %get3A_42] : memref<1x16xf32, #tpu.memory_space<vmem>>, vector<1x16xf32>
    %add3A_44 = vector.broadcast %get3A_43 : vector<1x16xf32> to vector<1000x16xf32>
    %add3A_45 = arith.addf %dot_general3A_40, %add3A_44 : vector<1000x16xf32>
    %swap3A = arith.constant 0 : index
    %swap3A_46 = arith.constant 0 : index
    %swap3A_47 = vector.load %arg9[%swap3A, %swap3A_46] : memref<1000x16xf32, #tpu.memory_space<vmem>>, vector<1000x16xf32>
    tpu.vector_store %arg9[%swap3A, %swap3A_46], %add3A_45 {strides = array<i32>} : memref<1000x16xf32, #tpu.memory_space<vmem>>, vector<1000x16xf32>,
    return
  }
  func.func @transform_0(%arg0: i32) -> (i32, i32, i32) {
    %c0_i32 = arith.constant 0 : i32
    %c0_i32_0 = arith.constant 0 : i32
    %c0_i32_1 = arith.constant 0 : i32
    return %c0_i32, %arg0, %c0_i32_0 : i32, i32, i32
  }
  func.func @transform_1(%arg0: i32) -> (i32, i32) {
    %c0_i32 = arith.constant 0 : i32
    %c0_i32_0 = arith.constant 0 : i32
    return %arg0, %c0_i32 : i32, i32
  }
  func.func @transform_2(%arg0: i32) -> (i32, i32) {
    %c0_i32 = arith.constant 0 : i32
    %c0_i32_0 = arith.constant 0 : i32
    %c0_i32_1 = arith.constant 0 : i32
    return %c0_i32, %c0_i32_0 : i32, i32
  }
  func.func @transform_3(%arg0: i32) -> (i32, i32) {
    %c0_i32 = arith.constant 0 : i32
    %c0_i32_0 = arith.constant 0 : i32
    return %arg0, %c0_i32 : i32, i32
  }
  func.func @transform_4(%arg0: i32) -> (i32, i32) {
    %c0_i32 = arith.constant 0 : i32
    %c0_i32_0 = arith.constant 0 : i32
    %c0_i32_1 = arith.constant 0 : i32
    return %c0_i32, %c0_i32_0 : i32, i32
  }
  func.func @transform_5(%arg0: i32) -> (i32, i32) {
    %c0_i32 = arith.constant 0 : i32
    %c0_i32_0 = arith.constant 0 : i32
    %c0_i32_1 = arith.constant 0 : i32
    return %c0_i32, %c0_i32_0 : i32, i32
  }
  func.func @transform_6(%arg0: i32) -> (i32, i32) {
    %c0_i32 = arith.constant 0 : i32
    %c0_i32_0 = arith.constant 0 : i32
    %c0_i32_1 = arith.constant 0 : i32
    return %c0_i32, %c0_i32_0 : i32, i32
  }
  func.func @transform_7(%arg0: i32) -> (i32, i32) {
    %c0_i32 = arith.constant 0 : i32
    %c0_i32_0 = arith.constant 0 : i32
    %c0_i32_1 = arith.constant 0 : i32
    return %c0_i32, %c0_i32_0 : i32, i32
  }
  func.func @transform_8(%arg0: i32) -> (i32, i32) {
    %c0_i32 = arith.constant 0 : i32
    %c0_i32_0 = arith.constant 0 : i32
    return %arg0, %c0_i32 : i32, i32
  }
}

</mosaic_0001>

<sc_bundles>
// kernel: kernel.11.cloned.1.call-start
scs
__scs_entry_jumppad:
0x0: {  	(pc) =	sbr.rel $0x88, $3  }
0x1: {  	(tag) =	ssettag $0x0;
	lr =	simm.s32 $0x1  }
0x2: {  	[smem:$0x3F93] =	sst lr;
	_ =	strace $0xD0000000  }
0x3: {  	_ = 	snop  }
0x4: {  	_ = 	snop  }
0x5: {  	_ = 	snop  }
0x6: {  	_ = 	snop  }
0x7: {  	_ = 	snop  }
__scs_overlays_trampoline_lowered:
0x8: {  	[smem:$0x3FA2] =	sst s0  }
0x9: {  	[smem:$0x3FA3] =	sst s1  }
0xa: {  	[smem:$0x3FA4] =	sst s2  }
0xb: {  	[smem:$0x3FA5] =	sst s3  }
0xc: {  	[smem:$0x3FA6] =	sst s4  }
0xd: {  	[smem:$0x3FA7] =	sst s5  }
0xe: {  	[smem:$0x3FA8] =	sst s6  }
0xf: {  	[smem:$0x3FA9] =	sst s7  }
0x10: {  	[smem:$0x3FAA] =	sst s8  }
0x11: {  	[smem:$0x3FAB] =	sst s9;
	s0 =	simm.s32 @!p0 $0x0  }
0x12: {  	s1 =	sld [smem:$0x3F91];
	s0 =	simm.s32 @p0 $0x1  }
0x13: {  	[smem:$0x3FAC] =	sst s0;
	s0 =	simm.s32 @!p1 $0x0  }
0x14: {  	s2 =	sld [smem:$0x3F90];
	s0 =	simm.s32 @p1 $0x1  }
0x15: {  	[smem:$0x3FAD] =	sst s0;
	s0 =	simm.s32 @!p2 $0x0  }
0x16: {  	s3 =	sld [smem:$0x3FDB];
	s0 =	simm.s32 @p2 $0x1  }
0x17: {  	s4 =	simm.s32 $0x1BF5;
	[smem:$0x3FAF] =	sst s0  }
0x18: {  	s0 =	sld [smem:$0x3F92];
	_ =	swait.ge [sflag:s4], $0x0  }
0x19: {  	s7 =	sld [smem:$0x3F93]  }
0x1a: {  	s8 =	sadd.s32 $0xFFFFE003, lr  }
0x1b: {  	s9 =	sadd.s32 $0xFFFFFEF7, lr;
	s5 =	simm.s32 $0xFFFFFFFF;
	p2 =	slt.u32 s8, $0xFFFFF086  }
0x1c: {  	p1 =	slt.u32 s9, $0xF7A;
	s5 =	simm.s32 @!p2 $0x0  }
0x1d: {  	s5 =	simm.s32 @p1 $0x1;
	p0 =	seq.s32 s7, s2  }
0x1e: {  	s7 =	smul.u32 @!p0 $0xF7A, s2;
	p2 =	seq.s32 @!p0 s5, $0x0  }
0x1f: {  	s9 =	smul.u32 $0xF7A, s1;
	s8 =	simm.s32 @!p0 $0x1BF5;
	p2 =	por !p2, p0  }
0x20: {  	[sflag:s8] =	ssyncset.s32 @!p0 $0xFFFFF086;
	s6 =	sadd.s32 @!p0 s3, s7;
	s7 =	simm.s32 @!p0 $0x108  }
0x21: {  	s3 =	sadd.s32 s3, s9;
	s6 =	sadd.s32 @!p0 $0x88, s6;
	s7 =	simm.s32 @p2 $0x1082  }
0x22: {  	[simem:s7], [sflag:s8] =	dma.local @!p0 [hbm:s6], $0xF7A  }
0x23: {  	s9 =	sor.u32 $0xD0000000, s2;
	s6 =	simm.s32 $0x108;
	_ =	swait.ge @!p0 [sflag:s8], $0x0  }
0x24: {  	s3 =	sadd.s32 $0x88, s3;
	s6 =	simm.s32 @!p1 $0x1082;
	[sflag:s4] =	ssyncset.s32 $0xFFFFF086  }
0x25: {  	[simem:s6], [sflag:s4] =	dma.local [hbm:s3], $0xF7A  }
0x26: {  	[smem:$0x3F93] =	sst s1;
	(tag) =	ssettag s2;
	_ =	strace s9  }
0x27: {  	s1 =	sld [smem:$0x3FA3]  }
0x28: {  	s2 =	sld [smem:$0x3FA4]  }
0x29: {  	s4 =	sld [smem:$0x3FA6]  }
0x2a: {  	p0 =	seq.s32 s5, $0x0;
	s5 =	sld [smem:$0x3FA7]  }
0x2b: {  	s6 =	sld [smem:$0x3FA8]  }
0x2c: {  	s7 =	sld [smem:$0x3FA9]  }
0x2d: {  	s3 =	simm.s32 $0x108;
	s8 =	sld [smem:$0x3FAA]  }
0x2e: {  	s3 =	simm.s32 @!p0 $0x1082;
	s9 =	sld [smem:$0x3FAB]  }
0x2f: {  	lr =	sadd.s32 s0, s3;
	s0 =	sld [smem:$0x3FA2]  }
0x30: {  	s3 =	sld [smem:$0x3FA5]  }
0x31: {  	[smem:$0x3FAE] =	sst s10  }
0x32: {  	s10 =	sld [smem:$0x3FAC];
	_ =	sdelay $0x3  }
0x33: {  	p0 =	seq.s32 s10, $0x1;
	s10 =	sld [smem:$0x3FAE];
	_ =	sdelay $0x3  }
0x34: {  	[smem:$0x3FAE] =	sst s10  }
0x35: {  	s10 =	sld [smem:$0x3FAD];
	_ =	sdelay $0x3  }
0x36: {  	p1 =	seq.s32 s10, $0x1;
	s10 =	sld [smem:$0x3FAE];
	_ =	sdelay $0x3  }
0x37: {  	[smem:$0x3FAE] =	sst s10  }
0x38: {  	s10 =	sld [smem:$0x3FAF]  }
0x39: {  	_ = 	snop;
	(pc) =	sbr.ind lr, $3  }
0x3a: {  	_ = 	snop  }
0x3b: {  	_ = 	snop  }
0x3c: {  	p2 =	seq.s32 s10, $0x1;
	s10 =	sld [smem:$0x3FAE]  }
0x3d: {  	_ =	shalt  }
0x3e: {  	_ =	shalt  }
0x3f: {  	_ =	shalt  }
0x40: {  	_ =	shalt  }
0x41: {  	_ =	shalt  }
0x42: {  	_ =	shalt  }
0x43: {  	_ =	shalt  }
0x44: {  	_ =	shalt  }
0x45: {  	_ =	shalt  }
0x46: {  	_ =	shalt  }
0x47: {  	_ =	shalt  }
0x48: {  	_ =	shalt  }
0x49: {  	_ =	shalt  }
0x4a: {  	_ =	shalt  }
0x4b: {  	_ =	shalt  }
0x4c: {  	_ =	shalt  }
0x4d: {  	_ =	shalt  }
0x4e: {  	_ =	shalt  }
0x4f: {  	_ =	shalt  }
0x50: {  	_ =	shalt  }
0x51: {  	_ =	shalt  }
0x52: {  	_ =	shalt  }
0x53: {  	_ =	shalt  }
0x54: {  	_ =	shalt  }
0x55: {  	_ =	shalt  }
0x56: {  	_ =	shalt  }
0x57: {  	_ =	shalt  }
0x58: {  	_ =	shalt  }
0x59: {  	_ =	shalt  }
0x5a: {  	_ =	shalt  }
0x5b: {  	_ =	shalt  }
0x5c: {  	_ =	shalt  }
0x5d: {  	_ =	shalt  }
0x5e: {  	_ =	shalt  }
0x5f: {  	_ =	shalt  }
0x60: {  	_ =	shalt  }
0x61: {  	_ =	shalt  }
0x62: {  	_ =	shalt  }
0x63: {  	_ =	shalt  }
0x64: {  	_ =	shalt  }
0x65: {  	_ =	shalt  }
0x66: {  	_ =	shalt  }
0x67: {  	_ =	shalt  }
0x68: {  	_ =	shalt  }
0x69: {  	_ =	shalt  }
0x6a: {  	_ =	shalt  }
0x6b: {  	_ =	shalt  }
0x6c: {  	_ =	shalt  }
0x6d: {  	_ =	shalt  }
0x6e: {  	_ =	shalt  }
0x6f: {  	_ =	shalt  }
0x70: {  	_ =	shalt  }
0x71: {  	_ =	shalt  }
0x72: {  	_ =	shalt  }
0x73: {  	_ =	shalt  }
0x74: {  	_ =	shalt  }
0x75: {  	_ =	shalt  }
0x76: {  	_ =	shalt  }
0x77: {  	_ =	shalt  }
0x78: {  	_ =	shalt  }
0x79: {  	_ =	shalt  }
0x7a: {  	_ =	shalt  }
0x7b: {  	_ =	shalt  }
0x7c: {  	_ =	shalt  }
0x7d: {  	_ =	shalt  }
0x7e: {  	_ =	shalt  }
0x7f: {  	_ =	shalt  }
0x80: {  	_ =	shalt  }
0x81: {  	_ =	shalt  }
0x82: {  	_ =	shalt  }
0x83: {  	_ =	shalt  }
0x84: {  	_ =	shalt  }
0x85: {  	_ =	shalt  }
0x86: {  	_ =	shalt  }
0x87: {  	_ =	shalt  }
.Lfunc_end0:
.L_simem_size_0:
called_computation_lowered:
.L_overlay_start_0:
0x88: {  	s2 =	sld [smem:$0x3FD9]  }
0x89: {  	s3 =	sld [smem:$0x3FFE];
	_ =	sdelay $0x1  }
0x8a: {  	s1 =	srdreg.scid  }
0x8b: {  	s0 =	sand.u32 $0x1, s1  }
0x8c: {  	s16 =	sshll.u32 s0, $0xA;
	s2 =	sadd.s32 s3, s2  }
0x8d: {  	s2 =	sadd.s32 s2, s16  }
0x8e: {  	[smem:$0x3FBA] =	sst s2  }
0x8f: {  	_ = 	snop  }
0x90: {  	(tm) =	ssettm $0x1  }
0x91: {  	s17 =	sld [smem:$0x3FFB];
	_ =	sdelay $0x3  }
0x92: {  	_ =	strace s17  }
0x93: {  	s2 =	sld [smem:$0x3FFC];
	_ =	sdelay $0x3  }
0x94: {  	_ =	strace s2  }
0x95: {  	s2 =	sld [smem:$0x3FFD];
	_ =	sdelay $0x3  }
0x96: {  	_ =	strace s2  }
0x97: {  	_ =	strace $0x8FFFFFFF  }
0x98: {  	s18 =	sld [smem:$0x3FDB];
	_ =	sdelay $0x1  }
0x99: {  	s19 =	simm.s32 $_scs_section_size  }
0x9a: {  	s4 =	simm.s32 $_size__tile_overlayer_lowered;
	s5 =	simm.s32 $_tile_overlayer_lowered  }
0x9b: {  	s22 =	simm.s32 $0x1BFF;
	s21 =	sshll.u32 s5, $0x1;
	s2 =	sadd.s32 s19, s18  }
0x9c: {  	s6 =	simm.s32 $0x0;
	s20 =	sshll.u32 s4, $0x1;
	s4 =	sadd.s32 s21, s2  }
0x9d: {  	[timem:s6], [sflag:s22] =	dma.local [hbm:s4], s20  }
0x9e: {  	_ =	swait.ge [sflag:s22], s20  }
0x9f: {  	s3 =	ssub.s32 $0x0, s20;
	[sflag:s22] =	ssyncset.done $0x0  }
0xa0: {  	[sflag:s22] =	ssyncadd.s32 s3;
	_ =	sdelay $0x1  }
0xa1: {  	s23 =	simm.s32 $0x1B8B  }
0xa2: {  	_ =	swait.ge [sflag:s23], $0x1  }
0xa3: {  	[sflag:s23] =	ssyncset.done $0x0  }
0xa4: {  	s25 =	simm.s32 $0x1B8E;
	s24 =	sld [smem:$0x3FFE];
	[sflag:s23] =	ssyncadd.s32 $0xFFFFFFFF  }
0xa5: {  	s26 =	simm.s32 $execute0_lowered;
	[smem:$0x3FD2] =	sst s25  }
0xa6: {  	s4 =	sshll.u32 s26, $0x1;
	_ =	strace $0x80000046;
	[dreg:$0x1] =	wrdreg $0xFFFFFFFF  }
0xa7: {  	s28 =	simm.s32 $_size_execute0_lowered;
	s2 =	sadd.s32 s2, s4;
	[dreg:$0x0] =	wrdreg $0x0  }
0xa8: {  	s4 =	sshll.u32 s28, $0x1;
	[dreg:$0x2] =	wrdreg s2  }
0xa9: {  	[dreg:$0x3] =	wrdreg s4  }
0xaa: {  	[dreg:$0x4] =	wrdreg $0xC0  }
0xab: {  	_ =	task [dreg:s6], $0x5FFFF  }
0xac: {  	[dreg:$0x1] =	wrdreg $0xFFFFFFFF  }
0xad: {  	[dreg:$0x0] =	wrdreg $0x60  }
0xae: {  	[dreg:$0x2] =	wrdreg s24  }
0xaf: {  	[dreg:$0x3] =	wrdreg $0x0  }
0xb0: {  	[dreg:$0x4] =	wrdreg $0x9  }
0xb1: {  	_ =	task.clear_ibuf [dreg:s6], $0x5FFFF;
	_ =	strace $0x90000046  }
0xb2: {  	s29 =	simm.s32 $0x9;
	_ =	strace $0x80000048  }
0xb3: {  	_ =	swait.ge [sflag:s29], $0x1  }
0xb4: {  	[sflag:s29] =	ssyncadd.s32 $0xFFFFFFFF  }
0xb5: {  	_ =	strace $0x90000048  }
0xb6: {  	_ =	sfence  }
0xb7: {  	s30 =	sld [smem:$0x0];
	_ =	sdelay $0x2  }
0xb8: {  	s31 =	sshll.u32 s1, $0xD;
	s1 =	sshrl.u32 s1, $0x2  }
0xb9: {  	s3 =	sand.u32 $0x4000, s31;
	s1 =	sadd.s32 s1, s30  }
0xba: {  	s0 =	sor.u32 s3, s0;
	s1 =	sshll.u32 s1, $0x11  }
0xbb: {  	s0 =	sor.u32 s1, s0  }
0xbc: {  	s0 =	sadd.s32 $0x8F2B, s0  }
0xbd: {  	[sflag:s0] =	ssyncadd.remote.s32 $0x1  }
0xbe: {  	_ =	sfence.sel $0xFFFF  }
0xbf: {  	[dreg:$0x0] =	wrdreg $0xFFFFFFFF;
	(pc) =	sbr.abs _section_cstart, $3  }
0xc0: {  	[dreg:$0x1] =	wrdreg $0xFFFFFFFF  }
0xc1: {  	_ =	task.clear_ibuf [dreg:s6], $0x2FFFF;
	_ =	strace $0x9FFFFFFF  }
0xc2: {  	(tm) =	ssettm $0x7FFFFFFF  }
0xc3: {  	_ =	shalt  }
tec
execute0_lowered:
.L_overlay_start_1:
0x0: {  	(tag) =	ssettag $0x1  }
0x1: {  	s0 =	srdreg.scid;
	s1 =	rddreg [dreg:$0x0]  }
0x2: {  	s2 =	rddreg [dreg:$0x1];
	s14 =	stileid.u32;
	s3 =	simm.s32 $0x0  }
0x3: {  	s30 =	simm.s32 $0x18280;
	s29 =	simm.s32 $0x1A280;
	s31 =	simm.s32 $0x1C280  }
0x4: {  	s28 =	simm.s32 $0x5;
	s15 =	simm.s32 $0xA;
	s16 =	simm.s32 $0xB  }
0x5: {  	s17 =	simm.s32 $0xC;
	s0 =	sand.u32 $0x1, s0;
	s8 =	smul.u32 $0x2700, s14  }
0x6: {  	[smem:$0x7FF] =	sst s3;
	s5 =	sadd.s32 $0x17200, s1;
	s10 =	smul.u32 $0x4E000, s14  }
0x7: {  	s6 =	sadd.s32 $0x3600, s1;
	s19 =	smul.u32 $0x13800, s14;
	s20 =	sadd.s32 $0x124800, s2  }
0x8: {  	p0 =	sne.s32 s14, $0xF;
	s4 =	sshll.u32 s0, $0x4;
	s12 =	smul.u32 $0x27100, s0  }
0x9: {  	_ =	strace $0x80000047;
	s11 =	ssub.s32 $0x2, s0;
	s0 =	smul.u32 $0x138800, s0  }
0xa: {  	[dreg:$0x5] =	wrdreg s20;
	s20 =	simm.s32 $0xD;
	s4 =	sor.u32 s14, s4  }
0xb: {  	s13 =	sshrl.u32 s11, $0x1;
	s10 =	sshrl.u32 s10, $0x2;
	s4 =	smul.u32 $0x2710, s4  }
0xc: {  	s11 =	ssub.s32 s11, s13;
	s8 =	sadd.s32 s8, s12;
	s18 =	sshrl.u32 s0, $0x3  }
0xd: {  	s0 =	sadd.s32 s19, s0;
	s12 =	simm.s32 $0x3;
	s13 =	simm.s32 $0x8  }
0xe: {  	s19 =	simm.s32 $0x9;
	s8 =	sadd.s32 s5, s8;
	s21 =	sadd.s32 $0x24900, s18  }
0xf: {  	s26 =	smax.u32 s11, $0x1;
	s7 =	sshrl.u32 s4, $0x3;
	[dreg:$0x4] =	wrdreg s8  }
0x10: {  	[dreg:$0xe] =	wrdreg s26;
	s9 =	sadd.s32 s7, s1;
	s7 =	sadd.s32 s6, s7  }
0x11: {  	s0 =	sshrl.u32 s0, $0x3;
	s9 =	sadd.s32 $0xD400, s9;
	[dreg:$0x7] =	wrdreg s7  }
0x12: {  	s26 =	simm.s32 $0x16100;
	s22 =	sadd.s32 $0x8, s7;
	[dreg:$0x3] =	wrdreg s9  }
0x13: {  	s8 =	simm.s32 $0x6;
	s23 =	sadd.s32 $0x10, s7;
	[dreg:$0x8] =	wrdreg s22  }
0x14: {  	s1 =	sadd.s32 $0x65400, s1;
	s24 =	sadd.s32 $0x18, s7;
	[dreg:$0x9] =	wrdreg s23  }
0x15: {  	s7 =	sadd.s32 $0x4E0, s7;
	s0 =	sadd.s32 s1, s0;
	[dreg:$0xa] =	wrdreg s24  }
0x16: {  	s25 =	sadd.s32 s1, s21;
	s1 =	simm.s32 $0x16180;
	[dreg:$0xb] =	wrdreg s7  }
0x17: {  	s9 =	sadd.s32 s10, s2;
	s10 =	sadd.s32 s5, s21;
	[dreg:$0xc] =	wrdreg s0  }
0x18: {  	[dreg:$0xd] =	wrdreg s25;
	s0 =	sshll.u32 @p0 s14, $0x6;
	s25 =	simm.s32 $0x16000  }
0x19: {  	s24 =	simm.s32 $0x40;
	s23 =	simm.s32 $0x16080;
	s7 =	simm.s32 $0x1  }
0x1a: {  	s14 =	simm.s32 $0x4;
	[dreg:$0x6] =	wrdreg s10;
	s21 =	sor.u32 @p0 $0x1C0D, s0  }
0x1b: {  	s22 =	sshrl.u32 @p0 s9, $0x3;
	s9 =	simm.s32 $0x2;
	[dreg:$0xf] =	wrdreg s21  }
0x1c: {  	s10 =	simm.s32 $0x7;
	s0 =	simm.s32 $0x0;
	[dreg:$0x10] =	wrdreg s22  }
.LBB2_1:
0x1d: {  	[dreg:$0x11] =	wrdreg s0  }
0x1e: {  	s11 =	rddreg [dreg:$0x3];
	s18 =	simm.s32 $0x13880  }
0x1f: {  	[tilespmem:s18], [sflag:$0xD] =	stream.linear.gather [hbm4b:s11+s3], $0x2710, $0x38;
	[tilespmem:$0x1E280] =	vst v63  }
0x20: {  	_ =	swait.ge [sflag:s20], $0x2710  }
0x21: {  	[sflag:s20] =	ssyncset.done $0x0  }
0x22: {  	s11 =	rddreg [dreg:$0x4];
	[sflag:s20] =	ssyncadd.s32 $0xFFFFD8F0  }
0x23: {  	[spmem:s22], [sflag:s21] =	dma.local @p0 [hbm:s11], $0x2700  }
0x24: {  	s11 =	simm.s32 @p0 $0xD  }
0x25: {  	_ =	swait.ge @p0 [sflag:s11], $0x2700  }
0x26: {  	[sflag:s11] =	ssyncset.done @p0 $0x0  }
0x27: {  	[sflag:s11] =	ssyncadd.s32 @p0 $0xFFFFD900;
	s11 =	rddreg [dreg:$0x5]  }
0x28: {  	s0 =	sshrl.u32 @!p0 s11, $0x3;
	s11 =	rddreg [dreg:$0x6]  }
0x29: {  	s20 =	simm.s32 @!p0 $0x1FCD;
	[dreg:$0x12] =	wrdreg s0  }
0x2a: {  	[spmem:s0], [sflag:s20] =	dma.local @!p0 [hbm:s11], $0x2800  }
0x2b: {  	s20 =	simm.s32 @!p0 $0xD  }
0x2c: {  	_ =	swait.ge @!p0 [sflag:s20], $0x2800  }
0x2d: {  	[sflag:s20] =	ssyncset.done @!p0 $0x0  }
0x2e: {  	[sflag:s20] =	ssyncadd.s32 @!p0 $0xFFFFD800  }
0x2f: {  	[bflag:$0x0] =	sbarrier.arrive $0xFFFF  }
0x30: {  	s20 =	rddreg [dreg:$0x7]  }
0x31: {  	[tilespmem:s25], [sflag:$0x1] =	stream.linear.gather [hbm4b:s20+s3], $0x40, $0x38;
	[tilespmem:$0x1E280] =	vst v63  }
0x32: {  	s0 =	simm.s32 $0x16280  }
0x33: {  	[tilespmem:s0], [sflag:$0x5] =	stream.indirect.gather [hbm4b:s5+s24], $0x80, s18, s24, $0xb8;
	[tilespmem:$0x1E280] =	vst v63  }
0x34: {  	s21 =	rddreg [dreg:$0x8]  }
0x35: {  	[tilespmem:s23], [sflag:$0x2] =	stream.linear.gather [hbm4b:s21+s3], $0x40, $0x38;
	[tilespmem:$0x1E280] =	vst v63  }
0x36: {  	s22 =	simm.s32 $0x138C0  }
0x37: {  	[tilespmem:s30], [sflag:$0x6] =	stream.indirect.gather [hbm4b:s5+s24], $0x80, s22, s24, $0xb8;
	[tilespmem:$0x1E280] =	vst v63  }
0x38: {  	s18 =	rddreg [dreg:$0x9]  }
0x39: {  	[tilespmem:s26], [sflag:$0x3] =	stream.linear.gather [hbm4b:s18+s3], $0x40, $0x38;
	[tilespmem:$0x1E280] =	vst v63  }
0x3a: {  	s20 =	simm.s32 $0x13900  }
0x3b: {  	[tilespmem:s29], [sflag:$0x7] =	stream.indirect.gather [hbm4b:s5+s24], $0x80, s20, s24, $0xb8;
	[tilespmem:$0x1E280] =	vst v63  }
0x3c: {  	s21 =	rddreg [dreg:$0xa]  }
0x3d: {  	[tilespmem:s1], [sflag:$0x4] =	stream.linear.gather [hbm4b:s21+s3], $0x40, $0x38;
	[tilespmem:$0x1E280] =	vst v63  }
0x3e: {  	s22 =	simm.s32 $0x13940  }
0x3f: {  	[tilespmem:s31], [sflag:$0x8] =	stream.indirect.gather [hbm4b:s5+s24], $0x80, s22, s24, $0xb8;
	[tilespmem:$0x1E280] =	vst v63  }
0x40: {  	_ =	swait.ge [sflag:s28], $0x2000  }
0x41: {  	[sflag:s28] =	ssyncset.done $0x0  }
0x42: {  	[sflag:s28] =	ssyncadd.s32 $0xFFFFE000  }
0x43: {  	_ =	swait.ge [sflag:s7], $0x40  }
0x44: {  	[sflag:s7] =	ssyncset.done $0x0  }
0x45: {  	[sflag:s7] =	ssyncadd.s32 $0xFFFFFFC0  }
0x46: {  	[spmem:s2] =	stream.indirect.scatter.add.f32 [tilespmem:s0], [sflag:$0x9], $0x80, s25, s24, $0xb8;
	[tilespmem:$0x1E280] =	vst v63  }
0x47: {  	_ =	swait.ge [sflag:s8], $0x2000  }
0x48: {  	[sflag:s8] =	ssyncset.done $0x0  }
0x49: {  	[sflag:s8] =	ssyncadd.s32 $0xFFFFE000  }
0x4a: {  	_ =	swait.ge [sflag:s9], $0x40  }
0x4b: {  	[sflag:s9] =	ssyncset.done $0x0  }
0x4c: {  	[sflag:s9] =	ssyncadd.s32 $0xFFFFFFC0  }
0x4d: {  	[spmem:s2] =	stream.indirect.scatter.add.f32 [tilespmem:s30], [sflag:$0xA], $0x80, s23, s24, $0xb8;
	[tilespmem:$0x1E280] =	vst v63  }
0x4e: {  	_ =	swait.ge [sflag:s10], $0x2000  }
0x4f: {  	[sflag:s10] =	ssyncset.done $0x0  }
0x50: {  	[sflag:s10] =	ssyncadd.s32 $0xFFFFE000  }
0x51: {  	_ =	swait.ge [sflag:s12], $0x40  }
0x52: {  	[sflag:s12] =	ssyncset.done $0x0  }
0x53: {  	[sflag:s12] =	ssyncadd.s32 $0xFFFFFFC0  }
0x54: {  	[spmem:s2] =	stream.indirect.scatter.add.f32 [tilespmem:s29], [sflag:$0xB], $0x80, s26, s24, $0xb8;
	[tilespmem:$0x1E280] =	vst v63  }
0x55: {  	_ =	swait.ge [sflag:s13], $0x2000  }
0x56: {  	[sflag:s13] =	ssyncset.done $0x0  }
0x57: {  	[sflag:s13] =	ssyncadd.s32 $0xFFFFE000  }
0x58: {  	_ =	swait.ge [sflag:s14], $0x40  }
0x59: {  	p1 =	por $0x0, $0x0;
	s20 =	simm.s32 $0x100;
	[sflag:s14] =	ssyncset.done $0x0  }
0x5a: {  	s20 =	simm.s32 @p1 $0x0;
	[sflag:s14] =	ssyncadd.s32 $0xFFFFFFC0  }
0x5b: {  	[spmem:s2] =	stream.indirect.scatter.add.f32 [tilespmem:s31], [sflag:$0xC], $0x80, s1, s24, $0xb8;
	[tilespmem:$0x1E280] =	vst v63  }
0x5c: {  	s18 =	sadd.s32 s4, s20;
	_ =	swait.ge [sflag:s19], $0x2000  }
0x5d: {  	s21 =	sshrl.u32 s18, $0x3;
	[sflag:s19] =	ssyncset.done $0x0  }
0x5e: {  	s22 =	simm.s32 $0x140;
	s21 =	sadd.s32 s6, s21;
	[sflag:s19] =	ssyncadd.s32 $0xFFFFE000  }
0x5f: {  	[tilespmem:s25], [sflag:$0x1] =	stream.linear.gather [hbm4b:s21+s3], $0x40, $0x38;
	[tilespmem:$0x1E280] =	vst v63  }
0x60: {  	s20 =	sadd.s32 $0x13880, s20;
	s22 =	simm.s32 @p1 $0x40  }
0x61: {  	[tilespmem:s0], [sflag:$0x5] =	stream.indirect.gather [hbm4b:s5+s24], $0x80, s20, s24, $0xb8;
	[tilespmem:$0x1E280] =	vst v63  }
0x62: {  	s21 =	sadd.s32 s4, s22;
	_ =	swait.ge [sflag:s15], $0x2000  }
0x63: {  	s20 =	sshrl.u32 s21, $0x3;
	[sflag:s15] =	ssyncset.done $0x0  }
0x64: {  	s11 =	simm.s32 $0x180;
	s20 =	sadd.s32 s6, s20;
	[sflag:s15] =	ssyncadd.s32 $0xFFFFE000  }
0x65: {  	[tilespmem:s23], [sflag:$0x2] =	stream.linear.gather [hbm4b:s20+s3], $0x40, $0x38;
	[tilespmem:$0x1E280] =	vst v63  }
0x66: {  	s11 =	simm.s32 @p1 $0x80;
	s22 =	sadd.s32 $0x13880, s22  }
0x67: {  	[tilespmem:s30], [sflag:$0x6] =	stream.indirect.gather [hbm4b:s5+s24], $0x80, s22, s24, $0xb8;
	[tilespmem:$0x1E280] =	vst v63  }
0x68: {  	s0 =	sadd.s32 s4, s11;
	_ =	swait.ge [sflag:s16], $0x2000  }
0x69: {  	s21 =	simm.s32 $0x1C0;
	s20 =	sshrl.u32 s0, $0x3;
	[sflag:s16] =	ssyncset.done $0x0  }
0x6a: {  	s21 =	simm.s32 @p1 $0xC0;
	s20 =	sadd.s32 s6, s20;
	[sflag:s16] =	ssyncadd.s32 $0xFFFFE000  }
0x6b: {  	[tilespmem:s26], [sflag:$0x3] =	stream.linear.gather [hbm4b:s20+s3], $0x40, $0x38;
	[tilespmem:$0x1E280] =	vst v63  }
0x6c: {  	s11 =	sadd.s32 $0x13880, s11;
	s18 =	sadd.s32 s4, s21  }
0x6d: {  	[tilespmem:s29], [sflag:$0x7] =	stream.indirect.gather [hbm4b:s5+s24], $0x80, s11, s24, $0xb8;
	[tilespmem:$0x1E280] =	vst v63  }
0x6e: {  	s20 =	sshrl.u32 s18, $0x3;
	_ =	swait.ge [sflag:s17], $0x2000  }
0x6f: {  	s22 =	simm.s32 $0x2C0;
	s20 =	sadd.s32 s6, s20;
	[sflag:s17] =	ssyncset.done $0x0  }
.LBB2_2:
0x70: {  	p1 =	sne.s32 s22, $0x27C0;
	[sflag:s17] =	ssyncadd.s32 $0xFFFFE000;
	s11 =	sadd.s32 $0x13880, s21  }
0x71: {  	[tilespmem:s1], [sflag:$0x4] =	stream.linear.gather [hbm4b:s20+s3], $0x40, $0x38;
	[tilespmem:$0x1E280] =	vst v63  }
0x72: {  	s21 =	smov.u32 s22;
	s22 =	sadd.s32 $0x100, s22  }
0x73: {  	[tilespmem:s31], [sflag:$0x8] =	stream.indirect.gather [hbm4b:s5+s24], $0x80, s11, s24, $0xb8;
	[tilespmem:$0x1E280] =	vst v63  }
0x74: {  	_ =	swait.ge [sflag:s28], $0x2000  }
0x75: {  	[sflag:s28] =	ssyncset.done $0x0  }
0x76: {  	[sflag:s28] =	ssyncadd.s32 $0xFFFFE000  }
0x77: {  	_ =	swait.ge [sflag:s7], $0x40  }
0x78: {  	[sflag:s7] =	ssyncset.done $0x0  }
0x79: {  	s0 =	simm.s32 $0x16280;
	[sflag:s7] =	ssyncadd.s32 $0xFFFFFFC0  }
0x7a: {  	[spmem:s2] =	stream.indirect.scatter.add.f32 [tilespmem:s0], [sflag:$0x9], $0x80, s25, s24, $0xb8;
	[tilespmem:$0x1E280] =	vst v63  }
0x7b: {  	_ =	swait.ge [sflag:s8], $0x2000  }
0x7c: {  	[sflag:s8] =	ssyncset.done $0x0  }
0x7d: {  	[sflag:s8] =	ssyncadd.s32 $0xFFFFE000  }
0x7e: {  	_ =	swait.ge [sflag:s9], $0x40  }
0x7f: {  	[sflag:s9] =	ssyncset.done $0x0  }
0x80: {  	[sflag:s9] =	ssyncadd.s32 $0xFFFFFFC0  }
0x81: {  	[spmem:s2] =	stream.indirect.scatter.add.f32 [tilespmem:s30], [sflag:$0xA], $0x80, s23, s24, $0xb8;
	[tilespmem:$0x1E280] =	vst v63  }
0x82: {  	_ =	swait.ge [sflag:s10], $0x2000  }
0x83: {  	[sflag:s10] =	ssyncset.done $0x0  }
0x84: {  	[sflag:s10] =	ssyncadd.s32 $0xFFFFE000  }
0x85: {  	_ =	swait.ge [sflag:s12], $0x40  }
0x86: {  	[sflag:s12] =	ssyncset.done $0x0  }
0x87: {  	[sflag:s12] =	ssyncadd.s32 $0xFFFFFFC0  }
0x88: {  	[spmem:s2] =	stream.indirect.scatter.add.f32 [tilespmem:s29], [sflag:$0xB], $0x80, s26, s24, $0xb8;
	[tilespmem:$0x1E280] =	vst v63  }
0x89: {  	_ =	swait.ge [sflag:s13], $0x2000  }
0x8a: {  	s20 =	sadd.s32 $0xFFFFFFC0, s21;
	p2 =	seq.s32 s21, $0x27C0;
	[sflag:s13] =	ssyncset.done $0x0  }
0x8b: {  	s18 =	sadd.s32 $0xFFFFFF80, s21;
	s11 =	sadd.s32 $0xFFFFFF40, s21;
	[sflag:s13] =	ssyncadd.s32 $0xFFFFE000  }
0x8c: {  	s18 =	simm.s32 @p2 $0x40;
	_ =	swait.ge [sflag:s14], $0x40  }
0x8d: {  	s20 =	simm.s32 @p2 $0x80;
	s21 =	simm.s32 @p2 $0xC0;
	[sflag:s14] =	ssyncset.done $0x0  }
0x8e: {  	s11 =	simm.s32 @p2 $0x0;
	s23 =	sadd.s32 s4, s18;
	[sflag:s14] =	ssyncadd.s32 $0xFFFFFFC0  }
0x8f: {  	[spmem:s2] =	stream.indirect.scatter.add.f32 [tilespmem:s31], [sflag:$0xC], $0x80, s1, s24, $0xb8;
	[tilespmem:$0x1E280] =	vst v63  }
0x90: {  	s25 =	sadd.s32 s4, s11;
	s23 =	sshrl.u32 s23, $0x3;
	_ =	swait.ge [sflag:s19], $0x2000  }
0x91: {  	s30 =	simm.s32 $0x16000;
	s26 =	sadd.s32 s4, s20;
	[sflag:s19] =	ssyncset.done $0x0  }
0x92: {  	s25 =	sshrl.u32 s25, $0x3;
	s26 =	sshrl.u32 s26, $0x3;
	[sflag:s19] =	ssyncadd.s32 $0xFFFFE000  }
0x93: {  	s11 =	sadd.s32 $0x13880, s11;
	s25 =	sadd.s32 s6, s25;
	s29 =	sadd.s32 s4, s21  }
0x94: {  	[tilespmem:s30], [sflag:$0x1] =	stream.linear.gather [hbm4b:s25+s3], $0x40, $0x38;
	[tilespmem:$0x1E280] =	vst v63  }
0x95: {  	s30 =	simm.s32 $0x18280;
	s25 =	simm.s32 $0x16000;
	_ =	sdelay $0x1  }
0x96: {  	[tilespmem:s0], [sflag:$0x5] =	stream.indirect.gather [hbm4b:s5+s24], $0x80, s11, s24, $0xb8;
	[tilespmem:$0x1E280] =	vst v63  }
0x97: {  	s11 =	sadd.s32 $0x13880, s18;
	_ =	swait.ge [sflag:s15], $0x2000  }
0x98: {  	[sflag:s15] =	ssyncset.done $0x0  }
0x99: {  	s18 =	sadd.s32 s6, s23;
	s23 =	simm.s32 $0x16080;
	[sflag:s15] =	ssyncadd.s32 $0xFFFFE000  }
0x9a: {  	[tilespmem:s23], [sflag:$0x2] =	stream.linear.gather [hbm4b:s18+s3], $0x40, $0x38;
	[tilespmem:$0x1E280] =	vst v63  }
0x9b: {  	_ = 	snop  }
0x9c: {  	[tilespmem:s30], [sflag:$0x6] =	stream.indirect.gather [hbm4b:s5+s24], $0x80, s11, s24, $0xb8;
	[tilespmem:$0x1E280] =	vst v63  }
0x9d: {  	s11 =	sadd.s32 $0x13880, s20;
	_ =	swait.ge [sflag:s16], $0x2000  }
0x9e: {  	[sflag:s16] =	ssyncset.done $0x0  }
0x9f: {  	s18 =	sadd.s32 s6, s26;
	s26 =	simm.s32 $0x16100;
	[sflag:s16] =	ssyncadd.s32 $0xFFFFE000  }
0xa0: {  	[tilespmem:s26], [sflag:$0x3] =	stream.linear.gather [hbm4b:s18+s3], $0x40, $0x38;
	[tilespmem:$0x1E280] =	vst v63  }
.Ltmp0:
0xa1: {  	_ = 	snop;
	(pc) =	sbr.rel @p1 .LBB2_2-.Ltmp0, $4  }
0xa2: {  	s18 =	sshrl.u32 s29, $0x3;
	s29 =	simm.s32 $0x1A280  }
0xa3: {  	[tilespmem:s29], [sflag:$0x7] =	stream.indirect.gather [hbm4b:s5+s24], $0x80, s11, s24, $0xb8;
	[tilespmem:$0x1E280] =	vst v63  }
0xa4: {  	s20 =	sadd.s32 s6, s18;
	_ =	swait.ge [sflag:s17], $0x2000  }
0xa5: {  	[sflag:s17] =	ssyncset.done $0x0  }
0xa6: {  	[sflag:s17] =	ssyncadd.s32 $0xFFFFE000  }
0xa7: {  	[tilespmem:s1], [sflag:$0x4] =	stream.linear.gather [hbm4b:s20+s3], $0x40, $0x38;
	[tilespmem:$0x1E280] =	vst v63  }
0xa8: {  	s11 =	sadd.s32 $0x13880, s21  }
0xa9: {  	[tilespmem:s31], [sflag:$0x8] =	stream.indirect.gather [hbm4b:s5+s24], $0x80, s11, s24, $0xb8;
	[tilespmem:$0x1E280] =	vst v63  }
0xaa: {  	_ =	swait.ge [sflag:s28], $0x2000  }
0xab: {  	[sflag:s28] =	ssyncset.done $0x0  }
0xac: {  	[sflag:s28] =	ssyncadd.s32 $0xFFFFE000  }
0xad: {  	_ =	swait.ge [sflag:s7], $0x40  }
0xae: {  	[sflag:s7] =	ssyncset.done $0x0  }
0xaf: {  	[sflag:s7] =	ssyncadd.s32 $0xFFFFFFC0  }
0xb0: {  	_ =	swait.ge [sflag:s8], $0x2000  }
0xb1: {  	[sflag:s8] =	ssyncset.done $0x0  }
0xb2: {  	[sflag:s8] =	ssyncadd.s32 $0xFFFFE000  }
0xb3: {  	_ =	swait.ge [sflag:s9], $0x40  }
0xb4: {  	[sflag:s9] =	ssyncset.done $0x0  }
0xb5: {  	[sflag:s9] =	ssyncadd.s32 $0xFFFFFFC0  }
0xb6: {  	_ =	swait.ge [sflag:s10], $0x2000  }
0xb7: {  	[sflag:s10] =	ssyncset.done $0x0  }
0xb8: {  	[sflag:s10] =	ssyncadd.s32 $0xFFFFE000  }
0xb9: {  	_ =	swait.ge [sflag:s12], $0x40  }
0xba: {  	[sflag:s12] =	ssyncset.done $0x0  }
0xbb: {  	[sflag:s12] =	ssyncadd.s32 $0xFFFFFFC0  }
0xbc: {  	_ =	swait.ge [sflag:s13], $0x2000  }
0xbd: {  	[sflag:s13] =	ssyncset.done $0x0  }
0xbe: {  	[sflag:s13] =	ssyncadd.s32 $0xFFFFE000  }
0xbf: {  	_ =	swait.ge [sflag:s14], $0x40  }
0xc0: {  	[sflag:s14] =	ssyncset.done $0x0  }
0xc1: {  	s18 =	simm.s32 $0x16200;
	s20 =	rddreg [dreg:$0xb];
	[sflag:s14] =	ssyncadd.s32 $0xFFFFFFC0  }
0xc2: {  	[tilespmem:s18], [sflag:$0x1] =	stream.linear.gather [hbm4b:s20+s3], $0x10, $0x38;
	[tilespmem:$0x1E280] =	vst v63  }
0xc3: {  	s0 =	simm.s32 $0x16280;
	s21 =	simm.s32 $0x10;
	s22 =	simm.s32 $0x15F80  }
0xc4: {  	[tilespmem:s0], [sflag:$0x5] =	stream.indirect.gather [hbm4b:s5+s21], $0x80, s22, s21, $0xb8;
	[tilespmem:$0x1E280] =	vst v63  }
0xc5: {  	_ =	swait.ge [sflag:s7], $0x10  }
0xc6: {  	[sflag:s7] =	ssyncset.done $0x0  }
0xc7: {  	[sflag:s7] =	ssyncadd.s32 $0xFFFFFFF0  }
0xc8: {  	_ =	swait.ge [sflag:s28], $0x800  }
0xc9: {  	[sflag:s28] =	ssyncset.done $0x0  }
0xca: {  	s20 =	simm.s32 $0xD;
	[sflag:s28] =	ssyncadd.s32 $0xFFFFF800  }
0xcb: {  	[spmem:s2] =	stream.indirect.scatter.add.f32 [tilespmem:s0], [sflag:$0xD], $0x80, s18, s21, $0xb8;
	[tilespmem:$0x1E280] =	vst v63  }
0xcc: {  	_ =	swait.ge [sflag:s20], $0x800  }
0xcd: {  	[sflag:s20] =	ssyncset.done $0x0  }
0xce: {  	[sflag:s20] =	ssyncadd.s32 $0xFFFFF800  }
0xcf: {  	[bflag:$0x0] =	sbarrier.arrive $0xFFFF  }
0xd0: {  	s11 =	rddreg [dreg:$0xc]  }
0xd1: {  	s21 =	rddreg [dreg:$0xf]  }
0xd2: {  	s22 =	rddreg [dreg:$0x10]  }
0xd3: {  	[hbm:s11], [sflag:s21] =	dma.local @p0 [spmem:s22], $0x2700  }
0xd4: {  	s11 =	simm.s32 @p0 $0xD  }
0xd5: {  	_ =	swait.ge @p0 [sflag:s11], $0x2700  }
0xd6: {  	[sflag:s11] =	ssyncset.done @p0 $0x0;
	s18 =	rddreg [dreg:$0xd]  }
0xd7: {  	s0 =	rddreg [dreg:$0x12];
	[sflag:s11] =	ssyncadd.s32 @p0 $0xFFFFD900;
	s11 =	simm.s32 @!p0 $0x1FCD  }
0xd8: {  	[hbm:s18], [sflag:s11] =	dma.local @!p0 [spmem:s0], $0x2800  }
0xd9: {  	s11 =	simm.s32 @!p0 $0xD  }
0xda: {  	_ =	swait.ge @!p0 [sflag:s11], $0x2800  }
0xdb: {  	s18 =	rddreg [dreg:$0x11]  }
0xdc: {  	s0 =	sadd.s32 $0x1, s18;
	s18 =	rddreg [dreg:$0xe]  }
0xdd: {  	p1 =	sne.s32 s0, s18  }
.Ltmp1:
0xde: {  	_ = 	snop;
	(pc) =	sbr.rel @p1 .LBB2_1-.Ltmp1, $3  }
0xdf: {  	_ =	sdelay $0x1  }
0xe0: {  	[sflag:s11] =	ssyncset.done @!p0 $0x0  }
0xe1: {  	[sflag:s11] =	ssyncadd.s32 @!p0 $0xFFFFD800  }
0xe2: {  	_ =	sfence.sel $0x180000  }
0xe3: {  	[bflag:$0x0] =	sbarrier.arrive $0xFFFF  }
0xe4: {  	_ =	strace $0x90000047  }
0xe5: {  	s0 =	stileid.u32;
	[bflag:$0x2] =	sbarrier.arrive $0xFFFF  }
0xe6: {  	p0 =	sne.s32 s0, $0x0;
	s0 =	rddreg [dreg:$0x2]  }
0xe7: {  	s0 =	sadd.s32 @!p0 $0x100000, s0  }
0xe8: {  	[sflag:s0] =	ssyncadd.tile.s32 @!p0 $0x1;
	_ =	shalt  }
.Lfunc_end2:
_tile_overlayer_lowered:
.L_overlay_start_2:
0xe9: {  	(tag) =	ssettag $0x2  }
0xea: {  	s0 =	rddreg [dreg:$0x0];
	s2 =	stileid.u32  }
0xeb: {  	s1 =	rddreg [dreg:$0x1];
	p0 =	sne.s32 s2, $0x0  }
0xec: {  	s3 =	rddreg [dreg:$0x2];
	[bflag:$0x3] =	sbarrier.arrive $0xFFFF;
	s2 =	simm.s32 @!p0 $0x1C0D  }
0xed: {  	[timem:s3], [sflag:s2] =	dma.local @!p0 [hbm:s0], s1  }
0xee: {  	s0 =	simm.s32 @!p0 $0xD  }
0xef: {  	_ =	swait.ge @!p0 [sflag:s0], s1  }
0xf0: {  	s1 =	ssub.s32 @!p0 $0x0, s1;
	[sflag:s0] =	ssyncset.done @!p0 $0x0  }
0xf1: {  	[sflag:s0] =	ssyncadd.s32 @!p0 s1  }
0xf2: {  	[bflag:$0x3] =	sbarrier.arrive $0xFFFF  }
0xf3: {  	_ =	shalt  }

// kernel: kernel.14.cloned.1.call-start
scs
__scs_entry_jumppad:
0x0: {  	(pc) =	sbr.rel $0x88, $3  }
0x1: {  	(tag) =	ssettag $0x0;
	lr =	simm.s32 $0x1  }
0x2: {  	[smem:$0x3F93] =	sst lr;
	_ =	strace $0xD0000000  }
0x3: {  	_ = 	snop  }
0x4: {  	_ = 	snop  }
0x5: {  	_ = 	snop  }
0x6: {  	_ = 	snop  }
0x7: {  	_ = 	snop  }
__scs_overlays_trampoline_lowered:
0x8: {  	[smem:$0x3FA2] =	sst s0  }
0x9: {  	[smem:$0x3FA3] =	sst s1  }
0xa: {  	[smem:$0x3FA4] =	sst s2  }
0xb: {  	[smem:$0x3FA5] =	sst s3  }
0xc: {  	[smem:$0x3FA6] =	sst s4  }
0xd: {  	[smem:$0x3FA7] =	sst s5  }
0xe: {  	[smem:$0x3FA8] =	sst s6  }
0xf: {  	[smem:$0x3FA9] =	sst s7  }
0x10: {  	[smem:$0x3FAA] =	sst s8  }
0x11: {  	[smem:$0x3FAB] =	sst s9;
	s0 =	simm.s32 @!p0 $0x0  }
0x12: {  	s1 =	sld [smem:$0x3F91];
	s0 =	simm.s32 @p0 $0x1  }
0x13: {  	[smem:$0x3FAC] =	sst s0;
	s0 =	simm.s32 @!p1 $0x0  }
0x14: {  	s2 =	sld [smem:$0x3F90];
	s0 =	simm.s32 @p1 $0x1  }
0x15: {  	[smem:$0x3FAD] =	sst s0;
	s0 =	simm.s32 @!p2 $0x0  }
0x16: {  	s3 =	sld [smem:$0x3FDB];
	s0 =	simm.s32 @p2 $0x1  }
0x17: {  	s4 =	simm.s32 $0x1BF5;
	[smem:$0x3FAF] =	sst s0  }
0x18: {  	s0 =	sld [smem:$0x3F92];
	_ =	swait.ge [sflag:s4], $0x0  }
0x19: {  	s7 =	sld [smem:$0x3F93]  }
0x1a: {  	s8 =	sadd.s32 $0xFFFFE003, lr  }
0x1b: {  	s9 =	sadd.s32 $0xFFFFFEF7, lr;
	s5 =	simm.s32 $0xFFFFFFFF;
	p2 =	slt.u32 s8, $0xFFFFF086  }
0x1c: {  	p1 =	slt.u32 s9, $0xF7A;
	s5 =	simm.s32 @!p2 $0x0  }
0x1d: {  	s5 =	simm.s32 @p1 $0x1;
	p0 =	seq.s32 s7, s2  }
0x1e: {  	s7 =	smul.u32 @!p0 $0xF7A, s2;
	p2 =	seq.s32 @!p0 s5, $0x0  }
0x1f: {  	s9 =	smul.u32 $0xF7A, s1;
	s8 =	simm.s32 @!p0 $0x1BF5;
	p2 =	por !p2, p0  }
0x20: {  	[sflag:s8] =	ssyncset.s32 @!p0 $0xFFFFF086;
	s6 =	sadd.s32 @!p0 s3, s7;
	s7 =	simm.s32 @!p0 $0x108  }
0x21: {  	s3 =	sadd.s32 s3, s9;
	s6 =	sadd.s32 @!p0 $0x88, s6;
	s7 =	simm.s32 @p2 $0x1082  }
0x22: {  	[simem:s7], [sflag:s8] =	dma.local @!p0 [hbm:s6], $0xF7A  }
0x23: {  	s9 =	sor.u32 $0xD0000000, s2;
	s6 =	simm.s32 $0x108;
	_ =	swait.ge @!p0 [sflag:s8], $0x0  }
0x24: {  	s3 =	sadd.s32 $0x88, s3;
	s6 =	simm.s32 @!p1 $0x1082;
	[sflag:s4] =	ssyncset.s32 $0xFFFFF086  }
0x25: {  	[simem:s6], [sflag:s4] =	dma.local [hbm:s3], $0xF7A  }
0x26: {  	[smem:$0x3F93] =	sst s1;
	(tag) =	ssettag s2;
	_ =	strace s9  }
0x27: {  	s1 =	sld [smem:$0x3FA3]  }
0x28: {  	s2 =	sld [smem:$0x3FA4]  }
0x29: {  	s4 =	sld [smem:$0x3FA6]  }
0x2a: {  	p0 =	seq.s32 s5, $0x0;
	s5 =	sld [smem:$0x3FA7]  }
0x2b: {  	s6 =	sld [smem:$0x3FA8]  }
0x2c: {  	s7 =	sld [smem:$0x3FA9]  }
0x2d: {  	s3 =	simm.s32 $0x108;
	s8 =	sld [smem:$0x3FAA]  }
0x2e: {  	s3 =	simm.s32 @!p0 $0x1082;
	s9 =	sld [smem:$0x3FAB]  }
0x2f: {  	lr =	sadd.s32 s0, s3;
	s0 =	sld [smem:$0x3FA2]  }
0x30: {  	s3 =	sld [smem:$0x3FA5]  }
0x31: {  	[smem:$0x3FAE] =	sst s10  }
0x32: {  	s10 =	sld [smem:$0x3FAC];
	_ =	sdelay $0x3  }
0x33: {  	p0 =	seq.s32 s10, $0x1;
	s10 =	sld [smem:$0x3FAE];
	_ =	sdelay $0x3  }
0x34: {  	[smem:$0x3FAE] =	sst s10  }
0x35: {  	s10 =	sld [smem:$0x3FAD];
	_ =	sdelay $0x3  }
0x36: {  	p1 =	seq.s32 s10, $0x1;
	s10 =	sld [smem:$0x3FAE];
	_ =	sdelay $0x3  }
0x37: {  	[smem:$0x3FAE] =	sst s10  }
0x38: {  	s10 =	sld [smem:$0x3FAF]  }
0x39: {  	_ = 	snop;
	(pc) =	sbr.ind lr, $3  }
0x3a: {  	_ = 	snop  }
0x3b: {  	_ = 	snop  }
0x3c: {  	p2 =	seq.s32 s10, $0x1;
	s10 =	sld [smem:$0x3FAE]  }
0x3d: {  	_ =	shalt  }
0x3e: {  	_ =	shalt  }
0x3f: {  	_ =	shalt  }
0x40: {  	_ =	shalt  }
0x41: {  	_ =	shalt  }
0x42: {  	_ =	shalt  }
0x43: {  	_ =	shalt  }
0x44: {  	_ =	shalt  }
0x45: {  	_ =	shalt  }
0x46: {  	_ =	shalt  }
0x47: {  	_ =	shalt  }
0x48: {  	_ =	shalt  }
0x49: {  	_ =	shalt  }
0x4a: {  	_ =	shalt  }
0x4b: {  	_ =	shalt  }
0x4c: {  	_ =	shalt  }
0x4d: {  	_ =	shalt  }
0x4e: {  	_ =	shalt  }
0x4f: {  	_ =	shalt  }
0x50: {  	_ =	shalt  }
0x51: {  	_ =	shalt  }
0x52: {  	_ =	shalt  }
0x53: {  	_ =	shalt  }
0x54: {  	_ =	shalt  }
0x55: {  	_ =	shalt  }
0x56: {  	_ =	shalt  }
0x57: {  	_ =	shalt  }
0x58: {  	_ =	shalt  }
0x59: {  	_ =	shalt  }
0x5a: {  	_ =	shalt  }
0x5b: {  	_ =	shalt  }
0x5c: {  	_ =	shalt  }
0x5d: {  	_ =	shalt  }
0x5e: {  	_ =	shalt  }
0x5f: {  	_ =	shalt  }
0x60: {  	_ =	shalt  }
0x61: {  	_ =	shalt  }
0x62: {  	_ =	shalt  }
0x63: {  	_ =	shalt  }
0x64: {  	_ =	shalt  }
0x65: {  	_ =	shalt  }
0x66: {  	_ =	shalt  }
0x67: {  	_ =	shalt  }
0x68: {  	_ =	shalt  }
0x69: {  	_ =	shalt  }
0x6a: {  	_ =	shalt  }
0x6b: {  	_ =	shalt  }
0x6c: {  	_ =	shalt  }
0x6d: {  	_ =	shalt  }
0x6e: {  	_ =	shalt  }
0x6f: {  	_ =	shalt  }
0x70: {  	_ =	shalt  }
0x71: {  	_ =	shalt  }
0x72: {  	_ =	shalt  }
0x73: {  	_ =	shalt  }
0x74: {  	_ =	shalt  }
0x75: {  	_ =	shalt  }
0x76: {  	_ =	shalt  }
0x77: {  	_ =	shalt  }
0x78: {  	_ =	shalt  }
0x79: {  	_ =	shalt  }
0x7a: {  	_ =	shalt  }
0x7b: {  	_ =	shalt  }
0x7c: {  	_ =	shalt  }
0x7d: {  	_ =	shalt  }
0x7e: {  	_ =	shalt  }
0x7f: {  	_ =	shalt  }
0x80: {  	_ =	shalt  }
0x81: {  	_ =	shalt  }
0x82: {  	_ =	shalt  }
0x83: {  	_ =	shalt  }
0x84: {  	_ =	shalt  }
0x85: {  	_ =	shalt  }
0x86: {  	_ =	shalt  }
0x87: {  	_ =	shalt  }
.Lfunc_end0:
.L_simem_size_0:
called_computation.1_lowered:
.L_overlay_start_0:
0x88: {  	s2 =	sld [smem:$0x3FD9]  }
0x89: {  	s3 =	sld [smem:$0x3FFE];
	_ =	sdelay $0x1  }
0x8a: {  	s1 =	srdreg.scid  }
0x8b: {  	s0 =	sand.u32 $0x1, s1  }
0x8c: {  	s16 =	sshll.u32 s0, $0xA;
	s2 =	sadd.s32 s3, s2  }
0x8d: {  	s2 =	sadd.s32 s2, s16  }
0x8e: {  	[smem:$0x3FBA] =	sst s2  }
0x8f: {  	_ = 	snop  }
0x90: {  	(tm) =	ssettm $0x1  }
0x91: {  	s17 =	sld [smem:$0x3FFB];
	_ =	sdelay $0x3  }
0x92: {  	_ =	strace s17  }
0x93: {  	s2 =	sld [smem:$0x3FFC];
	_ =	sdelay $0x3  }
0x94: {  	_ =	strace s2  }
0x95: {  	s2 =	sld [smem:$0x3FFD];
	_ =	sdelay $0x3  }
0x96: {  	_ =	strace s2  }
0x97: {  	_ =	strace $0x8FFFFFFF  }
0x98: {  	s18 =	sld [smem:$0x3FDB];
	_ =	sdelay $0x1  }
0x99: {  	s19 =	simm.s32 $_scs_section_size  }
0x9a: {  	s4 =	simm.s32 $_size__tile_overlayer_lowered;
	s5 =	simm.s32 $_tile_overlayer_lowered  }
0x9b: {  	s22 =	simm.s32 $0x1BFF;
	s21 =	sshll.u32 s5, $0x1;
	s2 =	sadd.s32 s19, s18  }
0x9c: {  	s6 =	simm.s32 $0x0;
	s20 =	sshll.u32 s4, $0x1;
	s4 =	sadd.s32 s21, s2  }
0x9d: {  	[timem:s6], [sflag:s22] =	dma.local [hbm:s4], s20  }
0x9e: {  	_ =	swait.ge [sflag:s22], s20  }
0x9f: {  	s3 =	ssub.s32 $0x0, s20;
	[sflag:s22] =	ssyncset.done $0x0  }
0xa0: {  	[sflag:s22] =	ssyncadd.s32 s3;
	_ =	sdelay $0x1  }
0xa1: {  	s23 =	simm.s32 $0x1B8B  }
0xa2: {  	_ =	swait.ge [sflag:s23], $0x1  }
0xa3: {  	[sflag:s23] =	ssyncset.done $0x0  }
0xa4: {  	s25 =	simm.s32 $0x1B8E;
	s24 =	sld [smem:$0x3FFE];
	[sflag:s23] =	ssyncadd.s32 $0xFFFFFFFF  }
0xa5: {  	s26 =	simm.s32 $execute0_lowered;
	[smem:$0x3FD2] =	sst s25  }
0xa6: {  	s4 =	sshll.u32 s26, $0x1;
	_ =	strace $0x80000049;
	[dreg:$0x1] =	wrdreg $0xFFFFFFFF  }
0xa7: {  	s28 =	simm.s32 $_size_execute0_lowered;
	s2 =	sadd.s32 s2, s4;
	[dreg:$0x0] =	wrdreg $0x0  }
0xa8: {  	s4 =	sshll.u32 s28, $0x1;
	[dreg:$0x2] =	wrdreg s2  }
0xa9: {  	[dreg:$0x3] =	wrdreg s4  }
0xaa: {  	[dreg:$0x4] =	wrdreg $0xC0  }
0xab: {  	_ =	task [dreg:s6], $0x5FFFF  }
0xac: {  	[dreg:$0x1] =	wrdreg $0xFFFFFFFF  }
0xad: {  	[dreg:$0x0] =	wrdreg $0x60  }
0xae: {  	[dreg:$0x2] =	wrdreg s24  }
0xaf: {  	[dreg:$0x3] =	wrdreg $0x0  }
0xb0: {  	[dreg:$0x4] =	wrdreg $0x9  }
0xb1: {  	_ =	task.clear_ibuf [dreg:s6], $0x5FFFF;
	_ =	strace $0x90000049  }
0xb2: {  	s29 =	simm.s32 $0x9;
	_ =	strace $0x8000004B  }
0xb3: {  	_ =	swait.ge [sflag:s29], $0x1  }
0xb4: {  	[sflag:s29] =	ssyncadd.s32 $0xFFFFFFFF  }
0xb5: {  	_ =	strace $0x9000004B  }
0xb6: {  	_ =	sfence  }
0xb7: {  	s30 =	sld [smem:$0x0];
	_ =	sdelay $0x2  }
0xb8: {  	s31 =	sshll.u32 s1, $0xD;
	s1 =	sshrl.u32 s1, $0x2  }
0xb9: {  	s3 =	sand.u32 $0x4000, s31;
	s1 =	sadd.s32 s1, s30  }
0xba: {  	s0 =	sor.u32 s3, s0;
	s1 =	sshll.u32 s1, $0x11  }
0xbb: {  	s0 =	sor.u32 s1, s0  }
0xbc: {  	s0 =	sadd.s32 $0x8F2B, s0  }
0xbd: {  	[sflag:s0] =	ssyncadd.remote.s32 $0x1  }
0xbe: {  	_ =	sfence.sel $0xFFFF  }
0xbf: {  	[dreg:$0x0] =	wrdreg $0xFFFFFFFF;
	(pc) =	sbr.abs _section_cstart, $3  }
0xc0: {  	[dreg:$0x1] =	wrdreg $0xFFFFFFFF  }
0xc1: {  	_ =	task.clear_ibuf [dreg:s6], $0x2FFFF;
	_ =	strace $0x9FFFFFFF  }
0xc2: {  	(tm) =	ssettm $0x7FFFFFFF  }
0xc3: {  	_ =	shalt  }
tec
execute0_lowered:
.L_overlay_start_1:
0x0: {  	(tag) =	ssettag $0x1  }
0x1: {  	s0 =	srdreg.scid;
	s1 =	rddreg [dreg:$0x0]  }
0x2: {  	s2 =	rddreg [dreg:$0x1];
	s14 =	stileid.u32;
	s3 =	simm.s32 $0x0  }
0x3: {  	s30 =	simm.s32 $0x18280;
	s29 =	simm.s32 $0x1A280;
	s31 =	simm.s32 $0x1C280  }
0x4: {  	s28 =	simm.s32 $0x5;
	s15 =	simm.s32 $0xA;
	s16 =	simm.s32 $0xB  }
0x5: {  	s17 =	simm.s32 $0xC;
	s0 =	sand.u32 $0x1, s0;
	s8 =	smul.u32 $0x2700, s14  }
0x6: {  	[smem:$0x7FF] =	sst s3;
	s5 =	sadd.s32 $0x17200, s1;
	s10 =	smul.u32 $0x4E000, s14  }
0x7: {  	s6 =	sadd.s32 $0x3600, s1;
	s19 =	smul.u32 $0x13800, s14;
	s20 =	sadd.s32 $0x124800, s2  }
0x8: {  	p0 =	sne.s32 s14, $0xF;
	s4 =	sshll.u32 s0, $0x4;
	s12 =	smul.u32 $0x27100, s0  }
0x9: {  	_ =	strace $0x8000004A;
	s11 =	ssub.s32 $0x2, s0;
	s0 =	smul.u32 $0x138800, s0  }
0xa: {  	[dreg:$0x5] =	wrdreg s20;
	s20 =	simm.s32 $0xD;
	s4 =	sor.u32 s14, s4  }
0xb: {  	s13 =	sshrl.u32 s11, $0x1;
	s10 =	sshrl.u32 s10, $0x2;
	s4 =	smul.u32 $0x2710, s4  }
0xc: {  	s11 =	ssub.s32 s11, s13;
	s8 =	sadd.s32 s8, s12;
	s18 =	sshrl.u32 s0, $0x3  }
0xd: {  	s0 =	sadd.s32 s19, s0;
	s12 =	simm.s32 $0x3;
	s13 =	simm.s32 $0x8  }
0xe: {  	s19 =	simm.s32 $0x9;
	s8 =	sadd.s32 s5, s8;
	s21 =	sadd.s32 $0x24900, s18  }
0xf: {  	s26 =	smax.u32 s11, $0x1;
	s7 =	sshrl.u32 s4, $0x3;
	[dreg:$0x4] =	wrdreg s8  }
0x10: {  	[dreg:$0xe] =	wrdreg s26;
	s9 =	sadd.s32 s7, s1;
	s7 =	sadd.s32 s6, s7  }
0x11: {  	s0 =	sshrl.u32 s0, $0x3;
	s9 =	sadd.s32 $0xD400, s9;
	[dreg:$0x7] =	wrdreg s7  }
0x12: {  	s26 =	simm.s32 $0x16100;
	s22 =	sadd.s32 $0x8, s7;
	[dreg:$0x3] =	wrdreg s9  }
0x13: {  	s8 =	simm.s32 $0x6;
	s23 =	sadd.s32 $0x10, s7;
	[dreg:$0x8] =	wrdreg s22  }
0x14: {  	s1 =	sadd.s32 $0x65400, s1;
	s24 =	sadd.s32 $0x18, s7;
	[dreg:$0x9] =	wrdreg s23  }
0x15: {  	s7 =	sadd.s32 $0x4E0, s7;
	s0 =	sadd.s32 s1, s0;
	[dreg:$0xa] =	wrdreg s24  }
0x16: {  	s25 =	sadd.s32 s1, s21;
	s1 =	simm.s32 $0x16180;
	[dreg:$0xb] =	wrdreg s7  }
0x17: {  	s9 =	sadd.s32 s10, s2;
	s10 =	sadd.s32 s5, s21;
	[dreg:$0xc] =	wrdreg s0  }
0x18: {  	[dreg:$0xd] =	wrdreg s25;
	s0 =	sshll.u32 @p0 s14, $0x6;
	s25 =	simm.s32 $0x16000  }
0x19: {  	s24 =	simm.s32 $0x40;
	s23 =	simm.s32 $0x16080;
	s7 =	simm.s32 $0x1  }
0x1a: {  	s14 =	simm.s32 $0x4;
	[dreg:$0x6] =	wrdreg s10;
	s21 =	sor.u32 @p0 $0x1C0D, s0  }
0x1b: {  	s22 =	sshrl.u32 @p0 s9, $0x3;
	s9 =	simm.s32 $0x2;
	[dreg:$0xf] =	wrdreg s21  }
0x1c: {  	s10 =	simm.s32 $0x7;
	s0 =	simm.s32 $0x0;
	[dreg:$0x10] =	wrdreg s22  }
.LBB2_1:
0x1d: {  	[dreg:$0x11] =	wrdreg s0  }
0x1e: {  	s11 =	rddreg [dreg:$0x3];
	s18 =	simm.s32 $0x13880  }
0x1f: {  	[tilespmem:s18], [sflag:$0xD] =	stream.linear.gather [hbm4b:s11+s3], $0x2710, $0x38;
	[tilespmem:$0x1E280] =	vst v63  }
0x20: {  	_ =	swait.ge [sflag:s20], $0x2710  }
0x21: {  	[sflag:s20] =	ssyncset.done $0x0  }
0x22: {  	s11 =	rddreg [dreg:$0x4];
	[sflag:s20] =	ssyncadd.s32 $0xFFFFD8F0  }
0x23: {  	[spmem:s22], [sflag:s21] =	dma.local @p0 [hbm:s11], $0x2700  }
0x24: {  	s11 =	simm.s32 @p0 $0xD  }
0x25: {  	_ =	swait.ge @p0 [sflag:s11], $0x2700  }
0x26: {  	[sflag:s11] =	ssyncset.done @p0 $0x0  }
0x27: {  	[sflag:s11] =	ssyncadd.s32 @p0 $0xFFFFD900;
	s11 =	rddreg [dreg:$0x5]  }
0x28: {  	s0 =	sshrl.u32 @!p0 s11, $0x3;
	s11 =	rddreg [dreg:$0x6]  }
0x29: {  	s20 =	simm.s32 @!p0 $0x1FCD;
	[dreg:$0x12] =	wrdreg s0  }
0x2a: {  	[spmem:s0], [sflag:s20] =	dma.local @!p0 [hbm:s11], $0x2800  }
0x2b: {  	s20 =	simm.s32 @!p0 $0xD  }
0x2c: {  	_ =	swait.ge @!p0 [sflag:s20], $0x2800  }
0x2d: {  	[sflag:s20] =	ssyncset.done @!p0 $0x0  }
0x2e: {  	[sflag:s20] =	ssyncadd.s32 @!p0 $0xFFFFD800  }
0x2f: {  	[bflag:$0x0] =	sbarrier.arrive $0xFFFF  }
0x30: {  	s20 =	rddreg [dreg:$0x7]  }
0x31: {  	[tilespmem:s25], [sflag:$0x1] =	stream.linear.gather [hbm4b:s20+s3], $0x40, $0x38;
	[tilespmem:$0x1E280] =	vst v63  }
0x32: {  	s0 =	simm.s32 $0x16280  }
0x33: {  	[tilespmem:s0], [sflag:$0x5] =	stream.indirect.gather [hbm4b:s5+s24], $0x80, s18, s24, $0xb8;
	[tilespmem:$0x1E280] =	vst v63  }
0x34: {  	s21 =	rddreg [dreg:$0x8]  }
0x35: {  	[tilespmem:s23], [sflag:$0x2] =	stream.linear.gather [hbm4b:s21+s3], $0x40, $0x38;
	[tilespmem:$0x1E280] =	vst v63  }
0x36: {  	s22 =	simm.s32 $0x138C0  }
0x37: {  	[tilespmem:s30], [sflag:$0x6] =	stream.indirect.gather [hbm4b:s5+s24], $0x80, s22, s24, $0xb8;
	[tilespmem:$0x1E280] =	vst v63  }
0x38: {  	s18 =	rddreg [dreg:$0x9]  }
0x39: {  	[tilespmem:s26], [sflag:$0x3] =	stream.linear.gather [hbm4b:s18+s3], $0x40, $0x38;
	[tilespmem:$0x1E280] =	vst v63  }
0x3a: {  	s20 =	simm.s32 $0x13900  }
0x3b: {  	[tilespmem:s29], [sflag:$0x7] =	stream.indirect.gather [hbm4b:s5+s24], $0x80, s20, s24, $0xb8;
	[tilespmem:$0x1E280] =	vst v63  }
0x3c: {  	s21 =	rddreg [dreg:$0xa]  }
0x3d: {  	[tilespmem:s1], [sflag:$0x4] =	stream.linear.gather [hbm4b:s21+s3], $0x40, $0x38;
	[tilespmem:$0x1E280] =	vst v63  }
0x3e: {  	s22 =	simm.s32 $0x13940  }
0x3f: {  	[tilespmem:s31], [sflag:$0x8] =	stream.indirect.gather [hbm4b:s5+s24], $0x80, s22, s24, $0xb8;
	[tilespmem:$0x1E280] =	vst v63  }
0x40: {  	_ =	swait.ge [sflag:s28], $0x2000  }
0x41: {  	[sflag:s28] =	ssyncset.done $0x0  }
0x42: {  	[sflag:s28] =	ssyncadd.s32 $0xFFFFE000  }
0x43: {  	_ =	swait.ge [sflag:s7], $0x40  }
0x44: {  	[sflag:s7] =	ssyncset.done $0x0  }
0x45: {  	[sflag:s7] =	ssyncadd.s32 $0xFFFFFFC0  }
0x46: {  	[spmem:s2] =	stream.indirect.scatter.add.f32 [tilespmem:s0], [sflag:$0x9], $0x80, s25, s24, $0xb8;
	[tilespmem:$0x1E280] =	vst v63  }
0x47: {  	_ =	swait.ge [sflag:s8], $0x2000  }
0x48: {  	[sflag:s8] =	ssyncset.done $0x0  }
0x49: {  	[sflag:s8] =	ssyncadd.s32 $0xFFFFE000  }
0x4a: {  	_ =	swait.ge [sflag:s9], $0x40  }
0x4b: {  	[sflag:s9] =	ssyncset.done $0x0  }
0x4c: {  	[sflag:s9] =	ssyncadd.s32 $0xFFFFFFC0  }
0x4d: {  	[spmem:s2] =	stream.indirect.scatter.add.f32 [tilespmem:s30], [sflag:$0xA], $0x80, s23, s24, $0xb8;
	[tilespmem:$0x1E280] =	vst v63  }
0x4e: {  	_ =	swait.ge [sflag:s10], $0x2000  }
0x4f: {  	[sflag:s10] =	ssyncset.done $0x0  }
0x50: {  	[sflag:s10] =	ssyncadd.s32 $0xFFFFE000  }
0x51: {  	_ =	swait.ge [sflag:s12], $0x40  }
0x52: {  	[sflag:s12] =	ssyncset.done $0x0  }
0x53: {  	[sflag:s12] =	ssyncadd.s32 $0xFFFFFFC0  }
0x54: {  	[spmem:s2] =	stream.indirect.scatter.add.f32 [tilespmem:s29], [sflag:$0xB], $0x80, s26, s24, $0xb8;
	[tilespmem:$0x1E280] =	vst v63  }
0x55: {  	_ =	swait.ge [sflag:s13], $0x2000  }
0x56: {  	[sflag:s13] =	ssyncset.done $0x0  }
0x57: {  	[sflag:s13] =	ssyncadd.s32 $0xFFFFE000  }
0x58: {  	_ =	swait.ge [sflag:s14], $0x40  }
0x59: {  	p1 =	por $0x0, $0x0;
	s20 =	simm.s32 $0x100;
	[sflag:s14] =	ssyncset.done $0x0  }
0x5a: {  	s20 =	simm.s32 @p1 $0x0;
	[sflag:s14] =	ssyncadd.s32 $0xFFFFFFC0  }
0x5b: {  	[spmem:s2] =	stream.indirect.scatter.add.f32 [tilespmem:s31], [sflag:$0xC], $0x80, s1, s24, $0xb8;
	[tilespmem:$0x1E280] =	vst v63  }
0x5c: {  	s18 =	sadd.s32 s4, s20;
	_ =	swait.ge [sflag:s19], $0x2000  }
0x5d: {  	s21 =	sshrl.u32 s18, $0x3;
	[sflag:s19] =	ssyncset.done $0x0  }
0x5e: {  	s22 =	simm.s32 $0x140;
	s21 =	sadd.s32 s6, s21;
	[sflag:s19] =	ssyncadd.s32 $0xFFFFE000  }
0x5f: {  	[tilespmem:s25], [sflag:$0x1] =	stream.linear.gather [hbm4b:s21+s3], $0x40, $0x38;
	[tilespmem:$0x1E280] =	vst v63  }
0x60: {  	s20 =	sadd.s32 $0x13880, s20;
	s22 =	simm.s32 @p1 $0x40  }
0x61: {  	[tilespmem:s0], [sflag:$0x5] =	stream.indirect.gather [hbm4b:s5+s24], $0x80, s20, s24, $0xb8;
	[tilespmem:$0x1E280] =	vst v63  }
0x62: {  	s21 =	sadd.s32 s4, s22;
	_ =	swait.ge [sflag:s15], $0x2000  }
0x63: {  	s20 =	sshrl.u32 s21, $0x3;
	[sflag:s15] =	ssyncset.done $0x0  }
0x64: {  	s11 =	simm.s32 $0x180;
	s20 =	sadd.s32 s6, s20;
	[sflag:s15] =	ssyncadd.s32 $0xFFFFE000  }
0x65: {  	[tilespmem:s23], [sflag:$0x2] =	stream.linear.gather [hbm4b:s20+s3], $0x40, $0x38;
	[tilespmem:$0x1E280] =	vst v63  }
0x66: {  	s11 =	simm.s32 @p1 $0x80;
	s22 =	sadd.s32 $0x13880, s22  }
0x67: {  	[tilespmem:s30], [sflag:$0x6] =	stream.indirect.gather [hbm4b:s5+s24], $0x80, s22, s24, $0xb8;
	[tilespmem:$0x1E280] =	vst v63  }
0x68: {  	s0 =	sadd.s32 s4, s11;
	_ =	swait.ge [sflag:s16], $0x2000  }
0x69: {  	s21 =	simm.s32 $0x1C0;
	s20 =	sshrl.u32 s0, $0x3;
	[sflag:s16] =	ssyncset.done $0x0  }
0x6a: {  	s21 =	simm.s32 @p1 $0xC0;
	s20 =	sadd.s32 s6, s20;
	[sflag:s16] =	ssyncadd.s32 $0xFFFFE000  }
0x6b: {  	[tilespmem:s26], [sflag:$0x3] =	stream.linear.gather [hbm4b:s20+s3], $0x40, $0x38;
	[tilespmem:$0x1E280] =	vst v63  }
0x6c: {  	s11 =	sadd.s32 $0x13880, s11;
	s18 =	sadd.s32 s4, s21  }
0x6d: {  	[tilespmem:s29], [sflag:$0x7] =	stream.indirect.gather [hbm4b:s5+s24], $0x80, s11, s24, $0xb8;
	[tilespmem:$0x1E280] =	vst v63  }
0x6e: {  	s20 =	sshrl.u32 s18, $0x3;
	_ =	swait.ge [sflag:s17], $0x2000  }
0x6f: {  	s22 =	simm.s32 $0x2C0;
	s20 =	sadd.s32 s6, s20;
	[sflag:s17] =	ssyncset.done $0x0  }
.LBB2_2:
0x70: {  	p1 =	sne.s32 s22, $0x27C0;
	[sflag:s17] =	ssyncadd.s32 $0xFFFFE000;
	s11 =	sadd.s32 $0x13880, s21  }
0x71: {  	[tilespmem:s1], [sflag:$0x4] =	stream.linear.gather [hbm4b:s20+s3], $0x40, $0x38;
	[tilespmem:$0x1E280] =	vst v63  }
0x72: {  	s21 =	smov.u32 s22;
	s22 =	sadd.s32 $0x100, s22  }
0x73: {  	[tilespmem:s31], [sflag:$0x8] =	stream.indirect.gather [hbm4b:s5+s24], $0x80, s11, s24, $0xb8;
	[tilespmem:$0x1E280] =	vst v63  }
0x74: {  	_ =	swait.ge [sflag:s28], $0x2000  }
0x75: {  	[sflag:s28] =	ssyncset.done $0x0  }
0x76: {  	[sflag:s28] =	ssyncadd.s32 $0xFFFFE000  }
0x77: {  	_ =	swait.ge [sflag:s7], $0x40  }
0x78: {  	[sflag:s7] =	ssyncset.done $0x0  }
0x79: {  	s0 =	simm.s32 $0x16280;
	[sflag:s7] =	ssyncadd.s32 $0xFFFFFFC0  }
0x7a: {  	[spmem:s2] =	stream.indirect.scatter.add.f32 [tilespmem:s0], [sflag:$0x9], $0x80, s25, s24, $0xb8;
	[tilespmem:$0x1E280] =	vst v63  }
0x7b: {  	_ =	swait.ge [sflag:s8], $0x2000  }
0x7c: {  	[sflag:s8] =	ssyncset.done $0x0  }
0x7d: {  	[sflag:s8] =	ssyncadd.s32 $0xFFFFE000  }
0x7e: {  	_ =	swait.ge [sflag:s9], $0x40  }
0x7f: {  	[sflag:s9] =	ssyncset.done $0x0  }
0x80: {  	[sflag:s9] =	ssyncadd.s32 $0xFFFFFFC0  }
0x81: {  	[spmem:s2] =	stream.indirect.scatter.add.f32 [tilespmem:s30], [sflag:$0xA], $0x80, s23, s24, $0xb8;
	[tilespmem:$0x1E280] =	vst v63  }
0x82: {  	_ =	swait.ge [sflag:s10], $0x2000  }
0x83: {  	[sflag:s10] =	ssyncset.done $0x0  }
0x84: {  	[sflag:s10] =	ssyncadd.s32 $0xFFFFE000  }
0x85: {  	_ =	swait.ge [sflag:s12], $0x40  }
0x86: {  	[sflag:s12] =	ssyncset.done $0x0  }
0x87: {  	[sflag:s12] =	ssyncadd.s32 $0xFFFFFFC0  }
0x88: {  	[spmem:s2] =	stream.indirect.scatter.add.f32 [tilespmem:s29], [sflag:$0xB], $0x80, s26, s24, $0xb8;
	[tilespmem:$0x1E280] =	vst v63  }
0x89: {  	_ =	swait.ge [sflag:s13], $0x2000  }
0x8a: {  	s20 =	sadd.s32 $0xFFFFFFC0, s21;
	p2 =	seq.s32 s21, $0x27C0;
	[sflag:s13] =	ssyncset.done $0x0  }
0x8b: {  	s18 =	sadd.s32 $0xFFFFFF80, s21;
	s11 =	sadd.s32 $0xFFFFFF40, s21;
	[sflag:s13] =	ssyncadd.s32 $0xFFFFE000  }
0x8c: {  	s18 =	simm.s32 @p2 $0x40;
	_ =	swait.ge [sflag:s14], $0x40  }
0x8d: {  	s20 =	simm.s32 @p2 $0x80;
	s21 =	simm.s32 @p2 $0xC0;
	[sflag:s14] =	ssyncset.done $0x0  }
0x8e: {  	s11 =	simm.s32 @p2 $0x0;
	s23 =	sadd.s32 s4, s18;
	[sflag:s14] =	ssyncadd.s32 $0xFFFFFFC0  }
0x8f: {  	[spmem:s2] =	stream.indirect.scatter.add.f32 [tilespmem:s31], [sflag:$0xC], $0x80, s1, s24, $0xb8;
	[tilespmem:$0x1E280] =	vst v63  }
0x90: {  	s25 =	sadd.s32 s4, s11;
	s23 =	sshrl.u32 s23, $0x3;
	_ =	swait.ge [sflag:s19], $0x2000  }
0x91: {  	s30 =	simm.s32 $0x16000;
	s26 =	sadd.s32 s4, s20;
	[sflag:s19] =	ssyncset.done $0x0  }
0x92: {  	s25 =	sshrl.u32 s25, $0x3;
	s26 =	sshrl.u32 s26, $0x3;
	[sflag:s19] =	ssyncadd.s32 $0xFFFFE000  }
0x93: {  	s11 =	sadd.s32 $0x13880, s11;
	s25 =	sadd.s32 s6, s25;
	s29 =	sadd.s32 s4, s21  }
0x94: {  	[tilespmem:s30], [sflag:$0x1] =	stream.linear.gather [hbm4b:s25+s3], $0x40, $0x38;
	[tilespmem:$0x1E280] =	vst v63  }
0x95: {  	s30 =	simm.s32 $0x18280;
	s25 =	simm.s32 $0x16000;
	_ =	sdelay $0x1  }
0x96: {  	[tilespmem:s0], [sflag:$0x5] =	stream.indirect.gather [hbm4b:s5+s24], $0x80, s11, s24, $0xb8;
	[tilespmem:$0x1E280] =	vst v63  }
0x97: {  	s11 =	sadd.s32 $0x13880, s18;
	_ =	swait.ge [sflag:s15], $0x2000  }
0x98: {  	[sflag:s15] =	ssyncset.done $0x0  }
0x99: {  	s18 =	sadd.s32 s6, s23;
	s23 =	simm.s32 $0x16080;
	[sflag:s15] =	ssyncadd.s32 $0xFFFFE000  }
0x9a: {  	[tilespmem:s23], [sflag:$0x2] =	stream.linear.gather [hbm4b:s18+s3], $0x40, $0x38;
	[tilespmem:$0x1E280] =	vst v63  }
0x9b: {  	_ = 	snop  }
0x9c: {  	[tilespmem:s30], [sflag:$0x6] =	stream.indirect.gather [hbm4b:s5+s24], $0x80, s11, s24, $0xb8;
	[tilespmem:$0x1E280] =	vst v63  }
0x9d: {  	s11 =	sadd.s32 $0x13880, s20;
	_ =	swait.ge [sflag:s16], $0x2000  }
0x9e: {  	[sflag:s16] =	ssyncset.done $0x0  }
0x9f: {  	s18 =	sadd.s32 s6, s26;
	s26 =	simm.s32 $0x16100;
	[sflag:s16] =	ssyncadd.s32 $0xFFFFE000  }
0xa0: {  	[tilespmem:s26], [sflag:$0x3] =	stream.linear.gather [hbm4b:s18+s3], $0x40, $0x38;
	[tilespmem:$0x1E280] =	vst v63  }
.Ltmp0:
0xa1: {  	_ = 	snop;
	(pc) =	sbr.rel @p1 .LBB2_2-.Ltmp0, $4  }
0xa2: {  	s18 =	sshrl.u32 s29, $0x3;
	s29 =	simm.s32 $0x1A280  }
0xa3: {  	[tilespmem:s29], [sflag:$0x7] =	stream.indirect.gather [hbm4b:s5+s24], $0x80, s11, s24, $0xb8;
	[tilespmem:$0x1E280] =	vst v63  }
0xa4: {  	s20 =	sadd.s32 s6, s18;
	_ =	swait.ge [sflag:s17], $0x2000  }
0xa5: {  	[sflag:s17] =	ssyncset.done $0x0  }
0xa6: {  	[sflag:s17] =	ssyncadd.s32 $0xFFFFE000  }
0xa7: {  	[tilespmem:s1], [sflag:$0x4] =	stream.linear.gather [hbm4b:s20+s3], $0x40, $0x38;
	[tilespmem:$0x1E280] =	vst v63  }
0xa8: {  	s11 =	sadd.s32 $0x13880, s21  }
0xa9: {  	[tilespmem:s31], [sflag:$0x8] =	stream.indirect.gather [hbm4b:s5+s24], $0x80, s11, s24, $0xb8;
	[tilespmem:$0x1E280] =	vst v63  }
0xaa: {  	_ =	swait.ge [sflag:s28], $0x2000  }
0xab: {  	[sflag:s28] =	ssyncset.done $0x0  }
0xac: {  	[sflag:s28] =	ssyncadd.s32 $0xFFFFE000  }
0xad: {  	_ =	swait.ge [sflag:s7], $0x40  }
0xae: {  	[sflag:s7] =	ssyncset.done $0x0  }
0xaf: {  	[sflag:s7] =	ssyncadd.s32 $0xFFFFFFC0  }
0xb0: {  	_ =	swait.ge [sflag:s8], $0x2000  }
0xb1: {  	[sflag:s8] =	ssyncset.done $0x0  }
0xb2: {  	[sflag:s8] =	ssyncadd.s32 $0xFFFFE000  }
0xb3: {  	_ =	swait.ge [sflag:s9], $0x40  }
0xb4: {  	[sflag:s9] =	ssyncset.done $0x0  }
0xb5: {  	[sflag:s9] =	ssyncadd.s32 $0xFFFFFFC0  }
0xb6: {  	_ =	swait.ge [sflag:s10], $0x2000  }
0xb7: {  	[sflag:s10] =	ssyncset.done $0x0  }
0xb8: {  	[sflag:s10] =	ssyncadd.s32 $0xFFFFE000  }
0xb9: {  	_ =	swait.ge [sflag:s12], $0x40  }
0xba: {  	[sflag:s12] =	ssyncset.done $0x0  }
0xbb: {  	[sflag:s12] =	ssyncadd.s32 $0xFFFFFFC0  }
0xbc: {  	_ =	swait.ge [sflag:s13], $0x2000  }
0xbd: {  	[sflag:s13] =	ssyncset.done $0x0  }
0xbe: {  	[sflag:s13] =	ssyncadd.s32 $0xFFFFE000  }
0xbf: {  	_ =	swait.ge [sflag:s14], $0x40  }
0xc0: {  	[sflag:s14] =	ssyncset.done $0x0  }
0xc1: {  	s18 =	simm.s32 $0x16200;
	s20 =	rddreg [dreg:$0xb];
	[sflag:s14] =	ssyncadd.s32 $0xFFFFFFC0  }
0xc2: {  	[tilespmem:s18], [sflag:$0x1] =	stream.linear.gather [hbm4b:s20+s3], $0x10, $0x38;
	[tilespmem:$0x1E280] =	vst v63  }
0xc3: {  	s0 =	simm.s32 $0x16280;
	s21 =	simm.s32 $0x10;
	s22 =	simm.s32 $0x15F80  }
0xc4: {  	[tilespmem:s0], [sflag:$0x5] =	stream.indirect.gather [hbm4b:s5+s21], $0x80, s22, s21, $0xb8;
	[tilespmem:$0x1E280] =	vst v63  }
0xc5: {  	_ =	swait.ge [sflag:s7], $0x10  }
0xc6: {  	[sflag:s7] =	ssyncset.done $0x0  }
0xc7: {  	[sflag:s7] =	ssyncadd.s32 $0xFFFFFFF0  }
0xc8: {  	_ =	swait.ge [sflag:s28], $0x800  }
0xc9: {  	[sflag:s28] =	ssyncset.done $0x0  }
0xca: {  	s20 =	simm.s32 $0xD;
	[sflag:s28] =	ssyncadd.s32 $0xFFFFF800  }
0xcb: {  	[spmem:s2] =	stream.indirect.scatter.add.f32 [tilespmem:s0], [sflag:$0xD], $0x80, s18, s21, $0xb8;
	[tilespmem:$0x1E280] =	vst v63  }
0xcc: {  	_ =	swait.ge [sflag:s20], $0x800  }
0xcd: {  	[sflag:s20] =	ssyncset.done $0x0  }
0xce: {  	[sflag:s20] =	ssyncadd.s32 $0xFFFFF800  }
0xcf: {  	[bflag:$0x0] =	sbarrier.arrive $0xFFFF  }
0xd0: {  	s11 =	rddreg [dreg:$0xc]  }
0xd1: {  	s21 =	rddreg [dreg:$0xf]  }
0xd2: {  	s22 =	rddreg [dreg:$0x10]  }
0xd3: {  	[hbm:s11], [sflag:s21] =	dma.local @p0 [spmem:s22], $0x2700  }
0xd4: {  	s11 =	simm.s32 @p0 $0xD  }
0xd5: {  	_ =	swait.ge @p0 [sflag:s11], $0x2700  }
0xd6: {  	[sflag:s11] =	ssyncset.done @p0 $0x0;
	s18 =	rddreg [dreg:$0xd]  }
0xd7: {  	s0 =	rddreg [dreg:$0x12];
	[sflag:s11] =	ssyncadd.s32 @p0 $0xFFFFD900;
	s11 =	simm.s32 @!p0 $0x1FCD  }
0xd8: {  	[hbm:s18], [sflag:s11] =	dma.local @!p0 [spmem:s0], $0x2800  }
0xd9: {  	s11 =	simm.s32 @!p0 $0xD  }
0xda: {  	_ =	swait.ge @!p0 [sflag:s11], $0x2800  }
0xdb: {  	s18 =	rddreg [dreg:$0x11]  }
0xdc: {  	s0 =	sadd.s32 $0x1, s18;
	s18 =	rddreg [dreg:$0xe]  }
0xdd: {  	p1 =	sne.s32 s0, s18  }
.Ltmp1:
0xde: {  	_ = 	snop;
	(pc) =	sbr.rel @p1 .LBB2_1-.Ltmp1, $3  }
0xdf: {  	_ =	sdelay $0x1  }
0xe0: {  	[sflag:s11] =	ssyncset.done @!p0 $0x0  }
0xe1: {  	[sflag:s11] =	ssyncadd.s32 @!p0 $0xFFFFD800  }
0xe2: {  	_ =	sfence.sel $0x180000  }
0xe3: {  	[bflag:$0x0] =	sbarrier.arrive $0xFFFF  }
0xe4: {  	_ =	strace $0x9000004A  }
0xe5: {  	s0 =	stileid.u32;
	[bflag:$0x2] =	sbarrier.arrive $0xFFFF  }
0xe6: {  	p0 =	sne.s32 s0, $0x0;
	s0 =	rddreg [dreg:$0x2]  }
0xe7: {  	s0 =	sadd.s32 @!p0 $0x100000, s0  }
0xe8: {  	[sflag:s0] =	ssyncadd.tile.s32 @!p0 $0x1;
	_ =	shalt  }
.Lfunc_end2:
_tile_overlayer_lowered:
.L_overlay_start_2:
0xe9: {  	(tag) =	ssettag $0x2  }
0xea: {  	s0 =	rddreg [dreg:$0x0];
	s2 =	stileid.u32  }
0xeb: {  	s1 =	rddreg [dreg:$0x1];
	p0 =	sne.s32 s2, $0x0  }
0xec: {  	s3 =	rddreg [dreg:$0x2];
	[bflag:$0x3] =	sbarrier.arrive $0xFFFF;
	s2 =	simm.s32 @!p0 $0x1C0D  }
0xed: {  	[timem:s3], [sflag:s2] =	dma.local @!p0 [hbm:s0], s1  }
0xee: {  	s0 =	simm.s32 @!p0 $0xD  }
0xef: {  	_ =	swait.ge @!p0 [sflag:s0], s1  }
0xf0: {  	s1 =	ssub.s32 @!p0 $0x0, s1;
	[sflag:s0] =	ssyncset.done @!p0 $0x0  }
0xf1: {  	[sflag:s0] =	ssyncadd.s32 @!p0 s1  }
0xf2: {  	[bflag:$0x3] =	sbarrier.arrive $0xFFFF  }
0xf3: {  	_ =	shalt  }

// kernel: kernel.17.cloned.1.call-start
scs
__scs_entry_jumppad:
0x0: {  	(pc) =	sbr.rel $0x88, $3  }
0x1: {  	(tag) =	ssettag $0x0;
	lr =	simm.s32 $0x1  }
0x2: {  	[smem:$0x3F93] =	sst lr;
	_ =	strace $0xD0000000  }
0x3: {  	_ = 	snop  }
0x4: {  	_ = 	snop  }
0x5: {  	_ = 	snop  }
0x6: {  	_ = 	snop  }
0x7: {  	_ = 	snop  }
__scs_overlays_trampoline_lowered:
0x8: {  	[smem:$0x3FA2] =	sst s0  }
0x9: {  	[smem:$0x3FA3] =	sst s1  }
0xa: {  	[smem:$0x3FA4] =	sst s2  }
0xb: {  	[smem:$0x3FA5] =	sst s3  }
0xc: {  	[smem:$0x3FA6] =	sst s4  }
0xd: {  	[smem:$0x3FA7] =	sst s5  }
0xe: {  	[smem:$0x3FA8] =	sst s6  }
0xf: {  	[smem:$0x3FA9] =	sst s7  }
0x10: {  	[smem:$0x3FAA] =	sst s8  }
0x11: {  	[smem:$0x3FAB] =	sst s9;
	s0 =	simm.s32 @!p0 $0x0  }
0x12: {  	s1 =	sld [smem:$0x3F91];
	s0 =	simm.s32 @p0 $0x1  }
0x13: {  	[smem:$0x3FAC] =	sst s0;
	s0 =	simm.s32 @!p1 $0x0  }
0x14: {  	s2 =	sld [smem:$0x3F90];
	s0 =	simm.s32 @p1 $0x1  }
0x15: {  	[smem:$0x3FAD] =	sst s0;
	s0 =	simm.s32 @!p2 $0x0  }
0x16: {  	s3 =	sld [smem:$0x3FDB];
	s0 =	simm.s32 @p2 $0x1  }
0x17: {  	s4 =	simm.s32 $0x1BF5;
	[smem:$0x3FAF] =	sst s0  }
0x18: {  	s0 =	sld [smem:$0x3F92];
	_ =	swait.ge [sflag:s4], $0x0  }
0x19: {  	s7 =	sld [smem:$0x3F93]  }
0x1a: {  	s8 =	sadd.s32 $0xFFFFE003, lr  }
0x1b: {  	s9 =	sadd.s32 $0xFFFFFEF7, lr;
	s5 =	simm.s32 $0xFFFFFFFF;
	p2 =	slt.u32 s8, $0xFFFFF086  }
0x1c: {  	p1 =	slt.u32 s9, $0xF7A;
	s5 =	simm.s32 @!p2 $0x0  }
0x1d: {  	s5 =	simm.s32 @p1 $0x1;
	p0 =	seq.s32 s7, s2  }
0x1e: {  	s7 =	smul.u32 @!p0 $0xF7A, s2;
	p2 =	seq.s32 @!p0 s5, $0x0  }
0x1f: {  	s9 =	smul.u32 $0xF7A, s1;
	s8 =	simm.s32 @!p0 $0x1BF5;
	p2 =	por !p2, p0  }
0x20: {  	[sflag:s8] =	ssyncset.s32 @!p0 $0xFFFFF086;
	s6 =	sadd.s32 @!p0 s3, s7;
	s7 =	simm.s32 @!p0 $0x108  }
0x21: {  	s3 =	sadd.s32 s3, s9;
	s6 =	sadd.s32 @!p0 $0x88, s6;
	s7 =	simm.s32 @p2 $0x1082  }
0x22: {  	[simem:s7], [sflag:s8] =	dma.local @!p0 [hbm:s6], $0xF7A  }
0x23: {  	s9 =	sor.u32 $0xD0000000, s2;
	s6 =	simm.s32 $0x108;
	_ =	swait.ge @!p0 [sflag:s8], $0x0  }
0x24: {  	s3 =	sadd.s32 $0x88, s3;
	s6 =	simm.s32 @!p1 $0x1082;
	[sflag:s4] =	ssyncset.s32 $0xFFFFF086  }
0x25: {  	[simem:s6], [sflag:s4] =	dma.local [hbm:s3], $0xF7A  }
0x26: {  	[smem:$0x3F93] =	sst s1;
	(tag) =	ssettag s2;
	_ =	strace s9  }
0x27: {  	s1 =	sld [smem:$0x3FA3]  }
0x28: {  	s2 =	sld [smem:$0x3FA4]  }
0x29: {  	s4 =	sld [smem:$0x3FA6]  }
0x2a: {  	p0 =	seq.s32 s5, $0x0;
	s5 =	sld [smem:$0x3FA7]  }
0x2b: {  	s6 =	sld [smem:$0x3FA8]  }
0x2c: {  	s7 =	sld [smem:$0x3FA9]  }
0x2d: {  	s3 =	simm.s32 $0x108;
	s8 =	sld [smem:$0x3FAA]  }
0x2e: {  	s3 =	simm.s32 @!p0 $0x1082;
	s9 =	sld [smem:$0x3FAB]  }
0x2f: {  	lr =	sadd.s32 s0, s3;
	s0 =	sld [smem:$0x3FA2]  }
0x30: {  	s3 =	sld [smem:$0x3FA5]  }
0x31: {  	[smem:$0x3FAE] =	sst s10  }
0x32: {  	s10 =	sld [smem:$0x3FAC];
	_ =	sdelay $0x3  }
0x33: {  	p0 =	seq.s32 s10, $0x1;
	s10 =	sld [smem:$0x3FAE];
	_ =	sdelay $0x3  }
0x34: {  	[smem:$0x3FAE] =	sst s10  }
0x35: {  	s10 =	sld [smem:$0x3FAD];
	_ =	sdelay $0x3  }
0x36: {  	p1 =	seq.s32 s10, $0x1;
	s10 =	sld [smem:$0x3FAE];
	_ =	sdelay $0x3  }
0x37: {  	[smem:$0x3FAE] =	sst s10  }
0x38: {  	s10 =	sld [smem:$0x3FAF]  }
0x39: {  	_ = 	snop;
	(pc) =	sbr.ind lr, $3  }
0x3a: {  	_ = 	snop  }
0x3b: {  	_ = 	snop  }
0x3c: {  	p2 =	seq.s32 s10, $0x1;
	s10 =	sld [smem:$0x3FAE]  }
0x3d: {  	_ =	shalt  }
0x3e: {  	_ =	shalt  }
0x3f: {  	_ =	shalt  }
0x40: {  	_ =	shalt  }
0x41: {  	_ =	shalt  }
0x42: {  	_ =	shalt  }
0x43: {  	_ =	shalt  }
0x44: {  	_ =	shalt  }
0x45: {  	_ =	shalt  }
0x46: {  	_ =	shalt  }
0x47: {  	_ =	shalt  }
0x48: {  	_ =	shalt  }
0x49: {  	_ =	shalt  }
0x4a: {  	_ =	shalt  }
0x4b: {  	_ =	shalt  }
0x4c: {  	_ =	shalt  }
0x4d: {  	_ =	shalt  }
0x4e: {  	_ =	shalt  }
0x4f: {  	_ =	shalt  }
0x50: {  	_ =	shalt  }
0x51: {  	_ =	shalt  }
0x52: {  	_ =	shalt  }
0x53: {  	_ =	shalt  }
0x54: {  	_ =	shalt  }
0x55: {  	_ =	shalt  }
0x56: {  	_ =	shalt  }
0x57: {  	_ =	shalt  }
0x58: {  	_ =	shalt  }
0x59: {  	_ =	shalt  }
0x5a: {  	_ =	shalt  }
0x5b: {  	_ =	shalt  }
0x5c: {  	_ =	shalt  }
0x5d: {  	_ =	shalt  }
0x5e: {  	_ =	shalt  }
0x5f: {  	_ =	shalt  }
0x60: {  	_ =	shalt  }
0x61: {  	_ =	shalt  }
0x62: {  	_ =	shalt  }
0x63: {  	_ =	shalt  }
0x64: {  	_ =	shalt  }
0x65: {  	_ =	shalt  }
0x66: {  	_ =	shalt  }
0x67: {  	_ =	shalt  }
0x68: {  	_ =	shalt  }
0x69: {  	_ =	shalt  }
0x6a: {  	_ =	shalt  }
0x6b: {  	_ =	shalt  }
0x6c: {  	_ =	shalt  }
0x6d: {  	_ =	shalt  }
0x6e: {  	_ =	shalt  }
0x6f: {  	_ =	shalt  }
0x70: {  	_ =	shalt  }
0x71: {  	_ =	shalt  }
0x72: {  	_ =	shalt  }
0x73: {  	_ =	shalt  }
0x74: {  	_ =	shalt  }
0x75: {  	_ =	shalt  }
0x76: {  	_ =	shalt  }
0x77: {  	_ =	shalt  }
0x78: {  	_ =	shalt  }
0x79: {  	_ =	shalt  }
0x7a: {  	_ =	shalt  }
0x7b: {  	_ =	shalt  }
0x7c: {  	_ =	shalt  }
0x7d: {  	_ =	shalt  }
0x7e: {  	_ =	shalt  }
0x7f: {  	_ =	shalt  }
0x80: {  	_ =	shalt  }
0x81: {  	_ =	shalt  }
0x82: {  	_ =	shalt  }
0x83: {  	_ =	shalt  }
0x84: {  	_ =	shalt  }
0x85: {  	_ =	shalt  }
0x86: {  	_ =	shalt  }
0x87: {  	_ =	shalt  }
.Lfunc_end0:
.L_simem_size_0:
called_computation.2_lowered:
.L_overlay_start_0:
0x88: {  	s2 =	sld [smem:$0x3FD9]  }
0x89: {  	s3 =	sld [smem:$0x3FFE];
	_ =	sdelay $0x1  }
0x8a: {  	s1 =	srdreg.scid  }
0x8b: {  	s0 =	sand.u32 $0x1, s1  }
0x8c: {  	s16 =	sshll.u32 s0, $0xA;
	s2 =	sadd.s32 s3, s2  }
0x8d: {  	s2 =	sadd.s32 s2, s16  }
0x8e: {  	[smem:$0x3FBA] =	sst s2  }
0x8f: {  	_ = 	snop  }
0x90: {  	(tm) =	ssettm $0x1  }
0x91: {  	s17 =	sld [smem:$0x3FFB];
	_ =	sdelay $0x3  }
0x92: {  	_ =	strace s17  }
0x93: {  	s2 =	sld [smem:$0x3FFC];
	_ =	sdelay $0x3  }
0x94: {  	_ =	strace s2  }
0x95: {  	s2 =	sld [smem:$0x3FFD];
	_ =	sdelay $0x3  }
0x96: {  	_ =	strace s2  }
0x97: {  	_ =	strace $0x8FFFFFFF  }
0x98: {  	s18 =	sld [smem:$0x3FDB];
	_ =	sdelay $0x1  }
0x99: {  	s19 =	simm.s32 $_scs_section_size  }
0x9a: {  	s4 =	simm.s32 $_size__tile_overlayer_lowered;
	s5 =	simm.s32 $_tile_overlayer_lowered  }
0x9b: {  	s22 =	simm.s32 $0x1BFF;
	s21 =	sshll.u32 s5, $0x1;
	s2 =	sadd.s32 s19, s18  }
0x9c: {  	s6 =	simm.s32 $0x0;
	s20 =	sshll.u32 s4, $0x1;
	s4 =	sadd.s32 s21, s2  }
0x9d: {  	[timem:s6], [sflag:s22] =	dma.local [hbm:s4], s20  }
0x9e: {  	_ =	swait.ge [sflag:s22], s20  }
0x9f: {  	s3 =	ssub.s32 $0x0, s20;
	[sflag:s22] =	ssyncset.done $0x0  }
0xa0: {  	[sflag:s22] =	ssyncadd.s32 s3;
	_ =	sdelay $0x1  }
0xa1: {  	s23 =	simm.s32 $0x1B8B  }
0xa2: {  	_ =	swait.ge [sflag:s23], $0x1  }
0xa3: {  	[sflag:s23] =	ssyncset.done $0x0  }
0xa4: {  	s25 =	simm.s32 $0x1B8E;
	s24 =	sld [smem:$0x3FFE];
	[sflag:s23] =	ssyncadd.s32 $0xFFFFFFFF  }
0xa5: {  	s26 =	simm.s32 $execute0_lowered;
	[smem:$0x3FD2] =	sst s25  }
0xa6: {  	s4 =	sshll.u32 s26, $0x1;
	_ =	strace $0x8000004C;
	[dreg:$0x1] =	wrdreg $0xFFFFFFFF  }
0xa7: {  	s28 =	simm.s32 $_size_execute0_lowered;
	s2 =	sadd.s32 s2, s4;
	[dreg:$0x0] =	wrdreg $0x0  }
0xa8: {  	s4 =	sshll.u32 s28, $0x1;
	[dreg:$0x2] =	wrdreg s2  }
0xa9: {  	[dreg:$0x3] =	wrdreg s4  }
0xaa: {  	[dreg:$0x4] =	wrdreg $0xC0  }
0xab: {  	_ =	task [dreg:s6], $0x5FFFF  }
0xac: {  	[dreg:$0x1] =	wrdreg $0xFFFFFFFF  }
0xad: {  	[dreg:$0x0] =	wrdreg $0x60  }
0xae: {  	[dreg:$0x2] =	wrdreg s24  }
0xaf: {  	[dreg:$0x3] =	wrdreg $0x0  }
0xb0: {  	[dreg:$0x4] =	wrdreg $0x9  }
0xb1: {  	_ =	task.clear_ibuf [dreg:s6], $0x5FFFF;
	_ =	strace $0x9000004C  }
0xb2: {  	s29 =	simm.s32 $0x9;
	_ =	strace $0x8000004E  }
0xb3: {  	_ =	swait.ge [sflag:s29], $0x1  }
0xb4: {  	[sflag:s29] =	ssyncadd.s32 $0xFFFFFFFF  }
0xb5: {  	_ =	strace $0x9000004E  }
0xb6: {  	_ =	sfence  }
0xb7: {  	s30 =	sld [smem:$0x0];
	_ =	sdelay $0x2  }
0xb8: {  	s31 =	sshll.u32 s1, $0xD;
	s1 =	sshrl.u32 s1, $0x2  }
0xb9: {  	s3 =	sand.u32 $0x4000, s31;
	s1 =	sadd.s32 s1, s30  }
0xba: {  	s0 =	sor.u32 s3, s0;
	s1 =	sshll.u32 s1, $0x11  }
0xbb: {  	s0 =	sor.u32 s1, s0  }
0xbc: {  	s0 =	sadd.s32 $0x8F2B, s0  }
0xbd: {  	[sflag:s0] =	ssyncadd.remote.s32 $0x1  }
0xbe: {  	_ =	sfence.sel $0xFFFF  }
0xbf: {  	[dreg:$0x0] =	wrdreg $0xFFFFFFFF;
	(pc) =	sbr.abs _section_cstart, $3  }
0xc0: {  	[dreg:$0x1] =	wrdreg $0xFFFFFFFF  }
0xc1: {  	_ =	task.clear_ibuf [dreg:s6], $0x2FFFF;
	_ =	strace $0x9FFFFFFF  }
0xc2: {  	(tm) =	ssettm $0x7FFFFFFF  }
0xc3: {  	_ =	shalt  }
tec
execute0_lowered:
.L_overlay_start_1:
0x0: {  	(tag) =	ssettag $0x1  }
0x1: {  	s0 =	srdreg.scid;
	s1 =	rddreg [dreg:$0x0]  }
0x2: {  	s2 =	rddreg [dreg:$0x1];
	s14 =	stileid.u32;
	s3 =	simm.s32 $0x0  }
0x3: {  	s30 =	simm.s32 $0x18280;
	s29 =	simm.s32 $0x1A280;
	s31 =	simm.s32 $0x1C280  }
0x4: {  	s28 =	simm.s32 $0x5;
	s15 =	simm.s32 $0xA;
	s16 =	simm.s32 $0xB  }
0x5: {  	s17 =	simm.s32 $0xC;
	s0 =	sand.u32 $0x1, s0;
	s8 =	smul.u32 $0x2700, s14  }
0x6: {  	[smem:$0x7FF] =	sst s3;
	s5 =	sadd.s32 $0x17200, s1;
	s10 =	smul.u32 $0x4E000, s14  }
0x7: {  	s6 =	sadd.s32 $0x3600, s1;
	s19 =	smul.u32 $0x13800, s14;
	s20 =	sadd.s32 $0x124800, s2  }
0x8: {  	p0 =	sne.s32 s14, $0xF;
	s4 =	sshll.u32 s0, $0x4;
	s12 =	smul.u32 $0x27100, s0  }
0x9: {  	_ =	strace $0x8000004D;
	s11 =	ssub.s32 $0x2, s0;
	s0 =	smul.u32 $0x138800, s0  }
0xa: {  	[dreg:$0x5] =	wrdreg s20;
	s20 =	simm.s32 $0xD;
	s4 =	sor.u32 s14, s4  }
0xb: {  	s13 =	sshrl.u32 s11, $0x1;
	s10 =	sshrl.u32 s10, $0x2;
	s4 =	smul.u32 $0x2710, s4  }
0xc: {  	s11 =	ssub.s32 s11, s13;
	s8 =	sadd.s32 s8, s12;
	s18 =	sshrl.u32 s0, $0x3  }
0xd: {  	s0 =	sadd.s32 s19, s0;
	s12 =	simm.s32 $0x3;
	s13 =	simm.s32 $0x8  }
0xe: {  	s19 =	simm.s32 $0x9;
	s8 =	sadd.s32 s5, s8;
	s21 =	sadd.s32 $0x24900, s18  }
0xf: {  	s26 =	smax.u32 s11, $0x1;
	s7 =	sshrl.u32 s4, $0x3;
	[dreg:$0x4] =	wrdreg s8  }
0x10: {  	[dreg:$0xe] =	wrdreg s26;
	s9 =	sadd.s32 s7, s1;
	s7 =	sadd.s32 s6, s7  }
0x11: {  	s0 =	sshrl.u32 s0, $0x3;
	s9 =	sadd.s32 $0xD400, s9;
	[dreg:$0x7] =	wrdreg s7  }
0x12: {  	s26 =	simm.s32 $0x16100;
	s22 =	sadd.s32 $0x8, s7;
	[dreg:$0x3] =	wrdreg s9  }
0x13: {  	s8 =	simm.s32 $0x6;
	s23 =	sadd.s32 $0x10, s7;
	[dreg:$0x8] =	wrdreg s22  }
0x14: {  	s1 =	sadd.s32 $0x65400, s1;
	s24 =	sadd.s32 $0x18, s7;
	[dreg:$0x9] =	wrdreg s23  }
0x15: {  	s7 =	sadd.s32 $0x4E0, s7;
	s0 =	sadd.s32 s1, s0;
	[dreg:$0xa] =	wrdreg s24  }
0x16: {  	s25 =	sadd.s32 s1, s21;
	s1 =	simm.s32 $0x16180;
	[dreg:$0xb] =	wrdreg s7  }
0x17: {  	s9 =	sadd.s32 s10, s2;
	s10 =	sadd.s32 s5, s21;
	[dreg:$0xc] =	wrdreg s0  }
0x18: {  	[dreg:$0xd] =	wrdreg s25;
	s0 =	sshll.u32 @p0 s14, $0x6;
	s25 =	simm.s32 $0x16000  }
0x19: {  	s24 =	simm.s32 $0x40;
	s23 =	simm.s32 $0x16080;
	s7 =	simm.s32 $0x1  }
0x1a: {  	s14 =	simm.s32 $0x4;
	[dreg:$0x6] =	wrdreg s10;
	s21 =	sor.u32 @p0 $0x1C0D, s0  }
0x1b: {  	s22 =	sshrl.u32 @p0 s9, $0x3;
	s9 =	simm.s32 $0x2;
	[dreg:$0xf] =	wrdreg s21  }
0x1c: {  	s10 =	simm.s32 $0x7;
	s0 =	simm.s32 $0x0;
	[dreg:$0x10] =	wrdreg s22  }
.LBB2_1:
0x1d: {  	[dreg:$0x11] =	wrdreg s0  }
0x1e: {  	s11 =	rddreg [dreg:$0x3];
	s18 =	simm.s32 $0x13880  }
0x1f: {  	[tilespmem:s18], [sflag:$0xD] =	stream.linear.gather [hbm4b:s11+s3], $0x2710, $0x38;
	[tilespmem:$0x1E280] =	vst v63  }
0x20: {  	_ =	swait.ge [sflag:s20], $0x2710  }
0x21: {  	[sflag:s20] =	ssyncset.done $0x0  }
0x22: {  	s11 =	rddreg [dreg:$0x4];
	[sflag:s20] =	ssyncadd.s32 $0xFFFFD8F0  }
0x23: {  	[spmem:s22], [sflag:s21] =	dma.local @p0 [hbm:s11], $0x2700  }
0x24: {  	s11 =	simm.s32 @p0 $0xD  }
0x25: {  	_ =	swait.ge @p0 [sflag:s11], $0x2700  }
0x26: {  	[sflag:s11] =	ssyncset.done @p0 $0x0  }
0x27: {  	[sflag:s11] =	ssyncadd.s32 @p0 $0xFFFFD900;
	s11 =	rddreg [dreg:$0x5]  }
0x28: {  	s0 =	sshrl.u32 @!p0 s11, $0x3;
	s11 =	rddreg [dreg:$0x6]  }
0x29: {  	s20 =	simm.s32 @!p0 $0x1FCD;
	[dreg:$0x12] =	wrdreg s0  }
0x2a: {  	[spmem:s0], [sflag:s20] =	dma.local @!p0 [hbm:s11], $0x2800  }
0x2b: {  	s20 =	simm.s32 @!p0 $0xD  }
0x2c: {  	_ =	swait.ge @!p0 [sflag:s20], $0x2800  }
0x2d: {  	[sflag:s20] =	ssyncset.done @!p0 $0x0  }
0x2e: {  	[sflag:s20] =	ssyncadd.s32 @!p0 $0xFFFFD800  }
0x2f: {  	[bflag:$0x0] =	sbarrier.arrive $0xFFFF  }
0x30: {  	s20 =	rddreg [dreg:$0x7]  }
0x31: {  	[tilespmem:s25], [sflag:$0x1] =	stream.linear.gather [hbm4b:s20+s3], $0x40, $0x38;
	[tilespmem:$0x1E280] =	vst v63  }
0x32: {  	s0 =	simm.s32 $0x16280  }
0x33: {  	[tilespmem:s0], [sflag:$0x5] =	stream.indirect.gather [hbm4b:s5+s24], $0x80, s18, s24, $0xb8;
	[tilespmem:$0x1E280] =	vst v63  }
0x34: {  	s21 =	rddreg [dreg:$0x8]  }
0x35: {  	[tilespmem:s23], [sflag:$0x2] =	stream.linear.gather [hbm4b:s21+s3], $0x40, $0x38;
	[tilespmem:$0x1E280] =	vst v63  }
0x36: {  	s22 =	simm.s32 $0x138C0  }
0x37: {  	[tilespmem:s30], [sflag:$0x6] =	stream.indirect.gather [hbm4b:s5+s24], $0x80, s22, s24, $0xb8;
	[tilespmem:$0x1E280] =	vst v63  }
0x38: {  	s18 =	rddreg [dreg:$0x9]  }
0x39: {  	[tilespmem:s26], [sflag:$0x3] =	stream.linear.gather [hbm4b:s18+s3], $0x40, $0x38;
	[tilespmem:$0x1E280] =	vst v63  }
0x3a: {  	s20 =	simm.s32 $0x13900  }
0x3b: {  	[tilespmem:s29], [sflag:$0x7] =	stream.indirect.gather [hbm4b:s5+s24], $0x80, s20, s24, $0xb8;
	[tilespmem:$0x1E280] =	vst v63  }
0x3c: {  	s21 =	rddreg [dreg:$0xa]  }
0x3d: {  	[tilespmem:s1], [sflag:$0x4] =	stream.linear.gather [hbm4b:s21+s3], $0x40, $0x38;
	[tilespmem:$0x1E280] =	vst v63  }
0x3e: {  	s22 =	simm.s32 $0x13940  }
0x3f: {  	[tilespmem:s31], [sflag:$0x8] =	stream.indirect.gather [hbm4b:s5+s24], $0x80, s22, s24, $0xb8;
	[tilespmem:$0x1E280] =	vst v63  }
0x40: {  	_ =	swait.ge [sflag:s28], $0x2000  }
0x41: {  	[sflag:s28] =	ssyncset.done $0x0  }
0x42: {  	[sflag:s28] =	ssyncadd.s32 $0xFFFFE000  }
0x43: {  	_ =	swait.ge [sflag:s7], $0x40  }
0x44: {  	[sflag:s7] =	ssyncset.done $0x0  }
0x45: {  	[sflag:s7] =	ssyncadd.s32 $0xFFFFFFC0  }
0x46: {  	[spmem:s2] =	stream.indirect.scatter.add.f32 [tilespmem:s0], [sflag:$0x9], $0x80, s25, s24, $0xb8;
	[tilespmem:$0x1E280] =	vst v63  }
0x47: {  	_ =	swait.ge [sflag:s8], $0x2000  }
0x48: {  	[sflag:s8] =	ssyncset.done $0x0  }
0x49: {  	[sflag:s8] =	ssyncadd.s32 $0xFFFFE000  }
0x4a: {  	_ =	swait.ge [sflag:s9], $0x40  }
0x4b: {  	[sflag:s9] =	ssyncset.done $0x0  }
0x4c: {  	[sflag:s9] =	ssyncadd.s32 $0xFFFFFFC0  }
0x4d: {  	[spmem:s2] =	stream.indirect.scatter.add.f32 [tilespmem:s30], [sflag:$0xA], $0x80, s23, s24, $0xb8;
	[tilespmem:$0x1E280] =	vst v63  }
0x4e: {  	_ =	swait.ge [sflag:s10], $0x2000  }
0x4f: {  	[sflag:s10] =	ssyncset.done $0x0  }
0x50: {  	[sflag:s10] =	ssyncadd.s32 $0xFFFFE000  }
0x51: {  	_ =	swait.ge [sflag:s12], $0x40  }
0x52: {  	[sflag:s12] =	ssyncset.done $0x0  }
0x53: {  	[sflag:s12] =	ssyncadd.s32 $0xFFFFFFC0  }
0x54: {  	[spmem:s2] =	stream.indirect.scatter.add.f32 [tilespmem:s29], [sflag:$0xB], $0x80, s26, s24, $0xb8;
	[tilespmem:$0x1E280] =	vst v63  }
0x55: {  	_ =	swait.ge [sflag:s13], $0x2000  }
0x56: {  	[sflag:s13] =	ssyncset.done $0x0  }
0x57: {  	[sflag:s13] =	ssyncadd.s32 $0xFFFFE000  }
0x58: {  	_ =	swait.ge [sflag:s14], $0x40  }
0x59: {  	p1 =	por $0x0, $0x0;
	s20 =	simm.s32 $0x100;
	[sflag:s14] =	ssyncset.done $0x0  }
0x5a: {  	s20 =	simm.s32 @p1 $0x0;
	[sflag:s14] =	ssyncadd.s32 $0xFFFFFFC0  }
0x5b: {  	[spmem:s2] =	stream.indirect.scatter.add.f32 [tilespmem:s31], [sflag:$0xC], $0x80, s1, s24, $0xb8;
	[tilespmem:$0x1E280] =	vst v63  }
0x5c: {  	s18 =	sadd.s32 s4, s20;
	_ =	swait.ge [sflag:s19], $0x2000  }
0x5d: {  	s21 =	sshrl.u32 s18, $0x3;
	[sflag:s19] =	ssyncset.done $0x0  }
0x5e: {  	s22 =	simm.s32 $0x140;
	s21 =	sadd.s32 s6, s21;
	[sflag:s19] =	ssyncadd.s32 $0xFFFFE000  }
0x5f: {  	[tilespmem:s25], [sflag:$0x1] =	stream.linear.gather [hbm4b:s21+s3], $0x40, $0x38;
	[tilespmem:$0x1E280] =	vst v63  }
0x60: {  	s20 =	sadd.s32 $0x13880, s20;
	s22 =	simm.s32 @p1 $0x40  }
0x61: {  	[tilespmem:s0], [sflag:$0x5] =	stream.indirect.gather [hbm4b:s5+s24], $0x80, s20, s24, $0xb8;
	[tilespmem:$0x1E280] =	vst v63  }
0x62: {  	s21 =	sadd.s32 s4, s22;
	_ =	swait.ge [sflag:s15], $0x2000  }
0x63: {  	s20 =	sshrl.u32 s21, $0x3;
	[sflag:s15] =	ssyncset.done $0x0  }
0x64: {  	s11 =	simm.s32 $0x180;
	s20 =	sadd.s32 s6, s20;
	[sflag:s15] =	ssyncadd.s32 $0xFFFFE000  }
0x65: {  	[tilespmem:s23], [sflag:$0x2] =	stream.linear.gather [hbm4b:s20+s3], $0x40, $0x38;
	[tilespmem:$0x1E280] =	vst v63  }
0x66: {  	s11 =	simm.s32 @p1 $0x80;
	s22 =	sadd.s32 $0x13880, s22  }
0x67: {  	[tilespmem:s30], [sflag:$0x6] =	stream.indirect.gather [hbm4b:s5+s24], $0x80, s22, s24, $0xb8;
	[tilespmem:$0x1E280] =	vst v63  }
0x68: {  	s0 =	sadd.s32 s4, s11;
	_ =	swait.ge [sflag:s16], $0x2000  }
0x69: {  	s21 =	simm.s32 $0x1C0;
	s20 =	sshrl.u32 s0, $0x3;
	[sflag:s16] =	ssyncset.done $0x0  }
0x6a: {  	s21 =	simm.s32 @p1 $0xC0;
	s20 =	sadd.s32 s6, s20;
	[sflag:s16] =	ssyncadd.s32 $0xFFFFE000  }
0x6b: {  	[tilespmem:s26], [sflag:$0x3] =	stream.linear.gather [hbm4b:s20+s3], $0x40, $0x38;
	[tilespmem:$0x1E280] =	vst v63  }
0x6c: {  	s11 =	sadd.s32 $0x13880, s11;
	s18 =	sadd.s32 s4, s21  }
0x6d: {  	[tilespmem:s29], [sflag:$0x7] =	stream.indirect.gather [hbm4b:s5+s24], $0x80, s11, s24, $0xb8;
	[tilespmem:$0x1E280] =	vst v63  }
0x6e: {  	s20 =	sshrl.u32 s18, $0x3;
	_ =	swait.ge [sflag:s17], $0x2000  }
0x6f: {  	s22 =	simm.s32 $0x2C0;
	s20 =	sadd.s32 s6, s20;
	[sflag:s17] =	ssyncset.done $0x0  }
.LBB2_2:
0x70: {  	p1 =	sne.s32 s22, $0x27C0;
	[sflag:s17] =	ssyncadd.s32 $0xFFFFE000;
	s11 =	sadd.s32 $0x13880, s21  }
0x71: {  	[tilespmem:s1], [sflag:$0x4] =	stream.linear.gather [hbm4b:s20+s3], $0x40, $0x38;
	[tilespmem:$0x1E280] =	vst v63  }
0x72: {  	s21 =	smov.u32 s22;
	s22 =	sadd.s32 $0x100, s22  }
0x73: {  	[tilespmem:s31], [sflag:$0x8] =	stream.indirect.gather [hbm4b:s5+s24], $0x80, s11, s24, $0xb8;
	[tilespmem:$0x1E280] =	vst v63  }
0x74: {  	_ =	swait.ge [sflag:s28], $0x2000  }
0x75: {  	[sflag:s28] =	ssyncset.done $0x0  }
0x76: {  	[sflag:s28] =	ssyncadd.s32 $0xFFFFE000  }
0x77: {  	_ =	swait.ge [sflag:s7], $0x40  }
0x78: {  	[sflag:s7] =	ssyncset.done $0x0  }
0x79: {  	s0 =	simm.s32 $0x16280;
	[sflag:s7] =	ssyncadd.s32 $0xFFFFFFC0  }
0x7a: {  	[spmem:s2] =	stream.indirect.scatter.add.f32 [tilespmem:s0], [sflag:$0x9], $0x80, s25, s24, $0xb8;
	[tilespmem:$0x1E280] =	vst v63  }
0x7b: {  	_ =	swait.ge [sflag:s8], $0x2000  }
0x7c: {  	[sflag:s8] =	ssyncset.done $0x0  }
0x7d: {  	[sflag:s8] =	ssyncadd.s32 $0xFFFFE000  }
0x7e: {  	_ =	swait.ge [sflag:s9], $0x40  }
0x7f: {  	[sflag:s9] =	ssyncset.done $0x0  }
0x80: {  	[sflag:s9] =	ssyncadd.s32 $0xFFFFFFC0  }
0x81: {  	[spmem:s2] =	stream.indirect.scatter.add.f32 [tilespmem:s30], [sflag:$0xA], $0x80, s23, s24, $0xb8;
	[tilespmem:$0x1E280] =	vst v63  }
0x82: {  	_ =	swait.ge [sflag:s10], $0x2000  }
0x83: {  	[sflag:s10] =	ssyncset.done $0x0  }
0x84: {  	[sflag:s10] =	ssyncadd.s32 $0xFFFFE000  }
0x85: {  	_ =	swait.ge [sflag:s12], $0x40  }
0x86: {  	[sflag:s12] =	ssyncset.done $0x0  }
0x87: {  	[sflag:s12] =	ssyncadd.s32 $0xFFFFFFC0  }
0x88: {  	[spmem:s2] =	stream.indirect.scatter.add.f32 [tilespmem:s29], [sflag:$0xB], $0x80, s26, s24, $0xb8;
	[tilespmem:$0x1E280] =	vst v63  }
0x89: {  	_ =	swait.ge [sflag:s13], $0x2000  }
0x8a: {  	s20 =	sadd.s32 $0xFFFFFFC0, s21;
	p2 =	seq.s32 s21, $0x27C0;
	[sflag:s13] =	ssyncset.done $0x0  }
0x8b: {  	s18 =	sadd.s32 $0xFFFFFF80, s21;
	s11 =	sadd.s32 $0xFFFFFF40, s21;
	[sflag:s13] =	ssyncadd.s32 $0xFFFFE000  }
0x8c: {  	s18 =	simm.s32 @p2 $0x40;
	_ =	swait.ge [sflag:s14], $0x40  }
0x8d: {  	s20 =	simm.s32 @p2 $0x80;
	s21 =	simm.s32 @p2 $0xC0;
	[sflag:s14] =	ssyncset.done $0x0  }
0x8e: {  	s11 =	simm.s32 @p2 $0x0;
	s23 =	sadd.s32 s4, s18;
	[sflag:s14] =	ssyncadd.s32 $0xFFFFFFC0  }
0x8f: {  	[spmem:s2] =	stream.indirect.scatter.add.f32 [tilespmem:s31], [sflag:$0xC], $0x80, s1, s24, $0xb8;
	[tilespmem:$0x1E280] =	vst v63  }
0x90: {  	s25 =	sadd.s32 s4, s11;
	s23 =	sshrl.u32 s23, $0x3;
	_ =	swait.ge [sflag:s19], $0x2000  }
0x91: {  	s30 =	simm.s32 $0x16000;
	s26 =	sadd.s32 s4, s20;
	[sflag:s19] =	ssyncset.done $0x0  }
0x92: {  	s25 =	sshrl.u32 s25, $0x3;
	s26 =	sshrl.u32 s26, $0x3;
	[sflag:s19] =	ssyncadd.s32 $0xFFFFE000  }
0x93: {  	s11 =	sadd.s32 $0x13880, s11;
	s25 =	sadd.s32 s6, s25;
	s29 =	sadd.s32 s4, s21  }
0x94: {  	[tilespmem:s30], [sflag:$0x1] =	stream.linear.gather [hbm4b:s25+s3], $0x40, $0x38;
	[tilespmem:$0x1E280] =	vst v63  }
0x95: {  	s30 =	simm.s32 $0x18280;
	s25 =	simm.s32 $0x16000;
	_ =	sdelay $0x1  }
0x96: {  	[tilespmem:s0], [sflag:$0x5] =	stream.indirect.gather [hbm4b:s5+s24], $0x80, s11, s24, $0xb8;
	[tilespmem:$0x1E280] =	vst v63  }
0x97: {  	s11 =	sadd.s32 $0x13880, s18;
	_ =	swait.ge [sflag:s15], $0x2000  }
0x98: {  	[sflag:s15] =	ssyncset.done $0x0  }
0x99: {  	s18 =	sadd.s32 s6, s23;
	s23 =	simm.s32 $0x16080;
	[sflag:s15] =	ssyncadd.s32 $0xFFFFE000  }
0x9a: {  	[tilespmem:s23], [sflag:$0x2] =	stream.linear.gather [hbm4b:s18+s3], $0x40, $0x38;
	[tilespmem:$0x1E280] =	vst v63  }
0x9b: {  	_ = 	snop  }
0x9c: {  	[tilespmem:s30], [sflag:$0x6] =	stream.indirect.gather [hbm4b:s5+s24], $0x80, s11, s24, $0xb8;
	[tilespmem:$0x1E280] =	vst v63  }
0x9d: {  	s11 =	sadd.s32 $0x13880, s20;
	_ =	swait.ge [sflag:s16], $0x2000  }
0x9e: {  	[sflag:s16] =	ssyncset.done $0x0  }
0x9f: {  	s18 =	sadd.s32 s6, s26;
	s26 =	simm.s32 $0x16100;
	[sflag:s16] =	ssyncadd.s32 $0xFFFFE000  }
0xa0: {  	[tilespmem:s26], [sflag:$0x3] =	stream.linear.gather [hbm4b:s18+s3], $0x40, $0x38;
	[tilespmem:$0x1E280] =	vst v63  }
.Ltmp0:
0xa1: {  	_ = 	snop;
	(pc) =	sbr.rel @p1 .LBB2_2-.Ltmp0, $4  }
0xa2: {  	s18 =	sshrl.u32 s29, $0x3;
	s29 =	simm.s32 $0x1A280  }
0xa3: {  	[tilespmem:s29], [sflag:$0x7] =	stream.indirect.gather [hbm4b:s5+s24], $0x80, s11, s24, $0xb8;
	[tilespmem:$0x1E280] =	vst v63  }
0xa4: {  	s20 =	sadd.s32 s6, s18;
	_ =	swait.ge [sflag:s17], $0x2000  }
0xa5: {  	[sflag:s17] =	ssyncset.done $0x0  }
0xa6: {  	[sflag:s17] =	ssyncadd.s32 $0xFFFFE000  }
0xa7: {  	[tilespmem:s1], [sflag:$0x4] =	stream.linear.gather [hbm4b:s20+s3], $0x40, $0x38;
	[tilespmem:$0x1E280] =	vst v63  }
0xa8: {  	s11 =	sadd.s32 $0x13880, s21  }
0xa9: {  	[tilespmem:s31], [sflag:$0x8] =	stream.indirect.gather [hbm4b:s5+s24], $0x80, s11, s24, $0xb8;
	[tilespmem:$0x1E280] =	vst v63  }
0xaa: {  	_ =	swait.ge [sflag:s28], $0x2000  }
0xab: {  	[sflag:s28] =	ssyncset.done $0x0  }
0xac: {  	[sflag:s28] =	ssyncadd.s32 $0xFFFFE000  }
0xad: {  	_ =	swait.ge [sflag:s7], $0x40  }
0xae: {  	[sflag:s7] =	ssyncset.done $0x0  }
0xaf: {  	[sflag:s7] =	ssyncadd.s32 $0xFFFFFFC0  }
0xb0: {  	_ =	swait.ge [sflag:s8], $0x2000  }
0xb1: {  	[sflag:s8] =	ssyncset.done $0x0  }
0xb2: {  	[sflag:s8] =	ssyncadd.s32 $0xFFFFE000  }
0xb3: {  	_ =	swait.ge [sflag:s9], $0x40  }
0xb4: {  	[sflag:s9] =	ssyncset.done $0x0  }
0xb5: {  	[sflag:s9] =	ssyncadd.s32 $0xFFFFFFC0  }
0xb6: {  	_ =	swait.ge [sflag:s10], $0x2000  }
0xb7: {  	[sflag:s10] =	ssyncset.done $0x0  }
0xb8: {  	[sflag:s10] =	ssyncadd.s32 $0xFFFFE000  }
0xb9: {  	_ =	swait.ge [sflag:s12], $0x40  }
0xba: {  	[sflag:s12] =	ssyncset.done $0x0  }
0xbb: {  	[sflag:s12] =	ssyncadd.s32 $0xFFFFFFC0  }
0xbc: {  	_ =	swait.ge [sflag:s13], $0x2000  }
0xbd: {  	[sflag:s13] =	ssyncset.done $0x0  }
0xbe: {  	[sflag:s13] =	ssyncadd.s32 $0xFFFFE000  }
0xbf: {  	_ =	swait.ge [sflag:s14], $0x40  }
0xc0: {  	[sflag:s14] =	ssyncset.done $0x0  }
0xc1: {  	s18 =	simm.s32 $0x16200;
	s20 =	rddreg [dreg:$0xb];
	[sflag:s14] =	ssyncadd.s32 $0xFFFFFFC0  }
0xc2: {  	[tilespmem:s18], [sflag:$0x1] =	stream.linear.gather [hbm4b:s20+s3], $0x10, $0x38;
	[tilespmem:$0x1E280] =	vst v63  }
0xc3: {  	s0 =	simm.s32 $0x16280;
	s21 =	simm.s32 $0x10;
	s22 =	simm.s32 $0x15F80  }
0xc4: {  	[tilespmem:s0], [sflag:$0x5] =	stream.indirect.gather [hbm4b:s5+s21], $0x80, s22, s21, $0xb8;
	[tilespmem:$0x1E280] =	vst v63  }
0xc5: {  	_ =	swait.ge [sflag:s7], $0x10  }
0xc6: {  	[sflag:s7] =	ssyncset.done $0x0  }
0xc7: {  	[sflag:s7] =	ssyncadd.s32 $0xFFFFFFF0  }
0xc8: {  	_ =	swait.ge [sflag:s28], $0x800  }
0xc9: {  	[sflag:s28] =	ssyncset.done $0x0  }
0xca: {  	s20 =	simm.s32 $0xD;
	[sflag:s28] =	ssyncadd.s32 $0xFFFFF800  }
0xcb: {  	[spmem:s2] =	stream.indirect.scatter.add.f32 [tilespmem:s0], [sflag:$0xD], $0x80, s18, s21, $0xb8;
	[tilespmem:$0x1E280] =	vst v63  }
0xcc: {  	_ =	swait.ge [sflag:s20], $0x800  }
0xcd: {  	[sflag:s20] =	ssyncset.done $0x0  }
0xce: {  	[sflag:s20] =	ssyncadd.s32 $0xFFFFF800  }
0xcf: {  	[bflag:$0x0] =	sbarrier.arrive $0xFFFF  }
0xd0: {  	s11 =	rddreg [dreg:$0xc]  }
0xd1: {  	s21 =	rddreg [dreg:$0xf]  }
0xd2: {  	s22 =	rddreg [dreg:$0x10]  }
0xd3: {  	[hbm:s11], [sflag:s21] =	dma.local @p0 [spmem:s22], $0x2700  }
0xd4: {  	s11 =	simm.s32 @p0 $0xD  }
0xd5: {  	_ =	swait.ge @p0 [sflag:s11], $0x2700  }
0xd6: {  	[sflag:s11] =	ssyncset.done @p0 $0x0;
	s18 =	rddreg [dreg:$0xd]  }
0xd7: {  	s0 =	rddreg [dreg:$0x12];
	[sflag:s11] =	ssyncadd.s32 @p0 $0xFFFFD900;
	s11 =	simm.s32 @!p0 $0x1FCD  }
0xd8: {  	[hbm:s18], [sflag:s11] =	dma.local @!p0 [spmem:s0], $0x2800  }
0xd9: {  	s11 =	simm.s32 @!p0 $0xD  }
0xda: {  	_ =	swait.ge @!p0 [sflag:s11], $0x2800  }
0xdb: {  	s18 =	rddreg [dreg:$0x11]  }
0xdc: {  	s0 =	sadd.s32 $0x1, s18;
	s18 =	rddreg [dreg:$0xe]  }
0xdd: {  	p1 =	sne.s32 s0, s18  }
.Ltmp1:
0xde: {  	_ = 	snop;
	(pc) =	sbr.rel @p1 .LBB2_1-.Ltmp1, $3  }
0xdf: {  	_ =	sdelay $0x1  }
0xe0: {  	[sflag:s11] =	ssyncset.done @!p0 $0x0  }
0xe1: {  	[sflag:s11] =	ssyncadd.s32 @!p0 $0xFFFFD800  }
0xe2: {  	_ =	sfence.sel $0x180000  }
0xe3: {  	[bflag:$0x0] =	sbarrier.arrive $0xFFFF  }
0xe4: {  	_ =	strace $0x9000004D  }
0xe5: {  	s0 =	stileid.u32;
	[bflag:$0x2] =	sbarrier.arrive $0xFFFF  }
0xe6: {  	p0 =	sne.s32 s0, $0x0;
	s0 =	rddreg [dreg:$0x2]  }
0xe7: {  	s0 =	sadd.s32 @!p0 $0x100000, s0  }
0xe8: {  	[sflag:s0] =	ssyncadd.tile.s32 @!p0 $0x1;
	_ =	shalt  }
.Lfunc_end2:
_tile_overlayer_lowered:
.L_overlay_start_2:
0xe9: {  	(tag) =	ssettag $0x2  }
0xea: {  	s0 =	rddreg [dreg:$0x0];
	s2 =	stileid.u32  }
0xeb: {  	s1 =	rddreg [dreg:$0x1];
	p0 =	sne.s32 s2, $0x0  }
0xec: {  	s3 =	rddreg [dreg:$0x2];
	[bflag:$0x3] =	sbarrier.arrive $0xFFFF;
	s2 =	simm.s32 @!p0 $0x1C0D  }
0xed: {  	[timem:s3], [sflag:s2] =	dma.local @!p0 [hbm:s0], s1  }
0xee: {  	s0 =	simm.s32 @!p0 $0xD  }
0xef: {  	_ =	swait.ge @!p0 [sflag:s0], s1  }
0xf0: {  	s1 =	ssub.s32 @!p0 $0x0, s1;
	[sflag:s0] =	ssyncset.done @!p0 $0x0  }
0xf1: {  	[sflag:s0] =	ssyncadd.s32 @!p0 s1  }
0xf2: {  	[bflag:$0x3] =	sbarrier.arrive $0xFFFF  }
0xf3: {  	_ =	shalt  }

// kernel: kernel.20.cloned.1.call-start
scs
__scs_entry_jumppad:
0x0: {  	(pc) =	sbr.rel $0x88, $3  }
0x1: {  	(tag) =	ssettag $0x0;
	lr =	simm.s32 $0x1  }
0x2: {  	[smem:$0x3F93] =	sst lr;
	_ =	strace $0xD0000000  }
0x3: {  	_ = 	snop  }
0x4: {  	_ = 	snop  }
0x5: {  	_ = 	snop  }
0x6: {  	_ = 	snop  }
0x7: {  	_ = 	snop  }
__scs_overlays_trampoline_lowered:
0x8: {  	[smem:$0x3FA2] =	sst s0  }
0x9: {  	[smem:$0x3FA3] =	sst s1  }
0xa: {  	[smem:$0x3FA4] =	sst s2  }
0xb: {  	[smem:$0x3FA5] =	sst s3  }
0xc: {  	[smem:$0x3FA6] =	sst s4  }
0xd: {  	[smem:$0x3FA7] =	sst s5  }
0xe: {  	[smem:$0x3FA8] =	sst s6  }
0xf: {  	[smem:$0x3FA9] =	sst s7  }
0x10: {  	[smem:$0x3FAA] =	sst s8  }
0x11: {  	[smem:$0x3FAB] =	sst s9;
	s0 =	simm.s32 @!p0 $0x0  }
0x12: {  	s1 =	sld [smem:$0x3F91];
	s0 =	simm.s32 @p0 $0x1  }
0x13: {  	[smem:$0x3FAC] =	sst s0;
	s0 =	simm.s32 @!p1 $0x0  }
0x14: {  	s2 =	sld [smem:$0x3F90];
	s0 =	simm.s32 @p1 $0x1  }
0x15: {  	[smem:$0x3FAD] =	sst s0;
	s0 =	simm.s32 @!p2 $0x0  }
0x16: {  	s3 =	sld [smem:$0x3FDB];
	s0 =	simm.s32 @p2 $0x1  }
0x17: {  	s4 =	simm.s32 $0x1BF5;
	[smem:$0x3FAF] =	sst s0  }
0x18: {  	s0 =	sld [smem:$0x3F92];
	_ =	swait.ge [sflag:s4], $0x0  }
0x19: {  	s7 =	sld [smem:$0x3F93]  }
0x1a: {  	s8 =	sadd.s32 $0xFFFFE003, lr  }
0x1b: {  	s9 =	sadd.s32 $0xFFFFFEF7, lr;
	s5 =	simm.s32 $0xFFFFFFFF;
	p2 =	slt.u32 s8, $0xFFFFF086  }
0x1c: {  	p1 =	slt.u32 s9, $0xF7A;
	s5 =	simm.s32 @!p2 $0x0  }
0x1d: {  	s5 =	simm.s32 @p1 $0x1;
	p0 =	seq.s32 s7, s2  }
0x1e: {  	s7 =	smul.u32 @!p0 $0xF7A, s2;
	p2 =	seq.s32 @!p0 s5, $0x0  }
0x1f: {  	s9 =	smul.u32 $0xF7A, s1;
	s8 =	simm.s32 @!p0 $0x1BF5;
	p2 =	por !p2, p0  }
0x20: {  	[sflag:s8] =	ssyncset.s32 @!p0 $0xFFFFF086;
	s6 =	sadd.s32 @!p0 s3, s7;
	s7 =	simm.s32 @!p0 $0x108  }
0x21: {  	s3 =	sadd.s32 s3, s9;
	s6 =	sadd.s32 @!p0 $0x88, s6;
	s7 =	simm.s32 @p2 $0x1082  }
0x22: {  	[simem:s7], [sflag:s8] =	dma.local @!p0 [hbm:s6], $0xF7A  }
0x23: {  	s9 =	sor.u32 $0xD0000000, s2;
	s6 =	simm.s32 $0x108;
	_ =	swait.ge @!p0 [sflag:s8], $0x0  }
0x24: {  	s3 =	sadd.s32 $0x88, s3;
	s6 =	simm.s32 @!p1 $0x1082;
	[sflag:s4] =	ssyncset.s32 $0xFFFFF086  }
0x25: {  	[simem:s6], [sflag:s4] =	dma.local [hbm:s3], $0xF7A  }
0x26: {  	[smem:$0x3F93] =	sst s1;
	(tag) =	ssettag s2;
	_ =	strace s9  }
0x27: {  	s1 =	sld [smem:$0x3FA3]  }
0x28: {  	s2 =	sld [smem:$0x3FA4]  }
0x29: {  	s4 =	sld [smem:$0x3FA6]  }
0x2a: {  	p0 =	seq.s32 s5, $0x0;
	s5 =	sld [smem:$0x3FA7]  }
0x2b: {  	s6 =	sld [smem:$0x3FA8]  }
0x2c: {  	s7 =	sld [smem:$0x3FA9]  }
0x2d: {  	s3 =	simm.s32 $0x108;
	s8 =	sld [smem:$0x3FAA]  }
0x2e: {  	s3 =	simm.s32 @!p0 $0x1082;
	s9 =	sld [smem:$0x3FAB]  }
0x2f: {  	lr =	sadd.s32 s0, s3;
	s0 =	sld [smem:$0x3FA2]  }
0x30: {  	s3 =	sld [smem:$0x3FA5]  }
0x31: {  	[smem:$0x3FAE] =	sst s10  }
0x32: {  	s10 =	sld [smem:$0x3FAC];
	_ =	sdelay $0x3  }
0x33: {  	p0 =	seq.s32 s10, $0x1;
	s10 =	sld [smem:$0x3FAE];
	_ =	sdelay $0x3  }
0x34: {  	[smem:$0x3FAE] =	sst s10  }
0x35: {  	s10 =	sld [smem:$0x3FAD];
	_ =	sdelay $0x3  }
0x36: {  	p1 =	seq.s32 s10, $0x1;
	s10 =	sld [smem:$0x3FAE];
	_ =	sdelay $0x3  }
0x37: {  	[smem:$0x3FAE] =	sst s10  }
0x38: {  	s10 =	sld [smem:$0x3FAF]  }
0x39: {  	_ = 	snop;
	(pc) =	sbr.ind lr, $3  }
0x3a: {  	_ = 	snop  }
0x3b: {  	_ = 	snop  }
0x3c: {  	p2 =	seq.s32 s10, $0x1;
	s10 =	sld [smem:$0x3FAE]  }
0x3d: {  	_ =	shalt  }
0x3e: {  	_ =	shalt  }
0x3f: {  	_ =	shalt  }
0x40: {  	_ =	shalt  }
0x41: {  	_ =	shalt  }
0x42: {  	_ =	shalt  }
0x43: {  	_ =	shalt  }
0x44: {  	_ =	shalt  }
0x45: {  	_ =	shalt  }
0x46: {  	_ =	shalt  }
0x47: {  	_ =	shalt  }
0x48: {  	_ =	shalt  }
0x49: {  	_ =	shalt  }
0x4a: {  	_ =	shalt  }
0x4b: {  	_ =	shalt  }
0x4c: {  	_ =	shalt  }
0x4d: {  	_ =	shalt  }
0x4e: {  	_ =	shalt  }
0x4f: {  	_ =	shalt  }
0x50: {  	_ =	shalt  }
0x51: {  	_ =	shalt  }
0x52: {  	_ =	shalt  }
0x53: {  	_ =	shalt  }
0x54: {  	_ =	shalt  }
0x55: {  	_ =	shalt  }
0x56: {  	_ =	shalt  }
0x57: {  	_ =	shalt  }
0x58: {  	_ =	shalt  }
0x59: {  	_ =	shalt  }
0x5a: {  	_ =	shalt  }
0x5b: {  	_ =	shalt  }
0x5c: {  	_ =	shalt  }
0x5d: {  	_ =	shalt  }
0x5e: {  	_ =	shalt  }
0x5f: {  	_ =	shalt  }
0x60: {  	_ =	shalt  }
0x61: {  	_ =	shalt  }
0x62: {  	_ =	shalt  }
0x63: {  	_ =	shalt  }
0x64: {  	_ =	shalt  }
0x65: {  	_ =	shalt  }
0x66: {  	_ =	shalt  }
0x67: {  	_ =	shalt  }
0x68: {  	_ =	shalt  }
0x69: {  	_ =	shalt  }
0x6a: {  	_ =	shalt  }
0x6b: {  	_ =	shalt  }
0x6c: {  	_ =	shalt  }
0x6d: {  	_ =	shalt  }
0x6e: {  	_ =	shalt  }
0x6f: {  	_ =	shalt  }
0x70: {  	_ =	shalt  }
0x71: {  	_ =	shalt  }
0x72: {  	_ =	shalt  }
0x73: {  	_ =	shalt  }
0x74: {  	_ =	shalt  }
0x75: {  	_ =	shalt  }
0x76: {  	_ =	shalt  }
0x77: {  	_ =	shalt  }
0x78: {  	_ =	shalt  }
0x79: {  	_ =	shalt  }
0x7a: {  	_ =	shalt  }
0x7b: {  	_ =	shalt  }
0x7c: {  	_ =	shalt  }
0x7d: {  	_ =	shalt  }
0x7e: {  	_ =	shalt  }
0x7f: {  	_ =	shalt  }
0x80: {  	_ =	shalt  }
0x81: {  	_ =	shalt  }
0x82: {  	_ =	shalt  }
0x83: {  	_ =	shalt  }
0x84: {  	_ =	shalt  }
0x85: {  	_ =	shalt  }
0x86: {  	_ =	shalt  }
0x87: {  	_ =	shalt  }
.Lfunc_end0:
.L_simem_size_0:
called_computation.3_lowered:
.L_overlay_start_0:
0x88: {  	s2 =	sld [smem:$0x3FD9]  }
0x89: {  	s3 =	sld [smem:$0x3FFE];
	_ =	sdelay $0x1  }
0x8a: {  	s1 =	srdreg.scid  }
0x8b: {  	s0 =	sand.u32 $0x1, s1  }
0x8c: {  	s16 =	sshll.u32 s0, $0xA;
	s2 =	sadd.s32 s3, s2  }
0x8d: {  	s2 =	sadd.s32 s2, s16  }
0x8e: {  	[smem:$0x3FBA] =	sst s2  }
0x8f: {  	_ = 	snop  }
0x90: {  	(tm) =	ssettm $0x1  }
0x91: {  	s17 =	sld [smem:$0x3FFB];
	_ =	sdelay $0x3  }
0x92: {  	_ =	strace s17  }
0x93: {  	s2 =	sld [smem:$0x3FFC];
	_ =	sdelay $0x3  }
0x94: {  	_ =	strace s2  }
0x95: {  	s2 =	sld [smem:$0x3FFD];
	_ =	sdelay $0x3  }
0x96: {  	_ =	strace s2  }
0x97: {  	_ =	strace $0x8FFFFFFF  }
0x98: {  	s18 =	sld [smem:$0x3FDB];
	_ =	sdelay $0x1  }
0x99: {  	s19 =	simm.s32 $_scs_section_size  }
0x9a: {  	s4 =	simm.s32 $_size__tile_overlayer_lowered;
	s5 =	simm.s32 $_tile_overlayer_lowered  }
0x9b: {  	s22 =	simm.s32 $0x1BFF;
	s21 =	sshll.u32 s5, $0x1;
	s2 =	sadd.s32 s19, s18  }
0x9c: {  	s6 =	simm.s32 $0x0;
	s20 =	sshll.u32 s4, $0x1;
	s4 =	sadd.s32 s21, s2  }
0x9d: {  	[timem:s6], [sflag:s22] =	dma.local [hbm:s4], s20  }
0x9e: {  	_ =	swait.ge [sflag:s22], s20  }
0x9f: {  	s3 =	ssub.s32 $0x0, s20;
	[sflag:s22] =	ssyncset.done $0x0  }
0xa0: {  	[sflag:s22] =	ssyncadd.s32 s3;
	_ =	sdelay $0x1  }
0xa1: {  	s23 =	simm.s32 $0x1B8B  }
0xa2: {  	_ =	swait.ge [sflag:s23], $0x1  }
0xa3: {  	[sflag:s23] =	ssyncset.done $0x0  }
0xa4: {  	s25 =	simm.s32 $0x1B8E;
	s24 =	sld [smem:$0x3FFE];
	[sflag:s23] =	ssyncadd.s32 $0xFFFFFFFF  }
0xa5: {  	s26 =	simm.s32 $execute0_lowered;
	[smem:$0x3FD2] =	sst s25  }
0xa6: {  	s4 =	sshll.u32 s26, $0x1;
	_ =	strace $0x8000004F;
	[dreg:$0x1] =	wrdreg $0xFFFFFFFF  }
0xa7: {  	s28 =	simm.s32 $_size_execute0_lowered;
	s2 =	sadd.s32 s2, s4;
	[dreg:$0x0] =	wrdreg $0x0  }
0xa8: {  	s4 =	sshll.u32 s28, $0x1;
	[dreg:$0x2] =	wrdreg s2  }
0xa9: {  	[dreg:$0x3] =	wrdreg s4  }
0xaa: {  	[dreg:$0x4] =	wrdreg $0xC0  }
0xab: {  	_ =	task [dreg:s6], $0x5FFFF  }
0xac: {  	[dreg:$0x1] =	wrdreg $0xFFFFFFFF  }
0xad: {  	[dreg:$0x0] =	wrdreg $0x60  }
0xae: {  	[dreg:$0x2] =	wrdreg s24  }
0xaf: {  	[dreg:$0x3] =	wrdreg $0x0  }
0xb0: {  	[dreg:$0x4] =	wrdreg $0x9  }
0xb1: {  	_ =	task.clear_ibuf [dreg:s6], $0x5FFFF;
	_ =	strace $0x9000004F  }
0xb2: {  	s29 =	simm.s32 $0x9;
	_ =	strace $0x80000051  }
0xb3: {  	_ =	swait.ge [sflag:s29], $0x1  }
0xb4: {  	[sflag:s29] =	ssyncadd.s32 $0xFFFFFFFF  }
0xb5: {  	_ =	strace $0x90000051  }
0xb6: {  	_ =	sfence  }
0xb7: {  	s30 =	sld [smem:$0x0];
	_ =	sdelay $0x2  }
0xb8: {  	s31 =	sshll.u32 s1, $0xD;
	s1 =	sshrl.u32 s1, $0x2  }
0xb9: {  	s3 =	sand.u32 $0x4000, s31;
	s1 =	sadd.s32 s1, s30  }
0xba: {  	s0 =	sor.u32 s3, s0;
	s1 =	sshll.u32 s1, $0x11  }
0xbb: {  	s0 =	sor.u32 s1, s0  }
0xbc: {  	s0 =	sadd.s32 $0x8F2B, s0  }
0xbd: {  	[sflag:s0] =	ssyncadd.remote.s32 $0x1  }
0xbe: {  	_ =	sfence.sel $0xFFFF  }
0xbf: {  	[dreg:$0x0] =	wrdreg $0xFFFFFFFF;
	(pc) =	sbr.abs _section_cstart, $3  }
0xc0: {  	[dreg:$0x1] =	wrdreg $0xFFFFFFFF  }
0xc1: {  	_ =	task.clear_ibuf [dreg:s6], $0x2FFFF;
	_ =	strace $0x9FFFFFFF  }
0xc2: {  	(tm) =	ssettm $0x7FFFFFFF  }
0xc3: {  	_ =	shalt  }
tec
execute0_lowered:
.L_overlay_start_1:
0x0: {  	(tag) =	ssettag $0x1  }
0x1: {  	s0 =	srdreg.scid;
	s1 =	rddreg [dreg:$0x0]  }
0x2: {  	s2 =	rddreg [dreg:$0x1];
	s14 =	stileid.u32;
	s3 =	simm.s32 $0x0  }
0x3: {  	s30 =	simm.s32 $0x18280;
	s29 =	simm.s32 $0x1A280;
	s31 =	simm.s32 $0x1C280  }
0x4: {  	s28 =	simm.s32 $0x5;
	s15 =	simm.s32 $0xA;
	s16 =	simm.s32 $0xB  }
0x5: {  	s17 =	simm.s32 $0xC;
	s0 =	sand.u32 $0x1, s0;
	s8 =	smul.u32 $0x2700, s14  }
0x6: {  	[smem:$0x7FF] =	sst s3;
	s5 =	sadd.s32 $0x17200, s1;
	s10 =	smul.u32 $0x4E000, s14  }
0x7: {  	s6 =	sadd.s32 $0x3600, s1;
	s19 =	smul.u32 $0x13800, s14;
	s20 =	sadd.s32 $0x124800, s2  }
0x8: {  	p0 =	sne.s32 s14, $0xF;
	s4 =	sshll.u32 s0, $0x4;
	s12 =	smul.u32 $0x27100, s0  }
0x9: {  	_ =	strace $0x80000050;
	s11 =	ssub.s32 $0x2, s0;
	s0 =	smul.u32 $0x138800, s0  }
0xa: {  	[dreg:$0x5] =	wrdreg s20;
	s20 =	simm.s32 $0xD;
	s4 =	sor.u32 s14, s4  }
0xb: {  	s13 =	sshrl.u32 s11, $0x1;
	s10 =	sshrl.u32 s10, $0x2;
	s4 =	smul.u32 $0x2710, s4  }
0xc: {  	s11 =	ssub.s32 s11, s13;
	s8 =	sadd.s32 s8, s12;
	s18 =	sshrl.u32 s0, $0x3  }
0xd: {  	s0 =	sadd.s32 s19, s0;
	s12 =	simm.s32 $0x3;
	s13 =	simm.s32 $0x8  }
0xe: {  	s19 =	simm.s32 $0x9;
	s8 =	sadd.s32 s5, s8;
	s21 =	sadd.s32 $0x24900, s18  }
0xf: {  	s26 =	smax.u32 s11, $0x1;
	s7 =	sshrl.u32 s4, $0x3;
	[dreg:$0x4] =	wrdreg s8  }
0x10: {  	[dreg:$0xe] =	wrdreg s26;
	s9 =	sadd.s32 s7, s1;
	s7 =	sadd.s32 s6, s7  }
0x11: {  	s0 =	sshrl.u32 s0, $0x3;
	s9 =	sadd.s32 $0xD400, s9;
	[dreg:$0x7] =	wrdreg s7  }
0x12: {  	s26 =	simm.s32 $0x16100;
	s22 =	sadd.s32 $0x8, s7;
	[dreg:$0x3] =	wrdreg s9  }
0x13: {  	s8 =	simm.s32 $0x6;
	s23 =	sadd.s32 $0x10, s7;
	[dreg:$0x8] =	wrdreg s22  }
0x14: {  	s1 =	sadd.s32 $0x65400, s1;
	s24 =	sadd.s32 $0x18, s7;
	[dreg:$0x9] =	wrdreg s23  }
0x15: {  	s7 =	sadd.s32 $0x4E0, s7;
	s0 =	sadd.s32 s1, s0;
	[dreg:$0xa] =	wrdreg s24  }
0x16: {  	s25 =	sadd.s32 s1, s21;
	s1 =	simm.s32 $0x16180;
	[dreg:$0xb] =	wrdreg s7  }
0x17: {  	s9 =	sadd.s32 s10, s2;
	s10 =	sadd.s32 s5, s21;
	[dreg:$0xc] =	wrdreg s0  }
0x18: {  	[dreg:$0xd] =	wrdreg s25;
	s0 =	sshll.u32 @p0 s14, $0x6;
	s25 =	simm.s32 $0x16000  }
0x19: {  	s24 =	simm.s32 $0x40;
	s23 =	simm.s32 $0x16080;
	s7 =	simm.s32 $0x1  }
0x1a: {  	s14 =	simm.s32 $0x4;
	[dreg:$0x6] =	wrdreg s10;
	s21 =	sor.u32 @p0 $0x1C0D, s0  }
0x1b: {  	s22 =	sshrl.u32 @p0 s9, $0x3;
	s9 =	simm.s32 $0x2;
	[dreg:$0xf] =	wrdreg s21  }
0x1c: {  	s10 =	simm.s32 $0x7;
	s0 =	simm.s32 $0x0;
	[dreg:$0x10] =	wrdreg s22  }
.LBB2_1:
0x1d: {  	[dreg:$0x11] =	wrdreg s0  }
0x1e: {  	s11 =	rddreg [dreg:$0x3];
	s18 =	simm.s32 $0x13880  }
0x1f: {  	[tilespmem:s18], [sflag:$0xD] =	stream.linear.gather [hbm4b:s11+s3], $0x2710, $0x38;
	[tilespmem:$0x1E280] =	vst v63  }
0x20: {  	_ =	swait.ge [sflag:s20], $0x2710  }
0x21: {  	[sflag:s20] =	ssyncset.done $0x0  }
0x22: {  	s11 =	rddreg [dreg:$0x4];
	[sflag:s20] =	ssyncadd.s32 $0xFFFFD8F0  }
0x23: {  	[spmem:s22], [sflag:s21] =	dma.local @p0 [hbm:s11], $0x2700  }
0x24: {  	s11 =	simm.s32 @p0 $0xD  }
0x25: {  	_ =	swait.ge @p0 [sflag:s11], $0x2700  }
0x26: {  	[sflag:s11] =	ssyncset.done @p0 $0x0  }
0x27: {  	[sflag:s11] =	ssyncadd.s32 @p0 $0xFFFFD900;
	s11 =	rddreg [dreg:$0x5]  }
0x28: {  	s0 =	sshrl.u32 @!p0 s11, $0x3;
	s11 =	rddreg [dreg:$0x6]  }
0x29: {  	s20 =	simm.s32 @!p0 $0x1FCD;
	[dreg:$0x12] =	wrdreg s0  }
0x2a: {  	[spmem:s0], [sflag:s20] =	dma.local @!p0 [hbm:s11], $0x2800  }
0x2b: {  	s20 =	simm.s32 @!p0 $0xD  }
0x2c: {  	_ =	swait.ge @!p0 [sflag:s20], $0x2800  }
0x2d: {  	[sflag:s20] =	ssyncset.done @!p0 $0x0  }
0x2e: {  	[sflag:s20] =	ssyncadd.s32 @!p0 $0xFFFFD800  }
0x2f: {  	[bflag:$0x0] =	sbarrier.arrive $0xFFFF  }
0x30: {  	s20 =	rddreg [dreg:$0x7]  }
0x31: {  	[tilespmem:s25], [sflag:$0x1] =	stream.linear.gather [hbm4b:s20+s3], $0x40, $0x38;
	[tilespmem:$0x1E280] =	vst v63  }
0x32: {  	s0 =	simm.s32 $0x16280  }
0x33: {  	[tilespmem:s0], [sflag:$0x5] =	stream.indirect.gather [hbm4b:s5+s24], $0x80, s18, s24, $0xb8;
	[tilespmem:$0x1E280] =	vst v63  }
0x34: {  	s21 =	rddreg [dreg:$0x8]  }
0x35: {  	[tilespmem:s23], [sflag:$0x2] =	stream.linear.gather [hbm4b:s21+s3], $0x40, $0x38;
	[tilespmem:$0x1E280] =	vst v63  }
0x36: {  	s22 =	simm.s32 $0x138C0  }
0x37: {  	[tilespmem:s30], [sflag:$0x6] =	stream.indirect.gather [hbm4b:s5+s24], $0x80, s22, s24, $0xb8;
	[tilespmem:$0x1E280] =	vst v63  }
0x38: {  	s18 =	rddreg [dreg:$0x9]  }
0x39: {  	[tilespmem:s26], [sflag:$0x3] =	stream.linear.gather [hbm4b:s18+s3], $0x40, $0x38;
	[tilespmem:$0x1E280] =	vst v63  }
0x3a: {  	s20 =	simm.s32 $0x13900  }
0x3b: {  	[tilespmem:s29], [sflag:$0x7] =	stream.indirect.gather [hbm4b:s5+s24], $0x80, s20, s24, $0xb8;
	[tilespmem:$0x1E280] =	vst v63  }
0x3c: {  	s21 =	rddreg [dreg:$0xa]  }
0x3d: {  	[tilespmem:s1], [sflag:$0x4] =	stream.linear.gather [hbm4b:s21+s3], $0x40, $0x38;
	[tilespmem:$0x1E280] =	vst v63  }
0x3e: {  	s22 =	simm.s32 $0x13940  }
0x3f: {  	[tilespmem:s31], [sflag:$0x8] =	stream.indirect.gather [hbm4b:s5+s24], $0x80, s22, s24, $0xb8;
	[tilespmem:$0x1E280] =	vst v63  }
0x40: {  	_ =	swait.ge [sflag:s28], $0x2000  }
0x41: {  	[sflag:s28] =	ssyncset.done $0x0  }
0x42: {  	[sflag:s28] =	ssyncadd.s32 $0xFFFFE000  }
0x43: {  	_ =	swait.ge [sflag:s7], $0x40  }
0x44: {  	[sflag:s7] =	ssyncset.done $0x0  }
0x45: {  	[sflag:s7] =	ssyncadd.s32 $0xFFFFFFC0  }
0x46: {  	[spmem:s2] =	stream.indirect.scatter.add.f32 [tilespmem:s0], [sflag:$0x9], $0x80, s25, s24, $0xb8;
	[tilespmem:$0x1E280] =	vst v63  }
0x47: {  	_ =	swait.ge [sflag:s8], $0x2000  }
0x48: {  	[sflag:s8] =	ssyncset.done $0x0  }
0x49: {  	[sflag:s8] =	ssyncadd.s32 $0xFFFFE000  }
0x4a: {  	_ =	swait.ge [sflag:s9], $0x40  }
0x4b: {  	[sflag:s9] =	ssyncset.done $0x0  }
0x4c: {  	[sflag:s9] =	ssyncadd.s32 $0xFFFFFFC0  }
0x4d: {  	[spmem:s2] =	stream.indirect.scatter.add.f32 [tilespmem:s30], [sflag:$0xA], $0x80, s23, s24, $0xb8;
	[tilespmem:$0x1E280] =	vst v63  }
0x4e: {  	_ =	swait.ge [sflag:s10], $0x2000  }
0x4f: {  	[sflag:s10] =	ssyncset.done $0x0  }
0x50: {  	[sflag:s10] =	ssyncadd.s32 $0xFFFFE000  }
0x51: {  	_ =	swait.ge [sflag:s12], $0x40  }
0x52: {  	[sflag:s12] =	ssyncset.done $0x0  }
0x53: {  	[sflag:s12] =	ssyncadd.s32 $0xFFFFFFC0  }
0x54: {  	[spmem:s2] =	stream.indirect.scatter.add.f32 [tilespmem:s29], [sflag:$0xB], $0x80, s26, s24, $0xb8;
	[tilespmem:$0x1E280] =	vst v63  }
0x55: {  	_ =	swait.ge [sflag:s13], $0x2000  }
0x56: {  	[sflag:s13] =	ssyncset.done $0x0  }
0x57: {  	[sflag:s13] =	ssyncadd.s32 $0xFFFFE000  }
0x58: {  	_ =	swait.ge [sflag:s14], $0x40  }
0x59: {  	p1 =	por $0x0, $0x0;
	s20 =	simm.s32 $0x100;
	[sflag:s14] =	ssyncset.done $0x0  }
0x5a: {  	s20 =	simm.s32 @p1 $0x0;
	[sflag:s14] =	ssyncadd.s32 $0xFFFFFFC0  }
0x5b: {  	[spmem:s2] =	stream.indirect.scatter.add.f32 [tilespmem:s31], [sflag:$0xC], $0x80, s1, s24, $0xb8;
	[tilespmem:$0x1E280] =	vst v63  }
0x5c: {  	s18 =	sadd.s32 s4, s20;
	_ =	swait.ge [sflag:s19], $0x2000  }
0x5d: {  	s21 =	sshrl.u32 s18, $0x3;
	[sflag:s19] =	ssyncset.done $0x0  }
0x5e: {  	s22 =	simm.s32 $0x140;
	s21 =	sadd.s32 s6, s21;
	[sflag:s19] =	ssyncadd.s32 $0xFFFFE000  }
0x5f: {  	[tilespmem:s25], [sflag:$0x1] =	stream.linear.gather [hbm4b:s21+s3], $0x40, $0x38;
	[tilespmem:$0x1E280] =	vst v63  }
0x60: {  	s20 =	sadd.s32 $0x13880, s20;
	s22 =	simm.s32 @p1 $0x40  }
0x61: {  	[tilespmem:s0], [sflag:$0x5] =	stream.indirect.gather [hbm4b:s5+s24], $0x80, s20, s24, $0xb8;
	[tilespmem:$0x1E280] =	vst v63  }
0x62: {  	s21 =	sadd.s32 s4, s22;
	_ =	swait.ge [sflag:s15], $0x2000  }
0x63: {  	s20 =	sshrl.u32 s21, $0x3;
	[sflag:s15] =	ssyncset.done $0x0  }
0x64: {  	s11 =	simm.s32 $0x180;
	s20 =	sadd.s32 s6, s20;
	[sflag:s15] =	ssyncadd.s32 $0xFFFFE000  }
0x65: {  	[tilespmem:s23], [sflag:$0x2] =	stream.linear.gather [hbm4b:s20+s3], $0x40, $0x38;
	[tilespmem:$0x1E280] =	vst v63  }
0x66: {  	s11 =	simm.s32 @p1 $0x80;
	s22 =	sadd.s32 $0x13880, s22  }
0x67: {  	[tilespmem:s30], [sflag:$0x6] =	stream.indirect.gather [hbm4b:s5+s24], $0x80, s22, s24, $0xb8;
	[tilespmem:$0x1E280] =	vst v63  }
0x68: {  	s0 =	sadd.s32 s4, s11;
	_ =	swait.ge [sflag:s16], $0x2000  }
0x69: {  	s21 =	simm.s32 $0x1C0;
	s20 =	sshrl.u32 s0, $0x3;
	[sflag:s16] =	ssyncset.done $0x0  }
0x6a: {  	s21 =	simm.s32 @p1 $0xC0;
	s20 =	sadd.s32 s6, s20;
	[sflag:s16] =	ssyncadd.s32 $0xFFFFE000  }
0x6b: {  	[tilespmem:s26], [sflag:$0x3] =	stream.linear.gather [hbm4b:s20+s3], $0x40, $0x38;
	[tilespmem:$0x1E280] =	vst v63  }
0x6c: {  	s11 =	sadd.s32 $0x13880, s11;
	s18 =	sadd.s32 s4, s21  }
0x6d: {  	[tilespmem:s29], [sflag:$0x7] =	stream.indirect.gather [hbm4b:s5+s24], $0x80, s11, s24, $0xb8;
	[tilespmem:$0x1E280] =	vst v63  }
0x6e: {  	s20 =	sshrl.u32 s18, $0x3;
	_ =	swait.ge [sflag:s17], $0x2000  }
0x6f: {  	s22 =	simm.s32 $0x2C0;
	s20 =	sadd.s32 s6, s20;
	[sflag:s17] =	ssyncset.done $0x0  }
.LBB2_2:
0x70: {  	p1 =	sne.s32 s22, $0x27C0;
	[sflag:s17] =	ssyncadd.s32 $0xFFFFE000;
	s11 =	sadd.s32 $0x13880, s21  }
0x71: {  	[tilespmem:s1], [sflag:$0x4] =	stream.linear.gather [hbm4b:s20+s3], $0x40, $0x38;
	[tilespmem:$0x1E280] =	vst v63  }
0x72: {  	s21 =	smov.u32 s22;
	s22 =	sadd.s32 $0x100, s22  }
0x73: {  	[tilespmem:s31], [sflag:$0x8] =	stream.indirect.gather [hbm4b:s5+s24], $0x80, s11, s24, $0xb8;
	[tilespmem:$0x1E280] =	vst v63  }
0x74: {  	_ =	swait.ge [sflag:s28], $0x2000  }
0x75: {  	[sflag:s28] =	ssyncset.done $0x0  }
0x76: {  	[sflag:s28] =	ssyncadd.s32 $0xFFFFE000  }
0x77: {  	_ =	swait.ge [sflag:s7], $0x40  }
0x78: {  	[sflag:s7] =	ssyncset.done $0x0  }
0x79: {  	s0 =	simm.s32 $0x16280;
	[sflag:s7] =	ssyncadd.s32 $0xFFFFFFC0  }
0x7a: {  	[spmem:s2] =	stream.indirect.scatter.add.f32 [tilespmem:s0], [sflag:$0x9], $0x80, s25, s24, $0xb8;
	[tilespmem:$0x1E280] =	vst v63  }
0x7b: {  	_ =	swait.ge [sflag:s8], $0x2000  }
0x7c: {  	[sflag:s8] =	ssyncset.done $0x0  }
0x7d: {  	[sflag:s8] =	ssyncadd.s32 $0xFFFFE000  }
0x7e: {  	_ =	swait.ge [sflag:s9], $0x40  }
0x7f: {  	[sflag:s9] =	ssyncset.done $0x0  }
0x80: {  	[sflag:s9] =	ssyncadd.s32 $0xFFFFFFC0  }
0x81: {  	[spmem:s2] =	stream.indirect.scatter.add.f32 [tilespmem:s30], [sflag:$0xA], $0x80, s23, s24, $0xb8;
	[tilespmem:$0x1E280] =	vst v63  }
0x82: {  	_ =	swait.ge [sflag:s10], $0x2000  }
0x83: {  	[sflag:s10] =	ssyncset.done $0x0  }
0x84: {  	[sflag:s10] =	ssyncadd.s32 $0xFFFFE000  }
0x85: {  	_ =	swait.ge [sflag:s12], $0x40  }
0x86: {  	[sflag:s12] =	ssyncset.done $0x0  }
0x87: {  	[sflag:s12] =	ssyncadd.s32 $0xFFFFFFC0  }
0x88: {  	[spmem:s2] =	stream.indirect.scatter.add.f32 [tilespmem:s29], [sflag:$0xB], $0x80, s26, s24, $0xb8;
	[tilespmem:$0x1E280] =	vst v63  }
0x89: {  	_ =	swait.ge [sflag:s13], $0x2000  }
0x8a: {  	s20 =	sadd.s32 $0xFFFFFFC0, s21;
	p2 =	seq.s32 s21, $0x27C0;
	[sflag:s13] =	ssyncset.done $0x0  }
0x8b: {  	s18 =	sadd.s32 $0xFFFFFF80, s21;
	s11 =	sadd.s32 $0xFFFFFF40, s21;
	[sflag:s13] =	ssyncadd.s32 $0xFFFFE000  }
0x8c: {  	s18 =	simm.s32 @p2 $0x40;
	_ =	swait.ge [sflag:s14], $0x40  }
0x8d: {  	s20 =	simm.s32 @p2 $0x80;
	s21 =	simm.s32 @p2 $0xC0;
	[sflag:s14] =	ssyncset.done $0x0  }
0x8e: {  	s11 =	simm.s32 @p2 $0x0;
	s23 =	sadd.s32 s4, s18;
	[sflag:s14] =	ssyncadd.s32 $0xFFFFFFC0  }
0x8f: {  	[spmem:s2] =	stream.indirect.scatter.add.f32 [tilespmem:s31], [sflag:$0xC], $0x80, s1, s24, $0xb8;
	[tilespmem:$0x1E280] =	vst v63  }
0x90: {  	s25 =	sadd.s32 s4, s11;
	s23 =	sshrl.u32 s23, $0x3;
	_ =	swait.ge [sflag:s19], $0x2000  }
0x91: {  	s30 =	simm.s32 $0x16000;
	s26 =	sadd.s32 s4, s20;
	[sflag:s19] =	ssyncset.done $0x0  }
0x92: {  	s25 =	sshrl.u32 s25, $0x3;
	s26 =	sshrl.u32 s26, $0x3;
	[sflag:s19] =	ssyncadd.s32 $0xFFFFE000  }
0x93: {  	s11 =	sadd.s32 $0x13880, s11;
	s25 =	sadd.s32 s6, s25;
	s29 =	sadd.s32 s4, s21  }
0x94: {  	[tilespmem:s30], [sflag:$0x1] =	stream.linear.gather [hbm4b:s25+s3], $0x40, $0x38;
	[tilespmem:$0x1E280] =	vst v63  }
0x95: {  	s30 =	simm.s32 $0x18280;
	s25 =	simm.s32 $0x16000;
	_ =	sdelay $0x1  }
0x96: {  	[tilespmem:s0], [sflag:$0x5] =	stream.indirect.gather [hbm4b:s5+s24], $0x80, s11, s24, $0xb8;
	[tilespmem:$0x1E280] =	vst v63  }
0x97: {  	s11 =	sadd.s32 $0x13880, s18;
	_ =	swait.ge [sflag:s15], $0x2000  }
0x98: {  	[sflag:s15] =	ssyncset.done $0x0  }
0x99: {  	s18 =	sadd.s32 s6, s23;
	s23 =	simm.s32 $0x16080;
	[sflag:s15] =	ssyncadd.s32 $0xFFFFE000  }
0x9a: {  	[tilespmem:s23], [sflag:$0x2] =	stream.linear.gather [hbm4b:s18+s3], $0x40, $0x38;
	[tilespmem:$0x1E280] =	vst v63  }
0x9b: {  	_ = 	snop  }
0x9c: {  	[tilespmem:s30], [sflag:$0x6] =	stream.indirect.gather [hbm4b:s5+s24], $0x80, s11, s24, $0xb8;
	[tilespmem:$0x1E280] =	vst v63  }
0x9d: {  	s11 =	sadd.s32 $0x13880, s20;
	_ =	swait.ge [sflag:s16], $0x2000  }
0x9e: {  	[sflag:s16] =	ssyncset.done $0x0  }
0x9f: {  	s18 =	sadd.s32 s6, s26;
	s26 =	simm.s32 $0x16100;
	[sflag:s16] =	ssyncadd.s32 $0xFFFFE000  }
0xa0: {  	[tilespmem:s26], [sflag:$0x3] =	stream.linear.gather [hbm4b:s18+s3], $0x40, $0x38;
	[tilespmem:$0x1E280] =	vst v63  }
.Ltmp0:
0xa1: {  	_ = 	snop;
	(pc) =	sbr.rel @p1 .LBB2_2-.Ltmp0, $4  }
0xa2: {  	s18 =	sshrl.u32 s29, $0x3;
	s29 =	simm.s32 $0x1A280  }
0xa3: {  	[tilespmem:s29], [sflag:$0x7] =	stream.indirect.gather [hbm4b:s5+s24], $0x80, s11, s24, $0xb8;
	[tilespmem:$0x1E280] =	vst v63  }
0xa4: {  	s20 =	sadd.s32 s6, s18;
	_ =	swait.ge [sflag:s17], $0x2000  }
0xa5: {  	[sflag:s17] =	ssyncset.done $0x0  }
0xa6: {  	[sflag:s17] =	ssyncadd.s32 $0xFFFFE000  }
0xa7: {  	[tilespmem:s1], [sflag:$0x4] =	stream.linear.gather [hbm4b:s20+s3], $0x40, $0x38;
	[tilespmem:$0x1E280] =	vst v63  }
0xa8: {  	s11 =	sadd.s32 $0x13880, s21  }
0xa9: {  	[tilespmem:s31], [sflag:$0x8] =	stream.indirect.gather [hbm4b:s5+s24], $0x80, s11, s24, $0xb8;
	[tilespmem:$0x1E280] =	vst v63  }
0xaa: {  	_ =	swait.ge [sflag:s28], $0x2000  }
0xab: {  	[sflag:s28] =	ssyncset.done $0x0  }
0xac: {  	[sflag:s28] =	ssyncadd.s32 $0xFFFFE000  }
0xad: {  	_ =	swait.ge [sflag:s7], $0x40  }
0xae: {  	[sflag:s7] =	ssyncset.done $0x0  }
0xaf: {  	[sflag:s7] =	ssyncadd.s32 $0xFFFFFFC0  }
0xb0: {  	_ =	swait.ge [sflag:s8], $0x2000  }
0xb1: {  	[sflag:s8] =	ssyncset.done $0x0  }
0xb2: {  	[sflag:s8] =	ssyncadd.s32 $0xFFFFE000  }
0xb3: {  	_ =	swait.ge [sflag:s9], $0x40  }
0xb4: {  	[sflag:s9] =	ssyncset.done $0x0  }
0xb5: {  	[sflag:s9] =	ssyncadd.s32 $0xFFFFFFC0  }
0xb6: {  	_ =	swait.ge [sflag:s10], $0x2000  }
0xb7: {  	[sflag:s10] =	ssyncset.done $0x0  }
0xb8: {  	[sflag:s10] =	ssyncadd.s32 $0xFFFFE000  }
0xb9: {  	_ =	swait.ge [sflag:s12], $0x40  }
0xba: {  	[sflag:s12] =	ssyncset.done $0x0  }
0xbb: {  	[sflag:s12] =	ssyncadd.s32 $0xFFFFFFC0  }
0xbc: {  	_ =	swait.ge [sflag:s13], $0x2000  }
0xbd: {  	[sflag:s13] =	ssyncset.done $0x0  }
0xbe: {  	[sflag:s13] =	ssyncadd.s32 $0xFFFFE000  }
0xbf: {  	_ =	swait.ge [sflag:s14], $0x40  }
0xc0: {  	[sflag:s14] =	ssyncset.done $0x0  }
0xc1: {  	s18 =	simm.s32 $0x16200;
	s20 =	rddreg [dreg:$0xb];
	[sflag:s14] =	ssyncadd.s32 $0xFFFFFFC0  }
0xc2: {  	[tilespmem:s18], [sflag:$0x1] =	stream.linear.gather [hbm4b:s20+s3], $0x10, $0x38;
	[tilespmem:$0x1E280] =	vst v63  }
0xc3: {  	s0 =	simm.s32 $0x16280;
	s21 =	simm.s32 $0x10;
	s22 =	simm.s32 $0x15F80  }
0xc4: {  	[tilespmem:s0], [sflag:$0x5] =	stream.indirect.gather [hbm4b:s5+s21], $0x80, s22, s21, $0xb8;
	[tilespmem:$0x1E280] =	vst v63  }
0xc5: {  	_ =	swait.ge [sflag:s7], $0x10  }
0xc6: {  	[sflag:s7] =	ssyncset.done $0x0  }
0xc7: {  	[sflag:s7] =	ssyncadd.s32 $0xFFFFFFF0  }
0xc8: {  	_ =	swait.ge [sflag:s28], $0x800  }
0xc9: {  	[sflag:s28] =	ssyncset.done $0x0  }
0xca: {  	s20 =	simm.s32 $0xD;
	[sflag:s28] =	ssyncadd.s32 $0xFFFFF800  }
0xcb: {  	[spmem:s2] =	stream.indirect.scatter.add.f32 [tilespmem:s0], [sflag:$0xD], $0x80, s18, s21, $0xb8;
	[tilespmem:$0x1E280] =	vst v63  }
0xcc: {  	_ =	swait.ge [sflag:s20], $0x800  }
0xcd: {  	[sflag:s20] =	ssyncset.done $0x0  }
0xce: {  	[sflag:s20] =	ssyncadd.s32 $0xFFFFF800  }
0xcf: {  	[bflag:$0x0] =	sbarrier.arrive $0xFFFF  }
0xd0: {  	s11 =	rddreg [dreg:$0xc]  }
0xd1: {  	s21 =	rddreg [dreg:$0xf]  }
0xd2: {  	s22 =	rddreg [dreg:$0x10]  }
0xd3: {  	[hbm:s11], [sflag:s21] =	dma.local @p0 [spmem:s22], $0x2700  }
0xd4: {  	s11 =	simm.s32 @p0 $0xD  }
0xd5: {  	_ =	swait.ge @p0 [sflag:s11], $0x2700  }
0xd6: {  	[sflag:s11] =	ssyncset.done @p0 $0x0;
	s18 =	rddreg [dreg:$0xd]  }
0xd7: {  	s0 =	rddreg [dreg:$0x12];
	[sflag:s11] =	ssyncadd.s32 @p0 $0xFFFFD900;
	s11 =	simm.s32 @!p0 $0x1FCD  }
0xd8: {  	[hbm:s18], [sflag:s11] =	dma.local @!p0 [spmem:s0], $0x2800  }
0xd9: {  	s11 =	simm.s32 @!p0 $0xD  }
0xda: {  	_ =	swait.ge @!p0 [sflag:s11], $0x2800  }
0xdb: {  	s18 =	rddreg [dreg:$0x11]  }
0xdc: {  	s0 =	sadd.s32 $0x1, s18;
	s18 =	rddreg [dreg:$0xe]  }
0xdd: {  	p1 =	sne.s32 s0, s18  }
.Ltmp1:
0xde: {  	_ = 	snop;
	(pc) =	sbr.rel @p1 .LBB2_1-.Ltmp1, $3  }
0xdf: {  	_ =	sdelay $0x1  }
0xe0: {  	[sflag:s11] =	ssyncset.done @!p0 $0x0  }
0xe1: {  	[sflag:s11] =	ssyncadd.s32 @!p0 $0xFFFFD800  }
0xe2: {  	_ =	sfence.sel $0x180000  }
0xe3: {  	[bflag:$0x0] =	sbarrier.arrive $0xFFFF  }
0xe4: {  	_ =	strace $0x90000050  }
0xe5: {  	s0 =	stileid.u32;
	[bflag:$0x2] =	sbarrier.arrive $0xFFFF  }
0xe6: {  	p0 =	sne.s32 s0, $0x0;
	s0 =	rddreg [dreg:$0x2]  }
0xe7: {  	s0 =	sadd.s32 @!p0 $0x100000, s0  }
0xe8: {  	[sflag:s0] =	ssyncadd.tile.s32 @!p0 $0x1;
	_ =	shalt  }
.Lfunc_end2:
_tile_overlayer_lowered:
.L_overlay_start_2:
0xe9: {  	(tag) =	ssettag $0x2  }
0xea: {  	s0 =	rddreg [dreg:$0x0];
	s2 =	stileid.u32  }
0xeb: {  	s1 =	rddreg [dreg:$0x1];
	p0 =	sne.s32 s2, $0x0  }
0xec: {  	s3 =	rddreg [dreg:$0x2];
	[bflag:$0x3] =	sbarrier.arrive $0xFFFF;
	s2 =	simm.s32 @!p0 $0x1C0D  }
0xed: {  	[timem:s3], [sflag:s2] =	dma.local @!p0 [hbm:s0], s1  }
0xee: {  	s0 =	simm.s32 @!p0 $0xD  }
0xef: {  	_ =	swait.ge @!p0 [sflag:s0], s1  }
0xf0: {  	s1 =	ssub.s32 @!p0 $0x0, s1;
	[sflag:s0] =	ssyncset.done @!p0 $0x0  }
0xf1: {  	[sflag:s0] =	ssyncadd.s32 @!p0 s1  }
0xf2: {  	[bflag:$0x3] =	sbarrier.arrive $0xFFFF  }
0xf3: {  	_ =	shalt  }

</sc_bundles>
